<compile_context>
chip_gen: v7x
topology: tpu7x:2x2x1
jax: 0.10.2.dev20260603
libtpu: 0.0.44.dev20260713+nightly
codegen_flags: <defaults>
</compile_context>

<pallas_src>
import functools

import jax
import jax.numpy as jnp
from jax import lax
from jax.experimental import pallas as pl
from jax.experimental.pallas import tpu as pltpu
from jax.experimental.pallas import tpu_sc as plsc

N = 10000
EMB = 128
EPS = 1e-5

NC = 2
NS = 16
NW = NC * NS
CHUNK = 128
NBUF = 2
NP = N + 8
ROWS_MAIN = (NP // NS) // 8 * 8
TAIL = NP - NS * ROWS_MAIN


NCH0 = 152
NCH1 = 8


def _phase_sizes(nc):
    sizes = [48] * (nc // 48)
    if nc % 48:
        sizes.append(nc % 48)
    return sizes


def _sc_segsum_body(h_hbm, src_hbm, dst_hbm, zeros_hbm, out_hbm,
                    src_v, dst_v, rows_v, acc_sh, gsems, ssems):
    c = lax.axis_index("c")
    s = lax.axis_index("s")

    lo = s * ROWS_MAIN

    @pl.when(c != 0)
    def _():
        pltpu.sync_copy(h_hbm.at[pl.ds(lo, ROWS_MAIN)],
                        acc_sh.at[pl.ds(lo, ROWS_MAIN)])

        @pl.when(s == 0)
        def _():
            pltpu.sync_copy(h_hbm.at[pl.ds(NS * ROWS_MAIN, TAIL)],
                            acc_sh.at[pl.ds(NS * ROWS_MAIN, TAIL)])

    @pl.when(c == 0)
    def _():
        pltpu.sync_copy(zeros_hbm.at[pl.ds(lo, ROWS_MAIN)],
                        acc_sh.at[pl.ds(lo, ROWS_MAIN)])

        @pl.when(s == 0)
        def _():
            pltpu.sync_copy(zeros_hbm.at[pl.ds(NS * ROWS_MAIN, TAIL)],
                            acc_sh.at[pl.ds(NS * ROWS_MAIN, TAIL)])

    plsc.subcore_barrier()

    def g_start(k, b):
        pltpu.async_copy(h_hbm.at[src_v.at[k]], rows_v.at[b], gsems[b])

    def g_wait(b):
        pltpu.make_async_copy(h_hbm.at[src_v.at[0]], rows_v.at[b],
                              gsems[b]).wait()

    def s_start(k, b):
        pltpu.async_copy(rows_v.at[b], acc_sh.at[dst_v.at[k]], ssems[b],
                         add=True)

    def s_wait(b):
        pltpu.make_async_copy(rows_v.at[b], acc_sh.at[dst_v.at[0]],
                              ssems[b]).wait()

    def run_edges(nc, base_row):
        off = 0
        for ph in _phase_sizes(nc):
            row0 = base_row + off
            off += ph
            pltpu.sync_copy(src_hbm.at[pl.ds(row0, ph)],
                            src_v.at[pl.ds(0, ph)])
            pltpu.sync_copy(dst_hbm.at[pl.ds(row0, ph)],
                            dst_v.at[pl.ds(0, ph)])
            g_start(0, 0)
            g_start(1, 1)

            @pl.loop(0, ph - 2, step=2)
            def _(c0):
                for b in range(2):
                    g_wait(b)
                    s_start(c0 + b, b)
                    s_wait(b)
                    g_start(c0 + b + 2, b)

            for k in (ph - 2, ph - 1):
                b = k % 2
                g_wait(b)
                s_start(k, b)
                s_wait(b)

    @pl.when(c == 0)
    def _():
        run_edges(NCH0, s * NCH0)

    if NCH1:
        @pl.when(c != 0)
        def _():
            run_edges(NCH1, NS * NCH0 + s * NCH1)

    plsc.subcore_barrier()

    pltpu.sync_copy(acc_sh.at[pl.ds(lo, ROWS_MAIN)],
                    out_hbm.at[c].at[pl.ds(lo, ROWS_MAIN)])

    @pl.when(s == 0)
    def _():
        pltpu.sync_copy(acc_sh.at[pl.ds(NS * ROWS_MAIN, TAIL)],
                        out_hbm.at[c].at[pl.ds(NS * ROWS_MAIN, TAIL)])


def _make_sc_segsum():
    mesh = plsc.VectorSubcoreMesh(core_axis_name="c", subcore_axis_name="s")
    maxph = max(_phase_sizes(NCH0) + _phase_sizes(NCH1))
    return pl.kernel(
        _sc_segsum_body,
        out_type=jax.ShapeDtypeStruct((NC, NP, EMB), jnp.float32),
        mesh=mesh,
        scratch_types=[
            pltpu.VMEM((maxph, CHUNK), jnp.int32),
            pltpu.VMEM((maxph, CHUNK), jnp.int32),
            pltpu.VMEM((NBUF, CHUNK, EMB), jnp.float32),
            pltpu.VMEM_SHARED((NP, EMB), jnp.float32),
            [pltpu.SemaphoreType.DMA] * NBUF,
            [pltpu.SemaphoreType.DMA] * NBUF,
        ],
    )


def _dense1_body(x_ref, w_ref, b_ref, o_ref):
    out = (jnp.dot(x_ref[...], w_ref[...],
                   preferred_element_type=jnp.float32) + b_ref[...])
    o_ref[...] = jnp.concatenate(
        [out, jnp.zeros((NP - N, EMB), jnp.float32)], axis=0)


def _layer_body(p_ref, wa_ref, ba_ref, g_ref, be_ref, wb_ref, bb_ref,
                o_ref, *, final_relu):
    agg = lax.slice(p_ref[0] + p_ref[1], (0, 0), (N, EMB))
    z = (jnp.dot(agg, wa_ref[...], preferred_element_type=jnp.float32)
         + ba_ref[...])
    mu = jnp.mean(z, axis=0, keepdims=True)
    var = jnp.mean((z - mu) ** 2, axis=0, keepdims=True)
    z = (z - mu) * lax.rsqrt(var + EPS) * g_ref[...] + be_ref[...]
    z = jnp.maximum(z, 0.0)
    out = (jnp.dot(z, wb_ref[...], preferred_element_type=jnp.float32)
           + bb_ref[...])
    if final_relu:
        out = jnp.maximum(out, 0.0)
    if o_ref.shape[0] == NP:
        out = jnp.concatenate(
            [out, jnp.zeros((NP - N, EMB), jnp.float32)], axis=0)
    o_ref[...] = out


def _dense1(x, w, b):
    return pl.pallas_call(
        _dense1_body,
        out_shape=jax.ShapeDtypeStruct((NP, EMB), jnp.float32),
    )(x, w, b.reshape(1, -1))


def _layer(p, wa, ba, g, be, wb, bb, final_relu, padded_out):
    rows = NP if padded_out else N
    return pl.pallas_call(
        functools.partial(_layer_body, final_relu=final_relu),
        out_shape=jax.ShapeDtypeStruct((rows, EMB), jnp.float32),
    )(p, wa, ba.reshape(1, -1), g.reshape(1, -1), be.reshape(1, -1),
      wb, bb.reshape(1, -1))


def kernel(x, edge_index, edge_attr, W1, b1, Wa0, ba0, g0, be0, Wb0, bb0,
           Wa1, ba1, g1, be1, Wb1, bb1):
    e = edge_index.shape[1]
    epad = NS * (NCH0 + NCH1) * CHUNK
    assert e <= epad
    pad = epad - e

    src = edge_index[0].astype(jnp.int32)
    dst = edge_index[1].astype(jnp.int32)
    if pad:
        src = jnp.concatenate([src, jnp.full((pad,), N, jnp.int32)])
        dst = jnp.concatenate([dst, jnp.arange(pad, dtype=jnp.int32) % N])
    src = src.reshape(epad // CHUNK, CHUNK)
    dst = dst.reshape(epad // CHUNK, CHUNK)
    zeros = jnp.zeros((NP, EMB), jnp.float32)

    segsum = _make_sc_segsum()

    h = _dense1(x, W1, b1)
    p = segsum(h, src, dst, zeros)
    h = _layer(p, Wa0, ba0, g0, be0, Wb0, bb0, final_relu=True,
               padded_out=True)
    p = segsum(h, src, dst, zeros)
    return _layer(p, Wa1, ba1, g1, be1, Wb1, bb1, final_relu=False,
                  padded_out=False)

# --- scband reference (transcript-rebuilt; emitter-appended) ---
"""Pipeline reference for scband-gnn-61314953118559 (READ-ONLY COPY).

The authoritative reference and input builder live on the scoring server;
editing this copy changes nothing except your own understanding.
"""

import jax, jax.numpy as jnp
import numpy as np

N = 10000
E = 320000
EMB = 128
IN_DIM = 232
EPS = 1e-5


def _init_linear(key, fan_in, fan_out):
    k1, k2 = jax.random.split(key)
    bound = 1.0 / np.sqrt(fan_in)
    W = jax.random.uniform(k1, (fan_in, fan_out), minval=-bound, maxval=bound, dtype=jnp.float32)
    b = jax.random.uniform(k2, (fan_out,), minval=-bound, maxval=bound, dtype=jnp.float32)
    return W, b


def setup_inputs(seed: int = 0) -> dict:
    key = jax.random.key(seed)
    ks = jax.random.split(key, 12)
    x = jax.random.normal(ks[0], (N, IN_DIM), dtype=jnp.float32)
    edge_index = jax.random.randint(ks[1], (2, E), 0, N, dtype=jnp.int64)
    edge_attr = jax.random.normal(ks[2], (E, 9), dtype=jnp.float32)
    # input layer linear1: Linear(232, emb_dim) with xavier_uniform weight
    gain = np.sqrt(6.0 / (IN_DIM + EMB))
    W1 = jax.random.uniform(ks[3], (IN_DIM, EMB), minval=-gain, maxval=gain, dtype=jnp.float32)
    b1 = jax.random.uniform(ks[4], (EMB,), minval=-1.0 / np.sqrt(IN_DIM), maxval=1.0 / np.sqrt(IN_DIM), dtype=jnp.float32)
    # layer 0 mlp: Linear(128,256) BN ReLU Linear(256,128)
    Wa0, ba0 = _init_linear(ks[5], EMB, 2 * EMB)
    Wb0, bb0 = _init_linear(ks[6], 2 * EMB, EMB)
    g0 = jnp.ones((2 * EMB,), dtype=jnp.float32)
    be0 = jnp.zeros((2 * EMB,), dtype=jnp.float32)
    # layer 1 mlp
    Wa1, ba1 = _init_linear(ks[7], EMB, 2 * EMB)
    Wb1, bb1 = _init_linear(ks[8], 2 * EMB, EMB)
    g1 = jnp.ones((2 * EMB,), dtype=jnp.float32)
    be1 = jnp.zeros((2 * EMB,), dtype=jnp.float32)
    return {"x": x, "edge_index": edge_index, "edge_attr": edge_attr,
            "W1": W1, "b1": b1,
            "Wa0": Wa0, "ba0": ba0, "g0": g0, "be0": be0, "Wb0": Wb0, "bb0": bb0,
            "Wa1": Wa1, "ba1": ba1, "g1": g1, "be1": be1, "Wb1": Wb1, "bb1": bb1}


def _gin_layer(h, src, dst, Wa, ba, g, be, Wb, bb):
    # message = x_j (gather from src), aggregate 'add' at dst
    agg = jax.ops.segment_sum(h[src], dst, num_segments=N)
    z = agg @ Wa + ba
    # BatchNorm1d in training mode (batch statistics, biased variance)
    mu = jnp.mean(z, axis=0)
    var = jnp.mean((z - mu) ** 2, axis=0)
    z = (z - mu) / jnp.sqrt(var + EPS) * g + be
    z = jax.nn.relu(z)
    return z @ Wb + bb


def reference(x, edge_index, edge_attr, W1, b1, Wa0, ba0, g0, be0, Wb0, bb0, Wa1, ba1, g1, be1, Wb1, bb1):
    # add self loops
    loops = jnp.arange(N, dtype=edge_index.dtype)
    src = jnp.concatenate([edge_index[0], loops])
    dst = jnp.concatenate([edge_index[1], loops])
    # layer 0: input layer applies linear1 first (GIN ignores edge_attr)
    h = x @ W1 + b1
    h = _gin_layer(h, src, dst, Wa0, ba0, g0, be0, Wb0, bb0)
    h = jax.nn.relu(h)  # not last layer; dropout p=0 is identity
    # layer 1 (last): no relu, dropout p=0 identity
    h = _gin_layer(h, src, dst, Wa1, ba1, g1, be1, Wb1, bb1)
    return h

if __name__ == "__main__":
    import jax
    _d = setup_inputs()
    print(jax.jit(kernel)(*tuple(_d.values())))

</pallas_src>

<mosaic_0001>
#map = affine_map<(d0, d1) -> (0, 0)>
#map1 = affine_map<(d0, d1) -> (0, 0, 0)>
module attributes {stable_mosaic.version = 14 : i64} {
  func.func @_sc_segsum_body(%arg0: i32, %arg1: i32, %arg2: memref<10008x128xf32, #tpu.memory_space<hbm>>, %arg3: memref<2560x128xi32, #tpu.memory_space<hbm>>, %arg4: memref<2560x128xi32, #tpu.memory_space<hbm>>, %arg5: memref<10008x128xf32, #tpu.memory_space<hbm>>, %arg6: memref<2x10008x128xf32, #tpu.memory_space<hbm>>, %arg7: memref<48x128xi32, #tpu.memory_space<vmem>>, %arg8: memref<48x128xi32, #tpu.memory_space<vmem>>, %arg9: memref<2x128x128xf32, #tpu.memory_space<vmem>>, %arg10: memref<10008x128xf32, #tpu.memory_space<vmem_shared>>, %arg11: memref<!tpu.dma_semaphore, #tpu.memory_space<semaphore_mem>>, %arg12: memref<!tpu.dma_semaphore, #tpu.memory_space<semaphore_mem>>, %arg13: memref<!tpu.dma_semaphore, #tpu.memory_space<semaphore_mem>>, %arg14: memref<!tpu.dma_semaphore, #tpu.memory_space<semaphore_mem>>) attributes {dimension_semantics = [#tpu.dimension_semantics<core_parallel>, #tpu.dimension_semantics<subcore_parallel>], iteration_bounds = array<i64: 2, 16>, scalar_prefetch = 0 : i64, scratch_operands = 8 : i64, tpu.core_type = #tpu.core_type<sc_vector_subcore>, window_params = [{transform_indices = #map}, {transform_indices = #map}, {transform_indices = #map}, {transform_indices = #map}, {transform_indices = #map1}]} {
    %mul3A = arith.constant 624 : i32
    %mul3A_0 = arith.muli %arg1, %mul3A : i32
    %ne3A = arith.constant 0 : i32
    %ne3A_1 = arith.cmpi ne, %arg0, %ne3A : i32
    %convert_element_type3A = arith.extui %ne3A_1 : i1 to i32
    %cond3A = arith.constant 0 : i32
    %cond3A_2 = arith.cmpi ne, %convert_element_type3A, %cond3A : i32
    scf.if %cond3A_2 {
      "tpu.region"() ({
        %run_scoped3A = tpu.sem_alloc : memref<!tpu.dma_semaphore, #tpu.memory_space<semaphore_mem>>
        %dma_start3A = arith.constant 0 : i32
        %dma_start3A_28 = tpu.memref_slice %arg10[%mul3A_0, %dma_start3A] : memref<10008x128xf32, #tpu.memory_space<vmem_shared>> -> memref<624x128xf32, #tpu.memory_space<vmem_shared>>
        %dma_start3A_29 = arith.constant 0 : i32
        %dma_start3A_30 = tpu.memref_slice %arg2[%mul3A_0, %dma_start3A_29] : memref<10008x128xf32, #tpu.memory_space<hbm>> -> memref<624x128xf32, #tpu.memory_space<hbm>>
        tpu.enqueue_dma source(%dma_start3A_30 : memref<624x128xf32, #tpu.memory_space<hbm>>) target(%dma_start3A_28 : memref<624x128xf32, #tpu.memory_space<vmem_shared>>) target_semaphore(%run_scoped3A : memref<!tpu.dma_semaphore, #tpu.memory_space<semaphore_mem>>)
        %dma_wait3A = arith.constant 0 : i32
        %dma_wait3A_31 = tpu.memref_slice %arg10[%mul3A_0, %dma_wait3A] : memref<10008x128xf32, #tpu.memory_space<vmem_shared>> -> memref<624x128xf32, #tpu.memory_space<vmem_shared>>
        %dma_wait3A_32 = arith.constant 0 : i32
        %dma_wait3A_33 = tpu.memref_slice %arg2[%mul3A_0, %dma_wait3A_32] : memref<10008x128xf32, #tpu.memory_space<hbm>> -> memref<624x128xf32, #tpu.memory_space<hbm>>
        tpu.wait_dma2 semaphore(%run_scoped3A : memref<!tpu.dma_semaphore, #tpu.memory_space<semaphore_mem>>) src(%dma_wait3A_33 : memref<624x128xf32, #tpu.memory_space<hbm>>) dst(%dma_wait3A_31 : memref<624x128xf32, #tpu.memory_space<vmem_shared>>)
        tpu.yield
      }) : () -> ()
      %eq3A_23 = arith.constant 0 : i32
      %eq3A_24 = arith.cmpi eq, %arg1, %eq3A_23 : i32
      %convert_element_type3A_25 = arith.extui %eq3A_24 : i1 to i32
      %cond3A_26 = arith.constant 0 : i32
      %cond3A_27 = arith.cmpi ne, %convert_element_type3A_25, %cond3A_26 : i32
      scf.if %cond3A_27 {
        "tpu.region"() ({
          %run_scoped3A = tpu.sem_alloc : memref<!tpu.dma_semaphore, #tpu.memory_space<semaphore_mem>>
          %dma_start3A = arith.constant 9984 : i32
          %dma_start3A_28 = arith.constant 0 : i32
          %dma_start3A_29 = tpu.memref_slice %arg10[%dma_start3A, %dma_start3A_28] : memref<10008x128xf32, #tpu.memory_space<vmem_shared>> -> memref<24x128xf32, #tpu.memory_space<vmem_shared>>
          %dma_start3A_30 = arith.constant 9984 : i32
          %dma_start3A_31 = arith.constant 0 : i32
          %dma_start3A_32 = tpu.memref_slice %arg2[%dma_start3A_30, %dma_start3A_31] : memref<10008x128xf32, #tpu.memory_space<hbm>> -> memref<24x128xf32, #tpu.memory_space<hbm>>
          tpu.enqueue_dma source(%dma_start3A_32 : memref<24x128xf32, #tpu.memory_space<hbm>>) target(%dma_start3A_29 : memref<24x128xf32, #tpu.memory_space<vmem_shared>>) target_semaphore(%run_scoped3A : memref<!tpu.dma_semaphore, #tpu.memory_space<semaphore_mem>>)
          %dma_wait3A = arith.constant 9984 : i32
          %dma_wait3A_33 = arith.constant 0 : i32
          %dma_wait3A_34 = tpu.memref_slice %arg10[%dma_wait3A, %dma_wait3A_33] : memref<10008x128xf32, #tpu.memory_space<vmem_shared>> -> memref<24x128xf32, #tpu.memory_space<vmem_shared>>
          %dma_wait3A_35 = arith.constant 9984 : i32
          %dma_wait3A_36 = arith.constant 0 : i32
          %dma_wait3A_37 = tpu.memref_slice %arg2[%dma_wait3A_35, %dma_wait3A_36] : memref<10008x128xf32, #tpu.memory_space<hbm>> -> memref<24x128xf32, #tpu.memory_space<hbm>>
          tpu.wait_dma2 semaphore(%run_scoped3A : memref<!tpu.dma_semaphore, #tpu.memory_space<semaphore_mem>>) src(%dma_wait3A_37 : memref<24x128xf32, #tpu.memory_space<hbm>>) dst(%dma_wait3A_34 : memref<24x128xf32, #tpu.memory_space<vmem_shared>>)
          tpu.yield
        }) : () -> ()
      } else {
      }
    } else {
    }
    %eq3A = arith.constant 0 : i32
    %eq3A_3 = arith.cmpi eq, %arg0, %eq3A : i32
    %convert_element_type3A_4 = arith.extui %eq3A_3 : i1 to i32
    %cond3A_5 = arith.constant 0 : i32
    %cond3A_6 = arith.cmpi ne, %convert_element_type3A_4, %cond3A_5 : i32
    scf.if %cond3A_6 {
      "tpu.region"() ({
        %run_scoped3A = tpu.sem_alloc : memref<!tpu.dma_semaphore, #tpu.memory_space<semaphore_mem>>
        %dma_start3A = arith.constant 0 : i32
        %dma_start3A_28 = tpu.memref_slice %arg10[%mul3A_0, %dma_start3A] : memref<10008x128xf32, #tpu.memory_space<vmem_shared>> -> memref<624x128xf32, #tpu.memory_space<vmem_shared>>
        %dma_start3A_29 = arith.constant 0 : i32
        %dma_start3A_30 = tpu.memref_slice %arg5[%mul3A_0, %dma_start3A_29] : memref<10008x128xf32, #tpu.memory_space<hbm>> -> memref<624x128xf32, #tpu.memory_space<hbm>>
        tpu.enqueue_dma source(%dma_start3A_30 : memref<624x128xf32, #tpu.memory_space<hbm>>) target(%dma_start3A_28 : memref<624x128xf32, #tpu.memory_space<vmem_shared>>) target_semaphore(%run_scoped3A : memref<!tpu.dma_semaphore, #tpu.memory_space<semaphore_mem>>)
        %dma_wait3A = arith.constant 0 : i32
        %dma_wait3A_31 = tpu.memref_slice %arg10[%mul3A_0, %dma_wait3A] : memref<10008x128xf32, #tpu.memory_space<vmem_shared>> -> memref<624x128xf32, #tpu.memory_space<vmem_shared>>
        %dma_wait3A_32 = arith.constant 0 : i32
        %dma_wait3A_33 = tpu.memref_slice %arg5[%mul3A_0, %dma_wait3A_32] : memref<10008x128xf32, #tpu.memory_space<hbm>> -> memref<624x128xf32, #tpu.memory_space<hbm>>
        tpu.wait_dma2 semaphore(%run_scoped3A : memref<!tpu.dma_semaphore, #tpu.memory_space<semaphore_mem>>) src(%dma_wait3A_33 : memref<624x128xf32, #tpu.memory_space<hbm>>) dst(%dma_wait3A_31 : memref<624x128xf32, #tpu.memory_space<vmem_shared>>)
        tpu.yield
      }) : () -> ()
      %eq3A_23 = arith.constant 0 : i32
      %eq3A_24 = arith.cmpi eq, %arg1, %eq3A_23 : i32
      %convert_element_type3A_25 = arith.extui %eq3A_24 : i1 to i32
      %cond3A_26 = arith.constant 0 : i32
      %cond3A_27 = arith.cmpi ne, %convert_element_type3A_25, %cond3A_26 : i32
      scf.if %cond3A_27 {
        "tpu.region"() ({
          %run_scoped3A = tpu.sem_alloc : memref<!tpu.dma_semaphore, #tpu.memory_space<semaphore_mem>>
          %dma_start3A = arith.constant 9984 : i32
          %dma_start3A_28 = arith.constant 0 : i32
          %dma_start3A_29 = tpu.memref_slice %arg10[%dma_start3A, %dma_start3A_28] : memref<10008x128xf32, #tpu.memory_space<vmem_shared>> -> memref<24x128xf32, #tpu.memory_space<vmem_shared>>
          %dma_start3A_30 = arith.constant 9984 : i32
          %dma_start3A_31 = arith.constant 0 : i32
          %dma_start3A_32 = tpu.memref_slice %arg5[%dma_start3A_30, %dma_start3A_31] : memref<10008x128xf32, #tpu.memory_space<hbm>> -> memref<24x128xf32, #tpu.memory_space<hbm>>
          tpu.enqueue_dma source(%dma_start3A_32 : memref<24x128xf32, #tpu.memory_space<hbm>>) target(%dma_start3A_29 : memref<24x128xf32, #tpu.memory_space<vmem_shared>>) target_semaphore(%run_scoped3A : memref<!tpu.dma_semaphore, #tpu.memory_space<semaphore_mem>>)
          %dma_wait3A = arith.constant 9984 : i32
          %dma_wait3A_33 = arith.constant 0 : i32
          %dma_wait3A_34 = tpu.memref_slice %arg10[%dma_wait3A, %dma_wait3A_33] : memref<10008x128xf32, #tpu.memory_space<vmem_shared>> -> memref<24x128xf32, #tpu.memory_space<vmem_shared>>
          %dma_wait3A_35 = arith.constant 9984 : i32
          %dma_wait3A_36 = arith.constant 0 : i32
          %dma_wait3A_37 = tpu.memref_slice %arg5[%dma_wait3A_35, %dma_wait3A_36] : memref<10008x128xf32, #tpu.memory_space<hbm>> -> memref<24x128xf32, #tpu.memory_space<hbm>>
          tpu.wait_dma2 semaphore(%run_scoped3A : memref<!tpu.dma_semaphore, #tpu.memory_space<semaphore_mem>>) src(%dma_wait3A_37 : memref<24x128xf32, #tpu.memory_space<hbm>>) dst(%dma_wait3A_34 : memref<24x128xf32, #tpu.memory_space<vmem_shared>>)
          tpu.yield
        }) : () -> ()
      } else {
      }
    } else {
    }
    %barrier3A = arith.constant 0 : index
    tpu.barrier barrier_id(%barrier3A)
    %eq3A_7 = arith.constant 0 : i32
    %eq3A_8 = arith.cmpi eq, %arg0, %eq3A_7 : i32
    %convert_element_type3A_9 = arith.extui %eq3A_8 : i1 to i32
    %cond3A_10 = arith.constant 0 : i32
    %cond3A_11 = arith.cmpi ne, %convert_element_type3A_9, %cond3A_10 : i32
    scf.if %cond3A_11 {
      %mul3A_23 = arith.constant 152 : i32
      %mul3A_24 = arith.muli %arg1, %mul3A_23 : i32
      %add3A = arith.constant 0 : i32
      %add3A_25 = arith.addi %mul3A_24, %add3A : i32
      "tpu.region"() ({
        %run_scoped3A = tpu.sem_alloc : memref<!tpu.dma_semaphore, #tpu.memory_space<semaphore_mem>>
        %dma_start3A_433 = arith.constant 0 : i32
        %dma_start3A_434 = arith.constant 0 : i32
        %dma_start3A_435 = tpu.memref_slice %arg7[%dma_start3A_433, %dma_start3A_434] : memref<48x128xi32, #tpu.memory_space<vmem>> -> memref<48x128xi32, #tpu.memory_space<vmem>>
        %dma_start3A_436 = arith.constant 0 : i32
        %dma_start3A_437 = tpu.memref_slice %arg3[%add3A_25, %dma_start3A_436] : memref<2560x128xi32, #tpu.memory_space<hbm>> -> memref<48x128xi32, #tpu.memory_space<hbm>>
        %dma_start3A_438 = arith.constant 0 : i32
        %dma_start3A_439 = arith.constant 0 : i32
        %dma_start3A_440 = tpu.memref_slice %arg7[%dma_start3A_438, %dma_start3A_439] : memref<48x128xi32, #tpu.memory_space<vmem>> -> memref<48x128xi32, #tpu.memory_space<vmem>>
        %dma_start3A_441 = arith.constant 0 : i32
        %dma_start3A_442 = tpu.memref_slice %arg3[%add3A_25, %dma_start3A_441] : memref<2560x128xi32, #tpu.memory_space<hbm>> -> memref<48x128xi32, #tpu.memory_space<hbm>>
        tpu.enqueue_dma source(%dma_start3A_442 : memref<48x128xi32, #tpu.memory_space<hbm>>) target(%dma_start3A_440 : memref<48x128xi32, #tpu.memory_space<vmem>>) target_semaphore(%run_scoped3A : memref<!tpu.dma_semaphore, #tpu.memory_space<semaphore_mem>>)
        %dma_wait3A_443 = arith.constant 0 : i32
        %dma_wait3A_444 = arith.constant 0 : i32
        %dma_wait3A_445 = tpu.memref_slice %arg7[%dma_wait3A_443, %dma_wait3A_444] : memref<48x128xi32, #tpu.memory_space<vmem>> -> memref<48x128xi32, #tpu.memory_space<vmem>>
        %dma_wait3A_446 = arith.constant 0 : i32
        %dma_wait3A_447 = tpu.memref_slice %arg3[%add3A_25, %dma_wait3A_446] : memref<2560x128xi32, #tpu.memory_space<hbm>> -> memref<48x128xi32, #tpu.memory_space<hbm>>
        %dma_wait3A_448 = arith.constant 0 : i32
        %dma_wait3A_449 = arith.constant 0 : i32
        %dma_wait3A_450 = tpu.memref_slice %arg7[%dma_wait3A_448, %dma_wait3A_449] : memref<48x128xi32, #tpu.memory_space<vmem>> -> memref<48x128xi32, #tpu.memory_space<vmem>>
        %dma_wait3A_451 = arith.constant 0 : i32
        %dma_wait3A_452 = tpu.memref_slice %arg3[%add3A_25, %dma_wait3A_451] : memref<2560x128xi32, #tpu.memory_space<hbm>> -> memref<48x128xi32, #tpu.memory_space<hbm>>
        tpu.wait_dma2 semaphore(%run_scoped3A : memref<!tpu.dma_semaphore, #tpu.memory_space<semaphore_mem>>) src(%dma_wait3A_452 : memref<48x128xi32, #tpu.memory_space<hbm>>) dst(%dma_wait3A_450 : memref<48x128xi32, #tpu.memory_space<vmem>>)
        tpu.yield
      }) : () -> ()
      "tpu.region"() ({
        %run_scoped3A = tpu.sem_alloc : memref<!tpu.dma_semaphore, #tpu.memory_space<semaphore_mem>>
        %dma_start3A_433 = arith.constant 0 : i32
        %dma_start3A_434 = arith.constant 0 : i32
        %dma_start3A_435 = tpu.memref_slice %arg8[%dma_start3A_433, %dma_start3A_434] : memref<48x128xi32, #tpu.memory_space<vmem>> -> memref<48x128xi32, #tpu.memory_space<vmem>>
        %dma_start3A_436 = arith.constant 0 : i32
        %dma_start3A_437 = tpu.memref_slice %arg4[%add3A_25, %dma_start3A_436] : memref<2560x128xi32, #tpu.memory_space<hbm>> -> memref<48x128xi32, #tpu.memory_space<hbm>>
        %dma_start3A_438 = arith.constant 0 : i32
        %dma_start3A_439 = arith.constant 0 : i32
        %dma_start3A_440 = tpu.memref_slice %arg8[%dma_start3A_438, %dma_start3A_439] : memref<48x128xi32, #tpu.memory_space<vmem>> -> memref<48x128xi32, #tpu.memory_space<vmem>>
        %dma_start3A_441 = arith.constant 0 : i32
        %dma_start3A_442 = tpu.memref_slice %arg4[%add3A_25, %dma_start3A_441] : memref<2560x128xi32, #tpu.memory_space<hbm>> -> memref<48x128xi32, #tpu.memory_space<hbm>>
        tpu.enqueue_dma source(%dma_start3A_442 : memref<48x128xi32, #tpu.memory_space<hbm>>) target(%dma_start3A_440 : memref<48x128xi32, #tpu.memory_space<vmem>>) target_semaphore(%run_scoped3A : memref<!tpu.dma_semaphore, #tpu.memory_space<semaphore_mem>>)
        %dma_wait3A_443 = arith.constant 0 : i32
        %dma_wait3A_444 = arith.constant 0 : i32
        %dma_wait3A_445 = tpu.memref_slice %arg8[%dma_wait3A_443, %dma_wait3A_444] : memref<48x128xi32, #tpu.memory_space<vmem>> -> memref<48x128xi32, #tpu.memory_space<vmem>>
        %dma_wait3A_446 = arith.constant 0 : i32
        %dma_wait3A_447 = tpu.memref_slice %arg4[%add3A_25, %dma_wait3A_446] : memref<2560x128xi32, #tpu.memory_space<hbm>> -> memref<48x128xi32, #tpu.memory_space<hbm>>
        %dma_wait3A_448 = arith.constant 0 : i32
        %dma_wait3A_449 = arith.constant 0 : i32
        %dma_wait3A_450 = tpu.memref_slice %arg8[%dma_wait3A_448, %dma_wait3A_449] : memref<48x128xi32, #tpu.memory_space<vmem>> -> memref<48x128xi32, #tpu.memory_space<vmem>>
        %dma_wait3A_451 = arith.constant 0 : i32
        %dma_wait3A_452 = tpu.memref_slice %arg4[%add3A_25, %dma_wait3A_451] : memref<2560x128xi32, #tpu.memory_space<hbm>> -> memref<48x128xi32, #tpu.memory_space<hbm>>
        tpu.wait_dma2 semaphore(%run_scoped3A : memref<!tpu.dma_semaphore, #tpu.memory_space<semaphore_mem>>) src(%dma_wait3A_452 : memref<48x128xi32, #tpu.memory_space<hbm>>) dst(%dma_wait3A_450 : memref<48x128xi32, #tpu.memory_space<vmem>>)
        tpu.yield
      }) : () -> ()
      %dma_start3A = arith.constant 0 : i32
      %dma_start3A_26 = arith.constant 0 : i32
      %dma_start3A_27 = arith.constant 0 : i32
      %dma_start3A_28 = arith.constant 0 : i32
      %dma_start3A_29 = tpu.memref_slice %arg9[%dma_start3A_26, %dma_start3A_27, %dma_start3A_28] : memref<2x128x128xf32, #tpu.memory_space<vmem>> -> memref<1x128x128xf32, #tpu.memory_space<vmem>>
      %dma_start3A_30 = tpu.memref_squeeze %dma_start3A_29 : memref<1x128x128xf32, #tpu.memory_space<vmem>> -> memref<128x128xf32, #tpu.memory_space<vmem>>
      %dma_start3A_31 = arith.constant 0 : i32
      %dma_start3A_32 = tpu.memref_slice %arg7[%dma_start3A, %dma_start3A_31] : memref<48x128xi32, #tpu.memory_space<vmem>> -> memref<1x128xi32, #tpu.memory_space<vmem>>
      %dma_start3A_33 = tpu.memref_squeeze %dma_start3A_32 : memref<1x128xi32, #tpu.memory_space<vmem>> -> memref<128xi32, #tpu.memory_space<vmem>>
      %dma_start3A_34 = arith.constant 0 : i32
      %dma_start3A_35 = arith.constant 0 : i32
      %dma_start3A_36 = tpu.memref_slice %arg2[%dma_start3A_34, %dma_start3A_35] : memref<10008x128xf32, #tpu.memory_space<hbm>> -> memref<10008x128xf32, #tpu.memory_space<hbm>>
      tpu.enqueue_indirect_dma source(%dma_start3A_36 : memref<10008x128xf32, #tpu.memory_space<hbm>>) target(%dma_start3A_30 : memref<128x128xf32, #tpu.memory_space<vmem>>) offsets(%dma_start3A_33 : memref<128xi32, #tpu.memory_space<vmem>>) semaphore(%arg11 : memref<!tpu.dma_semaphore, #tpu.memory_space<semaphore_mem>>)
      %dma_start3A_37 = arith.constant 1 : i32
      %dma_start3A_38 = arith.constant 1 : i32
      %dma_start3A_39 = arith.constant 0 : i32
      %dma_start3A_40 = arith.constant 0 : i32
      %dma_start3A_41 = tpu.memref_slice %arg9[%dma_start3A_38, %dma_start3A_39, %dma_start3A_40] : memref<2x128x128xf32, #tpu.memory_space<vmem>> -> memref<1x128x128xf32, #tpu.memory_space<vmem>>
      %dma_start3A_42 = tpu.memref_squeeze %dma_start3A_41 : memref<1x128x128xf32, #tpu.memory_space<vmem>> -> memref<128x128xf32, #tpu.memory_space<vmem>>
      %dma_start3A_43 = arith.constant 0 : i32
      %dma_start3A_44 = tpu.memref_slice %arg7[%dma_start3A_37, %dma_start3A_43] : memref<48x128xi32, #tpu.memory_space<vmem>> -> memref<1x128xi32, #tpu.memory_space<vmem>>
      %dma_start3A_45 = tpu.memref_squeeze %dma_start3A_44 : memref<1x128xi32, #tpu.memory_space<vmem>> -> memref<128xi32, #tpu.memory_space<vmem>>
      %dma_start3A_46 = arith.constant 0 : i32
      %dma_start3A_47 = arith.constant 0 : i32
      %dma_start3A_48 = tpu.memref_slice %arg2[%dma_start3A_46, %dma_start3A_47] : memref<10008x128xf32, #tpu.memory_space<hbm>> -> memref<10008x128xf32, #tpu.memory_space<hbm>>
      tpu.enqueue_indirect_dma source(%dma_start3A_48 : memref<10008x128xf32, #tpu.memory_space<hbm>>) target(%dma_start3A_42 : memref<128x128xf32, #tpu.memory_space<vmem>>) offsets(%dma_start3A_45 : memref<128xi32, #tpu.memory_space<vmem>>) semaphore(%arg12 : memref<!tpu.dma_semaphore, #tpu.memory_space<semaphore_mem>>)
      %scan3A = arith.constant 0 : i32
      %scan3A_49 = arith.constant 23 : i32
      %scan3A_50 = arith.addi %scan3A, %scan3A_49 : i32
      %scan3A_51 = arith.constant 1 : i32
      scf.for %scan3A_433 = %scan3A to %scan3A_50 step %scan3A_51  : i32 {
        %mul3A_434 = arith.constant 2 : i32
        %mul3A_435 = arith.muli %scan3A_433, %mul3A_434 : i32
        %add3A_436 = arith.constant 0 : i32
        %add3A_437 = arith.addi %add3A_436, %mul3A_435 : i32
        %dma_wait3A_438 = arith.constant 0 : i32
        %dma_wait3A_439 = arith.constant 0 : i32
        %dma_wait3A_440 = arith.constant 0 : i32
        %dma_wait3A_441 = arith.constant 0 : i32
        %dma_wait3A_442 = tpu.memref_slice %arg9[%dma_wait3A_439, %dma_wait3A_440, %dma_wait3A_441] : memref<2x128x128xf32, #tpu.memory_space<vmem>> -> memref<1x128x128xf32, #tpu.memory_space<vmem>>
        %dma_wait3A_443 = tpu.memref_squeeze %dma_wait3A_442 : memref<1x128x128xf32, #tpu.memory_space<vmem>> -> memref<128x128xf32, #tpu.memory_space<vmem>>
        %dma_wait3A_444 = arith.constant 0 : i32
        %dma_wait3A_445 = tpu.memref_slice %arg7[%dma_wait3A_438, %dma_wait3A_444] : memref<48x128xi32, #tpu.memory_space<vmem>> -> memref<1x128xi32, #tpu.memory_space<vmem>>
        %dma_wait3A_446 = tpu.memref_squeeze %dma_wait3A_445 : memref<1x128xi32, #tpu.memory_space<vmem>> -> memref<128xi32, #tpu.memory_space<vmem>>
        %dma_wait3A_447 = arith.constant 0 : i32
        %dma_wait3A_448 = arith.constant 0 : i32
        %dma_wait3A_449 = tpu.memref_slice %arg2[%dma_wait3A_447, %dma_wait3A_448] : memref<10008x128xf32, #tpu.memory_space<hbm>> -> memref<10008x128xf32, #tpu.memory_space<hbm>>
        tpu.wait_indirect_dma semaphore(%arg11 : memref<!tpu.dma_semaphore, #tpu.memory_space<semaphore_mem>>) src(%dma_wait3A_449 : memref<10008x128xf32, #tpu.memory_space<hbm>>) dst(%dma_wait3A_443 : memref<128x128xf32, #tpu.memory_space<vmem>>)
        %add3A_450 = arith.constant 0 : i32
        %add3A_451 = arith.addi %add3A_437, %add3A_450 : i32
        %dma_start3A_452 = arith.constant 0 : i32
        %dma_start3A_453 = arith.constant 0 : i32
        %dma_start3A_454 = arith.constant 0 : i32
        %dma_start3A_455 = tpu.memref_slice %arg9[%dma_start3A_452, %dma_start3A_453, %dma_start3A_454] : memref<2x128x128xf32, #tpu.memory_space<vmem>> -> memref<1x128x128xf32, #tpu.memory_space<vmem>>
        %dma_start3A_456 = tpu.memref_squeeze %dma_start3A_455 : memref<1x128x128xf32, #tpu.memory_space<vmem>> -> memref<128x128xf32, #tpu.memory_space<vmem>>
        %dma_start3A_457 = arith.constant 0 : i32
        %dma_start3A_458 = tpu.memref_slice %arg8[%add3A_451, %dma_start3A_457] : memref<48x128xi32, #tpu.memory_space<vmem>> -> memref<1x128xi32, #tpu.memory_space<vmem>>
        %dma_start3A_459 = tpu.memref_squeeze %dma_start3A_458 : memref<1x128xi32, #tpu.memory_space<vmem>> -> memref<128xi32, #tpu.memory_space<vmem>>
        %dma_start3A_460 = arith.constant 0 : i32
        %dma_start3A_461 = arith.constant 0 : i32
        %dma_start3A_462 = tpu.memref_slice %arg10[%dma_start3A_460, %dma_start3A_461] : memref<10008x128xf32, #tpu.memory_space<vmem_shared>> -> memref<10008x128xf32, #tpu.memory_space<vmem_shared>>
        tpu.enqueue_indirect_dma source(%dma_start3A_456 : memref<128x128xf32, #tpu.memory_space<vmem>>) target(%dma_start3A_462 : memref<10008x128xf32, #tpu.memory_space<vmem_shared>>) offsets(%dma_start3A_459 : memref<128xi32, #tpu.memory_space<vmem>>) semaphore(%arg13 : memref<!tpu.dma_semaphore, #tpu.memory_space<semaphore_mem>>) {add = true}
        %dma_wait3A_463 = arith.constant 0 : i32
        %dma_wait3A_464 = arith.constant 0 : i32
        %dma_wait3A_465 = arith.constant 0 : i32
        %dma_wait3A_466 = arith.constant 0 : i32
        %dma_wait3A_467 = tpu.memref_slice %arg9[%dma_wait3A_463, %dma_wait3A_465, %dma_wait3A_466] : memref<2x128x128xf32, #tpu.memory_space<vmem>> -> memref<1x128x128xf32, #tpu.memory_space<vmem>>
        %dma_wait3A_468 = tpu.memref_squeeze %dma_wait3A_467 : memref<1x128x128xf32, #tpu.memory_space<vmem>> -> memref<128x128xf32, #tpu.memory_space<vmem>>
        %dma_wait3A_469 = arith.constant 0 : i32
        %dma_wait3A_470 = tpu.memref_slice %arg8[%dma_wait3A_464, %dma_wait3A_469] : memref<48x128xi32, #tpu.memory_space<vmem>> -> memref<1x128xi32, #tpu.memory_space<vmem>>
        %dma_wait3A_471 = tpu.memref_squeeze %dma_wait3A_470 : memref<1x128xi32, #tpu.memory_space<vmem>> -> memref<128xi32, #tpu.memory_space<vmem>>
        %dma_wait3A_472 = arith.constant 0 : i32
        %dma_wait3A_473 = arith.constant 0 : i32
        %dma_wait3A_474 = tpu.memref_slice %arg10[%dma_wait3A_472, %dma_wait3A_473] : memref<10008x128xf32, #tpu.memory_space<vmem_shared>> -> memref<10008x128xf32, #tpu.memory_space<vmem_shared>>
        tpu.wait_indirect_dma semaphore(%arg13 : memref<!tpu.dma_semaphore, #tpu.memory_space<semaphore_mem>>) src(%dma_wait3A_468 : memref<128x128xf32, #tpu.memory_space<vmem>>) dst(%dma_wait3A_474 : memref<10008x128xf32, #tpu.memory_space<vmem_shared>>)
        %add3A_475 = arith.constant 0 : i32
        %add3A_476 = arith.addi %add3A_437, %add3A_475 : i32
        %add3A_477 = arith.constant 2 : i32
        %add3A_478 = arith.addi %add3A_476, %add3A_477 : i32
        %dma_start3A_479 = arith.constant 0 : i32
        %dma_start3A_480 = arith.constant 0 : i32
        %dma_start3A_481 = arith.constant 0 : i32
        %dma_start3A_482 = tpu.memref_slice %arg9[%dma_start3A_479, %dma_start3A_480, %dma_start3A_481] : memref<2x128x128xf32, #tpu.memory_space<vmem>> -> memref<1x128x128xf32, #tpu.memory_space<vmem>>
        %dma_start3A_483 = tpu.memref_squeeze %dma_start3A_482 : memref<1x128x128xf32, #tpu.memory_space<vmem>> -> memref<128x128xf32, #tpu.memory_space<vmem>>
        %dma_start3A_484 = arith.constant 0 : i32
        %dma_start3A_485 = tpu.memref_slice %arg7[%add3A_478, %dma_start3A_484] : memref<48x128xi32, #tpu.memory_space<vmem>> -> memref<1x128xi32, #tpu.memory_space<vmem>>
        %dma_start3A_486 = tpu.memref_squeeze %dma_start3A_485 : memref<1x128xi32, #tpu.memory_space<vmem>> -> memref<128xi32, #tpu.memory_space<vmem>>
        %dma_start3A_487 = arith.constant 0 : i32
        %dma_start3A_488 = arith.constant 0 : i32
        %dma_start3A_489 = tpu.memref_slice %arg2[%dma_start3A_487, %dma_start3A_488] : memref<10008x128xf32, #tpu.memory_space<hbm>> -> memref<10008x128xf32, #tpu.memory_space<hbm>>
        tpu.enqueue_indirect_dma source(%dma_start3A_489 : memref<10008x128xf32, #tpu.memory_space<hbm>>) target(%dma_start3A_483 : memref<128x128xf32, #tpu.memory_space<vmem>>) offsets(%dma_start3A_486 : memref<128xi32, #tpu.memory_space<vmem>>) semaphore(%arg11 : memref<!tpu.dma_semaphore, #tpu.memory_space<semaphore_mem>>)
        %dma_wait3A_490 = arith.constant 0 : i32
        %dma_wait3A_491 = arith.constant 1 : i32
        %dma_wait3A_492 = arith.constant 0 : i32
        %dma_wait3A_493 = arith.constant 0 : i32
        %dma_wait3A_494 = tpu.memref_slice %arg9[%dma_wait3A_491, %dma_wait3A_492, %dma_wait3A_493] : memref<2x128x128xf32, #tpu.memory_space<vmem>> -> memref<1x128x128xf32, #tpu.memory_space<vmem>>
        %dma_wait3A_495 = tpu.memref_squeeze %dma_wait3A_494 : memref<1x128x128xf32, #tpu.memory_space<vmem>> -> memref<128x128xf32, #tpu.memory_space<vmem>>
        %dma_wait3A_496 = arith.constant 0 : i32
        %dma_wait3A_497 = tpu.memref_slice %arg7[%dma_wait3A_490, %dma_wait3A_496] : memref<48x128xi32, #tpu.memory_space<vmem>> -> memref<1x128xi32, #tpu.memory_space<vmem>>
        %dma_wait3A_498 = tpu.memref_squeeze %dma_wait3A_497 : memref<1x128xi32, #tpu.memory_space<vmem>> -> memref<128xi32, #tpu.memory_space<vmem>>
        %dma_wait3A_499 = arith.constant 0 : i32
        %dma_wait3A_500 = arith.constant 0 : i32
        %dma_wait3A_501 = tpu.memref_slice %arg2[%dma_wait3A_499, %dma_wait3A_500] : memref<10008x128xf32, #tpu.memory_space<hbm>> -> memref<10008x128xf32, #tpu.memory_space<hbm>>
        tpu.wait_indirect_dma semaphore(%arg12 : memref<!tpu.dma_semaphore, #tpu.memory_space<semaphore_mem>>) src(%dma_wait3A_501 : memref<10008x128xf32, #tpu.memory_space<hbm>>) dst(%dma_wait3A_495 : memref<128x128xf32, #tpu.memory_space<vmem>>)
        %add3A_502 = arith.constant 1 : i32
        %add3A_503 = arith.addi %add3A_437, %add3A_502 : i32
        %dma_start3A_504 = arith.constant 1 : i32
        %dma_start3A_505 = arith.constant 0 : i32
        %dma_start3A_506 = arith.constant 0 : i32
        %dma_start3A_507 = tpu.memref_slice %arg9[%dma_start3A_504, %dma_start3A_505, %dma_start3A_506] : memref<2x128x128xf32, #tpu.memory_space<vmem>> -> memref<1x128x128xf32, #tpu.memory_space<vmem>>
        %dma_start3A_508 = tpu.memref_squeeze %dma_start3A_507 : memref<1x128x128xf32, #tpu.memory_space<vmem>> -> memref<128x128xf32, #tpu.memory_space<vmem>>
        %dma_start3A_509 = arith.constant 0 : i32
        %dma_start3A_510 = tpu.memref_slice %arg8[%add3A_503, %dma_start3A_509] : memref<48x128xi32, #tpu.memory_space<vmem>> -> memref<1x128xi32, #tpu.memory_space<vmem>>
        %dma_start3A_511 = tpu.memref_squeeze %dma_start3A_510 : memref<1x128xi32, #tpu.memory_space<vmem>> -> memref<128xi32, #tpu.memory_space<vmem>>
        %dma_start3A_512 = arith.constant 0 : i32
        %dma_start3A_513 = arith.constant 0 : i32
        %dma_start3A_514 = tpu.memref_slice %arg10[%dma_start3A_512, %dma_start3A_513] : memref<10008x128xf32, #tpu.memory_space<vmem_shared>> -> memref<10008x128xf32, #tpu.memory_space<vmem_shared>>
        tpu.enqueue_indirect_dma source(%dma_start3A_508 : memref<128x128xf32, #tpu.memory_space<vmem>>) target(%dma_start3A_514 : memref<10008x128xf32, #tpu.memory_space<vmem_shared>>) offsets(%dma_start3A_511 : memref<128xi32, #tpu.memory_space<vmem>>) semaphore(%arg14 : memref<!tpu.dma_semaphore, #tpu.memory_space<semaphore_mem>>) {add = true}
        %dma_wait3A_515 = arith.constant 1 : i32
        %dma_wait3A_516 = arith.constant 0 : i32
        %dma_wait3A_517 = arith.constant 0 : i32
        %dma_wait3A_518 = arith.constant 0 : i32
        %dma_wait3A_519 = tpu.memref_slice %arg9[%dma_wait3A_515, %dma_wait3A_517, %dma_wait3A_518] : memref<2x128x128xf32, #tpu.memory_space<vmem>> -> memref<1x128x128xf32, #tpu.memory_space<vmem>>
        %dma_wait3A_520 = tpu.memref_squeeze %dma_wait3A_519 : memref<1x128x128xf32, #tpu.memory_space<vmem>> -> memref<128x128xf32, #tpu.memory_space<vmem>>
        %dma_wait3A_521 = arith.constant 0 : i32
        %dma_wait3A_522 = tpu.memref_slice %arg8[%dma_wait3A_516, %dma_wait3A_521] : memref<48x128xi32, #tpu.memory_space<vmem>> -> memref<1x128xi32, #tpu.memory_space<vmem>>
        %dma_wait3A_523 = tpu.memref_squeeze %dma_wait3A_522 : memref<1x128xi32, #tpu.memory_space<vmem>> -> memref<128xi32, #tpu.memory_space<vmem>>
        %dma_wait3A_524 = arith.constant 0 : i32
        %dma_wait3A_525 = arith.constant 0 : i32
        %dma_wait3A_526 = tpu.memref_slice %arg10[%dma_wait3A_524, %dma_wait3A_525] : memref<10008x128xf32, #tpu.memory_space<vmem_shared>> -> memref<10008x128xf32, #tpu.memory_space<vmem_shared>>
        tpu.wait_indirect_dma semaphore(%arg14 : memref<!tpu.dma_semaphore, #tpu.memory_space<semaphore_mem>>) src(%dma_wait3A_520 : memref<128x128xf32, #tpu.memory_space<vmem>>) dst(%dma_wait3A_526 : memref<10008x128xf32, #tpu.memory_space<vmem_shared>>)
        %add3A_527 = arith.constant 1 : i32
        %add3A_528 = arith.addi %add3A_437, %add3A_527 : i32
        %add3A_529 = arith.constant 2 : i32
        %add3A_530 = arith.addi %add3A_528, %add3A_529 : i32
        %dma_start3A_531 = arith.constant 1 : i32
        %dma_start3A_532 = arith.constant 0 : i32
        %dma_start3A_533 = arith.constant 0 : i32
        %dma_start3A_534 = tpu.memref_slice %arg9[%dma_start3A_531, %dma_start3A_532, %dma_start3A_533] : memref<2x128x128xf32, #tpu.memory_space<vmem>> -> memref<1x128x128xf32, #tpu.memory_space<vmem>>
        %dma_start3A_535 = tpu.memref_squeeze %dma_start3A_534 : memref<1x128x128xf32, #tpu.memory_space<vmem>> -> memref<128x128xf32, #tpu.memory_space<vmem>>
        %dma_start3A_536 = arith.constant 0 : i32
        %dma_start3A_537 = tpu.memref_slice %arg7[%add3A_530, %dma_start3A_536] : memref<48x128xi32, #tpu.memory_space<vmem>> -> memref<1x128xi32, #tpu.memory_space<vmem>>
        %dma_start3A_538 = tpu.memref_squeeze %dma_start3A_537 : memref<1x128xi32, #tpu.memory_space<vmem>> -> memref<128xi32, #tpu.memory_space<vmem>>
        %dma_start3A_539 = arith.constant 0 : i32
        %dma_start3A_540 = arith.constant 0 : i32
        %dma_start3A_541 = tpu.memref_slice %arg2[%dma_start3A_539, %dma_start3A_540] : memref<10008x128xf32, #tpu.memory_space<hbm>> -> memref<10008x128xf32, #tpu.memory_space<hbm>>
        tpu.enqueue_indirect_dma source(%dma_start3A_541 : memref<10008x128xf32, #tpu.memory_space<hbm>>) target(%dma_start3A_535 : memref<128x128xf32, #tpu.memory_space<vmem>>) offsets(%dma_start3A_538 : memref<128xi32, #tpu.memory_space<vmem>>) semaphore(%arg12 : memref<!tpu.dma_semaphore, #tpu.memory_space<semaphore_mem>>)
      }
      %scan3A_52 = arith.constant 23 : i32
      %dma_wait3A = arith.constant 0 : i32
      %dma_wait3A_53 = arith.constant 0 : i32
      %dma_wait3A_54 = arith.constant 0 : i32
      %dma_wait3A_55 = arith.constant 0 : i32
      %dma_wait3A_56 = tpu.memref_slice %arg9[%dma_wait3A_53, %dma_wait3A_54, %dma_wait3A_55] : memref<2x128x128xf32, #tpu.memory_space<vmem>> -> memref<1x128x128xf32, #tpu.memory_space<vmem>>
      %dma_wait3A_57 = tpu.memref_squeeze %dma_wait3A_56 : memref<1x128x128xf32, #tpu.memory_space<vmem>> -> memref<128x128xf32, #tpu.memory_space<vmem>>
      %dma_wait3A_58 = arith.constant 0 : i32
      %dma_wait3A_59 = tpu.memref_slice %arg7[%dma_wait3A, %dma_wait3A_58] : memref<48x128xi32, #tpu.memory_space<vmem>> -> memref<1x128xi32, #tpu.memory_space<vmem>>
      %dma_wait3A_60 = tpu.memref_squeeze %dma_wait3A_59 : memref<1x128xi32, #tpu.memory_space<vmem>> -> memref<128xi32, #tpu.memory_space<vmem>>
      %dma_wait3A_61 = arith.constant 0 : i32
      %dma_wait3A_62 = arith.constant 0 : i32
      %dma_wait3A_63 = tpu.memref_slice %arg2[%dma_wait3A_61, %dma_wait3A_62] : memref<10008x128xf32, #tpu.memory_space<hbm>> -> memref<10008x128xf32, #tpu.memory_space<hbm>>
      tpu.wait_indirect_dma semaphore(%arg11 : memref<!tpu.dma_semaphore, #tpu.memory_space<semaphore_mem>>) src(%dma_wait3A_63 : memref<10008x128xf32, #tpu.memory_space<hbm>>) dst(%dma_wait3A_57 : memref<128x128xf32, #tpu.memory_space<vmem>>)
      %dma_start3A_64 = arith.constant 0 : i32
      %dma_start3A_65 = arith.constant 46 : i32
      %dma_start3A_66 = arith.constant 0 : i32
      %dma_start3A_67 = arith.constant 0 : i32
      %dma_start3A_68 = tpu.memref_slice %arg9[%dma_start3A_64, %dma_start3A_66, %dma_start3A_67] : memref<2x128x128xf32, #tpu.memory_space<vmem>> -> memref<1x128x128xf32, #tpu.memory_space<vmem>>
      %dma_start3A_69 = tpu.memref_squeeze %dma_start3A_68 : memref<1x128x128xf32, #tpu.memory_space<vmem>> -> memref<128x128xf32, #tpu.memory_space<vmem>>
      %dma_start3A_70 = arith.constant 0 : i32
      %dma_start3A_71 = tpu.memref_slice %arg8[%dma_start3A_65, %dma_start3A_70] : memref<48x128xi32, #tpu.memory_space<vmem>> -> memref<1x128xi32, #tpu.memory_space<vmem>>
      %dma_start3A_72 = tpu.memref_squeeze %dma_start3A_71 : memref<1x128xi32, #tpu.memory_space<vmem>> -> memref<128xi32, #tpu.memory_space<vmem>>
      %dma_start3A_73 = arith.constant 0 : i32
      %dma_start3A_74 = arith.constant 0 : i32
      %dma_start3A_75 = tpu.memref_slice %arg10[%dma_start3A_73, %dma_start3A_74] : memref<10008x128xf32, #tpu.memory_space<vmem_shared>> -> memref<10008x128xf32, #tpu.memory_space<vmem_shared>>
      tpu.enqueue_indirect_dma source(%dma_start3A_69 : memref<128x128xf32, #tpu.memory_space<vmem>>) target(%dma_start3A_75 : memref<10008x128xf32, #tpu.memory_space<vmem_shared>>) offsets(%dma_start3A_72 : memref<128xi32, #tpu.memory_space<vmem>>) semaphore(%arg13 : memref<!tpu.dma_semaphore, #tpu.memory_space<semaphore_mem>>) {add = true}
      %dma_wait3A_76 = arith.constant 0 : i32
      %dma_wait3A_77 = arith.constant 0 : i32
      %dma_wait3A_78 = arith.constant 0 : i32
      %dma_wait3A_79 = arith.constant 0 : i32
      %dma_wait3A_80 = tpu.memref_slice %arg9[%dma_wait3A_76, %dma_wait3A_78, %dma_wait3A_79] : memref<2x128x128xf32, #tpu.memory_space<vmem>> -> memref<1x128x128xf32, #tpu.memory_space<vmem>>
      %dma_wait3A_81 = tpu.memref_squeeze %dma_wait3A_80 : memref<1x128x128xf32, #tpu.memory_space<vmem>> -> memref<128x128xf32, #tpu.memory_space<vmem>>
      %dma_wait3A_82 = arith.constant 0 : i32
      %dma_wait3A_83 = tpu.memref_slice %arg8[%dma_wait3A_77, %dma_wait3A_82] : memref<48x128xi32, #tpu.memory_space<vmem>> -> memref<1x128xi32, #tpu.memory_space<vmem>>
      %dma_wait3A_84 = tpu.memref_squeeze %dma_wait3A_83 : memref<1x128xi32, #tpu.memory_space<vmem>> -> memref<128xi32, #tpu.memory_space<vmem>>
      %dma_wait3A_85 = arith.constant 0 : i32
      %dma_wait3A_86 = arith.constant 0 : i32
      %dma_wait3A_87 = tpu.memref_slice %arg10[%dma_wait3A_85, %dma_wait3A_86] : memref<10008x128xf32, #tpu.memory_space<vmem_shared>> -> memref<10008x128xf32, #tpu.memory_space<vmem_shared>>
      tpu.wait_indirect_dma semaphore(%arg13 : memref<!tpu.dma_semaphore, #tpu.memory_space<semaphore_mem>>) src(%dma_wait3A_81 : memref<128x128xf32, #tpu.memory_space<vmem>>) dst(%dma_wait3A_87 : memref<10008x128xf32, #tpu.memory_space<vmem_shared>>)
      %dma_wait3A_88 = arith.constant 0 : i32
      %dma_wait3A_89 = arith.constant 1 : i32
      %dma_wait3A_90 = arith.constant 0 : i32
      %dma_wait3A_91 = arith.constant 0 : i32
      %dma_wait3A_92 = tpu.memref_slice %arg9[%dma_wait3A_89, %dma_wait3A_90, %dma_wait3A_91] : memref<2x128x128xf32, #tpu.memory_space<vmem>> -> memref<1x128x128xf32, #tpu.memory_space<vmem>>
      %dma_wait3A_93 = tpu.memref_squeeze %dma_wait3A_92 : memref<1x128x128xf32, #tpu.memory_space<vmem>> -> memref<128x128xf32, #tpu.memory_space<vmem>>
      %dma_wait3A_94 = arith.constant 0 : i32
      %dma_wait3A_95 = tpu.memref_slice %arg7[%dma_wait3A_88, %dma_wait3A_94] : memref<48x128xi32, #tpu.memory_space<vmem>> -> memref<1x128xi32, #tpu.memory_space<vmem>>
      %dma_wait3A_96 = tpu.memref_squeeze %dma_wait3A_95 : memref<1x128xi32, #tpu.memory_space<vmem>> -> memref<128xi32, #tpu.memory_space<vmem>>
      %dma_wait3A_97 = arith.constant 0 : i32
      %dma_wait3A_98 = arith.constant 0 : i32
      %dma_wait3A_99 = tpu.memref_slice %arg2[%dma_wait3A_97, %dma_wait3A_98] : memref<10008x128xf32, #tpu.memory_space<hbm>> -> memref<10008x128xf32, #tpu.memory_space<hbm>>
      tpu.wait_indirect_dma semaphore(%arg12 : memref<!tpu.dma_semaphore, #tpu.memory_space<semaphore_mem>>) src(%dma_wait3A_99 : memref<10008x128xf32, #tpu.memory_space<hbm>>) dst(%dma_wait3A_93 : memref<128x128xf32, #tpu.memory_space<vmem>>)
      %dma_start3A_100 = arith.constant 1 : i32
      %dma_start3A_101 = arith.constant 47 : i32
      %dma_start3A_102 = arith.constant 0 : i32
      %dma_start3A_103 = arith.constant 0 : i32
      %dma_start3A_104 = tpu.memref_slice %arg9[%dma_start3A_100, %dma_start3A_102, %dma_start3A_103] : memref<2x128x128xf32, #tpu.memory_space<vmem>> -> memref<1x128x128xf32, #tpu.memory_space<vmem>>
      %dma_start3A_105 = tpu.memref_squeeze %dma_start3A_104 : memref<1x128x128xf32, #tpu.memory_space<vmem>> -> memref<128x128xf32, #tpu.memory_space<vmem>>
      %dma_start3A_106 = arith.constant 0 : i32
      %dma_start3A_107 = tpu.memref_slice %arg8[%dma_start3A_101, %dma_start3A_106] : memref<48x128xi32, #tpu.memory_space<vmem>> -> memref<1x128xi32, #tpu.memory_space<vmem>>
      %dma_start3A_108 = tpu.memref_squeeze %dma_start3A_107 : memref<1x128xi32, #tpu.memory_space<vmem>> -> memref<128xi32, #tpu.memory_space<vmem>>
      %dma_start3A_109 = arith.constant 0 : i32
      %dma_start3A_110 = arith.constant 0 : i32
      %dma_start3A_111 = tpu.memref_slice %arg10[%dma_start3A_109, %dma_start3A_110] : memref<10008x128xf32, #tpu.memory_space<vmem_shared>> -> memref<10008x128xf32, #tpu.memory_space<vmem_shared>>
      tpu.enqueue_indirect_dma source(%dma_start3A_105 : memref<128x128xf32, #tpu.memory_space<vmem>>) target(%dma_start3A_111 : memref<10008x128xf32, #tpu.memory_space<vmem_shared>>) offsets(%dma_start3A_108 : memref<128xi32, #tpu.memory_space<vmem>>) semaphore(%arg14 : memref<!tpu.dma_semaphore, #tpu.memory_space<semaphore_mem>>) {add = true}
      %dma_wait3A_112 = arith.constant 1 : i32
      %dma_wait3A_113 = arith.constant 0 : i32
      %dma_wait3A_114 = arith.constant 0 : i32
      %dma_wait3A_115 = arith.constant 0 : i32
      %dma_wait3A_116 = tpu.memref_slice %arg9[%dma_wait3A_112, %dma_wait3A_114, %dma_wait3A_115] : memref<2x128x128xf32, #tpu.memory_space<vmem>> -> memref<1x128x128xf32, #tpu.memory_space<vmem>>
      %dma_wait3A_117 = tpu.memref_squeeze %dma_wait3A_116 : memref<1x128x128xf32, #tpu.memory_space<vmem>> -> memref<128x128xf32, #tpu.memory_space<vmem>>
      %dma_wait3A_118 = arith.constant 0 : i32
      %dma_wait3A_119 = tpu.memref_slice %arg8[%dma_wait3A_113, %dma_wait3A_118] : memref<48x128xi32, #tpu.memory_space<vmem>> -> memref<1x128xi32, #tpu.memory_space<vmem>>
      %dma_wait3A_120 = tpu.memref_squeeze %dma_wait3A_119 : memref<1x128xi32, #tpu.memory_space<vmem>> -> memref<128xi32, #tpu.memory_space<vmem>>
      %dma_wait3A_121 = arith.constant 0 : i32
      %dma_wait3A_122 = arith.constant 0 : i32
      %dma_wait3A_123 = tpu.memref_slice %arg10[%dma_wait3A_121, %dma_wait3A_122] : memref<10008x128xf32, #tpu.memory_space<vmem_shared>> -> memref<10008x128xf32, #tpu.memory_space<vmem_shared>>
      tpu.wait_indirect_dma semaphore(%arg14 : memref<!tpu.dma_semaphore, #tpu.memory_space<semaphore_mem>>) src(%dma_wait3A_117 : memref<128x128xf32, #tpu.memory_space<vmem>>) dst(%dma_wait3A_123 : memref<10008x128xf32, #tpu.memory_space<vmem_shared>>)
      %add3A_124 = arith.constant 48 : i32
      %add3A_125 = arith.addi %mul3A_24, %add3A_124 : i32
      "tpu.region"() ({
        %run_scoped3A = tpu.sem_alloc : memref<!tpu.dma_semaphore, #tpu.memory_space<semaphore_mem>>
        %dma_start3A_433 = arith.constant 0 : i32
        %dma_start3A_434 = arith.constant 0 : i32
        %dma_start3A_435 = tpu.memref_slice %arg7[%dma_start3A_433, %dma_start3A_434] : memref<48x128xi32, #tpu.memory_space<vmem>> -> memref<48x128xi32, #tpu.memory_space<vmem>>
        %dma_start3A_436 = arith.constant 0 : i32
        %dma_start3A_437 = tpu.memref_slice %arg3[%add3A_125, %dma_start3A_436] : memref<2560x128xi32, #tpu.memory_space<hbm>> -> memref<48x128xi32, #tpu.memory_space<hbm>>
        %dma_start3A_438 = arith.constant 0 : i32
        %dma_start3A_439 = arith.constant 0 : i32
        %dma_start3A_440 = tpu.memref_slice %arg7[%dma_start3A_438, %dma_start3A_439] : memref<48x128xi32, #tpu.memory_space<vmem>> -> memref<48x128xi32, #tpu.memory_space<vmem>>
        %dma_start3A_441 = arith.constant 0 : i32
        %dma_start3A_442 = tpu.memref_slice %arg3[%add3A_125, %dma_start3A_441] : memref<2560x128xi32, #tpu.memory_space<hbm>> -> memref<48x128xi32, #tpu.memory_space<hbm>>
        tpu.enqueue_dma source(%dma_start3A_442 : memref<48x128xi32, #tpu.memory_space<hbm>>) target(%dma_start3A_440 : memref<48x128xi32, #tpu.memory_space<vmem>>) target_semaphore(%run_scoped3A : memref<!tpu.dma_semaphore, #tpu.memory_space<semaphore_mem>>)
        %dma_wait3A_443 = arith.constant 0 : i32
        %dma_wait3A_444 = arith.constant 0 : i32
        %dma_wait3A_445 = tpu.memref_slice %arg7[%dma_wait3A_443, %dma_wait3A_444] : memref<48x128xi32, #tpu.memory_space<vmem>> -> memref<48x128xi32, #tpu.memory_space<vmem>>
        %dma_wait3A_446 = arith.constant 0 : i32
        %dma_wait3A_447 = tpu.memref_slice %arg3[%add3A_125, %dma_wait3A_446] : memref<2560x128xi32, #tpu.memory_space<hbm>> -> memref<48x128xi32, #tpu.memory_space<hbm>>
        %dma_wait3A_448 = arith.constant 0 : i32
        %dma_wait3A_449 = arith.constant 0 : i32
        %dma_wait3A_450 = tpu.memref_slice %arg7[%dma_wait3A_448, %dma_wait3A_449] : memref<48x128xi32, #tpu.memory_space<vmem>> -> memref<48x128xi32, #tpu.memory_space<vmem>>
        %dma_wait3A_451 = arith.constant 0 : i32
        %dma_wait3A_452 = tpu.memref_slice %arg3[%add3A_125, %dma_wait3A_451] : memref<2560x128xi32, #tpu.memory_space<hbm>> -> memref<48x128xi32, #tpu.memory_space<hbm>>
        tpu.wait_dma2 semaphore(%run_scoped3A : memref<!tpu.dma_semaphore, #tpu.memory_space<semaphore_mem>>) src(%dma_wait3A_452 : memref<48x128xi32, #tpu.memory_space<hbm>>) dst(%dma_wait3A_450 : memref<48x128xi32, #tpu.memory_space<vmem>>)
        tpu.yield
      }) : () -> ()
      "tpu.region"() ({
        %run_scoped3A = tpu.sem_alloc : memref<!tpu.dma_semaphore, #tpu.memory_space<semaphore_mem>>
        %dma_start3A_433 = arith.constant 0 : i32
        %dma_start3A_434 = arith.constant 0 : i32
        %dma_start3A_435 = tpu.memref_slice %arg8[%dma_start3A_433, %dma_start3A_434] : memref<48x128xi32, #tpu.memory_space<vmem>> -> memref<48x128xi32, #tpu.memory_space<vmem>>
        %dma_start3A_436 = arith.constant 0 : i32
        %dma_start3A_437 = tpu.memref_slice %arg4[%add3A_125, %dma_start3A_436] : memref<2560x128xi32, #tpu.memory_space<hbm>> -> memref<48x128xi32, #tpu.memory_space<hbm>>
        %dma_start3A_438 = arith.constant 0 : i32
        %dma_start3A_439 = arith.constant 0 : i32
        %dma_start3A_440 = tpu.memref_slice %arg8[%dma_start3A_438, %dma_start3A_439] : memref<48x128xi32, #tpu.memory_space<vmem>> -> memref<48x128xi32, #tpu.memory_space<vmem>>
        %dma_start3A_441 = arith.constant 0 : i32
        %dma_start3A_442 = tpu.memref_slice %arg4[%add3A_125, %dma_start3A_441] : memref<2560x128xi32, #tpu.memory_space<hbm>> -> memref<48x128xi32, #tpu.memory_space<hbm>>
        tpu.enqueue_dma source(%dma_start3A_442 : memref<48x128xi32, #tpu.memory_space<hbm>>) target(%dma_start3A_440 : memref<48x128xi32, #tpu.memory_space<vmem>>) target_semaphore(%run_scoped3A : memref<!tpu.dma_semaphore, #tpu.memory_space<semaphore_mem>>)
        %dma_wait3A_443 = arith.constant 0 : i32
        %dma_wait3A_444 = arith.constant 0 : i32
        %dma_wait3A_445 = tpu.memref_slice %arg8[%dma_wait3A_443, %dma_wait3A_444] : memref<48x128xi32, #tpu.memory_space<vmem>> -> memref<48x128xi32, #tpu.memory_space<vmem>>
        %dma_wait3A_446 = arith.constant 0 : i32
        %dma_wait3A_447 = tpu.memref_slice %arg4[%add3A_125, %dma_wait3A_446] : memref<2560x128xi32, #tpu.memory_space<hbm>> -> memref<48x128xi32, #tpu.memory_space<hbm>>
        %dma_wait3A_448 = arith.constant 0 : i32
        %dma_wait3A_449 = arith.constant 0 : i32
        %dma_wait3A_450 = tpu.memref_slice %arg8[%dma_wait3A_448, %dma_wait3A_449] : memref<48x128xi32, #tpu.memory_space<vmem>> -> memref<48x128xi32, #tpu.memory_space<vmem>>
        %dma_wait3A_451 = arith.constant 0 : i32
        %dma_wait3A_452 = tpu.memref_slice %arg4[%add3A_125, %dma_wait3A_451] : memref<2560x128xi32, #tpu.memory_space<hbm>> -> memref<48x128xi32, #tpu.memory_space<hbm>>
        tpu.wait_dma2 semaphore(%run_scoped3A : memref<!tpu.dma_semaphore, #tpu.memory_space<semaphore_mem>>) src(%dma_wait3A_452 : memref<48x128xi32, #tpu.memory_space<hbm>>) dst(%dma_wait3A_450 : memref<48x128xi32, #tpu.memory_space<vmem>>)
        tpu.yield
      }) : () -> ()
      %dma_start3A_126 = arith.constant 0 : i32
      %dma_start3A_127 = arith.constant 0 : i32
      %dma_start3A_128 = arith.constant 0 : i32
      %dma_start3A_129 = arith.constant 0 : i32
      %dma_start3A_130 = tpu.memref_slice %arg9[%dma_start3A_127, %dma_start3A_128, %dma_start3A_129] : memref<2x128x128xf32, #tpu.memory_space<vmem>> -> memref<1x128x128xf32, #tpu.memory_space<vmem>>
      %dma_start3A_131 = tpu.memref_squeeze %dma_start3A_130 : memref<1x128x128xf32, #tpu.memory_space<vmem>> -> memref<128x128xf32, #tpu.memory_space<vmem>>
      %dma_start3A_132 = arith.constant 0 : i32
      %dma_start3A_133 = tpu.memref_slice %arg7[%dma_start3A_126, %dma_start3A_132] : memref<48x128xi32, #tpu.memory_space<vmem>> -> memref<1x128xi32, #tpu.memory_space<vmem>>
      %dma_start3A_134 = tpu.memref_squeeze %dma_start3A_133 : memref<1x128xi32, #tpu.memory_space<vmem>> -> memref<128xi32, #tpu.memory_space<vmem>>
      %dma_start3A_135 = arith.constant 0 : i32
      %dma_start3A_136 = arith.constant 0 : i32
      %dma_start3A_137 = tpu.memref_slice %arg2[%dma_start3A_135, %dma_start3A_136] : memref<10008x128xf32, #tpu.memory_space<hbm>> -> memref<10008x128xf32, #tpu.memory_space<hbm>>
      tpu.enqueue_indirect_dma source(%dma_start3A_137 : memref<10008x128xf32, #tpu.memory_space<hbm>>) target(%dma_start3A_131 : memref<128x128xf32, #tpu.memory_space<vmem>>) offsets(%dma_start3A_134 : memref<128xi32, #tpu.memory_space<vmem>>) semaphore(%arg11 : memref<!tpu.dma_semaphore, #tpu.memory_space<semaphore_mem>>)
      %dma_start3A_138 = arith.constant 1 : i32
      %dma_start3A_139 = arith.constant 1 : i32
      %dma_start3A_140 = arith.constant 0 : i32
      %dma_start3A_141 = arith.constant 0 : i32
      %dma_start3A_142 = tpu.memref_slice %arg9[%dma_start3A_139, %dma_start3A_140, %dma_start3A_141] : memref<2x128x128xf32, #tpu.memory_space<vmem>> -> memref<1x128x128xf32, #tpu.memory_space<vmem>>
      %dma_start3A_143 = tpu.memref_squeeze %dma_start3A_142 : memref<1x128x128xf32, #tpu.memory_space<vmem>> -> memref<128x128xf32, #tpu.memory_space<vmem>>
      %dma_start3A_144 = arith.constant 0 : i32
      %dma_start3A_145 = tpu.memref_slice %arg7[%dma_start3A_138, %dma_start3A_144] : memref<48x128xi32, #tpu.memory_space<vmem>> -> memref<1x128xi32, #tpu.memory_space<vmem>>
      %dma_start3A_146 = tpu.memref_squeeze %dma_start3A_145 : memref<1x128xi32, #tpu.memory_space<vmem>> -> memref<128xi32, #tpu.memory_space<vmem>>
      %dma_start3A_147 = arith.constant 0 : i32
      %dma_start3A_148 = arith.constant 0 : i32
      %dma_start3A_149 = tpu.memref_slice %arg2[%dma_start3A_147, %dma_start3A_148] : memref<10008x128xf32, #tpu.memory_space<hbm>> -> memref<10008x128xf32, #tpu.memory_space<hbm>>
      tpu.enqueue_indirect_dma source(%dma_start3A_149 : memref<10008x128xf32, #tpu.memory_space<hbm>>) target(%dma_start3A_143 : memref<128x128xf32, #tpu.memory_space<vmem>>) offsets(%dma_start3A_146 : memref<128xi32, #tpu.memory_space<vmem>>) semaphore(%arg12 : memref<!tpu.dma_semaphore, #tpu.memory_space<semaphore_mem>>)
      %scan3A_150 = arith.constant 0 : i32
      %scan3A_151 = arith.constant 23 : i32
      %scan3A_152 = arith.addi %scan3A_150, %scan3A_151 : i32
      %scan3A_153 = arith.constant 1 : i32
      scf.for %scan3A_433 = %scan3A_150 to %scan3A_152 step %scan3A_153  : i32 {
        %mul3A_434 = arith.constant 2 : i32
        %mul3A_435 = arith.muli %scan3A_433, %mul3A_434 : i32
        %add3A_436 = arith.constant 0 : i32
        %add3A_437 = arith.addi %add3A_436, %mul3A_435 : i32
        %dma_wait3A_438 = arith.constant 0 : i32
        %dma_wait3A_439 = arith.constant 0 : i32
        %dma_wait3A_440 = arith.constant 0 : i32
        %dma_wait3A_441 = arith.constant 0 : i32
        %dma_wait3A_442 = tpu.memref_slice %arg9[%dma_wait3A_439, %dma_wait3A_440, %dma_wait3A_441] : memref<2x128x128xf32, #tpu.memory_space<vmem>> -> memref<1x128x128xf32, #tpu.memory_space<vmem>>
        %dma_wait3A_443 = tpu.memref_squeeze %dma_wait3A_442 : memref<1x128x128xf32, #tpu.memory_space<vmem>> -> memref<128x128xf32, #tpu.memory_space<vmem>>
        %dma_wait3A_444 = arith.constant 0 : i32
        %dma_wait3A_445 = tpu.memref_slice %arg7[%dma_wait3A_438, %dma_wait3A_444] : memref<48x128xi32, #tpu.memory_space<vmem>> -> memref<1x128xi32, #tpu.memory_space<vmem>>
        %dma_wait3A_446 = tpu.memref_squeeze %dma_wait3A_445 : memref<1x128xi32, #tpu.memory_space<vmem>> -> memref<128xi32, #tpu.memory_space<vmem>>
        %dma_wait3A_447 = arith.constant 0 : i32
        %dma_wait3A_448 = arith.constant 0 : i32
        %dma_wait3A_449 = tpu.memref_slice %arg2[%dma_wait3A_447, %dma_wait3A_448] : memref<10008x128xf32, #tpu.memory_space<hbm>> -> memref<10008x128xf32, #tpu.memory_space<hbm>>
        tpu.wait_indirect_dma semaphore(%arg11 : memref<!tpu.dma_semaphore, #tpu.memory_space<semaphore_mem>>) src(%dma_wait3A_449 : memref<10008x128xf32, #tpu.memory_space<hbm>>) dst(%dma_wait3A_443 : memref<128x128xf32, #tpu.memory_space<vmem>>)
        %add3A_450 = arith.constant 0 : i32
        %add3A_451 = arith.addi %add3A_437, %add3A_450 : i32
        %dma_start3A_452 = arith.constant 0 : i32
        %dma_start3A_453 = arith.constant 0 : i32
        %dma_start3A_454 = arith.constant 0 : i32
        %dma_start3A_455 = tpu.memref_slice %arg9[%dma_start3A_452, %dma_start3A_453, %dma_start3A_454] : memref<2x128x128xf32, #tpu.memory_space<vmem>> -> memref<1x128x128xf32, #tpu.memory_space<vmem>>
        %dma_start3A_456 = tpu.memref_squeeze %dma_start3A_455 : memref<1x128x128xf32, #tpu.memory_space<vmem>> -> memref<128x128xf32, #tpu.memory_space<vmem>>
        %dma_start3A_457 = arith.constant 0 : i32
        %dma_start3A_458 = tpu.memref_slice %arg8[%add3A_451, %dma_start3A_457] : memref<48x128xi32, #tpu.memory_space<vmem>> -> memref<1x128xi32, #tpu.memory_space<vmem>>
        %dma_start3A_459 = tpu.memref_squeeze %dma_start3A_458 : memref<1x128xi32, #tpu.memory_space<vmem>> -> memref<128xi32, #tpu.memory_space<vmem>>
        %dma_start3A_460 = arith.constant 0 : i32
        %dma_start3A_461 = arith.constant 0 : i32
        %dma_start3A_462 = tpu.memref_slice %arg10[%dma_start3A_460, %dma_start3A_461] : memref<10008x128xf32, #tpu.memory_space<vmem_shared>> -> memref<10008x128xf32, #tpu.memory_space<vmem_shared>>
        tpu.enqueue_indirect_dma source(%dma_start3A_456 : memref<128x128xf32, #tpu.memory_space<vmem>>) target(%dma_start3A_462 : memref<10008x128xf32, #tpu.memory_space<vmem_shared>>) offsets(%dma_start3A_459 : memref<128xi32, #tpu.memory_space<vmem>>) semaphore(%arg13 : memref<!tpu.dma_semaphore, #tpu.memory_space<semaphore_mem>>) {add = true}
        %dma_wait3A_463 = arith.constant 0 : i32
        %dma_wait3A_464 = arith.constant 0 : i32
        %dma_wait3A_465 = arith.constant 0 : i32
        %dma_wait3A_466 = arith.constant 0 : i32
        %dma_wait3A_467 = tpu.memref_slice %arg9[%dma_wait3A_463, %dma_wait3A_465, %dma_wait3A_466] : memref<2x128x128xf32, #tpu.memory_space<vmem>> -> memref<1x128x128xf32, #tpu.memory_space<vmem>>
        %dma_wait3A_468 = tpu.memref_squeeze %dma_wait3A_467 : memref<1x128x128xf32, #tpu.memory_space<vmem>> -> memref<128x128xf32, #tpu.memory_space<vmem>>
        %dma_wait3A_469 = arith.constant 0 : i32
        %dma_wait3A_470 = tpu.memref_slice %arg8[%dma_wait3A_464, %dma_wait3A_469] : memref<48x128xi32, #tpu.memory_space<vmem>> -> memref<1x128xi32, #tpu.memory_space<vmem>>
        %dma_wait3A_471 = tpu.memref_squeeze %dma_wait3A_470 : memref<1x128xi32, #tpu.memory_space<vmem>> -> memref<128xi32, #tpu.memory_space<vmem>>
        %dma_wait3A_472 = arith.constant 0 : i32
        %dma_wait3A_473 = arith.constant 0 : i32
        %dma_wait3A_474 = tpu.memref_slice %arg10[%dma_wait3A_472, %dma_wait3A_473] : memref<10008x128xf32, #tpu.memory_space<vmem_shared>> -> memref<10008x128xf32, #tpu.memory_space<vmem_shared>>
        tpu.wait_indirect_dma semaphore(%arg13 : memref<!tpu.dma_semaphore, #tpu.memory_space<semaphore_mem>>) src(%dma_wait3A_468 : memref<128x128xf32, #tpu.memory_space<vmem>>) dst(%dma_wait3A_474 : memref<10008x128xf32, #tpu.memory_space<vmem_shared>>)
        %add3A_475 = arith.constant 0 : i32
        %add3A_476 = arith.addi %add3A_437, %add3A_475 : i32
        %add3A_477 = arith.constant 2 : i32
        %add3A_478 = arith.addi %add3A_476, %add3A_477 : i32
        %dma_start3A_479 = arith.constant 0 : i32
        %dma_start3A_480 = arith.constant 0 : i32
        %dma_start3A_481 = arith.constant 0 : i32
        %dma_start3A_482 = tpu.memref_slice %arg9[%dma_start3A_479, %dma_start3A_480, %dma_start3A_481] : memref<2x128x128xf32, #tpu.memory_space<vmem>> -> memref<1x128x128xf32, #tpu.memory_space<vmem>>
        %dma_start3A_483 = tpu.memref_squeeze %dma_start3A_482 : memref<1x128x128xf32, #tpu.memory_space<vmem>> -> memref<128x128xf32, #tpu.memory_space<vmem>>
        %dma_start3A_484 = arith.constant 0 : i32
        %dma_start3A_485 = tpu.memref_slice %arg7[%add3A_478, %dma_start3A_484] : memref<48x128xi32, #tpu.memory_space<vmem>> -> memref<1x128xi32, #tpu.memory_space<vmem>>
        %dma_start3A_486 = tpu.memref_squeeze %dma_start3A_485 : memref<1x128xi32, #tpu.memory_space<vmem>> -> memref<128xi32, #tpu.memory_space<vmem>>
        %dma_start3A_487 = arith.constant 0 : i32
        %dma_start3A_488 = arith.constant 0 : i32
        %dma_start3A_489 = tpu.memref_slice %arg2[%dma_start3A_487, %dma_start3A_488] : memref<10008x128xf32, #tpu.memory_space<hbm>> -> memref<10008x128xf32, #tpu.memory_space<hbm>>
        tpu.enqueue_indirect_dma source(%dma_start3A_489 : memref<10008x128xf32, #tpu.memory_space<hbm>>) target(%dma_start3A_483 : memref<128x128xf32, #tpu.memory_space<vmem>>) offsets(%dma_start3A_486 : memref<128xi32, #tpu.memory_space<vmem>>) semaphore(%arg11 : memref<!tpu.dma_semaphore, #tpu.memory_space<semaphore_mem>>)
        %dma_wait3A_490 = arith.constant 0 : i32
        %dma_wait3A_491 = arith.constant 1 : i32
        %dma_wait3A_492 = arith.constant 0 : i32
        %dma_wait3A_493 = arith.constant 0 : i32
        %dma_wait3A_494 = tpu.memref_slice %arg9[%dma_wait3A_491, %dma_wait3A_492, %dma_wait3A_493] : memref<2x128x128xf32, #tpu.memory_space<vmem>> -> memref<1x128x128xf32, #tpu.memory_space<vmem>>
        %dma_wait3A_495 = tpu.memref_squeeze %dma_wait3A_494 : memref<1x128x128xf32, #tpu.memory_space<vmem>> -> memref<128x128xf32, #tpu.memory_space<vmem>>
        %dma_wait3A_496 = arith.constant 0 : i32
        %dma_wait3A_497 = tpu.memref_slice %arg7[%dma_wait3A_490, %dma_wait3A_496] : memref<48x128xi32, #tpu.memory_space<vmem>> -> memref<1x128xi32, #tpu.memory_space<vmem>>
        %dma_wait3A_498 = tpu.memref_squeeze %dma_wait3A_497 : memref<1x128xi32, #tpu.memory_space<vmem>> -> memref<128xi32, #tpu.memory_space<vmem>>
        %dma_wait3A_499 = arith.constant 0 : i32
        %dma_wait3A_500 = arith.constant 0 : i32
        %dma_wait3A_501 = tpu.memref_slice %arg2[%dma_wait3A_499, %dma_wait3A_500] : memref<10008x128xf32, #tpu.memory_space<hbm>> -> memref<10008x128xf32, #tpu.memory_space<hbm>>
        tpu.wait_indirect_dma semaphore(%arg12 : memref<!tpu.dma_semaphore, #tpu.memory_space<semaphore_mem>>) src(%dma_wait3A_501 : memref<10008x128xf32, #tpu.memory_space<hbm>>) dst(%dma_wait3A_495 : memref<128x128xf32, #tpu.memory_space<vmem>>)
        %add3A_502 = arith.constant 1 : i32
        %add3A_503 = arith.addi %add3A_437, %add3A_502 : i32
        %dma_start3A_504 = arith.constant 1 : i32
        %dma_start3A_505 = arith.constant 0 : i32
        %dma_start3A_506 = arith.constant 0 : i32
        %dma_start3A_507 = tpu.memref_slice %arg9[%dma_start3A_504, %dma_start3A_505, %dma_start3A_506] : memref<2x128x128xf32, #tpu.memory_space<vmem>> -> memref<1x128x128xf32, #tpu.memory_space<vmem>>
        %dma_start3A_508 = tpu.memref_squeeze %dma_start3A_507 : memref<1x128x128xf32, #tpu.memory_space<vmem>> -> memref<128x128xf32, #tpu.memory_space<vmem>>
        %dma_start3A_509 = arith.constant 0 : i32
        %dma_start3A_510 = tpu.memref_slice %arg8[%add3A_503, %dma_start3A_509] : memref<48x128xi32, #tpu.memory_space<vmem>> -> memref<1x128xi32, #tpu.memory_space<vmem>>
        %dma_start3A_511 = tpu.memref_squeeze %dma_start3A_510 : memref<1x128xi32, #tpu.memory_space<vmem>> -> memref<128xi32, #tpu.memory_space<vmem>>
        %dma_start3A_512 = arith.constant 0 : i32
        %dma_start3A_513 = arith.constant 0 : i32
        %dma_start3A_514 = tpu.memref_slice %arg10[%dma_start3A_512, %dma_start3A_513] : memref<10008x128xf32, #tpu.memory_space<vmem_shared>> -> memref<10008x128xf32, #tpu.memory_space<vmem_shared>>
        tpu.enqueue_indirect_dma source(%dma_start3A_508 : memref<128x128xf32, #tpu.memory_space<vmem>>) target(%dma_start3A_514 : memref<10008x128xf32, #tpu.memory_space<vmem_shared>>) offsets(%dma_start3A_511 : memref<128xi32, #tpu.memory_space<vmem>>) semaphore(%arg14 : memref<!tpu.dma_semaphore, #tpu.memory_space<semaphore_mem>>) {add = true}
        %dma_wait3A_515 = arith.constant 1 : i32
        %dma_wait3A_516 = arith.constant 0 : i32
        %dma_wait3A_517 = arith.constant 0 : i32
        %dma_wait3A_518 = arith.constant 0 : i32
        %dma_wait3A_519 = tpu.memref_slice %arg9[%dma_wait3A_515, %dma_wait3A_517, %dma_wait3A_518] : memref<2x128x128xf32, #tpu.memory_space<vmem>> -> memref<1x128x128xf32, #tpu.memory_space<vmem>>
        %dma_wait3A_520 = tpu.memref_squeeze %dma_wait3A_519 : memref<1x128x128xf32, #tpu.memory_space<vmem>> -> memref<128x128xf32, #tpu.memory_space<vmem>>
        %dma_wait3A_521 = arith.constant 0 : i32
        %dma_wait3A_522 = tpu.memref_slice %arg8[%dma_wait3A_516, %dma_wait3A_521] : memref<48x128xi32, #tpu.memory_space<vmem>> -> memref<1x128xi32, #tpu.memory_space<vmem>>
        %dma_wait3A_523 = tpu.memref_squeeze %dma_wait3A_522 : memref<1x128xi32, #tpu.memory_space<vmem>> -> memref<128xi32, #tpu.memory_space<vmem>>
        %dma_wait3A_524 = arith.constant 0 : i32
        %dma_wait3A_525 = arith.constant 0 : i32
        %dma_wait3A_526 = tpu.memref_slice %arg10[%dma_wait3A_524, %dma_wait3A_525] : memref<10008x128xf32, #tpu.memory_space<vmem_shared>> -> memref<10008x128xf32, #tpu.memory_space<vmem_shared>>
        tpu.wait_indirect_dma semaphore(%arg14 : memref<!tpu.dma_semaphore, #tpu.memory_space<semaphore_mem>>) src(%dma_wait3A_520 : memref<128x128xf32, #tpu.memory_space<vmem>>) dst(%dma_wait3A_526 : memref<10008x128xf32, #tpu.memory_space<vmem_shared>>)
        %add3A_527 = arith.constant 1 : i32
        %add3A_528 = arith.addi %add3A_437, %add3A_527 : i32
        %add3A_529 = arith.constant 2 : i32
        %add3A_530 = arith.addi %add3A_528, %add3A_529 : i32
        %dma_start3A_531 = arith.constant 1 : i32
        %dma_start3A_532 = arith.constant 0 : i32
        %dma_start3A_533 = arith.constant 0 : i32
        %dma_start3A_534 = tpu.memref_slice %arg9[%dma_start3A_531, %dma_start3A_532, %dma_start3A_533] : memref<2x128x128xf32, #tpu.memory_space<vmem>> -> memref<1x128x128xf32, #tpu.memory_space<vmem>>
        %dma_start3A_535 = tpu.memref_squeeze %dma_start3A_534 : memref<1x128x128xf32, #tpu.memory_space<vmem>> -> memref<128x128xf32, #tpu.memory_space<vmem>>
        %dma_start3A_536 = arith.constant 0 : i32
        %dma_start3A_537 = tpu.memref_slice %arg7[%add3A_530, %dma_start3A_536] : memref<48x128xi32, #tpu.memory_space<vmem>> -> memref<1x128xi32, #tpu.memory_space<vmem>>
        %dma_start3A_538 = tpu.memref_squeeze %dma_start3A_537 : memref<1x128xi32, #tpu.memory_space<vmem>> -> memref<128xi32, #tpu.memory_space<vmem>>
        %dma_start3A_539 = arith.constant 0 : i32
        %dma_start3A_540 = arith.constant 0 : i32
        %dma_start3A_541 = tpu.memref_slice %arg2[%dma_start3A_539, %dma_start3A_540] : memref<10008x128xf32, #tpu.memory_space<hbm>> -> memref<10008x128xf32, #tpu.memory_space<hbm>>
        tpu.enqueue_indirect_dma source(%dma_start3A_541 : memref<10008x128xf32, #tpu.memory_space<hbm>>) target(%dma_start3A_535 : memref<128x128xf32, #tpu.memory_space<vmem>>) offsets(%dma_start3A_538 : memref<128xi32, #tpu.memory_space<vmem>>) semaphore(%arg12 : memref<!tpu.dma_semaphore, #tpu.memory_space<semaphore_mem>>)
      }
      %scan3A_154 = arith.constant 23 : i32
      %dma_wait3A_155 = arith.constant 0 : i32
      %dma_wait3A_156 = arith.constant 0 : i32
      %dma_wait3A_157 = arith.constant 0 : i32
      %dma_wait3A_158 = arith.constant 0 : i32
      %dma_wait3A_159 = tpu.memref_slice %arg9[%dma_wait3A_156, %dma_wait3A_157, %dma_wait3A_158] : memref<2x128x128xf32, #tpu.memory_space<vmem>> -> memref<1x128x128xf32, #tpu.memory_space<vmem>>
      %dma_wait3A_160 = tpu.memref_squeeze %dma_wait3A_159 : memref<1x128x128xf32, #tpu.memory_space<vmem>> -> memref<128x128xf32, #tpu.memory_space<vmem>>
      %dma_wait3A_161 = arith.constant 0 : i32
      %dma_wait3A_162 = tpu.memref_slice %arg7[%dma_wait3A_155, %dma_wait3A_161] : memref<48x128xi32, #tpu.memory_space<vmem>> -> memref<1x128xi32, #tpu.memory_space<vmem>>
      %dma_wait3A_163 = tpu.memref_squeeze %dma_wait3A_162 : memref<1x128xi32, #tpu.memory_space<vmem>> -> memref<128xi32, #tpu.memory_space<vmem>>
      %dma_wait3A_164 = arith.constant 0 : i32
      %dma_wait3A_165 = arith.constant 0 : i32
      %dma_wait3A_166 = tpu.memref_slice %arg2[%dma_wait3A_164, %dma_wait3A_165] : memref<10008x128xf32, #tpu.memory_space<hbm>> -> memref<10008x128xf32, #tpu.memory_space<hbm>>
      tpu.wait_indirect_dma semaphore(%arg11 : memref<!tpu.dma_semaphore, #tpu.memory_space<semaphore_mem>>) src(%dma_wait3A_166 : memref<10008x128xf32, #tpu.memory_space<hbm>>) dst(%dma_wait3A_160 : memref<128x128xf32, #tpu.memory_space<vmem>>)
      %dma_start3A_167 = arith.constant 0 : i32
      %dma_start3A_168 = arith.constant 46 : i32
      %dma_start3A_169 = arith.constant 0 : i32
      %dma_start3A_170 = arith.constant 0 : i32
      %dma_start3A_171 = tpu.memref_slice %arg9[%dma_start3A_167, %dma_start3A_169, %dma_start3A_170] : memref<2x128x128xf32, #tpu.memory_space<vmem>> -> memref<1x128x128xf32, #tpu.memory_space<vmem>>
      %dma_start3A_172 = tpu.memref_squeeze %dma_start3A_171 : memref<1x128x128xf32, #tpu.memory_space<vmem>> -> memref<128x128xf32, #tpu.memory_space<vmem>>
      %dma_start3A_173 = arith.constant 0 : i32
      %dma_start3A_174 = tpu.memref_slice %arg8[%dma_start3A_168, %dma_start3A_173] : memref<48x128xi32, #tpu.memory_space<vmem>> -> memref<1x128xi32, #tpu.memory_space<vmem>>
      %dma_start3A_175 = tpu.memref_squeeze %dma_start3A_174 : memref<1x128xi32, #tpu.memory_space<vmem>> -> memref<128xi32, #tpu.memory_space<vmem>>
      %dma_start3A_176 = arith.constant 0 : i32
      %dma_start3A_177 = arith.constant 0 : i32
      %dma_start3A_178 = tpu.memref_slice %arg10[%dma_start3A_176, %dma_start3A_177] : memref<10008x128xf32, #tpu.memory_space<vmem_shared>> -> memref<10008x128xf32, #tpu.memory_space<vmem_shared>>
      tpu.enqueue_indirect_dma source(%dma_start3A_172 : memref<128x128xf32, #tpu.memory_space<vmem>>) target(%dma_start3A_178 : memref<10008x128xf32, #tpu.memory_space<vmem_shared>>) offsets(%dma_start3A_175 : memref<128xi32, #tpu.memory_space<vmem>>) semaphore(%arg13 : memref<!tpu.dma_semaphore, #tpu.memory_space<semaphore_mem>>) {add = true}
      %dma_wait3A_179 = arith.constant 0 : i32
      %dma_wait3A_180 = arith.constant 0 : i32
      %dma_wait3A_181 = arith.constant 0 : i32
      %dma_wait3A_182 = arith.constant 0 : i32
      %dma_wait3A_183 = tpu.memref_slice %arg9[%dma_wait3A_179, %dma_wait3A_181, %dma_wait3A_182] : memref<2x128x128xf32, #tpu.memory_space<vmem>> -> memref<1x128x128xf32, #tpu.memory_space<vmem>>
      %dma_wait3A_184 = tpu.memref_squeeze %dma_wait3A_183 : memref<1x128x128xf32, #tpu.memory_space<vmem>> -> memref<128x128xf32, #tpu.memory_space<vmem>>
      %dma_wait3A_185 = arith.constant 0 : i32
      %dma_wait3A_186 = tpu.memref_slice %arg8[%dma_wait3A_180, %dma_wait3A_185] : memref<48x128xi32, #tpu.memory_space<vmem>> -> memref<1x128xi32, #tpu.memory_space<vmem>>
      %dma_wait3A_187 = tpu.memref_squeeze %dma_wait3A_186 : memref<1x128xi32, #tpu.memory_space<vmem>> -> memref<128xi32, #tpu.memory_space<vmem>>
      %dma_wait3A_188 = arith.constant 0 : i32
      %dma_wait3A_189 = arith.constant 0 : i32
      %dma_wait3A_190 = tpu.memref_slice %arg10[%dma_wait3A_188, %dma_wait3A_189] : memref<10008x128xf32, #tpu.memory_space<vmem_shared>> -> memref<10008x128xf32, #tpu.memory_space<vmem_shared>>
      tpu.wait_indirect_dma semaphore(%arg13 : memref<!tpu.dma_semaphore, #tpu.memory_space<semaphore_mem>>) src(%dma_wait3A_184 : memref<128x128xf32, #tpu.memory_space<vmem>>) dst(%dma_wait3A_190 : memref<10008x128xf32, #tpu.memory_space<vmem_shared>>)
      %dma_wait3A_191 = arith.constant 0 : i32
      %dma_wait3A_192 = arith.constant 1 : i32
      %dma_wait3A_193 = arith.constant 0 : i32
      %dma_wait3A_194 = arith.constant 0 : i32
      %dma_wait3A_195 = tpu.memref_slice %arg9[%dma_wait3A_192, %dma_wait3A_193, %dma_wait3A_194] : memref<2x128x128xf32, #tpu.memory_space<vmem>> -> memref<1x128x128xf32, #tpu.memory_space<vmem>>
      %dma_wait3A_196 = tpu.memref_squeeze %dma_wait3A_195 : memref<1x128x128xf32, #tpu.memory_space<vmem>> -> memref<128x128xf32, #tpu.memory_space<vmem>>
      %dma_wait3A_197 = arith.constant 0 : i32
      %dma_wait3A_198 = tpu.memref_slice %arg7[%dma_wait3A_191, %dma_wait3A_197] : memref<48x128xi32, #tpu.memory_space<vmem>> -> memref<1x128xi32, #tpu.memory_space<vmem>>
      %dma_wait3A_199 = tpu.memref_squeeze %dma_wait3A_198 : memref<1x128xi32, #tpu.memory_space<vmem>> -> memref<128xi32, #tpu.memory_space<vmem>>
      %dma_wait3A_200 = arith.constant 0 : i32
      %dma_wait3A_201 = arith.constant 0 : i32
      %dma_wait3A_202 = tpu.memref_slice %arg2[%dma_wait3A_200, %dma_wait3A_201] : memref<10008x128xf32, #tpu.memory_space<hbm>> -> memref<10008x128xf32, #tpu.memory_space<hbm>>
      tpu.wait_indirect_dma semaphore(%arg12 : memref<!tpu.dma_semaphore, #tpu.memory_space<semaphore_mem>>) src(%dma_wait3A_202 : memref<10008x128xf32, #tpu.memory_space<hbm>>) dst(%dma_wait3A_196 : memref<128x128xf32, #tpu.memory_space<vmem>>)
      %dma_start3A_203 = arith.constant 1 : i32
      %dma_start3A_204 = arith.constant 47 : i32
      %dma_start3A_205 = arith.constant 0 : i32
      %dma_start3A_206 = arith.constant 0 : i32
      %dma_start3A_207 = tpu.memref_slice %arg9[%dma_start3A_203, %dma_start3A_205, %dma_start3A_206] : memref<2x128x128xf32, #tpu.memory_space<vmem>> -> memref<1x128x128xf32, #tpu.memory_space<vmem>>
      %dma_start3A_208 = tpu.memref_squeeze %dma_start3A_207 : memref<1x128x128xf32, #tpu.memory_space<vmem>> -> memref<128x128xf32, #tpu.memory_space<vmem>>
      %dma_start3A_209 = arith.constant 0 : i32
      %dma_start3A_210 = tpu.memref_slice %arg8[%dma_start3A_204, %dma_start3A_209] : memref<48x128xi32, #tpu.memory_space<vmem>> -> memref<1x128xi32, #tpu.memory_space<vmem>>
      %dma_start3A_211 = tpu.memref_squeeze %dma_start3A_210 : memref<1x128xi32, #tpu.memory_space<vmem>> -> memref<128xi32, #tpu.memory_space<vmem>>
      %dma_start3A_212 = arith.constant 0 : i32
      %dma_start3A_213 = arith.constant 0 : i32
      %dma_start3A_214 = tpu.memref_slice %arg10[%dma_start3A_212, %dma_start3A_213] : memref<10008x128xf32, #tpu.memory_space<vmem_shared>> -> memref<10008x128xf32, #tpu.memory_space<vmem_shared>>
      tpu.enqueue_indirect_dma source(%dma_start3A_208 : memref<128x128xf32, #tpu.memory_space<vmem>>) target(%dma_start3A_214 : memref<10008x128xf32, #tpu.memory_space<vmem_shared>>) offsets(%dma_start3A_211 : memref<128xi32, #tpu.memory_space<vmem>>) semaphore(%arg14 : memref<!tpu.dma_semaphore, #tpu.memory_space<semaphore_mem>>) {add = true}
      %dma_wait3A_215 = arith.constant 1 : i32
      %dma_wait3A_216 = arith.constant 0 : i32
      %dma_wait3A_217 = arith.constant 0 : i32
      %dma_wait3A_218 = arith.constant 0 : i32
      %dma_wait3A_219 = tpu.memref_slice %arg9[%dma_wait3A_215, %dma_wait3A_217, %dma_wait3A_218] : memref<2x128x128xf32, #tpu.memory_space<vmem>> -> memref<1x128x128xf32, #tpu.memory_space<vmem>>
      %dma_wait3A_220 = tpu.memref_squeeze %dma_wait3A_219 : memref<1x128x128xf32, #tpu.memory_space<vmem>> -> memref<128x128xf32, #tpu.memory_space<vmem>>
      %dma_wait3A_221 = arith.constant 0 : i32
      %dma_wait3A_222 = tpu.memref_slice %arg8[%dma_wait3A_216, %dma_wait3A_221] : memref<48x128xi32, #tpu.memory_space<vmem>> -> memref<1x128xi32, #tpu.memory_space<vmem>>
      %dma_wait3A_223 = tpu.memref_squeeze %dma_wait3A_222 : memref<1x128xi32, #tpu.memory_space<vmem>> -> memref<128xi32, #tpu.memory_space<vmem>>
      %dma_wait3A_224 = arith.constant 0 : i32
      %dma_wait3A_225 = arith.constant 0 : i32
      %dma_wait3A_226 = tpu.memref_slice %arg10[%dma_wait3A_224, %dma_wait3A_225] : memref<10008x128xf32, #tpu.memory_space<vmem_shared>> -> memref<10008x128xf32, #tpu.memory_space<vmem_shared>>
      tpu.wait_indirect_dma semaphore(%arg14 : memref<!tpu.dma_semaphore, #tpu.memory_space<semaphore_mem>>) src(%dma_wait3A_220 : memref<128x128xf32, #tpu.memory_space<vmem>>) dst(%dma_wait3A_226 : memref<10008x128xf32, #tpu.memory_space<vmem_shared>>)
      %add3A_227 = arith.constant 96 : i32
      %add3A_228 = arith.addi %mul3A_24, %add3A_227 : i32
      "tpu.region"() ({
        %run_scoped3A = tpu.sem_alloc : memref<!tpu.dma_semaphore, #tpu.memory_space<semaphore_mem>>
        %dma_start3A_433 = arith.constant 0 : i32
        %dma_start3A_434 = arith.constant 0 : i32
        %dma_start3A_435 = tpu.memref_slice %arg7[%dma_start3A_433, %dma_start3A_434] : memref<48x128xi32, #tpu.memory_space<vmem>> -> memref<48x128xi32, #tpu.memory_space<vmem>>
        %dma_start3A_436 = arith.constant 0 : i32
        %dma_start3A_437 = tpu.memref_slice %arg3[%add3A_228, %dma_start3A_436] : memref<2560x128xi32, #tpu.memory_space<hbm>> -> memref<48x128xi32, #tpu.memory_space<hbm>>
        %dma_start3A_438 = arith.constant 0 : i32
        %dma_start3A_439 = arith.constant 0 : i32
        %dma_start3A_440 = tpu.memref_slice %arg7[%dma_start3A_438, %dma_start3A_439] : memref<48x128xi32, #tpu.memory_space<vmem>> -> memref<48x128xi32, #tpu.memory_space<vmem>>
        %dma_start3A_441 = arith.constant 0 : i32
        %dma_start3A_442 = tpu.memref_slice %arg3[%add3A_228, %dma_start3A_441] : memref<2560x128xi32, #tpu.memory_space<hbm>> -> memref<48x128xi32, #tpu.memory_space<hbm>>
        tpu.enqueue_dma source(%dma_start3A_442 : memref<48x128xi32, #tpu.memory_space<hbm>>) target(%dma_start3A_440 : memref<48x128xi32, #tpu.memory_space<vmem>>) target_semaphore(%run_scoped3A : memref<!tpu.dma_semaphore, #tpu.memory_space<semaphore_mem>>)
        %dma_wait3A_443 = arith.constant 0 : i32
        %dma_wait3A_444 = arith.constant 0 : i32
        %dma_wait3A_445 = tpu.memref_slice %arg7[%dma_wait3A_443, %dma_wait3A_444] : memref<48x128xi32, #tpu.memory_space<vmem>> -> memref<48x128xi32, #tpu.memory_space<vmem>>
        %dma_wait3A_446 = arith.constant 0 : i32
        %dma_wait3A_447 = tpu.memref_slice %arg3[%add3A_228, %dma_wait3A_446] : memref<2560x128xi32, #tpu.memory_space<hbm>> -> memref<48x128xi32, #tpu.memory_space<hbm>>
        %dma_wait3A_448 = arith.constant 0 : i32
        %dma_wait3A_449 = arith.constant 0 : i32
        %dma_wait3A_450 = tpu.memref_slice %arg7[%dma_wait3A_448, %dma_wait3A_449] : memref<48x128xi32, #tpu.memory_space<vmem>> -> memref<48x128xi32, #tpu.memory_space<vmem>>
        %dma_wait3A_451 = arith.constant 0 : i32
        %dma_wait3A_452 = tpu.memref_slice %arg3[%add3A_228, %dma_wait3A_451] : memref<2560x128xi32, #tpu.memory_space<hbm>> -> memref<48x128xi32, #tpu.memory_space<hbm>>
        tpu.wait_dma2 semaphore(%run_scoped3A : memref<!tpu.dma_semaphore, #tpu.memory_space<semaphore_mem>>) src(%dma_wait3A_452 : memref<48x128xi32, #tpu.memory_space<hbm>>) dst(%dma_wait3A_450 : memref<48x128xi32, #tpu.memory_space<vmem>>)
        tpu.yield
      }) : () -> ()
      "tpu.region"() ({
        %run_scoped3A = tpu.sem_alloc : memref<!tpu.dma_semaphore, #tpu.memory_space<semaphore_mem>>
        %dma_start3A_433 = arith.constant 0 : i32
        %dma_start3A_434 = arith.constant 0 : i32
        %dma_start3A_435 = tpu.memref_slice %arg8[%dma_start3A_433, %dma_start3A_434] : memref<48x128xi32, #tpu.memory_space<vmem>> -> memref<48x128xi32, #tpu.memory_space<vmem>>
        %dma_start3A_436 = arith.constant 0 : i32
        %dma_start3A_437 = tpu.memref_slice %arg4[%add3A_228, %dma_start3A_436] : memref<2560x128xi32, #tpu.memory_space<hbm>> -> memref<48x128xi32, #tpu.memory_space<hbm>>
        %dma_start3A_438 = arith.constant 0 : i32
        %dma_start3A_439 = arith.constant 0 : i32
        %dma_start3A_440 = tpu.memref_slice %arg8[%dma_start3A_438, %dma_start3A_439] : memref<48x128xi32, #tpu.memory_space<vmem>> -> memref<48x128xi32, #tpu.memory_space<vmem>>
        %dma_start3A_441 = arith.constant 0 : i32
        %dma_start3A_442 = tpu.memref_slice %arg4[%add3A_228, %dma_start3A_441] : memref<2560x128xi32, #tpu.memory_space<hbm>> -> memref<48x128xi32, #tpu.memory_space<hbm>>
        tpu.enqueue_dma source(%dma_start3A_442 : memref<48x128xi32, #tpu.memory_space<hbm>>) target(%dma_start3A_440 : memref<48x128xi32, #tpu.memory_space<vmem>>) target_semaphore(%run_scoped3A : memref<!tpu.dma_semaphore, #tpu.memory_space<semaphore_mem>>)
        %dma_wait3A_443 = arith.constant 0 : i32
        %dma_wait3A_444 = arith.constant 0 : i32
        %dma_wait3A_445 = tpu.memref_slice %arg8[%dma_wait3A_443, %dma_wait3A_444] : memref<48x128xi32, #tpu.memory_space<vmem>> -> memref<48x128xi32, #tpu.memory_space<vmem>>
        %dma_wait3A_446 = arith.constant 0 : i32
        %dma_wait3A_447 = tpu.memref_slice %arg4[%add3A_228, %dma_wait3A_446] : memref<2560x128xi32, #tpu.memory_space<hbm>> -> memref<48x128xi32, #tpu.memory_space<hbm>>
        %dma_wait3A_448 = arith.constant 0 : i32
        %dma_wait3A_449 = arith.constant 0 : i32
        %dma_wait3A_450 = tpu.memref_slice %arg8[%dma_wait3A_448, %dma_wait3A_449] : memref<48x128xi32, #tpu.memory_space<vmem>> -> memref<48x128xi32, #tpu.memory_space<vmem>>
        %dma_wait3A_451 = arith.constant 0 : i32
        %dma_wait3A_452 = tpu.memref_slice %arg4[%add3A_228, %dma_wait3A_451] : memref<2560x128xi32, #tpu.memory_space<hbm>> -> memref<48x128xi32, #tpu.memory_space<hbm>>
        tpu.wait_dma2 semaphore(%run_scoped3A : memref<!tpu.dma_semaphore, #tpu.memory_space<semaphore_mem>>) src(%dma_wait3A_452 : memref<48x128xi32, #tpu.memory_space<hbm>>) dst(%dma_wait3A_450 : memref<48x128xi32, #tpu.memory_space<vmem>>)
        tpu.yield
      }) : () -> ()
      %dma_start3A_229 = arith.constant 0 : i32
      %dma_start3A_230 = arith.constant 0 : i32
      %dma_start3A_231 = arith.constant 0 : i32
      %dma_start3A_232 = arith.constant 0 : i32
      %dma_start3A_233 = tpu.memref_slice %arg9[%dma_start3A_230, %dma_start3A_231, %dma_start3A_232] : memref<2x128x128xf32, #tpu.memory_space<vmem>> -> memref<1x128x128xf32, #tpu.memory_space<vmem>>
      %dma_start3A_234 = tpu.memref_squeeze %dma_start3A_233 : memref<1x128x128xf32, #tpu.memory_space<vmem>> -> memref<128x128xf32, #tpu.memory_space<vmem>>
      %dma_start3A_235 = arith.constant 0 : i32
      %dma_start3A_236 = tpu.memref_slice %arg7[%dma_start3A_229, %dma_start3A_235] : memref<48x128xi32, #tpu.memory_space<vmem>> -> memref<1x128xi32, #tpu.memory_space<vmem>>
      %dma_start3A_237 = tpu.memref_squeeze %dma_start3A_236 : memref<1x128xi32, #tpu.memory_space<vmem>> -> memref<128xi32, #tpu.memory_space<vmem>>
      %dma_start3A_238 = arith.constant 0 : i32
      %dma_start3A_239 = arith.constant 0 : i32
      %dma_start3A_240 = tpu.memref_slice %arg2[%dma_start3A_238, %dma_start3A_239] : memref<10008x128xf32, #tpu.memory_space<hbm>> -> memref<10008x128xf32, #tpu.memory_space<hbm>>
      tpu.enqueue_indirect_dma source(%dma_start3A_240 : memref<10008x128xf32, #tpu.memory_space<hbm>>) target(%dma_start3A_234 : memref<128x128xf32, #tpu.memory_space<vmem>>) offsets(%dma_start3A_237 : memref<128xi32, #tpu.memory_space<vmem>>) semaphore(%arg11 : memref<!tpu.dma_semaphore, #tpu.memory_space<semaphore_mem>>)
      %dma_start3A_241 = arith.constant 1 : i32
      %dma_start3A_242 = arith.constant 1 : i32
      %dma_start3A_243 = arith.constant 0 : i32
      %dma_start3A_244 = arith.constant 0 : i32
      %dma_start3A_245 = tpu.memref_slice %arg9[%dma_start3A_242, %dma_start3A_243, %dma_start3A_244] : memref<2x128x128xf32, #tpu.memory_space<vmem>> -> memref<1x128x128xf32, #tpu.memory_space<vmem>>
      %dma_start3A_246 = tpu.memref_squeeze %dma_start3A_245 : memref<1x128x128xf32, #tpu.memory_space<vmem>> -> memref<128x128xf32, #tpu.memory_space<vmem>>
      %dma_start3A_247 = arith.constant 0 : i32
      %dma_start3A_248 = tpu.memref_slice %arg7[%dma_start3A_241, %dma_start3A_247] : memref<48x128xi32, #tpu.memory_space<vmem>> -> memref<1x128xi32, #tpu.memory_space<vmem>>
      %dma_start3A_249 = tpu.memref_squeeze %dma_start3A_248 : memref<1x128xi32, #tpu.memory_space<vmem>> -> memref<128xi32, #tpu.memory_space<vmem>>
      %dma_start3A_250 = arith.constant 0 : i32
      %dma_start3A_251 = arith.constant 0 : i32
      %dma_start3A_252 = tpu.memref_slice %arg2[%dma_start3A_250, %dma_start3A_251] : memref<10008x128xf32, #tpu.memory_space<hbm>> -> memref<10008x128xf32, #tpu.memory_space<hbm>>
      tpu.enqueue_indirect_dma source(%dma_start3A_252 : memref<10008x128xf32, #tpu.memory_space<hbm>>) target(%dma_start3A_246 : memref<128x128xf32, #tpu.memory_space<vmem>>) offsets(%dma_start3A_249 : memref<128xi32, #tpu.memory_space<vmem>>) semaphore(%arg12 : memref<!tpu.dma_semaphore, #tpu.memory_space<semaphore_mem>>)
      %scan3A_253 = arith.constant 0 : i32
      %scan3A_254 = arith.constant 23 : i32
      %scan3A_255 = arith.addi %scan3A_253, %scan3A_254 : i32
      %scan3A_256 = arith.constant 1 : i32
      scf.for %scan3A_433 = %scan3A_253 to %scan3A_255 step %scan3A_256  : i32 {
        %mul3A_434 = arith.constant 2 : i32
        %mul3A_435 = arith.muli %scan3A_433, %mul3A_434 : i32
        %add3A_436 = arith.constant 0 : i32
        %add3A_437 = arith.addi %add3A_436, %mul3A_435 : i32
        %dma_wait3A_438 = arith.constant 0 : i32
        %dma_wait3A_439 = arith.constant 0 : i32
        %dma_wait3A_440 = arith.constant 0 : i32
        %dma_wait3A_441 = arith.constant 0 : i32
        %dma_wait3A_442 = tpu.memref_slice %arg9[%dma_wait3A_439, %dma_wait3A_440, %dma_wait3A_441] : memref<2x128x128xf32, #tpu.memory_space<vmem>> -> memref<1x128x128xf32, #tpu.memory_space<vmem>>
        %dma_wait3A_443 = tpu.memref_squeeze %dma_wait3A_442 : memref<1x128x128xf32, #tpu.memory_space<vmem>> -> memref<128x128xf32, #tpu.memory_space<vmem>>
        %dma_wait3A_444 = arith.constant 0 : i32
        %dma_wait3A_445 = tpu.memref_slice %arg7[%dma_wait3A_438, %dma_wait3A_444] : memref<48x128xi32, #tpu.memory_space<vmem>> -> memref<1x128xi32, #tpu.memory_space<vmem>>
        %dma_wait3A_446 = tpu.memref_squeeze %dma_wait3A_445 : memref<1x128xi32, #tpu.memory_space<vmem>> -> memref<128xi32, #tpu.memory_space<vmem>>
        %dma_wait3A_447 = arith.constant 0 : i32
        %dma_wait3A_448 = arith.constant 0 : i32
        %dma_wait3A_449 = tpu.memref_slice %arg2[%dma_wait3A_447, %dma_wait3A_448] : memref<10008x128xf32, #tpu.memory_space<hbm>> -> memref<10008x128xf32, #tpu.memory_space<hbm>>
        tpu.wait_indirect_dma semaphore(%arg11 : memref<!tpu.dma_semaphore, #tpu.memory_space<semaphore_mem>>) src(%dma_wait3A_449 : memref<10008x128xf32, #tpu.memory_space<hbm>>) dst(%dma_wait3A_443 : memref<128x128xf32, #tpu.memory_space<vmem>>)
        %add3A_450 = arith.constant 0 : i32
        %add3A_451 = arith.addi %add3A_437, %add3A_450 : i32
        %dma_start3A_452 = arith.constant 0 : i32
        %dma_start3A_453 = arith.constant 0 : i32
        %dma_start3A_454 = arith.constant 0 : i32
        %dma_start3A_455 = tpu.memref_slice %arg9[%dma_start3A_452, %dma_start3A_453, %dma_start3A_454] : memref<2x128x128xf32, #tpu.memory_space<vmem>> -> memref<1x128x128xf32, #tpu.memory_space<vmem>>
        %dma_start3A_456 = tpu.memref_squeeze %dma_start3A_455 : memref<1x128x128xf32, #tpu.memory_space<vmem>> -> memref<128x128xf32, #tpu.memory_space<vmem>>
        %dma_start3A_457 = arith.constant 0 : i32
        %dma_start3A_458 = tpu.memref_slice %arg8[%add3A_451, %dma_start3A_457] : memref<48x128xi32, #tpu.memory_space<vmem>> -> memref<1x128xi32, #tpu.memory_space<vmem>>
        %dma_start3A_459 = tpu.memref_squeeze %dma_start3A_458 : memref<1x128xi32, #tpu.memory_space<vmem>> -> memref<128xi32, #tpu.memory_space<vmem>>
        %dma_start3A_460 = arith.constant 0 : i32
        %dma_start3A_461 = arith.constant 0 : i32
        %dma_start3A_462 = tpu.memref_slice %arg10[%dma_start3A_460, %dma_start3A_461] : memref<10008x128xf32, #tpu.memory_space<vmem_shared>> -> memref<10008x128xf32, #tpu.memory_space<vmem_shared>>
        tpu.enqueue_indirect_dma source(%dma_start3A_456 : memref<128x128xf32, #tpu.memory_space<vmem>>) target(%dma_start3A_462 : memref<10008x128xf32, #tpu.memory_space<vmem_shared>>) offsets(%dma_start3A_459 : memref<128xi32, #tpu.memory_space<vmem>>) semaphore(%arg13 : memref<!tpu.dma_semaphore, #tpu.memory_space<semaphore_mem>>) {add = true}
        %dma_wait3A_463 = arith.constant 0 : i32
        %dma_wait3A_464 = arith.constant 0 : i32
        %dma_wait3A_465 = arith.constant 0 : i32
        %dma_wait3A_466 = arith.constant 0 : i32
        %dma_wait3A_467 = tpu.memref_slice %arg9[%dma_wait3A_463, %dma_wait3A_465, %dma_wait3A_466] : memref<2x128x128xf32, #tpu.memory_space<vmem>> -> memref<1x128x128xf32, #tpu.memory_space<vmem>>
        %dma_wait3A_468 = tpu.memref_squeeze %dma_wait3A_467 : memref<1x128x128xf32, #tpu.memory_space<vmem>> -> memref<128x128xf32, #tpu.memory_space<vmem>>
        %dma_wait3A_469 = arith.constant 0 : i32
        %dma_wait3A_470 = tpu.memref_slice %arg8[%dma_wait3A_464, %dma_wait3A_469] : memref<48x128xi32, #tpu.memory_space<vmem>> -> memref<1x128xi32, #tpu.memory_space<vmem>>
        %dma_wait3A_471 = tpu.memref_squeeze %dma_wait3A_470 : memref<1x128xi32, #tpu.memory_space<vmem>> -> memref<128xi32, #tpu.memory_space<vmem>>
        %dma_wait3A_472 = arith.constant 0 : i32
        %dma_wait3A_473 = arith.constant 0 : i32
        %dma_wait3A_474 = tpu.memref_slice %arg10[%dma_wait3A_472, %dma_wait3A_473] : memref<10008x128xf32, #tpu.memory_space<vmem_shared>> -> memref<10008x128xf32, #tpu.memory_space<vmem_shared>>
        tpu.wait_indirect_dma semaphore(%arg13 : memref<!tpu.dma_semaphore, #tpu.memory_space<semaphore_mem>>) src(%dma_wait3A_468 : memref<128x128xf32, #tpu.memory_space<vmem>>) dst(%dma_wait3A_474 : memref<10008x128xf32, #tpu.memory_space<vmem_shared>>)
        %add3A_475 = arith.constant 0 : i32
        %add3A_476 = arith.addi %add3A_437, %add3A_475 : i32
        %add3A_477 = arith.constant 2 : i32
        %add3A_478 = arith.addi %add3A_476, %add3A_477 : i32
        %dma_start3A_479 = arith.constant 0 : i32
        %dma_start3A_480 = arith.constant 0 : i32
        %dma_start3A_481 = arith.constant 0 : i32
        %dma_start3A_482 = tpu.memref_slice %arg9[%dma_start3A_479, %dma_start3A_480, %dma_start3A_481] : memref<2x128x128xf32, #tpu.memory_space<vmem>> -> memref<1x128x128xf32, #tpu.memory_space<vmem>>
        %dma_start3A_483 = tpu.memref_squeeze %dma_start3A_482 : memref<1x128x128xf32, #tpu.memory_space<vmem>> -> memref<128x128xf32, #tpu.memory_space<vmem>>
        %dma_start3A_484 = arith.constant 0 : i32
        %dma_start3A_485 = tpu.memref_slice %arg7[%add3A_478, %dma_start3A_484] : memref<48x128xi32, #tpu.memory_space<vmem>> -> memref<1x128xi32, #tpu.memory_space<vmem>>
        %dma_start3A_486 = tpu.memref_squeeze %dma_start3A_485 : memref<1x128xi32, #tpu.memory_space<vmem>> -> memref<128xi32, #tpu.memory_space<vmem>>
        %dma_start3A_487 = arith.constant 0 : i32
        %dma_start3A_488 = arith.constant 0 : i32
        %dma_start3A_489 = tpu.memref_slice %arg2[%dma_start3A_487, %dma_start3A_488] : memref<10008x128xf32, #tpu.memory_space<hbm>> -> memref<10008x128xf32, #tpu.memory_space<hbm>>
        tpu.enqueue_indirect_dma source(%dma_start3A_489 : memref<10008x128xf32, #tpu.memory_space<hbm>>) target(%dma_start3A_483 : memref<128x128xf32, #tpu.memory_space<vmem>>) offsets(%dma_start3A_486 : memref<128xi32, #tpu.memory_space<vmem>>) semaphore(%arg11 : memref<!tpu.dma_semaphore, #tpu.memory_space<semaphore_mem>>)
        %dma_wait3A_490 = arith.constant 0 : i32
        %dma_wait3A_491 = arith.constant 1 : i32
        %dma_wait3A_492 = arith.constant 0 : i32
        %dma_wait3A_493 = arith.constant 0 : i32
        %dma_wait3A_494 = tpu.memref_slice %arg9[%dma_wait3A_491, %dma_wait3A_492, %dma_wait3A_493] : memref<2x128x128xf32, #tpu.memory_space<vmem>> -> memref<1x128x128xf32, #tpu.memory_space<vmem>>
        %dma_wait3A_495 = tpu.memref_squeeze %dma_wait3A_494 : memref<1x128x128xf32, #tpu.memory_space<vmem>> -> memref<128x128xf32, #tpu.memory_space<vmem>>
        %dma_wait3A_496 = arith.constant 0 : i32
        %dma_wait3A_497 = tpu.memref_slice %arg7[%dma_wait3A_490, %dma_wait3A_496] : memref<48x128xi32, #tpu.memory_space<vmem>> -> memref<1x128xi32, #tpu.memory_space<vmem>>
        %dma_wait3A_498 = tpu.memref_squeeze %dma_wait3A_497 : memref<1x128xi32, #tpu.memory_space<vmem>> -> memref<128xi32, #tpu.memory_space<vmem>>
        %dma_wait3A_499 = arith.constant 0 : i32
        %dma_wait3A_500 = arith.constant 0 : i32
        %dma_wait3A_501 = tpu.memref_slice %arg2[%dma_wait3A_499, %dma_wait3A_500] : memref<10008x128xf32, #tpu.memory_space<hbm>> -> memref<10008x128xf32, #tpu.memory_space<hbm>>
        tpu.wait_indirect_dma semaphore(%arg12 : memref<!tpu.dma_semaphore, #tpu.memory_space<semaphore_mem>>) src(%dma_wait3A_501 : memref<10008x128xf32, #tpu.memory_space<hbm>>) dst(%dma_wait3A_495 : memref<128x128xf32, #tpu.memory_space<vmem>>)
        %add3A_502 = arith.constant 1 : i32
        %add3A_503 = arith.addi %add3A_437, %add3A_502 : i32
        %dma_start3A_504 = arith.constant 1 : i32
        %dma_start3A_505 = arith.constant 0 : i32
        %dma_start3A_506 = arith.constant 0 : i32
        %dma_start3A_507 = tpu.memref_slice %arg9[%dma_start3A_504, %dma_start3A_505, %dma_start3A_506] : memref<2x128x128xf32, #tpu.memory_space<vmem>> -> memref<1x128x128xf32, #tpu.memory_space<vmem>>
        %dma_start3A_508 = tpu.memref_squeeze %dma_start3A_507 : memref<1x128x128xf32, #tpu.memory_space<vmem>> -> memref<128x128xf32, #tpu.memory_space<vmem>>
        %dma_start3A_509 = arith.constant 0 : i32
        %dma_start3A_510 = tpu.memref_slice %arg8[%add3A_503, %dma_start3A_509] : memref<48x128xi32, #tpu.memory_space<vmem>> -> memref<1x128xi32, #tpu.memory_space<vmem>>
        %dma_start3A_511 = tpu.memref_squeeze %dma_start3A_510 : memref<1x128xi32, #tpu.memory_space<vmem>> -> memref<128xi32, #tpu.memory_space<vmem>>
        %dma_start3A_512 = arith.constant 0 : i32
        %dma_start3A_513 = arith.constant 0 : i32
        %dma_start3A_514 = tpu.memref_slice %arg10[%dma_start3A_512, %dma_start3A_513] : memref<10008x128xf32, #tpu.memory_space<vmem_shared>> -> memref<10008x128xf32, #tpu.memory_space<vmem_shared>>
        tpu.enqueue_indirect_dma source(%dma_start3A_508 : memref<128x128xf32, #tpu.memory_space<vmem>>) target(%dma_start3A_514 : memref<10008x128xf32, #tpu.memory_space<vmem_shared>>) offsets(%dma_start3A_511 : memref<128xi32, #tpu.memory_space<vmem>>) semaphore(%arg14 : memref<!tpu.dma_semaphore, #tpu.memory_space<semaphore_mem>>) {add = true}
        %dma_wait3A_515 = arith.constant 1 : i32
        %dma_wait3A_516 = arith.constant 0 : i32
        %dma_wait3A_517 = arith.constant 0 : i32
        %dma_wait3A_518 = arith.constant 0 : i32
        %dma_wait3A_519 = tpu.memref_slice %arg9[%dma_wait3A_515, %dma_wait3A_517, %dma_wait3A_518] : memref<2x128x128xf32, #tpu.memory_space<vmem>> -> memref<1x128x128xf32, #tpu.memory_space<vmem>>
        %dma_wait3A_520 = tpu.memref_squeeze %dma_wait3A_519 : memref<1x128x128xf32, #tpu.memory_space<vmem>> -> memref<128x128xf32, #tpu.memory_space<vmem>>
        %dma_wait3A_521 = arith.constant 0 : i32
        %dma_wait3A_522 = tpu.memref_slice %arg8[%dma_wait3A_516, %dma_wait3A_521] : memref<48x128xi32, #tpu.memory_space<vmem>> -> memref<1x128xi32, #tpu.memory_space<vmem>>
        %dma_wait3A_523 = tpu.memref_squeeze %dma_wait3A_522 : memref<1x128xi32, #tpu.memory_space<vmem>> -> memref<128xi32, #tpu.memory_space<vmem>>
        %dma_wait3A_524 = arith.constant 0 : i32
        %dma_wait3A_525 = arith.constant 0 : i32
        %dma_wait3A_526 = tpu.memref_slice %arg10[%dma_wait3A_524, %dma_wait3A_525] : memref<10008x128xf32, #tpu.memory_space<vmem_shared>> -> memref<10008x128xf32, #tpu.memory_space<vmem_shared>>
        tpu.wait_indirect_dma semaphore(%arg14 : memref<!tpu.dma_semaphore, #tpu.memory_space<semaphore_mem>>) src(%dma_wait3A_520 : memref<128x128xf32, #tpu.memory_space<vmem>>) dst(%dma_wait3A_526 : memref<10008x128xf32, #tpu.memory_space<vmem_shared>>)
        %add3A_527 = arith.constant 1 : i32
        %add3A_528 = arith.addi %add3A_437, %add3A_527 : i32
        %add3A_529 = arith.constant 2 : i32
        %add3A_530 = arith.addi %add3A_528, %add3A_529 : i32
        %dma_start3A_531 = arith.constant 1 : i32
        %dma_start3A_532 = arith.constant 0 : i32
        %dma_start3A_533 = arith.constant 0 : i32
        %dma_start3A_534 = tpu.memref_slice %arg9[%dma_start3A_531, %dma_start3A_532, %dma_start3A_533] : memref<2x128x128xf32, #tpu.memory_space<vmem>> -> memref<1x128x128xf32, #tpu.memory_space<vmem>>
        %dma_start3A_535 = tpu.memref_squeeze %dma_start3A_534 : memref<1x128x128xf32, #tpu.memory_space<vmem>> -> memref<128x128xf32, #tpu.memory_space<vmem>>
        %dma_start3A_536 = arith.constant 0 : i32
        %dma_start3A_537 = tpu.memref_slice %arg7[%add3A_530, %dma_start3A_536] : memref<48x128xi32, #tpu.memory_space<vmem>> -> memref<1x128xi32, #tpu.memory_space<vmem>>
        %dma_start3A_538 = tpu.memref_squeeze %dma_start3A_537 : memref<1x128xi32, #tpu.memory_space<vmem>> -> memref<128xi32, #tpu.memory_space<vmem>>
        %dma_start3A_539 = arith.constant 0 : i32
        %dma_start3A_540 = arith.constant 0 : i32
        %dma_start3A_541 = tpu.memref_slice %arg2[%dma_start3A_539, %dma_start3A_540] : memref<10008x128xf32, #tpu.memory_space<hbm>> -> memref<10008x128xf32, #tpu.memory_space<hbm>>
        tpu.enqueue_indirect_dma source(%dma_start3A_541 : memref<10008x128xf32, #tpu.memory_space<hbm>>) target(%dma_start3A_535 : memref<128x128xf32, #tpu.memory_space<vmem>>) offsets(%dma_start3A_538 : memref<128xi32, #tpu.memory_space<vmem>>) semaphore(%arg12 : memref<!tpu.dma_semaphore, #tpu.memory_space<semaphore_mem>>)
      }
      %scan3A_257 = arith.constant 23 : i32
      %dma_wait3A_258 = arith.constant 0 : i32
      %dma_wait3A_259 = arith.constant 0 : i32
      %dma_wait3A_260 = arith.constant 0 : i32
      %dma_wait3A_261 = arith.constant 0 : i32
      %dma_wait3A_262 = tpu.memref_slice %arg9[%dma_wait3A_259, %dma_wait3A_260, %dma_wait3A_261] : memref<2x128x128xf32, #tpu.memory_space<vmem>> -> memref<1x128x128xf32, #tpu.memory_space<vmem>>
      %dma_wait3A_263 = tpu.memref_squeeze %dma_wait3A_262 : memref<1x128x128xf32, #tpu.memory_space<vmem>> -> memref<128x128xf32, #tpu.memory_space<vmem>>
      %dma_wait3A_264 = arith.constant 0 : i32
      %dma_wait3A_265 = tpu.memref_slice %arg7[%dma_wait3A_258, %dma_wait3A_264] : memref<48x128xi32, #tpu.memory_space<vmem>> -> memref<1x128xi32, #tpu.memory_space<vmem>>
      %dma_wait3A_266 = tpu.memref_squeeze %dma_wait3A_265 : memref<1x128xi32, #tpu.memory_space<vmem>> -> memref<128xi32, #tpu.memory_space<vmem>>
      %dma_wait3A_267 = arith.constant 0 : i32
      %dma_wait3A_268 = arith.constant 0 : i32
      %dma_wait3A_269 = tpu.memref_slice %arg2[%dma_wait3A_267, %dma_wait3A_268] : memref<10008x128xf32, #tpu.memory_space<hbm>> -> memref<10008x128xf32, #tpu.memory_space<hbm>>
      tpu.wait_indirect_dma semaphore(%arg11 : memref<!tpu.dma_semaphore, #tpu.memory_space<semaphore_mem>>) src(%dma_wait3A_269 : memref<10008x128xf32, #tpu.memory_space<hbm>>) dst(%dma_wait3A_263 : memref<128x128xf32, #tpu.memory_space<vmem>>)
      %dma_start3A_270 = arith.constant 0 : i32
      %dma_start3A_271 = arith.constant 46 : i32
      %dma_start3A_272 = arith.constant 0 : i32
      %dma_start3A_273 = arith.constant 0 : i32
      %dma_start3A_274 = tpu.memref_slice %arg9[%dma_start3A_270, %dma_start3A_272, %dma_start3A_273] : memref<2x128x128xf32, #tpu.memory_space<vmem>> -> memref<1x128x128xf32, #tpu.memory_space<vmem>>
      %dma_start3A_275 = tpu.memref_squeeze %dma_start3A_274 : memref<1x128x128xf32, #tpu.memory_space<vmem>> -> memref<128x128xf32, #tpu.memory_space<vmem>>
      %dma_start3A_276 = arith.constant 0 : i32
      %dma_start3A_277 = tpu.memref_slice %arg8[%dma_start3A_271, %dma_start3A_276] : memref<48x128xi32, #tpu.memory_space<vmem>> -> memref<1x128xi32, #tpu.memory_space<vmem>>
      %dma_start3A_278 = tpu.memref_squeeze %dma_start3A_277 : memref<1x128xi32, #tpu.memory_space<vmem>> -> memref<128xi32, #tpu.memory_space<vmem>>
      %dma_start3A_279 = arith.constant 0 : i32
      %dma_start3A_280 = arith.constant 0 : i32
      %dma_start3A_281 = tpu.memref_slice %arg10[%dma_start3A_279, %dma_start3A_280] : memref<10008x128xf32, #tpu.memory_space<vmem_shared>> -> memref<10008x128xf32, #tpu.memory_space<vmem_shared>>
      tpu.enqueue_indirect_dma source(%dma_start3A_275 : memref<128x128xf32, #tpu.memory_space<vmem>>) target(%dma_start3A_281 : memref<10008x128xf32, #tpu.memory_space<vmem_shared>>) offsets(%dma_start3A_278 : memref<128xi32, #tpu.memory_space<vmem>>) semaphore(%arg13 : memref<!tpu.dma_semaphore, #tpu.memory_space<semaphore_mem>>) {add = true}
      %dma_wait3A_282 = arith.constant 0 : i32
      %dma_wait3A_283 = arith.constant 0 : i32
      %dma_wait3A_284 = arith.constant 0 : i32
      %dma_wait3A_285 = arith.constant 0 : i32
      %dma_wait3A_286 = tpu.memref_slice %arg9[%dma_wait3A_282, %dma_wait3A_284, %dma_wait3A_285] : memref<2x128x128xf32, #tpu.memory_space<vmem>> -> memref<1x128x128xf32, #tpu.memory_space<vmem>>
      %dma_wait3A_287 = tpu.memref_squeeze %dma_wait3A_286 : memref<1x128x128xf32, #tpu.memory_space<vmem>> -> memref<128x128xf32, #tpu.memory_space<vmem>>
      %dma_wait3A_288 = arith.constant 0 : i32
      %dma_wait3A_289 = tpu.memref_slice %arg8[%dma_wait3A_283, %dma_wait3A_288] : memref<48x128xi32, #tpu.memory_space<vmem>> -> memref<1x128xi32, #tpu.memory_space<vmem>>
      %dma_wait3A_290 = tpu.memref_squeeze %dma_wait3A_289 : memref<1x128xi32, #tpu.memory_space<vmem>> -> memref<128xi32, #tpu.memory_space<vmem>>
      %dma_wait3A_291 = arith.constant 0 : i32
      %dma_wait3A_292 = arith.constant 0 : i32
      %dma_wait3A_293 = tpu.memref_slice %arg10[%dma_wait3A_291, %dma_wait3A_292] : memref<10008x128xf32, #tpu.memory_space<vmem_shared>> -> memref<10008x128xf32, #tpu.memory_space<vmem_shared>>
      tpu.wait_indirect_dma semaphore(%arg13 : memref<!tpu.dma_semaphore, #tpu.memory_space<semaphore_mem>>) src(%dma_wait3A_287 : memref<128x128xf32, #tpu.memory_space<vmem>>) dst(%dma_wait3A_293 : memref<10008x128xf32, #tpu.memory_space<vmem_shared>>)
      %dma_wait3A_294 = arith.constant 0 : i32
      %dma_wait3A_295 = arith.constant 1 : i32
      %dma_wait3A_296 = arith.constant 0 : i32
      %dma_wait3A_297 = arith.constant 0 : i32
      %dma_wait3A_298 = tpu.memref_slice %arg9[%dma_wait3A_295, %dma_wait3A_296, %dma_wait3A_297] : memref<2x128x128xf32, #tpu.memory_space<vmem>> -> memref<1x128x128xf32, #tpu.memory_space<vmem>>
      %dma_wait3A_299 = tpu.memref_squeeze %dma_wait3A_298 : memref<1x128x128xf32, #tpu.memory_space<vmem>> -> memref<128x128xf32, #tpu.memory_space<vmem>>
      %dma_wait3A_300 = arith.constant 0 : i32
      %dma_wait3A_301 = tpu.memref_slice %arg7[%dma_wait3A_294, %dma_wait3A_300] : memref<48x128xi32, #tpu.memory_space<vmem>> -> memref<1x128xi32, #tpu.memory_space<vmem>>
      %dma_wait3A_302 = tpu.memref_squeeze %dma_wait3A_301 : memref<1x128xi32, #tpu.memory_space<vmem>> -> memref<128xi32, #tpu.memory_space<vmem>>
      %dma_wait3A_303 = arith.constant 0 : i32
      %dma_wait3A_304 = arith.constant 0 : i32
      %dma_wait3A_305 = tpu.memref_slice %arg2[%dma_wait3A_303, %dma_wait3A_304] : memref<10008x128xf32, #tpu.memory_space<hbm>> -> memref<10008x128xf32, #tpu.memory_space<hbm>>
      tpu.wait_indirect_dma semaphore(%arg12 : memref<!tpu.dma_semaphore, #tpu.memory_space<semaphore_mem>>) src(%dma_wait3A_305 : memref<10008x128xf32, #tpu.memory_space<hbm>>) dst(%dma_wait3A_299 : memref<128x128xf32, #tpu.memory_space<vmem>>)
      %dma_start3A_306 = arith.constant 1 : i32
      %dma_start3A_307 = arith.constant 47 : i32
      %dma_start3A_308 = arith.constant 0 : i32
      %dma_start3A_309 = arith.constant 0 : i32
      %dma_start3A_310 = tpu.memref_slice %arg9[%dma_start3A_306, %dma_start3A_308, %dma_start3A_309] : memref<2x128x128xf32, #tpu.memory_space<vmem>> -> memref<1x128x128xf32, #tpu.memory_space<vmem>>
      %dma_start3A_311 = tpu.memref_squeeze %dma_start3A_310 : memref<1x128x128xf32, #tpu.memory_space<vmem>> -> memref<128x128xf32, #tpu.memory_space<vmem>>
      %dma_start3A_312 = arith.constant 0 : i32
      %dma_start3A_313 = tpu.memref_slice %arg8[%dma_start3A_307, %dma_start3A_312] : memref<48x128xi32, #tpu.memory_space<vmem>> -> memref<1x128xi32, #tpu.memory_space<vmem>>
      %dma_start3A_314 = tpu.memref_squeeze %dma_start3A_313 : memref<1x128xi32, #tpu.memory_space<vmem>> -> memref<128xi32, #tpu.memory_space<vmem>>
      %dma_start3A_315 = arith.constant 0 : i32
      %dma_start3A_316 = arith.constant 0 : i32
      %dma_start3A_317 = tpu.memref_slice %arg10[%dma_start3A_315, %dma_start3A_316] : memref<10008x128xf32, #tpu.memory_space<vmem_shared>> -> memref<10008x128xf32, #tpu.memory_space<vmem_shared>>
      tpu.enqueue_indirect_dma source(%dma_start3A_311 : memref<128x128xf32, #tpu.memory_space<vmem>>) target(%dma_start3A_317 : memref<10008x128xf32, #tpu.memory_space<vmem_shared>>) offsets(%dma_start3A_314 : memref<128xi32, #tpu.memory_space<vmem>>) semaphore(%arg14 : memref<!tpu.dma_semaphore, #tpu.memory_space<semaphore_mem>>) {add = true}
      %dma_wait3A_318 = arith.constant 1 : i32
      %dma_wait3A_319 = arith.constant 0 : i32
      %dma_wait3A_320 = arith.constant 0 : i32
      %dma_wait3A_321 = arith.constant 0 : i32
      %dma_wait3A_322 = tpu.memref_slice %arg9[%dma_wait3A_318, %dma_wait3A_320, %dma_wait3A_321] : memref<2x128x128xf32, #tpu.memory_space<vmem>> -> memref<1x128x128xf32, #tpu.memory_space<vmem>>
      %dma_wait3A_323 = tpu.memref_squeeze %dma_wait3A_322 : memref<1x128x128xf32, #tpu.memory_space<vmem>> -> memref<128x128xf32, #tpu.memory_space<vmem>>
      %dma_wait3A_324 = arith.constant 0 : i32
      %dma_wait3A_325 = tpu.memref_slice %arg8[%dma_wait3A_319, %dma_wait3A_324] : memref<48x128xi32, #tpu.memory_space<vmem>> -> memref<1x128xi32, #tpu.memory_space<vmem>>
      %dma_wait3A_326 = tpu.memref_squeeze %dma_wait3A_325 : memref<1x128xi32, #tpu.memory_space<vmem>> -> memref<128xi32, #tpu.memory_space<vmem>>
      %dma_wait3A_327 = arith.constant 0 : i32
      %dma_wait3A_328 = arith.constant 0 : i32
      %dma_wait3A_329 = tpu.memref_slice %arg10[%dma_wait3A_327, %dma_wait3A_328] : memref<10008x128xf32, #tpu.memory_space<vmem_shared>> -> memref<10008x128xf32, #tpu.memory_space<vmem_shared>>
      tpu.wait_indirect_dma semaphore(%arg14 : memref<!tpu.dma_semaphore, #tpu.memory_space<semaphore_mem>>) src(%dma_wait3A_323 : memref<128x128xf32, #tpu.memory_space<vmem>>) dst(%dma_wait3A_329 : memref<10008x128xf32, #tpu.memory_space<vmem_shared>>)
      %add3A_330 = arith.constant 144 : i32
      %add3A_331 = arith.addi %mul3A_24, %add3A_330 : i32
      "tpu.region"() ({
        %run_scoped3A = tpu.sem_alloc : memref<!tpu.dma_semaphore, #tpu.memory_space<semaphore_mem>>
        %dma_start3A_433 = arith.constant 0 : i32
        %dma_start3A_434 = arith.constant 0 : i32
        %dma_start3A_435 = tpu.memref_slice %arg7[%dma_start3A_433, %dma_start3A_434] : memref<48x128xi32, #tpu.memory_space<vmem>> -> memref<8x128xi32, #tpu.memory_space<vmem>>
        %dma_start3A_436 = arith.constant 0 : i32
        %dma_start3A_437 = tpu.memref_slice %arg3[%add3A_331, %dma_start3A_436] : memref<2560x128xi32, #tpu.memory_space<hbm>> -> memref<8x128xi32, #tpu.memory_space<hbm>>
        %dma_start3A_438 = arith.constant 0 : i32
        %dma_start3A_439 = arith.constant 0 : i32
        %dma_start3A_440 = tpu.memref_slice %arg7[%dma_start3A_438, %dma_start3A_439] : memref<48x128xi32, #tpu.memory_space<vmem>> -> memref<8x128xi32, #tpu.memory_space<vmem>>
        %dma_start3A_441 = arith.constant 0 : i32
        %dma_start3A_442 = tpu.memref_slice %arg3[%add3A_331, %dma_start3A_441] : memref<2560x128xi32, #tpu.memory_space<hbm>> -> memref<8x128xi32, #tpu.memory_space<hbm>>
        tpu.enqueue_dma source(%dma_start3A_442 : memref<8x128xi32, #tpu.memory_space<hbm>>) target(%dma_start3A_440 : memref<8x128xi32, #tpu.memory_space<vmem>>) target_semaphore(%run_scoped3A : memref<!tpu.dma_semaphore, #tpu.memory_space<semaphore_mem>>)
        %dma_wait3A_443 = arith.constant 0 : i32
        %dma_wait3A_444 = arith.constant 0 : i32
        %dma_wait3A_445 = tpu.memref_slice %arg7[%dma_wait3A_443, %dma_wait3A_444] : memref<48x128xi32, #tpu.memory_space<vmem>> -> memref<8x128xi32, #tpu.memory_space<vmem>>
        %dma_wait3A_446 = arith.constant 0 : i32
        %dma_wait3A_447 = tpu.memref_slice %arg3[%add3A_331, %dma_wait3A_446] : memref<2560x128xi32, #tpu.memory_space<hbm>> -> memref<8x128xi32, #tpu.memory_space<hbm>>
        %dma_wait3A_448 = arith.constant 0 : i32
        %dma_wait3A_449 = arith.constant 0 : i32
        %dma_wait3A_450 = tpu.memref_slice %arg7[%dma_wait3A_448, %dma_wait3A_449] : memref<48x128xi32, #tpu.memory_space<vmem>> -> memref<8x128xi32, #tpu.memory_space<vmem>>
        %dma_wait3A_451 = arith.constant 0 : i32
        %dma_wait3A_452 = tpu.memref_slice %arg3[%add3A_331, %dma_wait3A_451] : memref<2560x128xi32, #tpu.memory_space<hbm>> -> memref<8x128xi32, #tpu.memory_space<hbm>>
        tpu.wait_dma2 semaphore(%run_scoped3A : memref<!tpu.dma_semaphore, #tpu.memory_space<semaphore_mem>>) src(%dma_wait3A_452 : memref<8x128xi32, #tpu.memory_space<hbm>>) dst(%dma_wait3A_450 : memref<8x128xi32, #tpu.memory_space<vmem>>)
        tpu.yield
      }) : () -> ()
      "tpu.region"() ({
        %run_scoped3A = tpu.sem_alloc : memref<!tpu.dma_semaphore, #tpu.memory_space<semaphore_mem>>
        %dma_start3A_433 = arith.constant 0 : i32
        %dma_start3A_434 = arith.constant 0 : i32
        %dma_start3A_435 = tpu.memref_slice %arg8[%dma_start3A_433, %dma_start3A_434] : memref<48x128xi32, #tpu.memory_space<vmem>> -> memref<8x128xi32, #tpu.memory_space<vmem>>
        %dma_start3A_436 = arith.constant 0 : i32
        %dma_start3A_437 = tpu.memref_slice %arg4[%add3A_331, %dma_start3A_436] : memref<2560x128xi32, #tpu.memory_space<hbm>> -> memref<8x128xi32, #tpu.memory_space<hbm>>
        %dma_start3A_438 = arith.constant 0 : i32
        %dma_start3A_439 = arith.constant 0 : i32
        %dma_start3A_440 = tpu.memref_slice %arg8[%dma_start3A_438, %dma_start3A_439] : memref<48x128xi32, #tpu.memory_space<vmem>> -> memref<8x128xi32, #tpu.memory_space<vmem>>
        %dma_start3A_441 = arith.constant 0 : i32
        %dma_start3A_442 = tpu.memref_slice %arg4[%add3A_331, %dma_start3A_441] : memref<2560x128xi32, #tpu.memory_space<hbm>> -> memref<8x128xi32, #tpu.memory_space<hbm>>
        tpu.enqueue_dma source(%dma_start3A_442 : memref<8x128xi32, #tpu.memory_space<hbm>>) target(%dma_start3A_440 : memref<8x128xi32, #tpu.memory_space<vmem>>) target_semaphore(%run_scoped3A : memref<!tpu.dma_semaphore, #tpu.memory_space<semaphore_mem>>)
        %dma_wait3A_443 = arith.constant 0 : i32
        %dma_wait3A_444 = arith.constant 0 : i32
        %dma_wait3A_445 = tpu.memref_slice %arg8[%dma_wait3A_443, %dma_wait3A_444] : memref<48x128xi32, #tpu.memory_space<vmem>> -> memref<8x128xi32, #tpu.memory_space<vmem>>
        %dma_wait3A_446 = arith.constant 0 : i32
        %dma_wait3A_447 = tpu.memref_slice %arg4[%add3A_331, %dma_wait3A_446] : memref<2560x128xi32, #tpu.memory_space<hbm>> -> memref<8x128xi32, #tpu.memory_space<hbm>>
        %dma_wait3A_448 = arith.constant 0 : i32
        %dma_wait3A_449 = arith.constant 0 : i32
        %dma_wait3A_450 = tpu.memref_slice %arg8[%dma_wait3A_448, %dma_wait3A_449] : memref<48x128xi32, #tpu.memory_space<vmem>> -> memref<8x128xi32, #tpu.memory_space<vmem>>
        %dma_wait3A_451 = arith.constant 0 : i32
        %dma_wait3A_452 = tpu.memref_slice %arg4[%add3A_331, %dma_wait3A_451] : memref<2560x128xi32, #tpu.memory_space<hbm>> -> memref<8x128xi32, #tpu.memory_space<hbm>>
        tpu.wait_dma2 semaphore(%run_scoped3A : memref<!tpu.dma_semaphore, #tpu.memory_space<semaphore_mem>>) src(%dma_wait3A_452 : memref<8x128xi32, #tpu.memory_space<hbm>>) dst(%dma_wait3A_450 : memref<8x128xi32, #tpu.memory_space<vmem>>)
        tpu.yield
      }) : () -> ()
      %dma_start3A_332 = arith.constant 0 : i32
      %dma_start3A_333 = arith.constant 0 : i32
      %dma_start3A_334 = arith.constant 0 : i32
      %dma_start3A_335 = arith.constant 0 : i32
      %dma_start3A_336 = tpu.memref_slice %arg9[%dma_start3A_333, %dma_start3A_334, %dma_start3A_335] : memref<2x128x128xf32, #tpu.memory_space<vmem>> -> memref<1x128x128xf32, #tpu.memory_space<vmem>>
      %dma_start3A_337 = tpu.memref_squeeze %dma_start3A_336 : memref<1x128x128xf32, #tpu.memory_space<vmem>> -> memref<128x128xf32, #tpu.memory_space<vmem>>
      %dma_start3A_338 = arith.constant 0 : i32
      %dma_start3A_339 = tpu.memref_slice %arg7[%dma_start3A_332, %dma_start3A_338] : memref<48x128xi32, #tpu.memory_space<vmem>> -> memref<1x128xi32, #tpu.memory_space<vmem>>
      %dma_start3A_340 = tpu.memref_squeeze %dma_start3A_339 : memref<1x128xi32, #tpu.memory_space<vmem>> -> memref<128xi32, #tpu.memory_space<vmem>>
      %dma_start3A_341 = arith.constant 0 : i32
      %dma_start3A_342 = arith.constant 0 : i32
      %dma_start3A_343 = tpu.memref_slice %arg2[%dma_start3A_341, %dma_start3A_342] : memref<10008x128xf32, #tpu.memory_space<hbm>> -> memref<10008x128xf32, #tpu.memory_space<hbm>>
      tpu.enqueue_indirect_dma source(%dma_start3A_343 : memref<10008x128xf32, #tpu.memory_space<hbm>>) target(%dma_start3A_337 : memref<128x128xf32, #tpu.memory_space<vmem>>) offsets(%dma_start3A_340 : memref<128xi32, #tpu.memory_space<vmem>>) semaphore(%arg11 : memref<!tpu.dma_semaphore, #tpu.memory_space<semaphore_mem>>)
      %dma_start3A_344 = arith.constant 1 : i32
      %dma_start3A_345 = arith.constant 1 : i32
      %dma_start3A_346 = arith.constant 0 : i32
      %dma_start3A_347 = arith.constant 0 : i32
      %dma_start3A_348 = tpu.memref_slice %arg9[%dma_start3A_345, %dma_start3A_346, %dma_start3A_347] : memref<2x128x128xf32, #tpu.memory_space<vmem>> -> memref<1x128x128xf32, #tpu.memory_space<vmem>>
      %dma_start3A_349 = tpu.memref_squeeze %dma_start3A_348 : memref<1x128x128xf32, #tpu.memory_space<vmem>> -> memref<128x128xf32, #tpu.memory_space<vmem>>
      %dma_start3A_350 = arith.constant 0 : i32
      %dma_start3A_351 = tpu.memref_slice %arg7[%dma_start3A_344, %dma_start3A_350] : memref<48x128xi32, #tpu.memory_space<vmem>> -> memref<1x128xi32, #tpu.memory_space<vmem>>
      %dma_start3A_352 = tpu.memref_squeeze %dma_start3A_351 : memref<1x128xi32, #tpu.memory_space<vmem>> -> memref<128xi32, #tpu.memory_space<vmem>>
      %dma_start3A_353 = arith.constant 0 : i32
      %dma_start3A_354 = arith.constant 0 : i32
      %dma_start3A_355 = tpu.memref_slice %arg2[%dma_start3A_353, %dma_start3A_354] : memref<10008x128xf32, #tpu.memory_space<hbm>> -> memref<10008x128xf32, #tpu.memory_space<hbm>>
      tpu.enqueue_indirect_dma source(%dma_start3A_355 : memref<10008x128xf32, #tpu.memory_space<hbm>>) target(%dma_start3A_349 : memref<128x128xf32, #tpu.memory_space<vmem>>) offsets(%dma_start3A_352 : memref<128xi32, #tpu.memory_space<vmem>>) semaphore(%arg12 : memref<!tpu.dma_semaphore, #tpu.memory_space<semaphore_mem>>)
      %scan3A_356 = arith.constant 0 : i32
      %scan3A_357 = arith.constant 3 : i32
      %scan3A_358 = arith.addi %scan3A_356, %scan3A_357 : i32
      %scan3A_359 = arith.constant 1 : i32
      scf.for %scan3A_433 = %scan3A_356 to %scan3A_358 step %scan3A_359  : i32 {
        %mul3A_434 = arith.constant 2 : i32
        %mul3A_435 = arith.muli %scan3A_433, %mul3A_434 : i32
        %add3A_436 = arith.constant 0 : i32
        %add3A_437 = arith.addi %add3A_436, %mul3A_435 : i32
        %dma_wait3A_438 = arith.constant 0 : i32
        %dma_wait3A_439 = arith.constant 0 : i32
        %dma_wait3A_440 = arith.constant 0 : i32
        %dma_wait3A_441 = arith.constant 0 : i32
        %dma_wait3A_442 = tpu.memref_slice %arg9[%dma_wait3A_439, %dma_wait3A_440, %dma_wait3A_441] : memref<2x128x128xf32, #tpu.memory_space<vmem>> -> memref<1x128x128xf32, #tpu.memory_space<vmem>>
        %dma_wait3A_443 = tpu.memref_squeeze %dma_wait3A_442 : memref<1x128x128xf32, #tpu.memory_space<vmem>> -> memref<128x128xf32, #tpu.memory_space<vmem>>
        %dma_wait3A_444 = arith.constant 0 : i32
        %dma_wait3A_445 = tpu.memref_slice %arg7[%dma_wait3A_438, %dma_wait3A_444] : memref<48x128xi32, #tpu.memory_space<vmem>> -> memref<1x128xi32, #tpu.memory_space<vmem>>
        %dma_wait3A_446 = tpu.memref_squeeze %dma_wait3A_445 : memref<1x128xi32, #tpu.memory_space<vmem>> -> memref<128xi32, #tpu.memory_space<vmem>>
        %dma_wait3A_447 = arith.constant 0 : i32
        %dma_wait3A_448 = arith.constant 0 : i32
        %dma_wait3A_449 = tpu.memref_slice %arg2[%dma_wait3A_447, %dma_wait3A_448] : memref<10008x128xf32, #tpu.memory_space<hbm>> -> memref<10008x128xf32, #tpu.memory_space<hbm>>
        tpu.wait_indirect_dma semaphore(%arg11 : memref<!tpu.dma_semaphore, #tpu.memory_space<semaphore_mem>>) src(%dma_wait3A_449 : memref<10008x128xf32, #tpu.memory_space<hbm>>) dst(%dma_wait3A_443 : memref<128x128xf32, #tpu.memory_space<vmem>>)
        %add3A_450 = arith.constant 0 : i32
        %add3A_451 = arith.addi %add3A_437, %add3A_450 : i32
        %dma_start3A_452 = arith.constant 0 : i32
        %dma_start3A_453 = arith.constant 0 : i32
        %dma_start3A_454 = arith.constant 0 : i32
        %dma_start3A_455 = tpu.memref_slice %arg9[%dma_start3A_452, %dma_start3A_453, %dma_start3A_454] : memref<2x128x128xf32, #tpu.memory_space<vmem>> -> memref<1x128x128xf32, #tpu.memory_space<vmem>>
        %dma_start3A_456 = tpu.memref_squeeze %dma_start3A_455 : memref<1x128x128xf32, #tpu.memory_space<vmem>> -> memref<128x128xf32, #tpu.memory_space<vmem>>
        %dma_start3A_457 = arith.constant 0 : i32
        %dma_start3A_458 = tpu.memref_slice %arg8[%add3A_451, %dma_start3A_457] : memref<48x128xi32, #tpu.memory_space<vmem>> -> memref<1x128xi32, #tpu.memory_space<vmem>>
        %dma_start3A_459 = tpu.memref_squeeze %dma_start3A_458 : memref<1x128xi32, #tpu.memory_space<vmem>> -> memref<128xi32, #tpu.memory_space<vmem>>
        %dma_start3A_460 = arith.constant 0 : i32
        %dma_start3A_461 = arith.constant 0 : i32
        %dma_start3A_462 = tpu.memref_slice %arg10[%dma_start3A_460, %dma_start3A_461] : memref<10008x128xf32, #tpu.memory_space<vmem_shared>> -> memref<10008x128xf32, #tpu.memory_space<vmem_shared>>
        tpu.enqueue_indirect_dma source(%dma_start3A_456 : memref<128x128xf32, #tpu.memory_space<vmem>>) target(%dma_start3A_462 : memref<10008x128xf32, #tpu.memory_space<vmem_shared>>) offsets(%dma_start3A_459 : memref<128xi32, #tpu.memory_space<vmem>>) semaphore(%arg13 : memref<!tpu.dma_semaphore, #tpu.memory_space<semaphore_mem>>) {add = true}
        %dma_wait3A_463 = arith.constant 0 : i32
        %dma_wait3A_464 = arith.constant 0 : i32
        %dma_wait3A_465 = arith.constant 0 : i32
        %dma_wait3A_466 = arith.constant 0 : i32
        %dma_wait3A_467 = tpu.memref_slice %arg9[%dma_wait3A_463, %dma_wait3A_465, %dma_wait3A_466] : memref<2x128x128xf32, #tpu.memory_space<vmem>> -> memref<1x128x128xf32, #tpu.memory_space<vmem>>
        %dma_wait3A_468 = tpu.memref_squeeze %dma_wait3A_467 : memref<1x128x128xf32, #tpu.memory_space<vmem>> -> memref<128x128xf32, #tpu.memory_space<vmem>>
        %dma_wait3A_469 = arith.constant 0 : i32
        %dma_wait3A_470 = tpu.memref_slice %arg8[%dma_wait3A_464, %dma_wait3A_469] : memref<48x128xi32, #tpu.memory_space<vmem>> -> memref<1x128xi32, #tpu.memory_space<vmem>>
        %dma_wait3A_471 = tpu.memref_squeeze %dma_wait3A_470 : memref<1x128xi32, #tpu.memory_space<vmem>> -> memref<128xi32, #tpu.memory_space<vmem>>
        %dma_wait3A_472 = arith.constant 0 : i32
        %dma_wait3A_473 = arith.constant 0 : i32
        %dma_wait3A_474 = tpu.memref_slice %arg10[%dma_wait3A_472, %dma_wait3A_473] : memref<10008x128xf32, #tpu.memory_space<vmem_shared>> -> memref<10008x128xf32, #tpu.memory_space<vmem_shared>>
        tpu.wait_indirect_dma semaphore(%arg13 : memref<!tpu.dma_semaphore, #tpu.memory_space<semaphore_mem>>) src(%dma_wait3A_468 : memref<128x128xf32, #tpu.memory_space<vmem>>) dst(%dma_wait3A_474 : memref<10008x128xf32, #tpu.memory_space<vmem_shared>>)
        %add3A_475 = arith.constant 0 : i32
        %add3A_476 = arith.addi %add3A_437, %add3A_475 : i32
        %add3A_477 = arith.constant 2 : i32
        %add3A_478 = arith.addi %add3A_476, %add3A_477 : i32
        %dma_start3A_479 = arith.constant 0 : i32
        %dma_start3A_480 = arith.constant 0 : i32
        %dma_start3A_481 = arith.constant 0 : i32
        %dma_start3A_482 = tpu.memref_slice %arg9[%dma_start3A_479, %dma_start3A_480, %dma_start3A_481] : memref<2x128x128xf32, #tpu.memory_space<vmem>> -> memref<1x128x128xf32, #tpu.memory_space<vmem>>
        %dma_start3A_483 = tpu.memref_squeeze %dma_start3A_482 : memref<1x128x128xf32, #tpu.memory_space<vmem>> -> memref<128x128xf32, #tpu.memory_space<vmem>>
        %dma_start3A_484 = arith.constant 0 : i32
        %dma_start3A_485 = tpu.memref_slice %arg7[%add3A_478, %dma_start3A_484] : memref<48x128xi32, #tpu.memory_space<vmem>> -> memref<1x128xi32, #tpu.memory_space<vmem>>
        %dma_start3A_486 = tpu.memref_squeeze %dma_start3A_485 : memref<1x128xi32, #tpu.memory_space<vmem>> -> memref<128xi32, #tpu.memory_space<vmem>>
        %dma_start3A_487 = arith.constant 0 : i32
        %dma_start3A_488 = arith.constant 0 : i32
        %dma_start3A_489 = tpu.memref_slice %arg2[%dma_start3A_487, %dma_start3A_488] : memref<10008x128xf32, #tpu.memory_space<hbm>> -> memref<10008x128xf32, #tpu.memory_space<hbm>>
        tpu.enqueue_indirect_dma source(%dma_start3A_489 : memref<10008x128xf32, #tpu.memory_space<hbm>>) target(%dma_start3A_483 : memref<128x128xf32, #tpu.memory_space<vmem>>) offsets(%dma_start3A_486 : memref<128xi32, #tpu.memory_space<vmem>>) semaphore(%arg11 : memref<!tpu.dma_semaphore, #tpu.memory_space<semaphore_mem>>)
        %dma_wait3A_490 = arith.constant 0 : i32
        %dma_wait3A_491 = arith.constant 1 : i32
        %dma_wait3A_492 = arith.constant 0 : i32
        %dma_wait3A_493 = arith.constant 0 : i32
        %dma_wait3A_494 = tpu.memref_slice %arg9[%dma_wait3A_491, %dma_wait3A_492, %dma_wait3A_493] : memref<2x128x128xf32, #tpu.memory_space<vmem>> -> memref<1x128x128xf32, #tpu.memory_space<vmem>>
        %dma_wait3A_495 = tpu.memref_squeeze %dma_wait3A_494 : memref<1x128x128xf32, #tpu.memory_space<vmem>> -> memref<128x128xf32, #tpu.memory_space<vmem>>
        %dma_wait3A_496 = arith.constant 0 : i32
        %dma_wait3A_497 = tpu.memref_slice %arg7[%dma_wait3A_490, %dma_wait3A_496] : memref<48x128xi32, #tpu.memory_space<vmem>> -> memref<1x128xi32, #tpu.memory_space<vmem>>
        %dma_wait3A_498 = tpu.memref_squeeze %dma_wait3A_497 : memref<1x128xi32, #tpu.memory_space<vmem>> -> memref<128xi32, #tpu.memory_space<vmem>>
        %dma_wait3A_499 = arith.constant 0 : i32
        %dma_wait3A_500 = arith.constant 0 : i32
        %dma_wait3A_501 = tpu.memref_slice %arg2[%dma_wait3A_499, %dma_wait3A_500] : memref<10008x128xf32, #tpu.memory_space<hbm>> -> memref<10008x128xf32, #tpu.memory_space<hbm>>
        tpu.wait_indirect_dma semaphore(%arg12 : memref<!tpu.dma_semaphore, #tpu.memory_space<semaphore_mem>>) src(%dma_wait3A_501 : memref<10008x128xf32, #tpu.memory_space<hbm>>) dst(%dma_wait3A_495 : memref<128x128xf32, #tpu.memory_space<vmem>>)
        %add3A_502 = arith.constant 1 : i32
        %add3A_503 = arith.addi %add3A_437, %add3A_502 : i32
        %dma_start3A_504 = arith.constant 1 : i32
        %dma_start3A_505 = arith.constant 0 : i32
        %dma_start3A_506 = arith.constant 0 : i32
        %dma_start3A_507 = tpu.memref_slice %arg9[%dma_start3A_504, %dma_start3A_505, %dma_start3A_506] : memref<2x128x128xf32, #tpu.memory_space<vmem>> -> memref<1x128x128xf32, #tpu.memory_space<vmem>>
        %dma_start3A_508 = tpu.memref_squeeze %dma_start3A_507 : memref<1x128x128xf32, #tpu.memory_space<vmem>> -> memref<128x128xf32, #tpu.memory_space<vmem>>
        %dma_start3A_509 = arith.constant 0 : i32
        %dma_start3A_510 = tpu.memref_slice %arg8[%add3A_503, %dma_start3A_509] : memref<48x128xi32, #tpu.memory_space<vmem>> -> memref<1x128xi32, #tpu.memory_space<vmem>>
        %dma_start3A_511 = tpu.memref_squeeze %dma_start3A_510 : memref<1x128xi32, #tpu.memory_space<vmem>> -> memref<128xi32, #tpu.memory_space<vmem>>
        %dma_start3A_512 = arith.constant 0 : i32
        %dma_start3A_513 = arith.constant 0 : i32
        %dma_start3A_514 = tpu.memref_slice %arg10[%dma_start3A_512, %dma_start3A_513] : memref<10008x128xf32, #tpu.memory_space<vmem_shared>> -> memref<10008x128xf32, #tpu.memory_space<vmem_shared>>
        tpu.enqueue_indirect_dma source(%dma_start3A_508 : memref<128x128xf32, #tpu.memory_space<vmem>>) target(%dma_start3A_514 : memref<10008x128xf32, #tpu.memory_space<vmem_shared>>) offsets(%dma_start3A_511 : memref<128xi32, #tpu.memory_space<vmem>>) semaphore(%arg14 : memref<!tpu.dma_semaphore, #tpu.memory_space<semaphore_mem>>) {add = true}
        %dma_wait3A_515 = arith.constant 1 : i32
        %dma_wait3A_516 = arith.constant 0 : i32
        %dma_wait3A_517 = arith.constant 0 : i32
        %dma_wait3A_518 = arith.constant 0 : i32
        %dma_wait3A_519 = tpu.memref_slice %arg9[%dma_wait3A_515, %dma_wait3A_517, %dma_wait3A_518] : memref<2x128x128xf32, #tpu.memory_space<vmem>> -> memref<1x128x128xf32, #tpu.memory_space<vmem>>
        %dma_wait3A_520 = tpu.memref_squeeze %dma_wait3A_519 : memref<1x128x128xf32, #tpu.memory_space<vmem>> -> memref<128x128xf32, #tpu.memory_space<vmem>>
        %dma_wait3A_521 = arith.constant 0 : i32
        %dma_wait3A_522 = tpu.memref_slice %arg8[%dma_wait3A_516, %dma_wait3A_521] : memref<48x128xi32, #tpu.memory_space<vmem>> -> memref<1x128xi32, #tpu.memory_space<vmem>>
        %dma_wait3A_523 = tpu.memref_squeeze %dma_wait3A_522 : memref<1x128xi32, #tpu.memory_space<vmem>> -> memref<128xi32, #tpu.memory_space<vmem>>
        %dma_wait3A_524 = arith.constant 0 : i32
        %dma_wait3A_525 = arith.constant 0 : i32
        %dma_wait3A_526 = tpu.memref_slice %arg10[%dma_wait3A_524, %dma_wait3A_525] : memref<10008x128xf32, #tpu.memory_space<vmem_shared>> -> memref<10008x128xf32, #tpu.memory_space<vmem_shared>>
        tpu.wait_indirect_dma semaphore(%arg14 : memref<!tpu.dma_semaphore, #tpu.memory_space<semaphore_mem>>) src(%dma_wait3A_520 : memref<128x128xf32, #tpu.memory_space<vmem>>) dst(%dma_wait3A_526 : memref<10008x128xf32, #tpu.memory_space<vmem_shared>>)
        %add3A_527 = arith.constant 1 : i32
        %add3A_528 = arith.addi %add3A_437, %add3A_527 : i32
        %add3A_529 = arith.constant 2 : i32
        %add3A_530 = arith.addi %add3A_528, %add3A_529 : i32
        %dma_start3A_531 = arith.constant 1 : i32
        %dma_start3A_532 = arith.constant 0 : i32
        %dma_start3A_533 = arith.constant 0 : i32
        %dma_start3A_534 = tpu.memref_slice %arg9[%dma_start3A_531, %dma_start3A_532, %dma_start3A_533] : memref<2x128x128xf32, #tpu.memory_space<vmem>> -> memref<1x128x128xf32, #tpu.memory_space<vmem>>
        %dma_start3A_535 = tpu.memref_squeeze %dma_start3A_534 : memref<1x128x128xf32, #tpu.memory_space<vmem>> -> memref<128x128xf32, #tpu.memory_space<vmem>>
        %dma_start3A_536 = arith.constant 0 : i32
        %dma_start3A_537 = tpu.memref_slice %arg7[%add3A_530, %dma_start3A_536] : memref<48x128xi32, #tpu.memory_space<vmem>> -> memref<1x128xi32, #tpu.memory_space<vmem>>
        %dma_start3A_538 = tpu.memref_squeeze %dma_start3A_537 : memref<1x128xi32, #tpu.memory_space<vmem>> -> memref<128xi32, #tpu.memory_space<vmem>>
        %dma_start3A_539 = arith.constant 0 : i32
        %dma_start3A_540 = arith.constant 0 : i32
        %dma_start3A_541 = tpu.memref_slice %arg2[%dma_start3A_539, %dma_start3A_540] : memref<10008x128xf32, #tpu.memory_space<hbm>> -> memref<10008x128xf32, #tpu.memory_space<hbm>>
        tpu.enqueue_indirect_dma source(%dma_start3A_541 : memref<10008x128xf32, #tpu.memory_space<hbm>>) target(%dma_start3A_535 : memref<128x128xf32, #tpu.memory_space<vmem>>) offsets(%dma_start3A_538 : memref<128xi32, #tpu.memory_space<vmem>>) semaphore(%arg12 : memref<!tpu.dma_semaphore, #tpu.memory_space<semaphore_mem>>)
      }
      %scan3A_360 = arith.constant 3 : i32
      %dma_wait3A_361 = arith.constant 0 : i32
      %dma_wait3A_362 = arith.constant 0 : i32
      %dma_wait3A_363 = arith.constant 0 : i32
      %dma_wait3A_364 = arith.constant 0 : i32
      %dma_wait3A_365 = tpu.memref_slice %arg9[%dma_wait3A_362, %dma_wait3A_363, %dma_wait3A_364] : memref<2x128x128xf32, #tpu.memory_space<vmem>> -> memref<1x128x128xf32, #tpu.memory_space<vmem>>
      %dma_wait3A_366 = tpu.memref_squeeze %dma_wait3A_365 : memref<1x128x128xf32, #tpu.memory_space<vmem>> -> memref<128x128xf32, #tpu.memory_space<vmem>>
      %dma_wait3A_367 = arith.constant 0 : i32
      %dma_wait3A_368 = tpu.memref_slice %arg7[%dma_wait3A_361, %dma_wait3A_367] : memref<48x128xi32, #tpu.memory_space<vmem>> -> memref<1x128xi32, #tpu.memory_space<vmem>>
      %dma_wait3A_369 = tpu.memref_squeeze %dma_wait3A_368 : memref<1x128xi32, #tpu.memory_space<vmem>> -> memref<128xi32, #tpu.memory_space<vmem>>
      %dma_wait3A_370 = arith.constant 0 : i32
      %dma_wait3A_371 = arith.constant 0 : i32
      %dma_wait3A_372 = tpu.memref_slice %arg2[%dma_wait3A_370, %dma_wait3A_371] : memref<10008x128xf32, #tpu.memory_space<hbm>> -> memref<10008x128xf32, #tpu.memory_space<hbm>>
      tpu.wait_indirect_dma semaphore(%arg11 : memref<!tpu.dma_semaphore, #tpu.memory_space<semaphore_mem>>) src(%dma_wait3A_372 : memref<10008x128xf32, #tpu.memory_space<hbm>>) dst(%dma_wait3A_366 : memref<128x128xf32, #tpu.memory_space<vmem>>)
      %dma_start3A_373 = arith.constant 0 : i32
      %dma_start3A_374 = arith.constant 6 : i32
      %dma_start3A_375 = arith.constant 0 : i32
      %dma_start3A_376 = arith.constant 0 : i32
      %dma_start3A_377 = tpu.memref_slice %arg9[%dma_start3A_373, %dma_start3A_375, %dma_start3A_376] : memref<2x128x128xf32, #tpu.memory_space<vmem>> -> memref<1x128x128xf32, #tpu.memory_space<vmem>>
      %dma_start3A_378 = tpu.memref_squeeze %dma_start3A_377 : memref<1x128x128xf32, #tpu.memory_space<vmem>> -> memref<128x128xf32, #tpu.memory_space<vmem>>
      %dma_start3A_379 = arith.constant 0 : i32
      %dma_start3A_380 = tpu.memref_slice %arg8[%dma_start3A_374, %dma_start3A_379] : memref<48x128xi32, #tpu.memory_space<vmem>> -> memref<1x128xi32, #tpu.memory_space<vmem>>
      %dma_start3A_381 = tpu.memref_squeeze %dma_start3A_380 : memref<1x128xi32, #tpu.memory_space<vmem>> -> memref<128xi32, #tpu.memory_space<vmem>>
      %dma_start3A_382 = arith.constant 0 : i32
      %dma_start3A_383 = arith.constant 0 : i32
      %dma_start3A_384 = tpu.memref_slice %arg10[%dma_start3A_382, %dma_start3A_383] : memref<10008x128xf32, #tpu.memory_space<vmem_shared>> -> memref<10008x128xf32, #tpu.memory_space<vmem_shared>>
      tpu.enqueue_indirect_dma source(%dma_start3A_378 : memref<128x128xf32, #tpu.memory_space<vmem>>) target(%dma_start3A_384 : memref<10008x128xf32, #tpu.memory_space<vmem_shared>>) offsets(%dma_start3A_381 : memref<128xi32, #tpu.memory_space<vmem>>) semaphore(%arg13 : memref<!tpu.dma_semaphore, #tpu.memory_space<semaphore_mem>>) {add = true}
      %dma_wait3A_385 = arith.constant 0 : i32
      %dma_wait3A_386 = arith.constant 0 : i32
      %dma_wait3A_387 = arith.constant 0 : i32
      %dma_wait3A_388 = arith.constant 0 : i32
      %dma_wait3A_389 = tpu.memref_slice %arg9[%dma_wait3A_385, %dma_wait3A_387, %dma_wait3A_388] : memref<2x128x128xf32, #tpu.memory_space<vmem>> -> memref<1x128x128xf32, #tpu.memory_space<vmem>>
      %dma_wait3A_390 = tpu.memref_squeeze %dma_wait3A_389 : memref<1x128x128xf32, #tpu.memory_space<vmem>> -> memref<128x128xf32, #tpu.memory_space<vmem>>
      %dma_wait3A_391 = arith.constant 0 : i32
      %dma_wait3A_392 = tpu.memref_slice %arg8[%dma_wait3A_386, %dma_wait3A_391] : memref<48x128xi32, #tpu.memory_space<vmem>> -> memref<1x128xi32, #tpu.memory_space<vmem>>
      %dma_wait3A_393 = tpu.memref_squeeze %dma_wait3A_392 : memref<1x128xi32, #tpu.memory_space<vmem>> -> memref<128xi32, #tpu.memory_space<vmem>>
      %dma_wait3A_394 = arith.constant 0 : i32
      %dma_wait3A_395 = arith.constant 0 : i32
      %dma_wait3A_396 = tpu.memref_slice %arg10[%dma_wait3A_394, %dma_wait3A_395] : memref<10008x128xf32, #tpu.memory_space<vmem_shared>> -> memref<10008x128xf32, #tpu.memory_space<vmem_shared>>
      tpu.wait_indirect_dma semaphore(%arg13 : memref<!tpu.dma_semaphore, #tpu.memory_space<semaphore_mem>>) src(%dma_wait3A_390 : memref<128x128xf32, #tpu.memory_space<vmem>>) dst(%dma_wait3A_396 : memref<10008x128xf32, #tpu.memory_space<vmem_shared>>)
      %dma_wait3A_397 = arith.constant 0 : i32
      %dma_wait3A_398 = arith.constant 1 : i32
      %dma_wait3A_399 = arith.constant 0 : i32
      %dma_wait3A_400 = arith.constant 0 : i32
      %dma_wait3A_401 = tpu.memref_slice %arg9[%dma_wait3A_398, %dma_wait3A_399, %dma_wait3A_400] : memref<2x128x128xf32, #tpu.memory_space<vmem>> -> memref<1x128x128xf32, #tpu.memory_space<vmem>>
      %dma_wait3A_402 = tpu.memref_squeeze %dma_wait3A_401 : memref<1x128x128xf32, #tpu.memory_space<vmem>> -> memref<128x128xf32, #tpu.memory_space<vmem>>
      %dma_wait3A_403 = arith.constant 0 : i32
      %dma_wait3A_404 = tpu.memref_slice %arg7[%dma_wait3A_397, %dma_wait3A_403] : memref<48x128xi32, #tpu.memory_space<vmem>> -> memref<1x128xi32, #tpu.memory_space<vmem>>
      %dma_wait3A_405 = tpu.memref_squeeze %dma_wait3A_404 : memref<1x128xi32, #tpu.memory_space<vmem>> -> memref<128xi32, #tpu.memory_space<vmem>>
      %dma_wait3A_406 = arith.constant 0 : i32
      %dma_wait3A_407 = arith.constant 0 : i32
      %dma_wait3A_408 = tpu.memref_slice %arg2[%dma_wait3A_406, %dma_wait3A_407] : memref<10008x128xf32, #tpu.memory_space<hbm>> -> memref<10008x128xf32, #tpu.memory_space<hbm>>
      tpu.wait_indirect_dma semaphore(%arg12 : memref<!tpu.dma_semaphore, #tpu.memory_space<semaphore_mem>>) src(%dma_wait3A_408 : memref<10008x128xf32, #tpu.memory_space<hbm>>) dst(%dma_wait3A_402 : memref<128x128xf32, #tpu.memory_space<vmem>>)
      %dma_start3A_409 = arith.constant 1 : i32
      %dma_start3A_410 = arith.constant 7 : i32
      %dma_start3A_411 = arith.constant 0 : i32
      %dma_start3A_412 = arith.constant 0 : i32
      %dma_start3A_413 = tpu.memref_slice %arg9[%dma_start3A_409, %dma_start3A_411, %dma_start3A_412] : memref<2x128x128xf32, #tpu.memory_space<vmem>> -> memref<1x128x128xf32, #tpu.memory_space<vmem>>
      %dma_start3A_414 = tpu.memref_squeeze %dma_start3A_413 : memref<1x128x128xf32, #tpu.memory_space<vmem>> -> memref<128x128xf32, #tpu.memory_space<vmem>>
      %dma_start3A_415 = arith.constant 0 : i32
      %dma_start3A_416 = tpu.memref_slice %arg8[%dma_start3A_410, %dma_start3A_415] : memref<48x128xi32, #tpu.memory_space<vmem>> -> memref<1x128xi32, #tpu.memory_space<vmem>>
      %dma_start3A_417 = tpu.memref_squeeze %dma_start3A_416 : memref<1x128xi32, #tpu.memory_space<vmem>> -> memref<128xi32, #tpu.memory_space<vmem>>
      %dma_start3A_418 = arith.constant 0 : i32
      %dma_start3A_419 = arith.constant 0 : i32
      %dma_start3A_420 = tpu.memref_slice %arg10[%dma_start3A_418, %dma_start3A_419] : memref<10008x128xf32, #tpu.memory_space<vmem_shared>> -> memref<10008x128xf32, #tpu.memory_space<vmem_shared>>
      tpu.enqueue_indirect_dma source(%dma_start3A_414 : memref<128x128xf32, #tpu.memory_space<vmem>>) target(%dma_start3A_420 : memref<10008x128xf32, #tpu.memory_space<vmem_shared>>) offsets(%dma_start3A_417 : memref<128xi32, #tpu.memory_space<vmem>>) semaphore(%arg14 : memref<!tpu.dma_semaphore, #tpu.memory_space<semaphore_mem>>) {add = true}
      %dma_wait3A_421 = arith.constant 1 : i32
      %dma_wait3A_422 = arith.constant 0 : i32
      %dma_wait3A_423 = arith.constant 0 : i32
      %dma_wait3A_424 = arith.constant 0 : i32
      %dma_wait3A_425 = tpu.memref_slice %arg9[%dma_wait3A_421, %dma_wait3A_423, %dma_wait3A_424] : memref<2x128x128xf32, #tpu.memory_space<vmem>> -> memref<1x128x128xf32, #tpu.memory_space<vmem>>
      %dma_wait3A_426 = tpu.memref_squeeze %dma_wait3A_425 : memref<1x128x128xf32, #tpu.memory_space<vmem>> -> memref<128x128xf32, #tpu.memory_space<vmem>>
      %dma_wait3A_427 = arith.constant 0 : i32
      %dma_wait3A_428 = tpu.memref_slice %arg8[%dma_wait3A_422, %dma_wait3A_427] : memref<48x128xi32, #tpu.memory_space<vmem>> -> memref<1x128xi32, #tpu.memory_space<vmem>>
      %dma_wait3A_429 = tpu.memref_squeeze %dma_wait3A_428 : memref<1x128xi32, #tpu.memory_space<vmem>> -> memref<128xi32, #tpu.memory_space<vmem>>
      %dma_wait3A_430 = arith.constant 0 : i32
      %dma_wait3A_431 = arith.constant 0 : i32
      %dma_wait3A_432 = tpu.memref_slice %arg10[%dma_wait3A_430, %dma_wait3A_431] : memref<10008x128xf32, #tpu.memory_space<vmem_shared>> -> memref<10008x128xf32, #tpu.memory_space<vmem_shared>>
      tpu.wait_indirect_dma semaphore(%arg14 : memref<!tpu.dma_semaphore, #tpu.memory_space<semaphore_mem>>) src(%dma_wait3A_426 : memref<128x128xf32, #tpu.memory_space<vmem>>) dst(%dma_wait3A_432 : memref<10008x128xf32, #tpu.memory_space<vmem_shared>>)
    } else {
    }
    %ne3A_12 = arith.constant 0 : i32
    %ne3A_13 = arith.cmpi ne, %arg0, %ne3A_12 : i32
    %convert_element_type3A_14 = arith.extui %ne3A_13 : i1 to i32
    %cond3A_15 = arith.constant 0 : i32
    %cond3A_16 = arith.cmpi ne, %convert_element_type3A_14, %cond3A_15 : i32
    scf.if %cond3A_16 {
      %mul3A_23 = arith.constant 8 : i32
      %mul3A_24 = arith.muli %arg1, %mul3A_23 : i32
      %add3A = arith.constant 2432 : i32
      %add3A_25 = arith.addi %add3A, %mul3A_24 : i32
      %add3A_26 = arith.constant 0 : i32
      %add3A_27 = arith.addi %add3A_25, %add3A_26 : i32
      "tpu.region"() ({
        %run_scoped3A = tpu.sem_alloc : memref<!tpu.dma_semaphore, #tpu.memory_space<semaphore_mem>>
        %dma_start3A_126 = arith.constant 0 : i32
        %dma_start3A_127 = arith.constant 0 : i32
        %dma_start3A_128 = tpu.memref_slice %arg7[%dma_start3A_126, %dma_start3A_127] : memref<48x128xi32, #tpu.memory_space<vmem>> -> memref<8x128xi32, #tpu.memory_space<vmem>>
        %dma_start3A_129 = arith.constant 0 : i32
        %dma_start3A_130 = tpu.memref_slice %arg3[%add3A_27, %dma_start3A_129] : memref<2560x128xi32, #tpu.memory_space<hbm>> -> memref<8x128xi32, #tpu.memory_space<hbm>>
        %dma_start3A_131 = arith.constant 0 : i32
        %dma_start3A_132 = arith.constant 0 : i32
        %dma_start3A_133 = tpu.memref_slice %arg7[%dma_start3A_131, %dma_start3A_132] : memref<48x128xi32, #tpu.memory_space<vmem>> -> memref<8x128xi32, #tpu.memory_space<vmem>>
        %dma_start3A_134 = arith.constant 0 : i32
        %dma_start3A_135 = tpu.memref_slice %arg3[%add3A_27, %dma_start3A_134] : memref<2560x128xi32, #tpu.memory_space<hbm>> -> memref<8x128xi32, #tpu.memory_space<hbm>>
        tpu.enqueue_dma source(%dma_start3A_135 : memref<8x128xi32, #tpu.memory_space<hbm>>) target(%dma_start3A_133 : memref<8x128xi32, #tpu.memory_space<vmem>>) target_semaphore(%run_scoped3A : memref<!tpu.dma_semaphore, #tpu.memory_space<semaphore_mem>>)
        %dma_wait3A_136 = arith.constant 0 : i32
        %dma_wait3A_137 = arith.constant 0 : i32
        %dma_wait3A_138 = tpu.memref_slice %arg7[%dma_wait3A_136, %dma_wait3A_137] : memref<48x128xi32, #tpu.memory_space<vmem>> -> memref<8x128xi32, #tpu.memory_space<vmem>>
        %dma_wait3A_139 = arith.constant 0 : i32
        %dma_wait3A_140 = tpu.memref_slice %arg3[%add3A_27, %dma_wait3A_139] : memref<2560x128xi32, #tpu.memory_space<hbm>> -> memref<8x128xi32, #tpu.memory_space<hbm>>
        %dma_wait3A_141 = arith.constant 0 : i32
        %dma_wait3A_142 = arith.constant 0 : i32
        %dma_wait3A_143 = tpu.memref_slice %arg7[%dma_wait3A_141, %dma_wait3A_142] : memref<48x128xi32, #tpu.memory_space<vmem>> -> memref<8x128xi32, #tpu.memory_space<vmem>>
        %dma_wait3A_144 = arith.constant 0 : i32
        %dma_wait3A_145 = tpu.memref_slice %arg3[%add3A_27, %dma_wait3A_144] : memref<2560x128xi32, #tpu.memory_space<hbm>> -> memref<8x128xi32, #tpu.memory_space<hbm>>
        tpu.wait_dma2 semaphore(%run_scoped3A : memref<!tpu.dma_semaphore, #tpu.memory_space<semaphore_mem>>) src(%dma_wait3A_145 : memref<8x128xi32, #tpu.memory_space<hbm>>) dst(%dma_wait3A_143 : memref<8x128xi32, #tpu.memory_space<vmem>>)
        tpu.yield
      }) : () -> ()
      "tpu.region"() ({
        %run_scoped3A = tpu.sem_alloc : memref<!tpu.dma_semaphore, #tpu.memory_space<semaphore_mem>>
        %dma_start3A_126 = arith.constant 0 : i32
        %dma_start3A_127 = arith.constant 0 : i32
        %dma_start3A_128 = tpu.memref_slice %arg8[%dma_start3A_126, %dma_start3A_127] : memref<48x128xi32, #tpu.memory_space<vmem>> -> memref<8x128xi32, #tpu.memory_space<vmem>>
        %dma_start3A_129 = arith.constant 0 : i32
        %dma_start3A_130 = tpu.memref_slice %arg4[%add3A_27, %dma_start3A_129] : memref<2560x128xi32, #tpu.memory_space<hbm>> -> memref<8x128xi32, #tpu.memory_space<hbm>>
        %dma_start3A_131 = arith.constant 0 : i32
        %dma_start3A_132 = arith.constant 0 : i32
        %dma_start3A_133 = tpu.memref_slice %arg8[%dma_start3A_131, %dma_start3A_132] : memref<48x128xi32, #tpu.memory_space<vmem>> -> memref<8x128xi32, #tpu.memory_space<vmem>>
        %dma_start3A_134 = arith.constant 0 : i32
        %dma_start3A_135 = tpu.memref_slice %arg4[%add3A_27, %dma_start3A_134] : memref<2560x128xi32, #tpu.memory_space<hbm>> -> memref<8x128xi32, #tpu.memory_space<hbm>>
        tpu.enqueue_dma source(%dma_start3A_135 : memref<8x128xi32, #tpu.memory_space<hbm>>) target(%dma_start3A_133 : memref<8x128xi32, #tpu.memory_space<vmem>>) target_semaphore(%run_scoped3A : memref<!tpu.dma_semaphore, #tpu.memory_space<semaphore_mem>>)
        %dma_wait3A_136 = arith.constant 0 : i32
        %dma_wait3A_137 = arith.constant 0 : i32
        %dma_wait3A_138 = tpu.memref_slice %arg8[%dma_wait3A_136, %dma_wait3A_137] : memref<48x128xi32, #tpu.memory_space<vmem>> -> memref<8x128xi32, #tpu.memory_space<vmem>>
        %dma_wait3A_139 = arith.constant 0 : i32
        %dma_wait3A_140 = tpu.memref_slice %arg4[%add3A_27, %dma_wait3A_139] : memref<2560x128xi32, #tpu.memory_space<hbm>> -> memref<8x128xi32, #tpu.memory_space<hbm>>
        %dma_wait3A_141 = arith.constant 0 : i32
        %dma_wait3A_142 = arith.constant 0 : i32
        %dma_wait3A_143 = tpu.memref_slice %arg8[%dma_wait3A_141, %dma_wait3A_142] : memref<48x128xi32, #tpu.memory_space<vmem>> -> memref<8x128xi32, #tpu.memory_space<vmem>>
        %dma_wait3A_144 = arith.constant 0 : i32
        %dma_wait3A_145 = tpu.memref_slice %arg4[%add3A_27, %dma_wait3A_144] : memref<2560x128xi32, #tpu.memory_space<hbm>> -> memref<8x128xi32, #tpu.memory_space<hbm>>
        tpu.wait_dma2 semaphore(%run_scoped3A : memref<!tpu.dma_semaphore, #tpu.memory_space<semaphore_mem>>) src(%dma_wait3A_145 : memref<8x128xi32, #tpu.memory_space<hbm>>) dst(%dma_wait3A_143 : memref<8x128xi32, #tpu.memory_space<vmem>>)
        tpu.yield
      }) : () -> ()
      %dma_start3A = arith.constant 0 : i32
      %dma_start3A_28 = arith.constant 0 : i32
      %dma_start3A_29 = arith.constant 0 : i32
      %dma_start3A_30 = arith.constant 0 : i32
      %dma_start3A_31 = tpu.memref_slice %arg9[%dma_start3A_28, %dma_start3A_29, %dma_start3A_30] : memref<2x128x128xf32, #tpu.memory_space<vmem>> -> memref<1x128x128xf32, #tpu.memory_space<vmem>>
      %dma_start3A_32 = tpu.memref_squeeze %dma_start3A_31 : memref<1x128x128xf32, #tpu.memory_space<vmem>> -> memref<128x128xf32, #tpu.memory_space<vmem>>
      %dma_start3A_33 = arith.constant 0 : i32
      %dma_start3A_34 = tpu.memref_slice %arg7[%dma_start3A, %dma_start3A_33] : memref<48x128xi32, #tpu.memory_space<vmem>> -> memref<1x128xi32, #tpu.memory_space<vmem>>
      %dma_start3A_35 = tpu.memref_squeeze %dma_start3A_34 : memref<1x128xi32, #tpu.memory_space<vmem>> -> memref<128xi32, #tpu.memory_space<vmem>>
      %dma_start3A_36 = arith.constant 0 : i32
      %dma_start3A_37 = arith.constant 0 : i32
      %dma_start3A_38 = tpu.memref_slice %arg2[%dma_start3A_36, %dma_start3A_37] : memref<10008x128xf32, #tpu.memory_space<hbm>> -> memref<10008x128xf32, #tpu.memory_space<hbm>>
      tpu.enqueue_indirect_dma source(%dma_start3A_38 : memref<10008x128xf32, #tpu.memory_space<hbm>>) target(%dma_start3A_32 : memref<128x128xf32, #tpu.memory_space<vmem>>) offsets(%dma_start3A_35 : memref<128xi32, #tpu.memory_space<vmem>>) semaphore(%arg11 : memref<!tpu.dma_semaphore, #tpu.memory_space<semaphore_mem>>)
      %dma_start3A_39 = arith.constant 1 : i32
      %dma_start3A_40 = arith.constant 1 : i32
      %dma_start3A_41 = arith.constant 0 : i32
      %dma_start3A_42 = arith.constant 0 : i32
      %dma_start3A_43 = tpu.memref_slice %arg9[%dma_start3A_40, %dma_start3A_41, %dma_start3A_42] : memref<2x128x128xf32, #tpu.memory_space<vmem>> -> memref<1x128x128xf32, #tpu.memory_space<vmem>>
      %dma_start3A_44 = tpu.memref_squeeze %dma_start3A_43 : memref<1x128x128xf32, #tpu.memory_space<vmem>> -> memref<128x128xf32, #tpu.memory_space<vmem>>
      %dma_start3A_45 = arith.constant 0 : i32
      %dma_start3A_46 = tpu.memref_slice %arg7[%dma_start3A_39, %dma_start3A_45] : memref<48x128xi32, #tpu.memory_space<vmem>> -> memref<1x128xi32, #tpu.memory_space<vmem>>
      %dma_start3A_47 = tpu.memref_squeeze %dma_start3A_46 : memref<1x128xi32, #tpu.memory_space<vmem>> -> memref<128xi32, #tpu.memory_space<vmem>>
      %dma_start3A_48 = arith.constant 0 : i32
      %dma_start3A_49 = arith.constant 0 : i32
      %dma_start3A_50 = tpu.memref_slice %arg2[%dma_start3A_48, %dma_start3A_49] : memref<10008x128xf32, #tpu.memory_space<hbm>> -> memref<10008x128xf32, #tpu.memory_space<hbm>>
      tpu.enqueue_indirect_dma source(%dma_start3A_50 : memref<10008x128xf32, #tpu.memory_space<hbm>>) target(%dma_start3A_44 : memref<128x128xf32, #tpu.memory_space<vmem>>) offsets(%dma_start3A_47 : memref<128xi32, #tpu.memory_space<vmem>>) semaphore(%arg12 : memref<!tpu.dma_semaphore, #tpu.memory_space<semaphore_mem>>)
      %scan3A = arith.constant 0 : i32
      %scan3A_51 = arith.constant 3 : i32
      %scan3A_52 = arith.addi %scan3A, %scan3A_51 : i32
      %scan3A_53 = arith.constant 1 : i32
      scf.for %scan3A_126 = %scan3A to %scan3A_52 step %scan3A_53  : i32 {
        %mul3A_127 = arith.constant 2 : i32
        %mul3A_128 = arith.muli %scan3A_126, %mul3A_127 : i32
        %add3A_129 = arith.constant 0 : i32
        %add3A_130 = arith.addi %add3A_129, %mul3A_128 : i32
        %dma_wait3A_131 = arith.constant 0 : i32
        %dma_wait3A_132 = arith.constant 0 : i32
        %dma_wait3A_133 = arith.constant 0 : i32
        %dma_wait3A_134 = arith.constant 0 : i32
        %dma_wait3A_135 = tpu.memref_slice %arg9[%dma_wait3A_132, %dma_wait3A_133, %dma_wait3A_134] : memref<2x128x128xf32, #tpu.memory_space<vmem>> -> memref<1x128x128xf32, #tpu.memory_space<vmem>>
        %dma_wait3A_136 = tpu.memref_squeeze %dma_wait3A_135 : memref<1x128x128xf32, #tpu.memory_space<vmem>> -> memref<128x128xf32, #tpu.memory_space<vmem>>
        %dma_wait3A_137 = arith.constant 0 : i32
        %dma_wait3A_138 = tpu.memref_slice %arg7[%dma_wait3A_131, %dma_wait3A_137] : memref<48x128xi32, #tpu.memory_space<vmem>> -> memref<1x128xi32, #tpu.memory_space<vmem>>
        %dma_wait3A_139 = tpu.memref_squeeze %dma_wait3A_138 : memref<1x128xi32, #tpu.memory_space<vmem>> -> memref<128xi32, #tpu.memory_space<vmem>>
        %dma_wait3A_140 = arith.constant 0 : i32
        %dma_wait3A_141 = arith.constant 0 : i32
        %dma_wait3A_142 = tpu.memref_slice %arg2[%dma_wait3A_140, %dma_wait3A_141] : memref<10008x128xf32, #tpu.memory_space<hbm>> -> memref<10008x128xf32, #tpu.memory_space<hbm>>
        tpu.wait_indirect_dma semaphore(%arg11 : memref<!tpu.dma_semaphore, #tpu.memory_space<semaphore_mem>>) src(%dma_wait3A_142 : memref<10008x128xf32, #tpu.memory_space<hbm>>) dst(%dma_wait3A_136 : memref<128x128xf32, #tpu.memory_space<vmem>>)
        %add3A_143 = arith.constant 0 : i32
        %add3A_144 = arith.addi %add3A_130, %add3A_143 : i32
        %dma_start3A_145 = arith.constant 0 : i32
        %dma_start3A_146 = arith.constant 0 : i32
        %dma_start3A_147 = arith.constant 0 : i32
        %dma_start3A_148 = tpu.memref_slice %arg9[%dma_start3A_145, %dma_start3A_146, %dma_start3A_147] : memref<2x128x128xf32, #tpu.memory_space<vmem>> -> memref<1x128x128xf32, #tpu.memory_space<vmem>>
        %dma_start3A_149 = tpu.memref_squeeze %dma_start3A_148 : memref<1x128x128xf32, #tpu.memory_space<vmem>> -> memref<128x128xf32, #tpu.memory_space<vmem>>
        %dma_start3A_150 = arith.constant 0 : i32
        %dma_start3A_151 = tpu.memref_slice %arg8[%add3A_144, %dma_start3A_150] : memref<48x128xi32, #tpu.memory_space<vmem>> -> memref<1x128xi32, #tpu.memory_space<vmem>>
        %dma_start3A_152 = tpu.memref_squeeze %dma_start3A_151 : memref<1x128xi32, #tpu.memory_space<vmem>> -> memref<128xi32, #tpu.memory_space<vmem>>
        %dma_start3A_153 = arith.constant 0 : i32
        %dma_start3A_154 = arith.constant 0 : i32
        %dma_start3A_155 = tpu.memref_slice %arg10[%dma_start3A_153, %dma_start3A_154] : memref<10008x128xf32, #tpu.memory_space<vmem_shared>> -> memref<10008x128xf32, #tpu.memory_space<vmem_shared>>
        tpu.enqueue_indirect_dma source(%dma_start3A_149 : memref<128x128xf32, #tpu.memory_space<vmem>>) target(%dma_start3A_155 : memref<10008x128xf32, #tpu.memory_space<vmem_shared>>) offsets(%dma_start3A_152 : memref<128xi32, #tpu.memory_space<vmem>>) semaphore(%arg13 : memref<!tpu.dma_semaphore, #tpu.memory_space<semaphore_mem>>) {add = true}
        %dma_wait3A_156 = arith.constant 0 : i32
        %dma_wait3A_157 = arith.constant 0 : i32
        %dma_wait3A_158 = arith.constant 0 : i32
        %dma_wait3A_159 = arith.constant 0 : i32
        %dma_wait3A_160 = tpu.memref_slice %arg9[%dma_wait3A_156, %dma_wait3A_158, %dma_wait3A_159] : memref<2x128x128xf32, #tpu.memory_space<vmem>> -> memref<1x128x128xf32, #tpu.memory_space<vmem>>
        %dma_wait3A_161 = tpu.memref_squeeze %dma_wait3A_160 : memref<1x128x128xf32, #tpu.memory_space<vmem>> -> memref<128x128xf32, #tpu.memory_space<vmem>>
        %dma_wait3A_162 = arith.constant 0 : i32
        %dma_wait3A_163 = tpu.memref_slice %arg8[%dma_wait3A_157, %dma_wait3A_162] : memref<48x128xi32, #tpu.memory_space<vmem>> -> memref<1x128xi32, #tpu.memory_space<vmem>>
        %dma_wait3A_164 = tpu.memref_squeeze %dma_wait3A_163 : memref<1x128xi32, #tpu.memory_space<vmem>> -> memref<128xi32, #tpu.memory_space<vmem>>
        %dma_wait3A_165 = arith.constant 0 : i32
        %dma_wait3A_166 = arith.constant 0 : i32
        %dma_wait3A_167 = tpu.memref_slice %arg10[%dma_wait3A_165, %dma_wait3A_166] : memref<10008x128xf32, #tpu.memory_space<vmem_shared>> -> memref<10008x128xf32, #tpu.memory_space<vmem_shared>>
        tpu.wait_indirect_dma semaphore(%arg13 : memref<!tpu.dma_semaphore, #tpu.memory_space<semaphore_mem>>) src(%dma_wait3A_161 : memref<128x128xf32, #tpu.memory_space<vmem>>) dst(%dma_wait3A_167 : memref<10008x128xf32, #tpu.memory_space<vmem_shared>>)
        %add3A_168 = arith.constant 0 : i32
        %add3A_169 = arith.addi %add3A_130, %add3A_168 : i32
        %add3A_170 = arith.constant 2 : i32
        %add3A_171 = arith.addi %add3A_169, %add3A_170 : i32
        %dma_start3A_172 = arith.constant 0 : i32
        %dma_start3A_173 = arith.constant 0 : i32
        %dma_start3A_174 = arith.constant 0 : i32
        %dma_start3A_175 = tpu.memref_slice %arg9[%dma_start3A_172, %dma_start3A_173, %dma_start3A_174] : memref<2x128x128xf32, #tpu.memory_space<vmem>> -> memref<1x128x128xf32, #tpu.memory_space<vmem>>
        %dma_start3A_176 = tpu.memref_squeeze %dma_start3A_175 : memref<1x128x128xf32, #tpu.memory_space<vmem>> -> memref<128x128xf32, #tpu.memory_space<vmem>>
        %dma_start3A_177 = arith.constant 0 : i32
        %dma_start3A_178 = tpu.memref_slice %arg7[%add3A_171, %dma_start3A_177] : memref<48x128xi32, #tpu.memory_space<vmem>> -> memref<1x128xi32, #tpu.memory_space<vmem>>
        %dma_start3A_179 = tpu.memref_squeeze %dma_start3A_178 : memref<1x128xi32, #tpu.memory_space<vmem>> -> memref<128xi32, #tpu.memory_space<vmem>>
        %dma_start3A_180 = arith.constant 0 : i32
        %dma_start3A_181 = arith.constant 0 : i32
        %dma_start3A_182 = tpu.memref_slice %arg2[%dma_start3A_180, %dma_start3A_181] : memref<10008x128xf32, #tpu.memory_space<hbm>> -> memref<10008x128xf32, #tpu.memory_space<hbm>>
        tpu.enqueue_indirect_dma source(%dma_start3A_182 : memref<10008x128xf32, #tpu.memory_space<hbm>>) target(%dma_start3A_176 : memref<128x128xf32, #tpu.memory_space<vmem>>) offsets(%dma_start3A_179 : memref<128xi32, #tpu.memory_space<vmem>>) semaphore(%arg11 : memref<!tpu.dma_semaphore, #tpu.memory_space<semaphore_mem>>)
        %dma_wait3A_183 = arith.constant 0 : i32
        %dma_wait3A_184 = arith.constant 1 : i32
        %dma_wait3A_185 = arith.constant 0 : i32
        %dma_wait3A_186 = arith.constant 0 : i32
        %dma_wait3A_187 = tpu.memref_slice %arg9[%dma_wait3A_184, %dma_wait3A_185, %dma_wait3A_186] : memref<2x128x128xf32, #tpu.memory_space<vmem>> -> memref<1x128x128xf32, #tpu.memory_space<vmem>>
        %dma_wait3A_188 = tpu.memref_squeeze %dma_wait3A_187 : memref<1x128x128xf32, #tpu.memory_space<vmem>> -> memref<128x128xf32, #tpu.memory_space<vmem>>
        %dma_wait3A_189 = arith.constant 0 : i32
        %dma_wait3A_190 = tpu.memref_slice %arg7[%dma_wait3A_183, %dma_wait3A_189] : memref<48x128xi32, #tpu.memory_space<vmem>> -> memref<1x128xi32, #tpu.memory_space<vmem>>
        %dma_wait3A_191 = tpu.memref_squeeze %dma_wait3A_190 : memref<1x128xi32, #tpu.memory_space<vmem>> -> memref<128xi32, #tpu.memory_space<vmem>>
        %dma_wait3A_192 = arith.constant 0 : i32
        %dma_wait3A_193 = arith.constant 0 : i32
        %dma_wait3A_194 = tpu.memref_slice %arg2[%dma_wait3A_192, %dma_wait3A_193] : memref<10008x128xf32, #tpu.memory_space<hbm>> -> memref<10008x128xf32, #tpu.memory_space<hbm>>
        tpu.wait_indirect_dma semaphore(%arg12 : memref<!tpu.dma_semaphore, #tpu.memory_space<semaphore_mem>>) src(%dma_wait3A_194 : memref<10008x128xf32, #tpu.memory_space<hbm>>) dst(%dma_wait3A_188 : memref<128x128xf32, #tpu.memory_space<vmem>>)
        %add3A_195 = arith.constant 1 : i32
        %add3A_196 = arith.addi %add3A_130, %add3A_195 : i32
        %dma_start3A_197 = arith.constant 1 : i32
        %dma_start3A_198 = arith.constant 0 : i32
        %dma_start3A_199 = arith.constant 0 : i32
        %dma_start3A_200 = tpu.memref_slice %arg9[%dma_start3A_197, %dma_start3A_198, %dma_start3A_199] : memref<2x128x128xf32, #tpu.memory_space<vmem>> -> memref<1x128x128xf32, #tpu.memory_space<vmem>>
        %dma_start3A_201 = tpu.memref_squeeze %dma_start3A_200 : memref<1x128x128xf32, #tpu.memory_space<vmem>> -> memref<128x128xf32, #tpu.memory_space<vmem>>
        %dma_start3A_202 = arith.constant 0 : i32
        %dma_start3A_203 = tpu.memref_slice %arg8[%add3A_196, %dma_start3A_202] : memref<48x128xi32, #tpu.memory_space<vmem>> -> memref<1x128xi32, #tpu.memory_space<vmem>>
        %dma_start3A_204 = tpu.memref_squeeze %dma_start3A_203 : memref<1x128xi32, #tpu.memory_space<vmem>> -> memref<128xi32, #tpu.memory_space<vmem>>
        %dma_start3A_205 = arith.constant 0 : i32
        %dma_start3A_206 = arith.constant 0 : i32
        %dma_start3A_207 = tpu.memref_slice %arg10[%dma_start3A_205, %dma_start3A_206] : memref<10008x128xf32, #tpu.memory_space<vmem_shared>> -> memref<10008x128xf32, #tpu.memory_space<vmem_shared>>
        tpu.enqueue_indirect_dma source(%dma_start3A_201 : memref<128x128xf32, #tpu.memory_space<vmem>>) target(%dma_start3A_207 : memref<10008x128xf32, #tpu.memory_space<vmem_shared>>) offsets(%dma_start3A_204 : memref<128xi32, #tpu.memory_space<vmem>>) semaphore(%arg14 : memref<!tpu.dma_semaphore, #tpu.memory_space<semaphore_mem>>) {add = true}
        %dma_wait3A_208 = arith.constant 1 : i32
        %dma_wait3A_209 = arith.constant 0 : i32
        %dma_wait3A_210 = arith.constant 0 : i32
        %dma_wait3A_211 = arith.constant 0 : i32
        %dma_wait3A_212 = tpu.memref_slice %arg9[%dma_wait3A_208, %dma_wait3A_210, %dma_wait3A_211] : memref<2x128x128xf32, #tpu.memory_space<vmem>> -> memref<1x128x128xf32, #tpu.memory_space<vmem>>
        %dma_wait3A_213 = tpu.memref_squeeze %dma_wait3A_212 : memref<1x128x128xf32, #tpu.memory_space<vmem>> -> memref<128x128xf32, #tpu.memory_space<vmem>>
        %dma_wait3A_214 = arith.constant 0 : i32
        %dma_wait3A_215 = tpu.memref_slice %arg8[%dma_wait3A_209, %dma_wait3A_214] : memref<48x128xi32, #tpu.memory_space<vmem>> -> memref<1x128xi32, #tpu.memory_space<vmem>>
        %dma_wait3A_216 = tpu.memref_squeeze %dma_wait3A_215 : memref<1x128xi32, #tpu.memory_space<vmem>> -> memref<128xi32, #tpu.memory_space<vmem>>
        %dma_wait3A_217 = arith.constant 0 : i32
        %dma_wait3A_218 = arith.constant 0 : i32
        %dma_wait3A_219 = tpu.memref_slice %arg10[%dma_wait3A_217, %dma_wait3A_218] : memref<10008x128xf32, #tpu.memory_space<vmem_shared>> -> memref<10008x128xf32, #tpu.memory_space<vmem_shared>>
        tpu.wait_indirect_dma semaphore(%arg14 : memref<!tpu.dma_semaphore, #tpu.memory_space<semaphore_mem>>) src(%dma_wait3A_213 : memref<128x128xf32, #tpu.memory_space<vmem>>) dst(%dma_wait3A_219 : memref<10008x128xf32, #tpu.memory_space<vmem_shared>>)
        %add3A_220 = arith.constant 1 : i32
        %add3A_221 = arith.addi %add3A_130, %add3A_220 : i32
        %add3A_222 = arith.constant 2 : i32
        %add3A_223 = arith.addi %add3A_221, %add3A_222 : i32
        %dma_start3A_224 = arith.constant 1 : i32
        %dma_start3A_225 = arith.constant 0 : i32
        %dma_start3A_226 = arith.constant 0 : i32
        %dma_start3A_227 = tpu.memref_slice %arg9[%dma_start3A_224, %dma_start3A_225, %dma_start3A_226] : memref<2x128x128xf32, #tpu.memory_space<vmem>> -> memref<1x128x128xf32, #tpu.memory_space<vmem>>
        %dma_start3A_228 = tpu.memref_squeeze %dma_start3A_227 : memref<1x128x128xf32, #tpu.memory_space<vmem>> -> memref<128x128xf32, #tpu.memory_space<vmem>>
        %dma_start3A_229 = arith.constant 0 : i32
        %dma_start3A_230 = tpu.memref_slice %arg7[%add3A_223, %dma_start3A_229] : memref<48x128xi32, #tpu.memory_space<vmem>> -> memref<1x128xi32, #tpu.memory_space<vmem>>
        %dma_start3A_231 = tpu.memref_squeeze %dma_start3A_230 : memref<1x128xi32, #tpu.memory_space<vmem>> -> memref<128xi32, #tpu.memory_space<vmem>>
        %dma_start3A_232 = arith.constant 0 : i32
        %dma_start3A_233 = arith.constant 0 : i32
        %dma_start3A_234 = tpu.memref_slice %arg2[%dma_start3A_232, %dma_start3A_233] : memref<10008x128xf32, #tpu.memory_space<hbm>> -> memref<10008x128xf32, #tpu.memory_space<hbm>>
        tpu.enqueue_indirect_dma source(%dma_start3A_234 : memref<10008x128xf32, #tpu.memory_space<hbm>>) target(%dma_start3A_228 : memref<128x128xf32, #tpu.memory_space<vmem>>) offsets(%dma_start3A_231 : memref<128xi32, #tpu.memory_space<vmem>>) semaphore(%arg12 : memref<!tpu.dma_semaphore, #tpu.memory_space<semaphore_mem>>)
      }
      %scan3A_54 = arith.constant 3 : i32
      %dma_wait3A = arith.constant 0 : i32
      %dma_wait3A_55 = arith.constant 0 : i32
      %dma_wait3A_56 = arith.constant 0 : i32
      %dma_wait3A_57 = arith.constant 0 : i32
      %dma_wait3A_58 = tpu.memref_slice %arg9[%dma_wait3A_55, %dma_wait3A_56, %dma_wait3A_57] : memref<2x128x128xf32, #tpu.memory_space<vmem>> -> memref<1x128x128xf32, #tpu.memory_space<vmem>>
      %dma_wait3A_59 = tpu.memref_squeeze %dma_wait3A_58 : memref<1x128x128xf32, #tpu.memory_space<vmem>> -> memref<128x128xf32, #tpu.memory_space<vmem>>
      %dma_wait3A_60 = arith.constant 0 : i32
      %dma_wait3A_61 = tpu.memref_slice %arg7[%dma_wait3A, %dma_wait3A_60] : memref<48x128xi32, #tpu.memory_space<vmem>> -> memref<1x128xi32, #tpu.memory_space<vmem>>
      %dma_wait3A_62 = tpu.memref_squeeze %dma_wait3A_61 : memref<1x128xi32, #tpu.memory_space<vmem>> -> memref<128xi32, #tpu.memory_space<vmem>>
      %dma_wait3A_63 = arith.constant 0 : i32
      %dma_wait3A_64 = arith.constant 0 : i32
      %dma_wait3A_65 = tpu.memref_slice %arg2[%dma_wait3A_63, %dma_wait3A_64] : memref<10008x128xf32, #tpu.memory_space<hbm>> -> memref<10008x128xf32, #tpu.memory_space<hbm>>
      tpu.wait_indirect_dma semaphore(%arg11 : memref<!tpu.dma_semaphore, #tpu.memory_space<semaphore_mem>>) src(%dma_wait3A_65 : memref<10008x128xf32, #tpu.memory_space<hbm>>) dst(%dma_wait3A_59 : memref<128x128xf32, #tpu.memory_space<vmem>>)
      %dma_start3A_66 = arith.constant 0 : i32
      %dma_start3A_67 = arith.constant 6 : i32
      %dma_start3A_68 = arith.constant 0 : i32
      %dma_start3A_69 = arith.constant 0 : i32
      %dma_start3A_70 = tpu.memref_slice %arg9[%dma_start3A_66, %dma_start3A_68, %dma_start3A_69] : memref<2x128x128xf32, #tpu.memory_space<vmem>> -> memref<1x128x128xf32, #tpu.memory_space<vmem>>
      %dma_start3A_71 = tpu.memref_squeeze %dma_start3A_70 : memref<1x128x128xf32, #tpu.memory_space<vmem>> -> memref<128x128xf32, #tpu.memory_space<vmem>>
      %dma_start3A_72 = arith.constant 0 : i32
      %dma_start3A_73 = tpu.memref_slice %arg8[%dma_start3A_67, %dma_start3A_72] : memref<48x128xi32, #tpu.memory_space<vmem>> -> memref<1x128xi32, #tpu.memory_space<vmem>>
      %dma_start3A_74 = tpu.memref_squeeze %dma_start3A_73 : memref<1x128xi32, #tpu.memory_space<vmem>> -> memref<128xi32, #tpu.memory_space<vmem>>
      %dma_start3A_75 = arith.constant 0 : i32
      %dma_start3A_76 = arith.constant 0 : i32
      %dma_start3A_77 = tpu.memref_slice %arg10[%dma_start3A_75, %dma_start3A_76] : memref<10008x128xf32, #tpu.memory_space<vmem_shared>> -> memref<10008x128xf32, #tpu.memory_space<vmem_shared>>
      tpu.enqueue_indirect_dma source(%dma_start3A_71 : memref<128x128xf32, #tpu.memory_space<vmem>>) target(%dma_start3A_77 : memref<10008x128xf32, #tpu.memory_space<vmem_shared>>) offsets(%dma_start3A_74 : memref<128xi32, #tpu.memory_space<vmem>>) semaphore(%arg13 : memref<!tpu.dma_semaphore, #tpu.memory_space<semaphore_mem>>) {add = true}
      %dma_wait3A_78 = arith.constant 0 : i32
      %dma_wait3A_79 = arith.constant 0 : i32
      %dma_wait3A_80 = arith.constant 0 : i32
      %dma_wait3A_81 = arith.constant 0 : i32
      %dma_wait3A_82 = tpu.memref_slice %arg9[%dma_wait3A_78, %dma_wait3A_80, %dma_wait3A_81] : memref<2x128x128xf32, #tpu.memory_space<vmem>> -> memref<1x128x128xf32, #tpu.memory_space<vmem>>
      %dma_wait3A_83 = tpu.memref_squeeze %dma_wait3A_82 : memref<1x128x128xf32, #tpu.memory_space<vmem>> -> memref<128x128xf32, #tpu.memory_space<vmem>>
      %dma_wait3A_84 = arith.constant 0 : i32
      %dma_wait3A_85 = tpu.memref_slice %arg8[%dma_wait3A_79, %dma_wait3A_84] : memref<48x128xi32, #tpu.memory_space<vmem>> -> memref<1x128xi32, #tpu.memory_space<vmem>>
      %dma_wait3A_86 = tpu.memref_squeeze %dma_wait3A_85 : memref<1x128xi32, #tpu.memory_space<vmem>> -> memref<128xi32, #tpu.memory_space<vmem>>
      %dma_wait3A_87 = arith.constant 0 : i32
      %dma_wait3A_88 = arith.constant 0 : i32
      %dma_wait3A_89 = tpu.memref_slice %arg10[%dma_wait3A_87, %dma_wait3A_88] : memref<10008x128xf32, #tpu.memory_space<vmem_shared>> -> memref<10008x128xf32, #tpu.memory_space<vmem_shared>>
      tpu.wait_indirect_dma semaphore(%arg13 : memref<!tpu.dma_semaphore, #tpu.memory_space<semaphore_mem>>) src(%dma_wait3A_83 : memref<128x128xf32, #tpu.memory_space<vmem>>) dst(%dma_wait3A_89 : memref<10008x128xf32, #tpu.memory_space<vmem_shared>>)
      %dma_wait3A_90 = arith.constant 0 : i32
      %dma_wait3A_91 = arith.constant 1 : i32
      %dma_wait3A_92 = arith.constant 0 : i32
      %dma_wait3A_93 = arith.constant 0 : i32
      %dma_wait3A_94 = tpu.memref_slice %arg9[%dma_wait3A_91, %dma_wait3A_92, %dma_wait3A_93] : memref<2x128x128xf32, #tpu.memory_space<vmem>> -> memref<1x128x128xf32, #tpu.memory_space<vmem>>
      %dma_wait3A_95 = tpu.memref_squeeze %dma_wait3A_94 : memref<1x128x128xf32, #tpu.memory_space<vmem>> -> memref<128x128xf32, #tpu.memory_space<vmem>>
      %dma_wait3A_96 = arith.constant 0 : i32
      %dma_wait3A_97 = tpu.memref_slice %arg7[%dma_wait3A_90, %dma_wait3A_96] : memref<48x128xi32, #tpu.memory_space<vmem>> -> memref<1x128xi32, #tpu.memory_space<vmem>>
      %dma_wait3A_98 = tpu.memref_squeeze %dma_wait3A_97 : memref<1x128xi32, #tpu.memory_space<vmem>> -> memref<128xi32, #tpu.memory_space<vmem>>
      %dma_wait3A_99 = arith.constant 0 : i32
      %dma_wait3A_100 = arith.constant 0 : i32
      %dma_wait3A_101 = tpu.memref_slice %arg2[%dma_wait3A_99, %dma_wait3A_100] : memref<10008x128xf32, #tpu.memory_space<hbm>> -> memref<10008x128xf32, #tpu.memory_space<hbm>>
      tpu.wait_indirect_dma semaphore(%arg12 : memref<!tpu.dma_semaphore, #tpu.memory_space<semaphore_mem>>) src(%dma_wait3A_101 : memref<10008x128xf32, #tpu.memory_space<hbm>>) dst(%dma_wait3A_95 : memref<128x128xf32, #tpu.memory_space<vmem>>)
      %dma_start3A_102 = arith.constant 1 : i32
      %dma_start3A_103 = arith.constant 7 : i32
      %dma_start3A_104 = arith.constant 0 : i32
      %dma_start3A_105 = arith.constant 0 : i32
      %dma_start3A_106 = tpu.memref_slice %arg9[%dma_start3A_102, %dma_start3A_104, %dma_start3A_105] : memref<2x128x128xf32, #tpu.memory_space<vmem>> -> memref<1x128x128xf32, #tpu.memory_space<vmem>>
      %dma_start3A_107 = tpu.memref_squeeze %dma_start3A_106 : memref<1x128x128xf32, #tpu.memory_space<vmem>> -> memref<128x128xf32, #tpu.memory_space<vmem>>
      %dma_start3A_108 = arith.constant 0 : i32
      %dma_start3A_109 = tpu.memref_slice %arg8[%dma_start3A_103, %dma_start3A_108] : memref<48x128xi32, #tpu.memory_space<vmem>> -> memref<1x128xi32, #tpu.memory_space<vmem>>
      %dma_start3A_110 = tpu.memref_squeeze %dma_start3A_109 : memref<1x128xi32, #tpu.memory_space<vmem>> -> memref<128xi32, #tpu.memory_space<vmem>>
      %dma_start3A_111 = arith.constant 0 : i32
      %dma_start3A_112 = arith.constant 0 : i32
      %dma_start3A_113 = tpu.memref_slice %arg10[%dma_start3A_111, %dma_start3A_112] : memref<10008x128xf32, #tpu.memory_space<vmem_shared>> -> memref<10008x128xf32, #tpu.memory_space<vmem_shared>>
      tpu.enqueue_indirect_dma source(%dma_start3A_107 : memref<128x128xf32, #tpu.memory_space<vmem>>) target(%dma_start3A_113 : memref<10008x128xf32, #tpu.memory_space<vmem_shared>>) offsets(%dma_start3A_110 : memref<128xi32, #tpu.memory_space<vmem>>) semaphore(%arg14 : memref<!tpu.dma_semaphore, #tpu.memory_space<semaphore_mem>>) {add = true}
      %dma_wait3A_114 = arith.constant 1 : i32
      %dma_wait3A_115 = arith.constant 0 : i32
      %dma_wait3A_116 = arith.constant 0 : i32
      %dma_wait3A_117 = arith.constant 0 : i32
      %dma_wait3A_118 = tpu.memref_slice %arg9[%dma_wait3A_114, %dma_wait3A_116, %dma_wait3A_117] : memref<2x128x128xf32, #tpu.memory_space<vmem>> -> memref<1x128x128xf32, #tpu.memory_space<vmem>>
      %dma_wait3A_119 = tpu.memref_squeeze %dma_wait3A_118 : memref<1x128x128xf32, #tpu.memory_space<vmem>> -> memref<128x128xf32, #tpu.memory_space<vmem>>
      %dma_wait3A_120 = arith.constant 0 : i32
      %dma_wait3A_121 = tpu.memref_slice %arg8[%dma_wait3A_115, %dma_wait3A_120] : memref<48x128xi32, #tpu.memory_space<vmem>> -> memref<1x128xi32, #tpu.memory_space<vmem>>
      %dma_wait3A_122 = tpu.memref_squeeze %dma_wait3A_121 : memref<1x128xi32, #tpu.memory_space<vmem>> -> memref<128xi32, #tpu.memory_space<vmem>>
      %dma_wait3A_123 = arith.constant 0 : i32
      %dma_wait3A_124 = arith.constant 0 : i32
      %dma_wait3A_125 = tpu.memref_slice %arg10[%dma_wait3A_123, %dma_wait3A_124] : memref<10008x128xf32, #tpu.memory_space<vmem_shared>> -> memref<10008x128xf32, #tpu.memory_space<vmem_shared>>
      tpu.wait_indirect_dma semaphore(%arg14 : memref<!tpu.dma_semaphore, #tpu.memory_space<semaphore_mem>>) src(%dma_wait3A_119 : memref<128x128xf32, #tpu.memory_space<vmem>>) dst(%dma_wait3A_125 : memref<10008x128xf32, #tpu.memory_space<vmem_shared>>)
    } else {
    }
    %barrier3A_17 = arith.constant 0 : index
    tpu.barrier barrier_id(%barrier3A_17)
    "tpu.region"() ({
      %run_scoped3A = tpu.sem_alloc : memref<!tpu.dma_semaphore, #tpu.memory_space<semaphore_mem>>
      %dma_start3A = arith.constant 0 : i32
      %dma_start3A_23 = arith.constant 0 : i32
      %dma_start3A_24 = tpu.memref_slice %arg6[%arg0, %dma_start3A, %dma_start3A_23] : memref<2x10008x128xf32, #tpu.memory_space<hbm>> -> memref<1x10008x128xf32, #tpu.memory_space<hbm>>
      %dma_start3A_25 = tpu.memref_squeeze %dma_start3A_24 : memref<1x10008x128xf32, #tpu.memory_space<hbm>> -> memref<10008x128xf32, #tpu.memory_space<hbm>>
      %dma_start3A_26 = arith.constant 0 : i32
      %dma_start3A_27 = tpu.memref_slice %dma_start3A_25[%mul3A_0, %dma_start3A_26] : memref<10008x128xf32, #tpu.memory_space<hbm>> -> memref<624x128xf32, #tpu.memory_space<hbm>>
      %dma_start3A_28 = arith.constant 0 : i32
      %dma_start3A_29 = tpu.memref_slice %arg10[%mul3A_0, %dma_start3A_28] : memref<10008x128xf32, #tpu.memory_space<vmem_shared>> -> memref<624x128xf32, #tpu.memory_space<vmem_shared>>
      tpu.enqueue_dma source(%dma_start3A_29 : memref<624x128xf32, #tpu.memory_space<vmem_shared>>) target(%dma_start3A_27 : memref<624x128xf32, #tpu.memory_space<hbm>>) target_semaphore(%run_scoped3A : memref<!tpu.dma_semaphore, #tpu.memory_space<semaphore_mem>>)
      %dma_wait3A = arith.constant 0 : i32
      %dma_wait3A_30 = arith.constant 0 : i32
      %dma_wait3A_31 = tpu.memref_slice %arg6[%arg0, %dma_wait3A, %dma_wait3A_30] : memref<2x10008x128xf32, #tpu.memory_space<hbm>> -> memref<1x10008x128xf32, #tpu.memory_space<hbm>>
      %dma_wait3A_32 = tpu.memref_squeeze %dma_wait3A_31 : memref<1x10008x128xf32, #tpu.memory_space<hbm>> -> memref<10008x128xf32, #tpu.memory_space<hbm>>
      %dma_wait3A_33 = arith.constant 0 : i32
      %dma_wait3A_34 = tpu.memref_slice %dma_wait3A_32[%mul3A_0, %dma_wait3A_33] : memref<10008x128xf32, #tpu.memory_space<hbm>> -> memref<624x128xf32, #tpu.memory_space<hbm>>
      %dma_wait3A_35 = arith.constant 0 : i32
      %dma_wait3A_36 = tpu.memref_slice %arg10[%mul3A_0, %dma_wait3A_35] : memref<10008x128xf32, #tpu.memory_space<vmem_shared>> -> memref<624x128xf32, #tpu.memory_space<vmem_shared>>
      tpu.wait_dma2 semaphore(%run_scoped3A : memref<!tpu.dma_semaphore, #tpu.memory_space<semaphore_mem>>) src(%dma_wait3A_36 : memref<624x128xf32, #tpu.memory_space<vmem_shared>>) dst(%dma_wait3A_34 : memref<624x128xf32, #tpu.memory_space<hbm>>)
      tpu.yield
    }) : () -> ()
    %eq3A_18 = arith.constant 0 : i32
    %eq3A_19 = arith.cmpi eq, %arg1, %eq3A_18 : i32
    %convert_element_type3A_20 = arith.extui %eq3A_19 : i1 to i32
    %cond3A_21 = arith.constant 0 : i32
    %cond3A_22 = arith.cmpi ne, %convert_element_type3A_20, %cond3A_21 : i32
    scf.if %cond3A_22 {
      "tpu.region"() ({
        %run_scoped3A = tpu.sem_alloc : memref<!tpu.dma_semaphore, #tpu.memory_space<semaphore_mem>>
        %dma_start3A = arith.constant 0 : i32
        %dma_start3A_23 = arith.constant 0 : i32
        %dma_start3A_24 = tpu.memref_slice %arg6[%arg0, %dma_start3A, %dma_start3A_23] : memref<2x10008x128xf32, #tpu.memory_space<hbm>> -> memref<1x10008x128xf32, #tpu.memory_space<hbm>>
        %dma_start3A_25 = tpu.memref_squeeze %dma_start3A_24 : memref<1x10008x128xf32, #tpu.memory_space<hbm>> -> memref<10008x128xf32, #tpu.memory_space<hbm>>
        %dma_start3A_26 = arith.constant 9984 : i32
        %dma_start3A_27 = arith.constant 0 : i32
        %dma_start3A_28 = tpu.memref_slice %dma_start3A_25[%dma_start3A_26, %dma_start3A_27] : memref<10008x128xf32, #tpu.memory_space<hbm>> -> memref<24x128xf32, #tpu.memory_space<hbm>>
        %dma_start3A_29 = arith.constant 9984 : i32
        %dma_start3A_30 = arith.constant 0 : i32
        %dma_start3A_31 = tpu.memref_slice %arg10[%dma_start3A_29, %dma_start3A_30] : memref<10008x128xf32, #tpu.memory_space<vmem_shared>> -> memref<24x128xf32, #tpu.memory_space<vmem_shared>>
        tpu.enqueue_dma source(%dma_start3A_31 : memref<24x128xf32, #tpu.memory_space<vmem_shared>>) target(%dma_start3A_28 : memref<24x128xf32, #tpu.memory_space<hbm>>) target_semaphore(%run_scoped3A : memref<!tpu.dma_semaphore, #tpu.memory_space<semaphore_mem>>)
        %dma_wait3A = arith.constant 0 : i32
        %dma_wait3A_32 = arith.constant 0 : i32
        %dma_wait3A_33 = tpu.memref_slice %arg6[%arg0, %dma_wait3A, %dma_wait3A_32] : memref<2x10008x128xf32, #tpu.memory_space<hbm>> -> memref<1x10008x128xf32, #tpu.memory_space<hbm>>
        %dma_wait3A_34 = tpu.memref_squeeze %dma_wait3A_33 : memref<1x10008x128xf32, #tpu.memory_space<hbm>> -> memref<10008x128xf32, #tpu.memory_space<hbm>>
        %dma_wait3A_35 = arith.constant 9984 : i32
        %dma_wait3A_36 = arith.constant 0 : i32
        %dma_wait3A_37 = tpu.memref_slice %dma_wait3A_34[%dma_wait3A_35, %dma_wait3A_36] : memref<10008x128xf32, #tpu.memory_space<hbm>> -> memref<24x128xf32, #tpu.memory_space<hbm>>
        %dma_wait3A_38 = arith.constant 9984 : i32
        %dma_wait3A_39 = arith.constant 0 : i32
        %dma_wait3A_40 = tpu.memref_slice %arg10[%dma_wait3A_38, %dma_wait3A_39] : memref<10008x128xf32, #tpu.memory_space<vmem_shared>> -> memref<24x128xf32, #tpu.memory_space<vmem_shared>>
        tpu.wait_dma2 semaphore(%run_scoped3A : memref<!tpu.dma_semaphore, #tpu.memory_space<semaphore_mem>>) src(%dma_wait3A_40 : memref<24x128xf32, #tpu.memory_space<vmem_shared>>) dst(%dma_wait3A_37 : memref<24x128xf32, #tpu.memory_space<hbm>>)
        tpu.yield
      }) : () -> ()
    } else {
    }
    return
  }
}

#map = affine_map<(d0, d1) -> (0, 0)>
#map1 = affine_map<(d0, d1) -> (0, 0, 0)>
module attributes {stable_mosaic.version = 14 : i64} {
  func.func @_sc_segsum_body(%arg0: i32, %arg1: i32, %arg2: memref<10008x128xf32, #tpu.memory_space<hbm>>, %arg3: memref<2560x128xi32, #tpu.memory_space<hbm>>, %arg4: memref<2560x128xi32, #tpu.memory_space<hbm>>, %arg5: memref<10008x128xf32, #tpu.memory_space<hbm>>, %arg6: memref<2x10008x128xf32, #tpu.memory_space<hbm>>, %arg7: memref<48x128xi32, #tpu.memory_space<vmem>>, %arg8: memref<48x128xi32, #tpu.memory_space<vmem>>, %arg9: memref<2x128x128xf32, #tpu.memory_space<vmem>>, %arg10: memref<10008x128xf32, #tpu.memory_space<vmem_shared>>, %arg11: memref<!tpu.dma_semaphore, #tpu.memory_space<semaphore_mem>>, %arg12: memref<!tpu.dma_semaphore, #tpu.memory_space<semaphore_mem>>, %arg13: memref<!tpu.dma_semaphore, #tpu.memory_space<semaphore_mem>>, %arg14: memref<!tpu.dma_semaphore, #tpu.memory_space<semaphore_mem>>) attributes {dimension_semantics = [#tpu.dimension_semantics<core_parallel>, #tpu.dimension_semantics<subcore_parallel>], iteration_bounds = array<i64: 2, 16>, scalar_prefetch = 0 : i64, scratch_operands = 8 : i64, tpu.core_type = #tpu.core_type<sc_vector_subcore>, window_params = [{transform_indices = #map}, {transform_indices = #map}, {transform_indices = #map}, {transform_indices = #map}, {transform_indices = #map1}]} {
    %mul3A = arith.constant 624 : i32
    %mul3A_0 = arith.muli %arg1, %mul3A : i32
    %ne3A = arith.constant 0 : i32
    %ne3A_1 = arith.cmpi ne, %arg0, %ne3A : i32
    %convert_element_type3A = arith.extui %ne3A_1 : i1 to i32
    %cond3A = arith.constant 0 : i32
    %cond3A_2 = arith.cmpi ne, %convert_element_type3A, %cond3A : i32
    scf.if %cond3A_2 {
      "tpu.region"() ({
        %run_scoped3A = tpu.sem_alloc : memref<!tpu.dma_semaphore, #tpu.memory_space<semaphore_mem>>
        %dma_start3A = arith.constant 0 : i32
        %dma_start3A_28 = tpu.memref_slice %arg10[%mul3A_0, %dma_start3A] : memref<10008x128xf32, #tpu.memory_space<vmem_shared>> -> memref<624x128xf32, #tpu.memory_space<vmem_shared>>
        %dma_start3A_29 = arith.constant 0 : i32
        %dma_start3A_30 = tpu.memref_slice %arg2[%mul3A_0, %dma_start3A_29] : memref<10008x128xf32, #tpu.memory_space<hbm>> -> memref<624x128xf32, #tpu.memory_space<hbm>>
        tpu.enqueue_dma source(%dma_start3A_30 : memref<624x128xf32, #tpu.memory_space<hbm>>) target(%dma_start3A_28 : memref<624x128xf32, #tpu.memory_space<vmem_shared>>) target_semaphore(%run_scoped3A : memref<!tpu.dma_semaphore, #tpu.memory_space<semaphore_mem>>)
        %dma_wait3A = arith.constant 0 : i32
        %dma_wait3A_31 = tpu.memref_slice %arg10[%mul3A_0, %dma_wait3A] : memref<10008x128xf32, #tpu.memory_space<vmem_shared>> -> memref<624x128xf32, #tpu.memory_space<vmem_shared>>
        %dma_wait3A_32 = arith.constant 0 : i32
        %dma_wait3A_33 = tpu.memref_slice %arg2[%mul3A_0, %dma_wait3A_32] : memref<10008x128xf32, #tpu.memory_space<hbm>> -> memref<624x128xf32, #tpu.memory_space<hbm>>
        tpu.wait_dma2 semaphore(%run_scoped3A : memref<!tpu.dma_semaphore, #tpu.memory_space<semaphore_mem>>) src(%dma_wait3A_33 : memref<624x128xf32, #tpu.memory_space<hbm>>) dst(%dma_wait3A_31 : memref<624x128xf32, #tpu.memory_space<vmem_shared>>)
        tpu.yield
      }) : () -> ()
      %eq3A_23 = arith.constant 0 : i32
      %eq3A_24 = arith.cmpi eq, %arg1, %eq3A_23 : i32
      %convert_element_type3A_25 = arith.extui %eq3A_24 : i1 to i32
      %cond3A_26 = arith.constant 0 : i32
      %cond3A_27 = arith.cmpi ne, %convert_element_type3A_25, %cond3A_26 : i32
      scf.if %cond3A_27 {
        "tpu.region"() ({
          %run_scoped3A = tpu.sem_alloc : memref<!tpu.dma_semaphore, #tpu.memory_space<semaphore_mem>>
          %dma_start3A = arith.constant 9984 : i32
          %dma_start3A_28 = arith.constant 0 : i32
          %dma_start3A_29 = tpu.memref_slice %arg10[%dma_start3A, %dma_start3A_28] : memref<10008x128xf32, #tpu.memory_space<vmem_shared>> -> memref<24x128xf32, #tpu.memory_space<vmem_shared>>
          %dma_start3A_30 = arith.constant 9984 : i32
          %dma_start3A_31 = arith.constant 0 : i32
          %dma_start3A_32 = tpu.memref_slice %arg2[%dma_start3A_30, %dma_start3A_31] : memref<10008x128xf32, #tpu.memory_space<hbm>> -> memref<24x128xf32, #tpu.memory_space<hbm>>
          tpu.enqueue_dma source(%dma_start3A_32 : memref<24x128xf32, #tpu.memory_space<hbm>>) target(%dma_start3A_29 : memref<24x128xf32, #tpu.memory_space<vmem_shared>>) target_semaphore(%run_scoped3A : memref<!tpu.dma_semaphore, #tpu.memory_space<semaphore_mem>>)
          %dma_wait3A = arith.constant 9984 : i32
          %dma_wait3A_33 = arith.constant 0 : i32
          %dma_wait3A_34 = tpu.memref_slice %arg10[%dma_wait3A, %dma_wait3A_33] : memref<10008x128xf32, #tpu.memory_space<vmem_shared>> -> memref<24x128xf32, #tpu.memory_space<vmem_shared>>
          %dma_wait3A_35 = arith.constant 9984 : i32
          %dma_wait3A_36 = arith.constant 0 : i32
          %dma_wait3A_37 = tpu.memref_slice %arg2[%dma_wait3A_35, %dma_wait3A_36] : memref<10008x128xf32, #tpu.memory_space<hbm>> -> memref<24x128xf32, #tpu.memory_space<hbm>>
          tpu.wait_dma2 semaphore(%run_scoped3A : memref<!tpu.dma_semaphore, #tpu.memory_space<semaphore_mem>>) src(%dma_wait3A_37 : memref<24x128xf32, #tpu.memory_space<hbm>>) dst(%dma_wait3A_34 : memref<24x128xf32, #tpu.memory_space<vmem_shared>>)
          tpu.yield
        }) : () -> ()
      } else {
      }
    } else {
    }
    %eq3A = arith.constant 0 : i32
    %eq3A_3 = arith.cmpi eq, %arg0, %eq3A : i32
    %convert_element_type3A_4 = arith.extui %eq3A_3 : i1 to i32
    %cond3A_5 = arith.constant 0 : i32
    %cond3A_6 = arith.cmpi ne, %convert_element_type3A_4, %cond3A_5 : i32
    scf.if %cond3A_6 {
      "tpu.region"() ({
        %run_scoped3A = tpu.sem_alloc : memref<!tpu.dma_semaphore, #tpu.memory_space<semaphore_mem>>
        %dma_start3A = arith.constant 0 : i32
        %dma_start3A_28 = tpu.memref_slice %arg10[%mul3A_0, %dma_start3A] : memref<10008x128xf32, #tpu.memory_space<vmem_shared>> -> memref<624x128xf32, #tpu.memory_space<vmem_shared>>
        %dma_start3A_29 = arith.constant 0 : i32
        %dma_start3A_30 = tpu.memref_slice %arg5[%mul3A_0, %dma_start3A_29] : memref<10008x128xf32, #tpu.memory_space<hbm>> -> memref<624x128xf32, #tpu.memory_space<hbm>>
        tpu.enqueue_dma source(%dma_start3A_30 : memref<624x128xf32, #tpu.memory_space<hbm>>) target(%dma_start3A_28 : memref<624x128xf32, #tpu.memory_space<vmem_shared>>) target_semaphore(%run_scoped3A : memref<!tpu.dma_semaphore, #tpu.memory_space<semaphore_mem>>)
        %dma_wait3A = arith.constant 0 : i32
        %dma_wait3A_31 = tpu.memref_slice %arg10[%mul3A_0, %dma_wait3A] : memref<10008x128xf32, #tpu.memory_space<vmem_shared>> -> memref<624x128xf32, #tpu.memory_space<vmem_shared>>
        %dma_wait3A_32 = arith.constant 0 : i32
        %dma_wait3A_33 = tpu.memref_slice %arg5[%mul3A_0, %dma_wait3A_32] : memref<10008x128xf32, #tpu.memory_space<hbm>> -> memref<624x128xf32, #tpu.memory_space<hbm>>
        tpu.wait_dma2 semaphore(%run_scoped3A : memref<!tpu.dma_semaphore, #tpu.memory_space<semaphore_mem>>) src(%dma_wait3A_33 : memref<624x128xf32, #tpu.memory_space<hbm>>) dst(%dma_wait3A_31 : memref<624x128xf32, #tpu.memory_space<vmem_shared>>)
        tpu.yield
      }) : () -> ()
      %eq3A_23 = arith.constant 0 : i32
      %eq3A_24 = arith.cmpi eq, %arg1, %eq3A_23 : i32
      %convert_element_type3A_25 = arith.extui %eq3A_24 : i1 to i32
      %cond3A_26 = arith.constant 0 : i32
      %cond3A_27 = arith.cmpi ne, %convert_element_type3A_25, %cond3A_26 : i32
      scf.if %cond3A_27 {
        "tpu.region"() ({
          %run_scoped3A = tpu.sem_alloc : memref<!tpu.dma_semaphore, #tpu.memory_space<semaphore_mem>>
          %dma_start3A = arith.constant 9984 : i32
          %dma_start3A_28 = arith.constant 0 : i32
          %dma_start3A_29 = tpu.memref_slice %arg10[%dma_start3A, %dma_start3A_28] : memref<10008x128xf32, #tpu.memory_space<vmem_shared>> -> memref<24x128xf32, #tpu.memory_space<vmem_shared>>
          %dma_start3A_30 = arith.constant 9984 : i32
          %dma_start3A_31 = arith.constant 0 : i32
          %dma_start3A_32 = tpu.memref_slice %arg5[%dma_start3A_30, %dma_start3A_31] : memref<10008x128xf32, #tpu.memory_space<hbm>> -> memref<24x128xf32, #tpu.memory_space<hbm>>
          tpu.enqueue_dma source(%dma_start3A_32 : memref<24x128xf32, #tpu.memory_space<hbm>>) target(%dma_start3A_29 : memref<24x128xf32, #tpu.memory_space<vmem_shared>>) target_semaphore(%run_scoped3A : memref<!tpu.dma_semaphore, #tpu.memory_space<semaphore_mem>>)
          %dma_wait3A = arith.constant 9984 : i32
          %dma_wait3A_33 = arith.constant 0 : i32
          %dma_wait3A_34 = tpu.memref_slice %arg10[%dma_wait3A, %dma_wait3A_33] : memref<10008x128xf32, #tpu.memory_space<vmem_shared>> -> memref<24x128xf32, #tpu.memory_space<vmem_shared>>
          %dma_wait3A_35 = arith.constant 9984 : i32
          %dma_wait3A_36 = arith.constant 0 : i32
          %dma_wait3A_37 = tpu.memref_slice %arg5[%dma_wait3A_35, %dma_wait3A_36] : memref<10008x128xf32, #tpu.memory_space<hbm>> -> memref<24x128xf32, #tpu.memory_space<hbm>>
          tpu.wait_dma2 semaphore(%run_scoped3A : memref<!tpu.dma_semaphore, #tpu.memory_space<semaphore_mem>>) src(%dma_wait3A_37 : memref<24x128xf32, #tpu.memory_space<hbm>>) dst(%dma_wait3A_34 : memref<24x128xf32, #tpu.memory_space<vmem_shared>>)
          tpu.yield
        }) : () -> ()
      } else {
      }
    } else {
    }
    %barrier3A = arith.constant 0 : index
    tpu.barrier barrier_id(%barrier3A)
    %eq3A_7 = arith.constant 0 : i32
    %eq3A_8 = arith.cmpi eq, %arg0, %eq3A_7 : i32
    %convert_element_type3A_9 = arith.extui %eq3A_8 : i1 to i32
    %cond3A_10 = arith.constant 0 : i32
    %cond3A_11 = arith.cmpi ne, %convert_element_type3A_9, %cond3A_10 : i32
    scf.if %cond3A_11 {
      %mul3A_23 = arith.constant 152 : i32
      %mul3A_24 = arith.muli %arg1, %mul3A_23 : i32
      %add3A = arith.constant 0 : i32
      %add3A_25 = arith.addi %mul3A_24, %add3A : i32
      "tpu.region"() ({
        %run_scoped3A = tpu.sem_alloc : memref<!tpu.dma_semaphore, #tpu.memory_space<semaphore_mem>>
        %dma_start3A_433 = arith.constant 0 : i32
        %dma_start3A_434 = arith.constant 0 : i32
        %dma_start3A_435 = tpu.memref_slice %arg7[%dma_start3A_433, %dma_start3A_434] : memref<48x128xi32, #tpu.memory_space<vmem>> -> memref<48x128xi32, #tpu.memory_space<vmem>>
        %dma_start3A_436 = arith.constant 0 : i32
        %dma_start3A_437 = tpu.memref_slice %arg3[%add3A_25, %dma_start3A_436] : memref<2560x128xi32, #tpu.memory_space<hbm>> -> memref<48x128xi32, #tpu.memory_space<hbm>>
        %dma_start3A_438 = arith.constant 0 : i32
        %dma_start3A_439 = arith.constant 0 : i32
        %dma_start3A_440 = tpu.memref_slice %arg7[%dma_start3A_438, %dma_start3A_439] : memref<48x128xi32, #tpu.memory_space<vmem>> -> memref<48x128xi32, #tpu.memory_space<vmem>>
        %dma_start3A_441 = arith.constant 0 : i32
        %dma_start3A_442 = tpu.memref_slice %arg3[%add3A_25, %dma_start3A_441] : memref<2560x128xi32, #tpu.memory_space<hbm>> -> memref<48x128xi32, #tpu.memory_space<hbm>>
        tpu.enqueue_dma source(%dma_start3A_442 : memref<48x128xi32, #tpu.memory_space<hbm>>) target(%dma_start3A_440 : memref<48x128xi32, #tpu.memory_space<vmem>>) target_semaphore(%run_scoped3A : memref<!tpu.dma_semaphore, #tpu.memory_space<semaphore_mem>>)
        %dma_wait3A_443 = arith.constant 0 : i32
        %dma_wait3A_444 = arith.constant 0 : i32
        %dma_wait3A_445 = tpu.memref_slice %arg7[%dma_wait3A_443, %dma_wait3A_444] : memref<48x128xi32, #tpu.memory_space<vmem>> -> memref<48x128xi32, #tpu.memory_space<vmem>>
        %dma_wait3A_446 = arith.constant 0 : i32
        %dma_wait3A_447 = tpu.memref_slice %arg3[%add3A_25, %dma_wait3A_446] : memref<2560x128xi32, #tpu.memory_space<hbm>> -> memref<48x128xi32, #tpu.memory_space<hbm>>
        %dma_wait3A_448 = arith.constant 0 : i32
        %dma_wait3A_449 = arith.constant 0 : i32
        %dma_wait3A_450 = tpu.memref_slice %arg7[%dma_wait3A_448, %dma_wait3A_449] : memref<48x128xi32, #tpu.memory_space<vmem>> -> memref<48x128xi32, #tpu.memory_space<vmem>>
        %dma_wait3A_451 = arith.constant 0 : i32
        %dma_wait3A_452 = tpu.memref_slice %arg3[%add3A_25, %dma_wait3A_451] : memref<2560x128xi32, #tpu.memory_space<hbm>> -> memref<48x128xi32, #tpu.memory_space<hbm>>
        tpu.wait_dma2 semaphore(%run_scoped3A : memref<!tpu.dma_semaphore, #tpu.memory_space<semaphore_mem>>) src(%dma_wait3A_452 : memref<48x128xi32, #tpu.memory_space<hbm>>) dst(%dma_wait3A_450 : memref<48x128xi32, #tpu.memory_space<vmem>>)
        tpu.yield
      }) : () -> ()
      "tpu.region"() ({
        %run_scoped3A = tpu.sem_alloc : memref<!tpu.dma_semaphore, #tpu.memory_space<semaphore_mem>>
        %dma_start3A_433 = arith.constant 0 : i32
        %dma_start3A_434 = arith.constant 0 : i32
        %dma_start3A_435 = tpu.memref_slice %arg8[%dma_start3A_433, %dma_start3A_434] : memref<48x128xi32, #tpu.memory_space<vmem>> -> memref<48x128xi32, #tpu.memory_space<vmem>>
        %dma_start3A_436 = arith.constant 0 : i32
        %dma_start3A_437 = tpu.memref_slice %arg4[%add3A_25, %dma_start3A_436] : memref<2560x128xi32, #tpu.memory_space<hbm>> -> memref<48x128xi32, #tpu.memory_space<hbm>>
        %dma_start3A_438 = arith.constant 0 : i32
        %dma_start3A_439 = arith.constant 0 : i32
        %dma_start3A_440 = tpu.memref_slice %arg8[%dma_start3A_438, %dma_start3A_439] : memref<48x128xi32, #tpu.memory_space<vmem>> -> memref<48x128xi32, #tpu.memory_space<vmem>>
        %dma_start3A_441 = arith.constant 0 : i32
        %dma_start3A_442 = tpu.memref_slice %arg4[%add3A_25, %dma_start3A_441] : memref<2560x128xi32, #tpu.memory_space<hbm>> -> memref<48x128xi32, #tpu.memory_space<hbm>>
        tpu.enqueue_dma source(%dma_start3A_442 : memref<48x128xi32, #tpu.memory_space<hbm>>) target(%dma_start3A_440 : memref<48x128xi32, #tpu.memory_space<vmem>>) target_semaphore(%run_scoped3A : memref<!tpu.dma_semaphore, #tpu.memory_space<semaphore_mem>>)
        %dma_wait3A_443 = arith.constant 0 : i32
        %dma_wait3A_444 = arith.constant 0 : i32
        %dma_wait3A_445 = tpu.memref_slice %arg8[%dma_wait3A_443, %dma_wait3A_444] : memref<48x128xi32, #tpu.memory_space<vmem>> -> memref<48x128xi32, #tpu.memory_space<vmem>>
        %dma_wait3A_446 = arith.constant 0 : i32
        %dma_wait3A_447 = tpu.memref_slice %arg4[%add3A_25, %dma_wait3A_446] : memref<2560x128xi32, #tpu.memory_space<hbm>> -> memref<48x128xi32, #tpu.memory_space<hbm>>
        %dma_wait3A_448 = arith.constant 0 : i32
        %dma_wait3A_449 = arith.constant 0 : i32
        %dma_wait3A_450 = tpu.memref_slice %arg8[%dma_wait3A_448, %dma_wait3A_449] : memref<48x128xi32, #tpu.memory_space<vmem>> -> memref<48x128xi32, #tpu.memory_space<vmem>>
        %dma_wait3A_451 = arith.constant 0 : i32
        %dma_wait3A_452 = tpu.memref_slice %arg4[%add3A_25, %dma_wait3A_451] : memref<2560x128xi32, #tpu.memory_space<hbm>> -> memref<48x128xi32, #tpu.memory_space<hbm>>
        tpu.wait_dma2 semaphore(%run_scoped3A : memref<!tpu.dma_semaphore, #tpu.memory_space<semaphore_mem>>) src(%dma_wait3A_452 : memref<48x128xi32, #tpu.memory_space<hbm>>) dst(%dma_wait3A_450 : memref<48x128xi32, #tpu.memory_space<vmem>>)
        tpu.yield
      }) : () -> ()
      %dma_start3A = arith.constant 0 : i32
      %dma_start3A_26 = arith.constant 0 : i32
      %dma_start3A_27 = arith.constant 0 : i32
      %dma_start3A_28 = arith.constant 0 : i32
      %dma_start3A_29 = tpu.memref_slice %arg9[%dma_start3A_26, %dma_start3A_27, %dma_start3A_28] : memref<2x128x128xf32, #tpu.memory_space<vmem>> -> memref<1x128x128xf32, #tpu.memory_space<vmem>>
      %dma_start3A_30 = tpu.memref_squeeze %dma_start3A_29 : memref<1x128x128xf32, #tpu.memory_space<vmem>> -> memref<128x128xf32, #tpu.memory_space<vmem>>
      %dma_start3A_31 = arith.constant 0 : i32
      %dma_start3A_32 = tpu.memref_slice %arg7[%dma_start3A, %dma_start3A_31] : memref<48x128xi32, #tpu.memory_space<vmem>> -> memref<1x128xi32, #tpu.memory_space<vmem>>
      %dma_start3A_33 = tpu.memref_squeeze %dma_start3A_32 : memref<1x128xi32, #tpu.memory_space<vmem>> -> memref<128xi32, #tpu.memory_space<vmem>>
      %dma_start3A_34 = arith.constant 0 : i32
      %dma_start3A_35 = arith.constant 0 : i32
      %dma_start3A_36 = tpu.memref_slice %arg2[%dma_start3A_34, %dma_start3A_35] : memref<10008x128xf32, #tpu.memory_space<hbm>> -> memref<10008x128xf32, #tpu.memory_space<hbm>>
      tpu.enqueue_indirect_dma source(%dma_start3A_36 : memref<10008x128xf32, #tpu.memory_space<hbm>>) target(%dma_start3A_30 : memref<128x128xf32, #tpu.memory_space<vmem>>) offsets(%dma_start3A_33 : memref<128xi32, #tpu.memory_space<vmem>>) semaphore(%arg11 : memref<!tpu.dma_semaphore, #tpu.memory_space<semaphore_mem>>)
      %dma_start3A_37 = arith.constant 1 : i32
      %dma_start3A_38 = arith.constant 1 : i32
      %dma_start3A_39 = arith.constant 0 : i32
      %dma_start3A_40 = arith.constant 0 : i32
      %dma_start3A_41 = tpu.memref_slice %arg9[%dma_start3A_38, %dma_start3A_39, %dma_start3A_40] : memref<2x128x128xf32, #tpu.memory_space<vmem>> -> memref<1x128x128xf32, #tpu.memory_space<vmem>>
      %dma_start3A_42 = tpu.memref_squeeze %dma_start3A_41 : memref<1x128x128xf32, #tpu.memory_space<vmem>> -> memref<128x128xf32, #tpu.memory_space<vmem>>
      %dma_start3A_43 = arith.constant 0 : i32
      %dma_start3A_44 = tpu.memref_slice %arg7[%dma_start3A_37, %dma_start3A_43] : memref<48x128xi32, #tpu.memory_space<vmem>> -> memref<1x128xi32, #tpu.memory_space<vmem>>
      %dma_start3A_45 = tpu.memref_squeeze %dma_start3A_44 : memref<1x128xi32, #tpu.memory_space<vmem>> -> memref<128xi32, #tpu.memory_space<vmem>>
      %dma_start3A_46 = arith.constant 0 : i32
      %dma_start3A_47 = arith.constant 0 : i32
      %dma_start3A_48 = tpu.memref_slice %arg2[%dma_start3A_46, %dma_start3A_47] : memref<10008x128xf32, #tpu.memory_space<hbm>> -> memref<10008x128xf32, #tpu.memory_space<hbm>>
      tpu.enqueue_indirect_dma source(%dma_start3A_48 : memref<10008x128xf32, #tpu.memory_space<hbm>>) target(%dma_start3A_42 : memref<128x128xf32, #tpu.memory_space<vmem>>) offsets(%dma_start3A_45 : memref<128xi32, #tpu.memory_space<vmem>>) semaphore(%arg12 : memref<!tpu.dma_semaphore, #tpu.memory_space<semaphore_mem>>)
      %scan3A = arith.constant 0 : i32
      %scan3A_49 = arith.constant 23 : i32
      %scan3A_50 = arith.addi %scan3A, %scan3A_49 : i32
      %scan3A_51 = arith.constant 1 : i32
      scf.for %scan3A_433 = %scan3A to %scan3A_50 step %scan3A_51  : i32 {
        %mul3A_434 = arith.constant 2 : i32
        %mul3A_435 = arith.muli %scan3A_433, %mul3A_434 : i32
        %add3A_436 = arith.constant 0 : i32
        %add3A_437 = arith.addi %add3A_436, %mul3A_435 : i32
        %dma_wait3A_438 = arith.constant 0 : i32
        %dma_wait3A_439 = arith.constant 0 : i32
        %dma_wait3A_440 = arith.constant 0 : i32
        %dma_wait3A_441 = arith.constant 0 : i32
        %dma_wait3A_442 = tpu.memref_slice %arg9[%dma_wait3A_439, %dma_wait3A_440, %dma_wait3A_441] : memref<2x128x128xf32, #tpu.memory_space<vmem>> -> memref<1x128x128xf32, #tpu.memory_space<vmem>>
        %dma_wait3A_443 = tpu.memref_squeeze %dma_wait3A_442 : memref<1x128x128xf32, #tpu.memory_space<vmem>> -> memref<128x128xf32, #tpu.memory_space<vmem>>
        %dma_wait3A_444 = arith.constant 0 : i32
        %dma_wait3A_445 = tpu.memref_slice %arg7[%dma_wait3A_438, %dma_wait3A_444] : memref<48x128xi32, #tpu.memory_space<vmem>> -> memref<1x128xi32, #tpu.memory_space<vmem>>
        %dma_wait3A_446 = tpu.memref_squeeze %dma_wait3A_445 : memref<1x128xi32, #tpu.memory_space<vmem>> -> memref<128xi32, #tpu.memory_space<vmem>>
        %dma_wait3A_447 = arith.constant 0 : i32
        %dma_wait3A_448 = arith.constant 0 : i32
        %dma_wait3A_449 = tpu.memref_slice %arg2[%dma_wait3A_447, %dma_wait3A_448] : memref<10008x128xf32, #tpu.memory_space<hbm>> -> memref<10008x128xf32, #tpu.memory_space<hbm>>
        tpu.wait_indirect_dma semaphore(%arg11 : memref<!tpu.dma_semaphore, #tpu.memory_space<semaphore_mem>>) src(%dma_wait3A_449 : memref<10008x128xf32, #tpu.memory_space<hbm>>) dst(%dma_wait3A_443 : memref<128x128xf32, #tpu.memory_space<vmem>>)
        %add3A_450 = arith.constant 0 : i32
        %add3A_451 = arith.addi %add3A_437, %add3A_450 : i32
        %dma_start3A_452 = arith.constant 0 : i32
        %dma_start3A_453 = arith.constant 0 : i32
        %dma_start3A_454 = arith.constant 0 : i32
        %dma_start3A_455 = tpu.memref_slice %arg9[%dma_start3A_452, %dma_start3A_453, %dma_start3A_454] : memref<2x128x128xf32, #tpu.memory_space<vmem>> -> memref<1x128x128xf32, #tpu.memory_space<vmem>>
        %dma_start3A_456 = tpu.memref_squeeze %dma_start3A_455 : memref<1x128x128xf32, #tpu.memory_space<vmem>> -> memref<128x128xf32, #tpu.memory_space<vmem>>
        %dma_start3A_457 = arith.constant 0 : i32
        %dma_start3A_458 = tpu.memref_slice %arg8[%add3A_451, %dma_start3A_457] : memref<48x128xi32, #tpu.memory_space<vmem>> -> memref<1x128xi32, #tpu.memory_space<vmem>>
        %dma_start3A_459 = tpu.memref_squeeze %dma_start3A_458 : memref<1x128xi32, #tpu.memory_space<vmem>> -> memref<128xi32, #tpu.memory_space<vmem>>
        %dma_start3A_460 = arith.constant 0 : i32
        %dma_start3A_461 = arith.constant 0 : i32
        %dma_start3A_462 = tpu.memref_slice %arg10[%dma_start3A_460, %dma_start3A_461] : memref<10008x128xf32, #tpu.memory_space<vmem_shared>> -> memref<10008x128xf32, #tpu.memory_space<vmem_shared>>
        tpu.enqueue_indirect_dma source(%dma_start3A_456 : memref<128x128xf32, #tpu.memory_space<vmem>>) target(%dma_start3A_462 : memref<10008x128xf32, #tpu.memory_space<vmem_shared>>) offsets(%dma_start3A_459 : memref<128xi32, #tpu.memory_space<vmem>>) semaphore(%arg13 : memref<!tpu.dma_semaphore, #tpu.memory_space<semaphore_mem>>) {add = true}
        %dma_wait3A_463 = arith.constant 0 : i32
        %dma_wait3A_464 = arith.constant 0 : i32
        %dma_wait3A_465 = arith.constant 0 : i32
        %dma_wait3A_466 = arith.constant 0 : i32
        %dma_wait3A_467 = tpu.memref_slice %arg9[%dma_wait3A_463, %dma_wait3A_465, %dma_wait3A_466] : memref<2x128x128xf32, #tpu.memory_space<vmem>> -> memref<1x128x128xf32, #tpu.memory_space<vmem>>
        %dma_wait3A_468 = tpu.memref_squeeze %dma_wait3A_467 : memref<1x128x128xf32, #tpu.memory_space<vmem>> -> memref<128x128xf32, #tpu.memory_space<vmem>>
        %dma_wait3A_469 = arith.constant 0 : i32
        %dma_wait3A_470 = tpu.memref_slice %arg8[%dma_wait3A_464, %dma_wait3A_469] : memref<48x128xi32, #tpu.memory_space<vmem>> -> memref<1x128xi32, #tpu.memory_space<vmem>>
        %dma_wait3A_471 = tpu.memref_squeeze %dma_wait3A_470 : memref<1x128xi32, #tpu.memory_space<vmem>> -> memref<128xi32, #tpu.memory_space<vmem>>
        %dma_wait3A_472 = arith.constant 0 : i32
        %dma_wait3A_473 = arith.constant 0 : i32
        %dma_wait3A_474 = tpu.memref_slice %arg10[%dma_wait3A_472, %dma_wait3A_473] : memref<10008x128xf32, #tpu.memory_space<vmem_shared>> -> memref<10008x128xf32, #tpu.memory_space<vmem_shared>>
        tpu.wait_indirect_dma semaphore(%arg13 : memref<!tpu.dma_semaphore, #tpu.memory_space<semaphore_mem>>) src(%dma_wait3A_468 : memref<128x128xf32, #tpu.memory_space<vmem>>) dst(%dma_wait3A_474 : memref<10008x128xf32, #tpu.memory_space<vmem_shared>>)
        %add3A_475 = arith.constant 0 : i32
        %add3A_476 = arith.addi %add3A_437, %add3A_475 : i32
        %add3A_477 = arith.constant 2 : i32
        %add3A_478 = arith.addi %add3A_476, %add3A_477 : i32
        %dma_start3A_479 = arith.constant 0 : i32
        %dma_start3A_480 = arith.constant 0 : i32
        %dma_start3A_481 = arith.constant 0 : i32
        %dma_start3A_482 = tpu.memref_slice %arg9[%dma_start3A_479, %dma_start3A_480, %dma_start3A_481] : memref<2x128x128xf32, #tpu.memory_space<vmem>> -> memref<1x128x128xf32, #tpu.memory_space<vmem>>
        %dma_start3A_483 = tpu.memref_squeeze %dma_start3A_482 : memref<1x128x128xf32, #tpu.memory_space<vmem>> -> memref<128x128xf32, #tpu.memory_space<vmem>>
        %dma_start3A_484 = arith.constant 0 : i32
        %dma_start3A_485 = tpu.memref_slice %arg7[%add3A_478, %dma_start3A_484] : memref<48x128xi32, #tpu.memory_space<vmem>> -> memref<1x128xi32, #tpu.memory_space<vmem>>
        %dma_start3A_486 = tpu.memref_squeeze %dma_start3A_485 : memref<1x128xi32, #tpu.memory_space<vmem>> -> memref<128xi32, #tpu.memory_space<vmem>>
        %dma_start3A_487 = arith.constant 0 : i32
        %dma_start3A_488 = arith.constant 0 : i32
        %dma_start3A_489 = tpu.memref_slice %arg2[%dma_start3A_487, %dma_start3A_488] : memref<10008x128xf32, #tpu.memory_space<hbm>> -> memref<10008x128xf32, #tpu.memory_space<hbm>>
        tpu.enqueue_indirect_dma source(%dma_start3A_489 : memref<10008x128xf32, #tpu.memory_space<hbm>>) target(%dma_start3A_483 : memref<128x128xf32, #tpu.memory_space<vmem>>) offsets(%dma_start3A_486 : memref<128xi32, #tpu.memory_space<vmem>>) semaphore(%arg11 : memref<!tpu.dma_semaphore, #tpu.memory_space<semaphore_mem>>)
        %dma_wait3A_490 = arith.constant 0 : i32
        %dma_wait3A_491 = arith.constant 1 : i32
        %dma_wait3A_492 = arith.constant 0 : i32
        %dma_wait3A_493 = arith.constant 0 : i32
        %dma_wait3A_494 = tpu.memref_slice %arg9[%dma_wait3A_491, %dma_wait3A_492, %dma_wait3A_493] : memref<2x128x128xf32, #tpu.memory_space<vmem>> -> memref<1x128x128xf32, #tpu.memory_space<vmem>>
        %dma_wait3A_495 = tpu.memref_squeeze %dma_wait3A_494 : memref<1x128x128xf32, #tpu.memory_space<vmem>> -> memref<128x128xf32, #tpu.memory_space<vmem>>
        %dma_wait3A_496 = arith.constant 0 : i32
        %dma_wait3A_497 = tpu.memref_slice %arg7[%dma_wait3A_490, %dma_wait3A_496] : memref<48x128xi32, #tpu.memory_space<vmem>> -> memref<1x128xi32, #tpu.memory_space<vmem>>
        %dma_wait3A_498 = tpu.memref_squeeze %dma_wait3A_497 : memref<1x128xi32, #tpu.memory_space<vmem>> -> memref<128xi32, #tpu.memory_space<vmem>>
        %dma_wait3A_499 = arith.constant 0 : i32
        %dma_wait3A_500 = arith.constant 0 : i32
        %dma_wait3A_501 = tpu.memref_slice %arg2[%dma_wait3A_499, %dma_wait3A_500] : memref<10008x128xf32, #tpu.memory_space<hbm>> -> memref<10008x128xf32, #tpu.memory_space<hbm>>
        tpu.wait_indirect_dma semaphore(%arg12 : memref<!tpu.dma_semaphore, #tpu.memory_space<semaphore_mem>>) src(%dma_wait3A_501 : memref<10008x128xf32, #tpu.memory_space<hbm>>) dst(%dma_wait3A_495 : memref<128x128xf32, #tpu.memory_space<vmem>>)
        %add3A_502 = arith.constant 1 : i32
        %add3A_503 = arith.addi %add3A_437, %add3A_502 : i32
        %dma_start3A_504 = arith.constant 1 : i32
        %dma_start3A_505 = arith.constant 0 : i32
        %dma_start3A_506 = arith.constant 0 : i32
        %dma_start3A_507 = tpu.memref_slice %arg9[%dma_start3A_504, %dma_start3A_505, %dma_start3A_506] : memref<2x128x128xf32, #tpu.memory_space<vmem>> -> memref<1x128x128xf32, #tpu.memory_space<vmem>>
        %dma_start3A_508 = tpu.memref_squeeze %dma_start3A_507 : memref<1x128x128xf32, #tpu.memory_space<vmem>> -> memref<128x128xf32, #tpu.memory_space<vmem>>
        %dma_start3A_509 = arith.constant 0 : i32
        %dma_start3A_510 = tpu.memref_slice %arg8[%add3A_503, %dma_start3A_509] : memref<48x128xi32, #tpu.memory_space<vmem>> -> memref<1x128xi32, #tpu.memory_space<vmem>>
        %dma_start3A_511 = tpu.memref_squeeze %dma_start3A_510 : memref<1x128xi32, #tpu.memory_space<vmem>> -> memref<128xi32, #tpu.memory_space<vmem>>
        %dma_start3A_512 = arith.constant 0 : i32
        %dma_start3A_513 = arith.constant 0 : i32
        %dma_start3A_514 = tpu.memref_slice %arg10[%dma_start3A_512, %dma_start3A_513] : memref<10008x128xf32, #tpu.memory_space<vmem_shared>> -> memref<10008x128xf32, #tpu.memory_space<vmem_shared>>
        tpu.enqueue_indirect_dma source(%dma_start3A_508 : memref<128x128xf32, #tpu.memory_space<vmem>>) target(%dma_start3A_514 : memref<10008x128xf32, #tpu.memory_space<vmem_shared>>) offsets(%dma_start3A_511 : memref<128xi32, #tpu.memory_space<vmem>>) semaphore(%arg14 : memref<!tpu.dma_semaphore, #tpu.memory_space<semaphore_mem>>) {add = true}
        %dma_wait3A_515 = arith.constant 1 : i32
        %dma_wait3A_516 = arith.constant 0 : i32
        %dma_wait3A_517 = arith.constant 0 : i32
        %dma_wait3A_518 = arith.constant 0 : i32
        %dma_wait3A_519 = tpu.memref_slice %arg9[%dma_wait3A_515, %dma_wait3A_517, %dma_wait3A_518] : memref<2x128x128xf32, #tpu.memory_space<vmem>> -> memref<1x128x128xf32, #tpu.memory_space<vmem>>
        %dma_wait3A_520 = tpu.memref_squeeze %dma_wait3A_519 : memref<1x128x128xf32, #tpu.memory_space<vmem>> -> memref<128x128xf32, #tpu.memory_space<vmem>>
        %dma_wait3A_521 = arith.constant 0 : i32
        %dma_wait3A_522 = tpu.memref_slice %arg8[%dma_wait3A_516, %dma_wait3A_521] : memref<48x128xi32, #tpu.memory_space<vmem>> -> memref<1x128xi32, #tpu.memory_space<vmem>>
        %dma_wait3A_523 = tpu.memref_squeeze %dma_wait3A_522 : memref<1x128xi32, #tpu.memory_space<vmem>> -> memref<128xi32, #tpu.memory_space<vmem>>
        %dma_wait3A_524 = arith.constant 0 : i32
        %dma_wait3A_525 = arith.constant 0 : i32
        %dma_wait3A_526 = tpu.memref_slice %arg10[%dma_wait3A_524, %dma_wait3A_525] : memref<10008x128xf32, #tpu.memory_space<vmem_shared>> -> memref<10008x128xf32, #tpu.memory_space<vmem_shared>>
        tpu.wait_indirect_dma semaphore(%arg14 : memref<!tpu.dma_semaphore, #tpu.memory_space<semaphore_mem>>) src(%dma_wait3A_520 : memref<128x128xf32, #tpu.memory_space<vmem>>) dst(%dma_wait3A_526 : memref<10008x128xf32, #tpu.memory_space<vmem_shared>>)
        %add3A_527 = arith.constant 1 : i32
        %add3A_528 = arith.addi %add3A_437, %add3A_527 : i32
        %add3A_529 = arith.constant 2 : i32
        %add3A_530 = arith.addi %add3A_528, %add3A_529 : i32
        %dma_start3A_531 = arith.constant 1 : i32
        %dma_start3A_532 = arith.constant 0 : i32
        %dma_start3A_533 = arith.constant 0 : i32
        %dma_start3A_534 = tpu.memref_slice %arg9[%dma_start3A_531, %dma_start3A_532, %dma_start3A_533] : memref<2x128x128xf32, #tpu.memory_space<vmem>> -> memref<1x128x128xf32, #tpu.memory_space<vmem>>
        %dma_start3A_535 = tpu.memref_squeeze %dma_start3A_534 : memref<1x128x128xf32, #tpu.memory_space<vmem>> -> memref<128x128xf32, #tpu.memory_space<vmem>>
        %dma_start3A_536 = arith.constant 0 : i32
        %dma_start3A_537 = tpu.memref_slice %arg7[%add3A_530, %dma_start3A_536] : memref<48x128xi32, #tpu.memory_space<vmem>> -> memref<1x128xi32, #tpu.memory_space<vmem>>
        %dma_start3A_538 = tpu.memref_squeeze %dma_start3A_537 : memref<1x128xi32, #tpu.memory_space<vmem>> -> memref<128xi32, #tpu.memory_space<vmem>>
        %dma_start3A_539 = arith.constant 0 : i32
        %dma_start3A_540 = arith.constant 0 : i32
        %dma_start3A_541 = tpu.memref_slice %arg2[%dma_start3A_539, %dma_start3A_540] : memref<10008x128xf32, #tpu.memory_space<hbm>> -> memref<10008x128xf32, #tpu.memory_space<hbm>>
        tpu.enqueue_indirect_dma source(%dma_start3A_541 : memref<10008x128xf32, #tpu.memory_space<hbm>>) target(%dma_start3A_535 : memref<128x128xf32, #tpu.memory_space<vmem>>) offsets(%dma_start3A_538 : memref<128xi32, #tpu.memory_space<vmem>>) semaphore(%arg12 : memref<!tpu.dma_semaphore, #tpu.memory_space<semaphore_mem>>)
      }
      %scan3A_52 = arith.constant 23 : i32
      %dma_wait3A = arith.constant 0 : i32
      %dma_wait3A_53 = arith.constant 0 : i32
      %dma_wait3A_54 = arith.constant 0 : i32
      %dma_wait3A_55 = arith.constant 0 : i32
      %dma_wait3A_56 = tpu.memref_slice %arg9[%dma_wait3A_53, %dma_wait3A_54, %dma_wait3A_55] : memref<2x128x128xf32, #tpu.memory_space<vmem>> -> memref<1x128x128xf32, #tpu.memory_space<vmem>>
      %dma_wait3A_57 = tpu.memref_squeeze %dma_wait3A_56 : memref<1x128x128xf32, #tpu.memory_space<vmem>> -> memref<128x128xf32, #tpu.memory_space<vmem>>
      %dma_wait3A_58 = arith.constant 0 : i32
      %dma_wait3A_59 = tpu.memref_slice %arg7[%dma_wait3A, %dma_wait3A_58] : memref<48x128xi32, #tpu.memory_space<vmem>> -> memref<1x128xi32, #tpu.memory_space<vmem>>
      %dma_wait3A_60 = tpu.memref_squeeze %dma_wait3A_59 : memref<1x128xi32, #tpu.memory_space<vmem>> -> memref<128xi32, #tpu.memory_space<vmem>>
      %dma_wait3A_61 = arith.constant 0 : i32
      %dma_wait3A_62 = arith.constant 0 : i32
      %dma_wait3A_63 = tpu.memref_slice %arg2[%dma_wait3A_61, %dma_wait3A_62] : memref<10008x128xf32, #tpu.memory_space<hbm>> -> memref<10008x128xf32, #tpu.memory_space<hbm>>
      tpu.wait_indirect_dma semaphore(%arg11 : memref<!tpu.dma_semaphore, #tpu.memory_space<semaphore_mem>>) src(%dma_wait3A_63 : memref<10008x128xf32, #tpu.memory_space<hbm>>) dst(%dma_wait3A_57 : memref<128x128xf32, #tpu.memory_space<vmem>>)
      %dma_start3A_64 = arith.constant 0 : i32
      %dma_start3A_65 = arith.constant 46 : i32
      %dma_start3A_66 = arith.constant 0 : i32
      %dma_start3A_67 = arith.constant 0 : i32
      %dma_start3A_68 = tpu.memref_slice %arg9[%dma_start3A_64, %dma_start3A_66, %dma_start3A_67] : memref<2x128x128xf32, #tpu.memory_space<vmem>> -> memref<1x128x128xf32, #tpu.memory_space<vmem>>
      %dma_start3A_69 = tpu.memref_squeeze %dma_start3A_68 : memref<1x128x128xf32, #tpu.memory_space<vmem>> -> memref<128x128xf32, #tpu.memory_space<vmem>>
      %dma_start3A_70 = arith.constant 0 : i32
      %dma_start3A_71 = tpu.memref_slice %arg8[%dma_start3A_65, %dma_start3A_70] : memref<48x128xi32, #tpu.memory_space<vmem>> -> memref<1x128xi32, #tpu.memory_space<vmem>>
      %dma_start3A_72 = tpu.memref_squeeze %dma_start3A_71 : memref<1x128xi32, #tpu.memory_space<vmem>> -> memref<128xi32, #tpu.memory_space<vmem>>
      %dma_start3A_73 = arith.constant 0 : i32
      %dma_start3A_74 = arith.constant 0 : i32
      %dma_start3A_75 = tpu.memref_slice %arg10[%dma_start3A_73, %dma_start3A_74] : memref<10008x128xf32, #tpu.memory_space<vmem_shared>> -> memref<10008x128xf32, #tpu.memory_space<vmem_shared>>
      tpu.enqueue_indirect_dma source(%dma_start3A_69 : memref<128x128xf32, #tpu.memory_space<vmem>>) target(%dma_start3A_75 : memref<10008x128xf32, #tpu.memory_space<vmem_shared>>) offsets(%dma_start3A_72 : memref<128xi32, #tpu.memory_space<vmem>>) semaphore(%arg13 : memref<!tpu.dma_semaphore, #tpu.memory_space<semaphore_mem>>) {add = true}
      %dma_wait3A_76 = arith.constant 0 : i32
      %dma_wait3A_77 = arith.constant 0 : i32
      %dma_wait3A_78 = arith.constant 0 : i32
      %dma_wait3A_79 = arith.constant 0 : i32
      %dma_wait3A_80 = tpu.memref_slice %arg9[%dma_wait3A_76, %dma_wait3A_78, %dma_wait3A_79] : memref<2x128x128xf32, #tpu.memory_space<vmem>> -> memref<1x128x128xf32, #tpu.memory_space<vmem>>
      %dma_wait3A_81 = tpu.memref_squeeze %dma_wait3A_80 : memref<1x128x128xf32, #tpu.memory_space<vmem>> -> memref<128x128xf32, #tpu.memory_space<vmem>>
      %dma_wait3A_82 = arith.constant 0 : i32
      %dma_wait3A_83 = tpu.memref_slice %arg8[%dma_wait3A_77, %dma_wait3A_82] : memref<48x128xi32, #tpu.memory_space<vmem>> -> memref<1x128xi32, #tpu.memory_space<vmem>>
      %dma_wait3A_84 = tpu.memref_squeeze %dma_wait3A_83 : memref<1x128xi32, #tpu.memory_space<vmem>> -> memref<128xi32, #tpu.memory_space<vmem>>
      %dma_wait3A_85 = arith.constant 0 : i32
      %dma_wait3A_86 = arith.constant 0 : i32
      %dma_wait3A_87 = tpu.memref_slice %arg10[%dma_wait3A_85, %dma_wait3A_86] : memref<10008x128xf32, #tpu.memory_space<vmem_shared>> -> memref<10008x128xf32, #tpu.memory_space<vmem_shared>>
      tpu.wait_indirect_dma semaphore(%arg13 : memref<!tpu.dma_semaphore, #tpu.memory_space<semaphore_mem>>) src(%dma_wait3A_81 : memref<128x128xf32, #tpu.memory_space<vmem>>) dst(%dma_wait3A_87 : memref<10008x128xf32, #tpu.memory_space<vmem_shared>>)
      %dma_wait3A_88 = arith.constant 0 : i32
      %dma_wait3A_89 = arith.constant 1 : i32
      %dma_wait3A_90 = arith.constant 0 : i32
      %dma_wait3A_91 = arith.constant 0 : i32
      %dma_wait3A_92 = tpu.memref_slice %arg9[%dma_wait3A_89, %dma_wait3A_90, %dma_wait3A_91] : memref<2x128x128xf32, #tpu.memory_space<vmem>> -> memref<1x128x128xf32, #tpu.memory_space<vmem>>
      %dma_wait3A_93 = tpu.memref_squeeze %dma_wait3A_92 : memref<1x128x128xf32, #tpu.memory_space<vmem>> -> memref<128x128xf32, #tpu.memory_space<vmem>>
      %dma_wait3A_94 = arith.constant 0 : i32
      %dma_wait3A_95 = tpu.memref_slice %arg7[%dma_wait3A_88, %dma_wait3A_94] : memref<48x128xi32, #tpu.memory_space<vmem>> -> memref<1x128xi32, #tpu.memory_space<vmem>>
      %dma_wait3A_96 = tpu.memref_squeeze %dma_wait3A_95 : memref<1x128xi32, #tpu.memory_space<vmem>> -> memref<128xi32, #tpu.memory_space<vmem>>
      %dma_wait3A_97 = arith.constant 0 : i32
      %dma_wait3A_98 = arith.constant 0 : i32
      %dma_wait3A_99 = tpu.memref_slice %arg2[%dma_wait3A_97, %dma_wait3A_98] : memref<10008x128xf32, #tpu.memory_space<hbm>> -> memref<10008x128xf32, #tpu.memory_space<hbm>>
      tpu.wait_indirect_dma semaphore(%arg12 : memref<!tpu.dma_semaphore, #tpu.memory_space<semaphore_mem>>) src(%dma_wait3A_99 : memref<10008x128xf32, #tpu.memory_space<hbm>>) dst(%dma_wait3A_93 : memref<128x128xf32, #tpu.memory_space<vmem>>)
      %dma_start3A_100 = arith.constant 1 : i32
      %dma_start3A_101 = arith.constant 47 : i32
      %dma_start3A_102 = arith.constant 0 : i32
      %dma_start3A_103 = arith.constant 0 : i32
      %dma_start3A_104 = tpu.memref_slice %arg9[%dma_start3A_100, %dma_start3A_102, %dma_start3A_103] : memref<2x128x128xf32, #tpu.memory_space<vmem>> -> memref<1x128x128xf32, #tpu.memory_space<vmem>>
      %dma_start3A_105 = tpu.memref_squeeze %dma_start3A_104 : memref<1x128x128xf32, #tpu.memory_space<vmem>> -> memref<128x128xf32, #tpu.memory_space<vmem>>
      %dma_start3A_106 = arith.constant 0 : i32
      %dma_start3A_107 = tpu.memref_slice %arg8[%dma_start3A_101, %dma_start3A_106] : memref<48x128xi32, #tpu.memory_space<vmem>> -> memref<1x128xi32, #tpu.memory_space<vmem>>
      %dma_start3A_108 = tpu.memref_squeeze %dma_start3A_107 : memref<1x128xi32, #tpu.memory_space<vmem>> -> memref<128xi32, #tpu.memory_space<vmem>>
      %dma_start3A_109 = arith.constant 0 : i32
      %dma_start3A_110 = arith.constant 0 : i32
      %dma_start3A_111 = tpu.memref_slice %arg10[%dma_start3A_109, %dma_start3A_110] : memref<10008x128xf32, #tpu.memory_space<vmem_shared>> -> memref<10008x128xf32, #tpu.memory_space<vmem_shared>>
      tpu.enqueue_indirect_dma source(%dma_start3A_105 : memref<128x128xf32, #tpu.memory_space<vmem>>) target(%dma_start3A_111 : memref<10008x128xf32, #tpu.memory_space<vmem_shared>>) offsets(%dma_start3A_108 : memref<128xi32, #tpu.memory_space<vmem>>) semaphore(%arg14 : memref<!tpu.dma_semaphore, #tpu.memory_space<semaphore_mem>>) {add = true}
      %dma_wait3A_112 = arith.constant 1 : i32
      %dma_wait3A_113 = arith.constant 0 : i32
      %dma_wait3A_114 = arith.constant 0 : i32
      %dma_wait3A_115 = arith.constant 0 : i32
      %dma_wait3A_116 = tpu.memref_slice %arg9[%dma_wait3A_112, %dma_wait3A_114, %dma_wait3A_115] : memref<2x128x128xf32, #tpu.memory_space<vmem>> -> memref<1x128x128xf32, #tpu.memory_space<vmem>>
      %dma_wait3A_117 = tpu.memref_squeeze %dma_wait3A_116 : memref<1x128x128xf32, #tpu.memory_space<vmem>> -> memref<128x128xf32, #tpu.memory_space<vmem>>
      %dma_wait3A_118 = arith.constant 0 : i32
      %dma_wait3A_119 = tpu.memref_slice %arg8[%dma_wait3A_113, %dma_wait3A_118] : memref<48x128xi32, #tpu.memory_space<vmem>> -> memref<1x128xi32, #tpu.memory_space<vmem>>
      %dma_wait3A_120 = tpu.memref_squeeze %dma_wait3A_119 : memref<1x128xi32, #tpu.memory_space<vmem>> -> memref<128xi32, #tpu.memory_space<vmem>>
      %dma_wait3A_121 = arith.constant 0 : i32
      %dma_wait3A_122 = arith.constant 0 : i32
      %dma_wait3A_123 = tpu.memref_slice %arg10[%dma_wait3A_121, %dma_wait3A_122] : memref<10008x128xf32, #tpu.memory_space<vmem_shared>> -> memref<10008x128xf32, #tpu.memory_space<vmem_shared>>
      tpu.wait_indirect_dma semaphore(%arg14 : memref<!tpu.dma_semaphore, #tpu.memory_space<semaphore_mem>>) src(%dma_wait3A_117 : memref<128x128xf32, #tpu.memory_space<vmem>>) dst(%dma_wait3A_123 : memref<10008x128xf32, #tpu.memory_space<vmem_shared>>)
      %add3A_124 = arith.constant 48 : i32
      %add3A_125 = arith.addi %mul3A_24, %add3A_124 : i32
      "tpu.region"() ({
        %run_scoped3A = tpu.sem_alloc : memref<!tpu.dma_semaphore, #tpu.memory_space<semaphore_mem>>
        %dma_start3A_433 = arith.constant 0 : i32
        %dma_start3A_434 = arith.constant 0 : i32
        %dma_start3A_435 = tpu.memref_slice %arg7[%dma_start3A_433, %dma_start3A_434] : memref<48x128xi32, #tpu.memory_space<vmem>> -> memref<48x128xi32, #tpu.memory_space<vmem>>
        %dma_start3A_436 = arith.constant 0 : i32
        %dma_start3A_437 = tpu.memref_slice %arg3[%add3A_125, %dma_start3A_436] : memref<2560x128xi32, #tpu.memory_space<hbm>> -> memref<48x128xi32, #tpu.memory_space<hbm>>
        %dma_start3A_438 = arith.constant 0 : i32
        %dma_start3A_439 = arith.constant 0 : i32
        %dma_start3A_440 = tpu.memref_slice %arg7[%dma_start3A_438, %dma_start3A_439] : memref<48x128xi32, #tpu.memory_space<vmem>> -> memref<48x128xi32, #tpu.memory_space<vmem>>
        %dma_start3A_441 = arith.constant 0 : i32
        %dma_start3A_442 = tpu.memref_slice %arg3[%add3A_125, %dma_start3A_441] : memref<2560x128xi32, #tpu.memory_space<hbm>> -> memref<48x128xi32, #tpu.memory_space<hbm>>
        tpu.enqueue_dma source(%dma_start3A_442 : memref<48x128xi32, #tpu.memory_space<hbm>>) target(%dma_start3A_440 : memref<48x128xi32, #tpu.memory_space<vmem>>) target_semaphore(%run_scoped3A : memref<!tpu.dma_semaphore, #tpu.memory_space<semaphore_mem>>)
        %dma_wait3A_443 = arith.constant 0 : i32
        %dma_wait3A_444 = arith.constant 0 : i32
        %dma_wait3A_445 = tpu.memref_slice %arg7[%dma_wait3A_443, %dma_wait3A_444] : memref<48x128xi32, #tpu.memory_space<vmem>> -> memref<48x128xi32, #tpu.memory_space<vmem>>
        %dma_wait3A_446 = arith.constant 0 : i32
        %dma_wait3A_447 = tpu.memref_slice %arg3[%add3A_125, %dma_wait3A_446] : memref<2560x128xi32, #tpu.memory_space<hbm>> -> memref<48x128xi32, #tpu.memory_space<hbm>>
        %dma_wait3A_448 = arith.constant 0 : i32
        %dma_wait3A_449 = arith.constant 0 : i32
        %dma_wait3A_450 = tpu.memref_slice %arg7[%dma_wait3A_448, %dma_wait3A_449] : memref<48x128xi32, #tpu.memory_space<vmem>> -> memref<48x128xi32, #tpu.memory_space<vmem>>
        %dma_wait3A_451 = arith.constant 0 : i32
        %dma_wait3A_452 = tpu.memref_slice %arg3[%add3A_125, %dma_wait3A_451] : memref<2560x128xi32, #tpu.memory_space<hbm>> -> memref<48x128xi32, #tpu.memory_space<hbm>>
        tpu.wait_dma2 semaphore(%run_scoped3A : memref<!tpu.dma_semaphore, #tpu.memory_space<semaphore_mem>>) src(%dma_wait3A_452 : memref<48x128xi32, #tpu.memory_space<hbm>>) dst(%dma_wait3A_450 : memref<48x128xi32, #tpu.memory_space<vmem>>)
        tpu.yield
      }) : () -> ()
      "tpu.region"() ({
        %run_scoped3A = tpu.sem_alloc : memref<!tpu.dma_semaphore, #tpu.memory_space<semaphore_mem>>
        %dma_start3A_433 = arith.constant 0 : i32
        %dma_start3A_434 = arith.constant 0 : i32
        %dma_start3A_435 = tpu.memref_slice %arg8[%dma_start3A_433, %dma_start3A_434] : memref<48x128xi32, #tpu.memory_space<vmem>> -> memref<48x128xi32, #tpu.memory_space<vmem>>
        %dma_start3A_436 = arith.constant 0 : i32
        %dma_start3A_437 = tpu.memref_slice %arg4[%add3A_125, %dma_start3A_436] : memref<2560x128xi32, #tpu.memory_space<hbm>> -> memref<48x128xi32, #tpu.memory_space<hbm>>
        %dma_start3A_438 = arith.constant 0 : i32
        %dma_start3A_439 = arith.constant 0 : i32
        %dma_start3A_440 = tpu.memref_slice %arg8[%dma_start3A_438, %dma_start3A_439] : memref<48x128xi32, #tpu.memory_space<vmem>> -> memref<48x128xi32, #tpu.memory_space<vmem>>
        %dma_start3A_441 = arith.constant 0 : i32
        %dma_start3A_442 = tpu.memref_slice %arg4[%add3A_125, %dma_start3A_441] : memref<2560x128xi32, #tpu.memory_space<hbm>> -> memref<48x128xi32, #tpu.memory_space<hbm>>
        tpu.enqueue_dma source(%dma_start3A_442 : memref<48x128xi32, #tpu.memory_space<hbm>>) target(%dma_start3A_440 : memref<48x128xi32, #tpu.memory_space<vmem>>) target_semaphore(%run_scoped3A : memref<!tpu.dma_semaphore, #tpu.memory_space<semaphore_mem>>)
        %dma_wait3A_443 = arith.constant 0 : i32
        %dma_wait3A_444 = arith.constant 0 : i32
        %dma_wait3A_445 = tpu.memref_slice %arg8[%dma_wait3A_443, %dma_wait3A_444] : memref<48x128xi32, #tpu.memory_space<vmem>> -> memref<48x128xi32, #tpu.memory_space<vmem>>
        %dma_wait3A_446 = arith.constant 0 : i32
        %dma_wait3A_447 = tpu.memref_slice %arg4[%add3A_125, %dma_wait3A_446] : memref<2560x128xi32, #tpu.memory_space<hbm>> -> memref<48x128xi32, #tpu.memory_space<hbm>>
        %dma_wait3A_448 = arith.constant 0 : i32
        %dma_wait3A_449 = arith.constant 0 : i32
        %dma_wait3A_450 = tpu.memref_slice %arg8[%dma_wait3A_448, %dma_wait3A_449] : memref<48x128xi32, #tpu.memory_space<vmem>> -> memref<48x128xi32, #tpu.memory_space<vmem>>
        %dma_wait3A_451 = arith.constant 0 : i32
        %dma_wait3A_452 = tpu.memref_slice %arg4[%add3A_125, %dma_wait3A_451] : memref<2560x128xi32, #tpu.memory_space<hbm>> -> memref<48x128xi32, #tpu.memory_space<hbm>>
        tpu.wait_dma2 semaphore(%run_scoped3A : memref<!tpu.dma_semaphore, #tpu.memory_space<semaphore_mem>>) src(%dma_wait3A_452 : memref<48x128xi32, #tpu.memory_space<hbm>>) dst(%dma_wait3A_450 : memref<48x128xi32, #tpu.memory_space<vmem>>)
        tpu.yield
      }) : () -> ()
      %dma_start3A_126 = arith.constant 0 : i32
      %dma_start3A_127 = arith.constant 0 : i32
      %dma_start3A_128 = arith.constant 0 : i32
      %dma_start3A_129 = arith.constant 0 : i32
      %dma_start3A_130 = tpu.memref_slice %arg9[%dma_start3A_127, %dma_start3A_128, %dma_start3A_129] : memref<2x128x128xf32, #tpu.memory_space<vmem>> -> memref<1x128x128xf32, #tpu.memory_space<vmem>>
      %dma_start3A_131 = tpu.memref_squeeze %dma_start3A_130 : memref<1x128x128xf32, #tpu.memory_space<vmem>> -> memref<128x128xf32, #tpu.memory_space<vmem>>
      %dma_start3A_132 = arith.constant 0 : i32
      %dma_start3A_133 = tpu.memref_slice %arg7[%dma_start3A_126, %dma_start3A_132] : memref<48x128xi32, #tpu.memory_space<vmem>> -> memref<1x128xi32, #tpu.memory_space<vmem>>
      %dma_start3A_134 = tpu.memref_squeeze %dma_start3A_133 : memref<1x128xi32, #tpu.memory_space<vmem>> -> memref<128xi32, #tpu.memory_space<vmem>>
      %dma_start3A_135 = arith.constant 0 : i32
      %dma_start3A_136 = arith.constant 0 : i32
      %dma_start3A_137 = tpu.memref_slice %arg2[%dma_start3A_135, %dma_start3A_136] : memref<10008x128xf32, #tpu.memory_space<hbm>> -> memref<10008x128xf32, #tpu.memory_space<hbm>>
      tpu.enqueue_indirect_dma source(%dma_start3A_137 : memref<10008x128xf32, #tpu.memory_space<hbm>>) target(%dma_start3A_131 : memref<128x128xf32, #tpu.memory_space<vmem>>) offsets(%dma_start3A_134 : memref<128xi32, #tpu.memory_space<vmem>>) semaphore(%arg11 : memref<!tpu.dma_semaphore, #tpu.memory_space<semaphore_mem>>)
      %dma_start3A_138 = arith.constant 1 : i32
      %dma_start3A_139 = arith.constant 1 : i32
      %dma_start3A_140 = arith.constant 0 : i32
      %dma_start3A_141 = arith.constant 0 : i32
      %dma_start3A_142 = tpu.memref_slice %arg9[%dma_start3A_139, %dma_start3A_140, %dma_start3A_141] : memref<2x128x128xf32, #tpu.memory_space<vmem>> -> memref<1x128x128xf32, #tpu.memory_space<vmem>>
      %dma_start3A_143 = tpu.memref_squeeze %dma_start3A_142 : memref<1x128x128xf32, #tpu.memory_space<vmem>> -> memref<128x128xf32, #tpu.memory_space<vmem>>
      %dma_start3A_144 = arith.constant 0 : i32
      %dma_start3A_145 = tpu.memref_slice %arg7[%dma_start3A_138, %dma_start3A_144] : memref<48x128xi32, #tpu.memory_space<vmem>> -> memref<1x128xi32, #tpu.memory_space<vmem>>
      %dma_start3A_146 = tpu.memref_squeeze %dma_start3A_145 : memref<1x128xi32, #tpu.memory_space<vmem>> -> memref<128xi32, #tpu.memory_space<vmem>>
      %dma_start3A_147 = arith.constant 0 : i32
      %dma_start3A_148 = arith.constant 0 : i32
      %dma_start3A_149 = tpu.memref_slice %arg2[%dma_start3A_147, %dma_start3A_148] : memref<10008x128xf32, #tpu.memory_space<hbm>> -> memref<10008x128xf32, #tpu.memory_space<hbm>>
      tpu.enqueue_indirect_dma source(%dma_start3A_149 : memref<10008x128xf32, #tpu.memory_space<hbm>>) target(%dma_start3A_143 : memref<128x128xf32, #tpu.memory_space<vmem>>) offsets(%dma_start3A_146 : memref<128xi32, #tpu.memory_space<vmem>>) semaphore(%arg12 : memref<!tpu.dma_semaphore, #tpu.memory_space<semaphore_mem>>)
      %scan3A_150 = arith.constant 0 : i32
      %scan3A_151 = arith.constant 23 : i32
      %scan3A_152 = arith.addi %scan3A_150, %scan3A_151 : i32
      %scan3A_153 = arith.constant 1 : i32
      scf.for %scan3A_433 = %scan3A_150 to %scan3A_152 step %scan3A_153  : i32 {
        %mul3A_434 = arith.constant 2 : i32
        %mul3A_435 = arith.muli %scan3A_433, %mul3A_434 : i32
        %add3A_436 = arith.constant 0 : i32
        %add3A_437 = arith.addi %add3A_436, %mul3A_435 : i32
        %dma_wait3A_438 = arith.constant 0 : i32
        %dma_wait3A_439 = arith.constant 0 : i32
        %dma_wait3A_440 = arith.constant 0 : i32
        %dma_wait3A_441 = arith.constant 0 : i32
        %dma_wait3A_442 = tpu.memref_slice %arg9[%dma_wait3A_439, %dma_wait3A_440, %dma_wait3A_441] : memref<2x128x128xf32, #tpu.memory_space<vmem>> -> memref<1x128x128xf32, #tpu.memory_space<vmem>>
        %dma_wait3A_443 = tpu.memref_squeeze %dma_wait3A_442 : memref<1x128x128xf32, #tpu.memory_space<vmem>> -> memref<128x128xf32, #tpu.memory_space<vmem>>
        %dma_wait3A_444 = arith.constant 0 : i32
        %dma_wait3A_445 = tpu.memref_slice %arg7[%dma_wait3A_438, %dma_wait3A_444] : memref<48x128xi32, #tpu.memory_space<vmem>> -> memref<1x128xi32, #tpu.memory_space<vmem>>
        %dma_wait3A_446 = tpu.memref_squeeze %dma_wait3A_445 : memref<1x128xi32, #tpu.memory_space<vmem>> -> memref<128xi32, #tpu.memory_space<vmem>>
        %dma_wait3A_447 = arith.constant 0 : i32
        %dma_wait3A_448 = arith.constant 0 : i32
        %dma_wait3A_449 = tpu.memref_slice %arg2[%dma_wait3A_447, %dma_wait3A_448] : memref<10008x128xf32, #tpu.memory_space<hbm>> -> memref<10008x128xf32, #tpu.memory_space<hbm>>
        tpu.wait_indirect_dma semaphore(%arg11 : memref<!tpu.dma_semaphore, #tpu.memory_space<semaphore_mem>>) src(%dma_wait3A_449 : memref<10008x128xf32, #tpu.memory_space<hbm>>) dst(%dma_wait3A_443 : memref<128x128xf32, #tpu.memory_space<vmem>>)
        %add3A_450 = arith.constant 0 : i32
        %add3A_451 = arith.addi %add3A_437, %add3A_450 : i32
        %dma_start3A_452 = arith.constant 0 : i32
        %dma_start3A_453 = arith.constant 0 : i32
        %dma_start3A_454 = arith.constant 0 : i32
        %dma_start3A_455 = tpu.memref_slice %arg9[%dma_start3A_452, %dma_start3A_453, %dma_start3A_454] : memref<2x128x128xf32, #tpu.memory_space<vmem>> -> memref<1x128x128xf32, #tpu.memory_space<vmem>>
        %dma_start3A_456 = tpu.memref_squeeze %dma_start3A_455 : memref<1x128x128xf32, #tpu.memory_space<vmem>> -> memref<128x128xf32, #tpu.memory_space<vmem>>
        %dma_start3A_457 = arith.constant 0 : i32
        %dma_start3A_458 = tpu.memref_slice %arg8[%add3A_451, %dma_start3A_457] : memref<48x128xi32, #tpu.memory_space<vmem>> -> memref<1x128xi32, #tpu.memory_space<vmem>>
        %dma_start3A_459 = tpu.memref_squeeze %dma_start3A_458 : memref<1x128xi32, #tpu.memory_space<vmem>> -> memref<128xi32, #tpu.memory_space<vmem>>
        %dma_start3A_460 = arith.constant 0 : i32
        %dma_start3A_461 = arith.constant 0 : i32
        %dma_start3A_462 = tpu.memref_slice %arg10[%dma_start3A_460, %dma_start3A_461] : memref<10008x128xf32, #tpu.memory_space<vmem_shared>> -> memref<10008x128xf32, #tpu.memory_space<vmem_shared>>
        tpu.enqueue_indirect_dma source(%dma_start3A_456 : memref<128x128xf32, #tpu.memory_space<vmem>>) target(%dma_start3A_462 : memref<10008x128xf32, #tpu.memory_space<vmem_shared>>) offsets(%dma_start3A_459 : memref<128xi32, #tpu.memory_space<vmem>>) semaphore(%arg13 : memref<!tpu.dma_semaphore, #tpu.memory_space<semaphore_mem>>) {add = true}
        %dma_wait3A_463 = arith.constant 0 : i32
        %dma_wait3A_464 = arith.constant 0 : i32
        %dma_wait3A_465 = arith.constant 0 : i32
        %dma_wait3A_466 = arith.constant 0 : i32
        %dma_wait3A_467 = tpu.memref_slice %arg9[%dma_wait3A_463, %dma_wait3A_465, %dma_wait3A_466] : memref<2x128x128xf32, #tpu.memory_space<vmem>> -> memref<1x128x128xf32, #tpu.memory_space<vmem>>
        %dma_wait3A_468 = tpu.memref_squeeze %dma_wait3A_467 : memref<1x128x128xf32, #tpu.memory_space<vmem>> -> memref<128x128xf32, #tpu.memory_space<vmem>>
        %dma_wait3A_469 = arith.constant 0 : i32
        %dma_wait3A_470 = tpu.memref_slice %arg8[%dma_wait3A_464, %dma_wait3A_469] : memref<48x128xi32, #tpu.memory_space<vmem>> -> memref<1x128xi32, #tpu.memory_space<vmem>>
        %dma_wait3A_471 = tpu.memref_squeeze %dma_wait3A_470 : memref<1x128xi32, #tpu.memory_space<vmem>> -> memref<128xi32, #tpu.memory_space<vmem>>
        %dma_wait3A_472 = arith.constant 0 : i32
        %dma_wait3A_473 = arith.constant 0 : i32
        %dma_wait3A_474 = tpu.memref_slice %arg10[%dma_wait3A_472, %dma_wait3A_473] : memref<10008x128xf32, #tpu.memory_space<vmem_shared>> -> memref<10008x128xf32, #tpu.memory_space<vmem_shared>>
        tpu.wait_indirect_dma semaphore(%arg13 : memref<!tpu.dma_semaphore, #tpu.memory_space<semaphore_mem>>) src(%dma_wait3A_468 : memref<128x128xf32, #tpu.memory_space<vmem>>) dst(%dma_wait3A_474 : memref<10008x128xf32, #tpu.memory_space<vmem_shared>>)
        %add3A_475 = arith.constant 0 : i32
        %add3A_476 = arith.addi %add3A_437, %add3A_475 : i32
        %add3A_477 = arith.constant 2 : i32
        %add3A_478 = arith.addi %add3A_476, %add3A_477 : i32
        %dma_start3A_479 = arith.constant 0 : i32
        %dma_start3A_480 = arith.constant 0 : i32
        %dma_start3A_481 = arith.constant 0 : i32
        %dma_start3A_482 = tpu.memref_slice %arg9[%dma_start3A_479, %dma_start3A_480, %dma_start3A_481] : memref<2x128x128xf32, #tpu.memory_space<vmem>> -> memref<1x128x128xf32, #tpu.memory_space<vmem>>
        %dma_start3A_483 = tpu.memref_squeeze %dma_start3A_482 : memref<1x128x128xf32, #tpu.memory_space<vmem>> -> memref<128x128xf32, #tpu.memory_space<vmem>>
        %dma_start3A_484 = arith.constant 0 : i32
        %dma_start3A_485 = tpu.memref_slice %arg7[%add3A_478, %dma_start3A_484] : memref<48x128xi32, #tpu.memory_space<vmem>> -> memref<1x128xi32, #tpu.memory_space<vmem>>
        %dma_start3A_486 = tpu.memref_squeeze %dma_start3A_485 : memref<1x128xi32, #tpu.memory_space<vmem>> -> memref<128xi32, #tpu.memory_space<vmem>>
        %dma_start3A_487 = arith.constant 0 : i32
        %dma_start3A_488 = arith.constant 0 : i32
        %dma_start3A_489 = tpu.memref_slice %arg2[%dma_start3A_487, %dma_start3A_488] : memref<10008x128xf32, #tpu.memory_space<hbm>> -> memref<10008x128xf32, #tpu.memory_space<hbm>>
        tpu.enqueue_indirect_dma source(%dma_start3A_489 : memref<10008x128xf32, #tpu.memory_space<hbm>>) target(%dma_start3A_483 : memref<128x128xf32, #tpu.memory_space<vmem>>) offsets(%dma_start3A_486 : memref<128xi32, #tpu.memory_space<vmem>>) semaphore(%arg11 : memref<!tpu.dma_semaphore, #tpu.memory_space<semaphore_mem>>)
        %dma_wait3A_490 = arith.constant 0 : i32
        %dma_wait3A_491 = arith.constant 1 : i32
        %dma_wait3A_492 = arith.constant 0 : i32
        %dma_wait3A_493 = arith.constant 0 : i32
        %dma_wait3A_494 = tpu.memref_slice %arg9[%dma_wait3A_491, %dma_wait3A_492, %dma_wait3A_493] : memref<2x128x128xf32, #tpu.memory_space<vmem>> -> memref<1x128x128xf32, #tpu.memory_space<vmem>>
        %dma_wait3A_495 = tpu.memref_squeeze %dma_wait3A_494 : memref<1x128x128xf32, #tpu.memory_space<vmem>> -> memref<128x128xf32, #tpu.memory_space<vmem>>
        %dma_wait3A_496 = arith.constant 0 : i32
        %dma_wait3A_497 = tpu.memref_slice %arg7[%dma_wait3A_490, %dma_wait3A_496] : memref<48x128xi32, #tpu.memory_space<vmem>> -> memref<1x128xi32, #tpu.memory_space<vmem>>
        %dma_wait3A_498 = tpu.memref_squeeze %dma_wait3A_497 : memref<1x128xi32, #tpu.memory_space<vmem>> -> memref<128xi32, #tpu.memory_space<vmem>>
        %dma_wait3A_499 = arith.constant 0 : i32
        %dma_wait3A_500 = arith.constant 0 : i32
        %dma_wait3A_501 = tpu.memref_slice %arg2[%dma_wait3A_499, %dma_wait3A_500] : memref<10008x128xf32, #tpu.memory_space<hbm>> -> memref<10008x128xf32, #tpu.memory_space<hbm>>
        tpu.wait_indirect_dma semaphore(%arg12 : memref<!tpu.dma_semaphore, #tpu.memory_space<semaphore_mem>>) src(%dma_wait3A_501 : memref<10008x128xf32, #tpu.memory_space<hbm>>) dst(%dma_wait3A_495 : memref<128x128xf32, #tpu.memory_space<vmem>>)
        %add3A_502 = arith.constant 1 : i32
        %add3A_503 = arith.addi %add3A_437, %add3A_502 : i32
        %dma_start3A_504 = arith.constant 1 : i32
        %dma_start3A_505 = arith.constant 0 : i32
        %dma_start3A_506 = arith.constant 0 : i32
        %dma_start3A_507 = tpu.memref_slice %arg9[%dma_start3A_504, %dma_start3A_505, %dma_start3A_506] : memref<2x128x128xf32, #tpu.memory_space<vmem>> -> memref<1x128x128xf32, #tpu.memory_space<vmem>>
        %dma_start3A_508 = tpu.memref_squeeze %dma_start3A_507 : memref<1x128x128xf32, #tpu.memory_space<vmem>> -> memref<128x128xf32, #tpu.memory_space<vmem>>
        %dma_start3A_509 = arith.constant 0 : i32
        %dma_start3A_510 = tpu.memref_slice %arg8[%add3A_503, %dma_start3A_509] : memref<48x128xi32, #tpu.memory_space<vmem>> -> memref<1x128xi32, #tpu.memory_space<vmem>>
        %dma_start3A_511 = tpu.memref_squeeze %dma_start3A_510 : memref<1x128xi32, #tpu.memory_space<vmem>> -> memref<128xi32, #tpu.memory_space<vmem>>
        %dma_start3A_512 = arith.constant 0 : i32
        %dma_start3A_513 = arith.constant 0 : i32
        %dma_start3A_514 = tpu.memref_slice %arg10[%dma_start3A_512, %dma_start3A_513] : memref<10008x128xf32, #tpu.memory_space<vmem_shared>> -> memref<10008x128xf32, #tpu.memory_space<vmem_shared>>
        tpu.enqueue_indirect_dma source(%dma_start3A_508 : memref<128x128xf32, #tpu.memory_space<vmem>>) target(%dma_start3A_514 : memref<10008x128xf32, #tpu.memory_space<vmem_shared>>) offsets(%dma_start3A_511 : memref<128xi32, #tpu.memory_space<vmem>>) semaphore(%arg14 : memref<!tpu.dma_semaphore, #tpu.memory_space<semaphore_mem>>) {add = true}
        %dma_wait3A_515 = arith.constant 1 : i32
        %dma_wait3A_516 = arith.constant 0 : i32
        %dma_wait3A_517 = arith.constant 0 : i32
        %dma_wait3A_518 = arith.constant 0 : i32
        %dma_wait3A_519 = tpu.memref_slice %arg9[%dma_wait3A_515, %dma_wait3A_517, %dma_wait3A_518] : memref<2x128x128xf32, #tpu.memory_space<vmem>> -> memref<1x128x128xf32, #tpu.memory_space<vmem>>
        %dma_wait3A_520 = tpu.memref_squeeze %dma_wait3A_519 : memref<1x128x128xf32, #tpu.memory_space<vmem>> -> memref<128x128xf32, #tpu.memory_space<vmem>>
        %dma_wait3A_521 = arith.constant 0 : i32
        %dma_wait3A_522 = tpu.memref_slice %arg8[%dma_wait3A_516, %dma_wait3A_521] : memref<48x128xi32, #tpu.memory_space<vmem>> -> memref<1x128xi32, #tpu.memory_space<vmem>>
        %dma_wait3A_523 = tpu.memref_squeeze %dma_wait3A_522 : memref<1x128xi32, #tpu.memory_space<vmem>> -> memref<128xi32, #tpu.memory_space<vmem>>
        %dma_wait3A_524 = arith.constant 0 : i32
        %dma_wait3A_525 = arith.constant 0 : i32
        %dma_wait3A_526 = tpu.memref_slice %arg10[%dma_wait3A_524, %dma_wait3A_525] : memref<10008x128xf32, #tpu.memory_space<vmem_shared>> -> memref<10008x128xf32, #tpu.memory_space<vmem_shared>>
        tpu.wait_indirect_dma semaphore(%arg14 : memref<!tpu.dma_semaphore, #tpu.memory_space<semaphore_mem>>) src(%dma_wait3A_520 : memref<128x128xf32, #tpu.memory_space<vmem>>) dst(%dma_wait3A_526 : memref<10008x128xf32, #tpu.memory_space<vmem_shared>>)
        %add3A_527 = arith.constant 1 : i32
        %add3A_528 = arith.addi %add3A_437, %add3A_527 : i32
        %add3A_529 = arith.constant 2 : i32
        %add3A_530 = arith.addi %add3A_528, %add3A_529 : i32
        %dma_start3A_531 = arith.constant 1 : i32
        %dma_start3A_532 = arith.constant 0 : i32
        %dma_start3A_533 = arith.constant 0 : i32
        %dma_start3A_534 = tpu.memref_slice %arg9[%dma_start3A_531, %dma_start3A_532, %dma_start3A_533] : memref<2x128x128xf32, #tpu.memory_space<vmem>> -> memref<1x128x128xf32, #tpu.memory_space<vmem>>
        %dma_start3A_535 = tpu.memref_squeeze %dma_start3A_534 : memref<1x128x128xf32, #tpu.memory_space<vmem>> -> memref<128x128xf32, #tpu.memory_space<vmem>>
        %dma_start3A_536 = arith.constant 0 : i32
        %dma_start3A_537 = tpu.memref_slice %arg7[%add3A_530, %dma_start3A_536] : memref<48x128xi32, #tpu.memory_space<vmem>> -> memref<1x128xi32, #tpu.memory_space<vmem>>
        %dma_start3A_538 = tpu.memref_squeeze %dma_start3A_537 : memref<1x128xi32, #tpu.memory_space<vmem>> -> memref<128xi32, #tpu.memory_space<vmem>>
        %dma_start3A_539 = arith.constant 0 : i32
        %dma_start3A_540 = arith.constant 0 : i32
        %dma_start3A_541 = tpu.memref_slice %arg2[%dma_start3A_539, %dma_start3A_540] : memref<10008x128xf32, #tpu.memory_space<hbm>> -> memref<10008x128xf32, #tpu.memory_space<hbm>>
        tpu.enqueue_indirect_dma source(%dma_start3A_541 : memref<10008x128xf32, #tpu.memory_space<hbm>>) target(%dma_start3A_535 : memref<128x128xf32, #tpu.memory_space<vmem>>) offsets(%dma_start3A_538 : memref<128xi32, #tpu.memory_space<vmem>>) semaphore(%arg12 : memref<!tpu.dma_semaphore, #tpu.memory_space<semaphore_mem>>)
      }
      %scan3A_154 = arith.constant 23 : i32
      %dma_wait3A_155 = arith.constant 0 : i32
      %dma_wait3A_156 = arith.constant 0 : i32
      %dma_wait3A_157 = arith.constant 0 : i32
      %dma_wait3A_158 = arith.constant 0 : i32
      %dma_wait3A_159 = tpu.memref_slice %arg9[%dma_wait3A_156, %dma_wait3A_157, %dma_wait3A_158] : memref<2x128x128xf32, #tpu.memory_space<vmem>> -> memref<1x128x128xf32, #tpu.memory_space<vmem>>
      %dma_wait3A_160 = tpu.memref_squeeze %dma_wait3A_159 : memref<1x128x128xf32, #tpu.memory_space<vmem>> -> memref<128x128xf32, #tpu.memory_space<vmem>>
      %dma_wait3A_161 = arith.constant 0 : i32
      %dma_wait3A_162 = tpu.memref_slice %arg7[%dma_wait3A_155, %dma_wait3A_161] : memref<48x128xi32, #tpu.memory_space<vmem>> -> memref<1x128xi32, #tpu.memory_space<vmem>>
      %dma_wait3A_163 = tpu.memref_squeeze %dma_wait3A_162 : memref<1x128xi32, #tpu.memory_space<vmem>> -> memref<128xi32, #tpu.memory_space<vmem>>
      %dma_wait3A_164 = arith.constant 0 : i32
      %dma_wait3A_165 = arith.constant 0 : i32
      %dma_wait3A_166 = tpu.memref_slice %arg2[%dma_wait3A_164, %dma_wait3A_165] : memref<10008x128xf32, #tpu.memory_space<hbm>> -> memref<10008x128xf32, #tpu.memory_space<hbm>>
      tpu.wait_indirect_dma semaphore(%arg11 : memref<!tpu.dma_semaphore, #tpu.memory_space<semaphore_mem>>) src(%dma_wait3A_166 : memref<10008x128xf32, #tpu.memory_space<hbm>>) dst(%dma_wait3A_160 : memref<128x128xf32, #tpu.memory_space<vmem>>)
      %dma_start3A_167 = arith.constant 0 : i32
      %dma_start3A_168 = arith.constant 46 : i32
      %dma_start3A_169 = arith.constant 0 : i32
      %dma_start3A_170 = arith.constant 0 : i32
      %dma_start3A_171 = tpu.memref_slice %arg9[%dma_start3A_167, %dma_start3A_169, %dma_start3A_170] : memref<2x128x128xf32, #tpu.memory_space<vmem>> -> memref<1x128x128xf32, #tpu.memory_space<vmem>>
      %dma_start3A_172 = tpu.memref_squeeze %dma_start3A_171 : memref<1x128x128xf32, #tpu.memory_space<vmem>> -> memref<128x128xf32, #tpu.memory_space<vmem>>
      %dma_start3A_173 = arith.constant 0 : i32
      %dma_start3A_174 = tpu.memref_slice %arg8[%dma_start3A_168, %dma_start3A_173] : memref<48x128xi32, #tpu.memory_space<vmem>> -> memref<1x128xi32, #tpu.memory_space<vmem>>
      %dma_start3A_175 = tpu.memref_squeeze %dma_start3A_174 : memref<1x128xi32, #tpu.memory_space<vmem>> -> memref<128xi32, #tpu.memory_space<vmem>>
      %dma_start3A_176 = arith.constant 0 : i32
      %dma_start3A_177 = arith.constant 0 : i32
      %dma_start3A_178 = tpu.memref_slice %arg10[%dma_start3A_176, %dma_start3A_177] : memref<10008x128xf32, #tpu.memory_space<vmem_shared>> -> memref<10008x128xf32, #tpu.memory_space<vmem_shared>>
      tpu.enqueue_indirect_dma source(%dma_start3A_172 : memref<128x128xf32, #tpu.memory_space<vmem>>) target(%dma_start3A_178 : memref<10008x128xf32, #tpu.memory_space<vmem_shared>>) offsets(%dma_start3A_175 : memref<128xi32, #tpu.memory_space<vmem>>) semaphore(%arg13 : memref<!tpu.dma_semaphore, #tpu.memory_space<semaphore_mem>>) {add = true}
      %dma_wait3A_179 = arith.constant 0 : i32
      %dma_wait3A_180 = arith.constant 0 : i32
      %dma_wait3A_181 = arith.constant 0 : i32
      %dma_wait3A_182 = arith.constant 0 : i32
      %dma_wait3A_183 = tpu.memref_slice %arg9[%dma_wait3A_179, %dma_wait3A_181, %dma_wait3A_182] : memref<2x128x128xf32, #tpu.memory_space<vmem>> -> memref<1x128x128xf32, #tpu.memory_space<vmem>>
      %dma_wait3A_184 = tpu.memref_squeeze %dma_wait3A_183 : memref<1x128x128xf32, #tpu.memory_space<vmem>> -> memref<128x128xf32, #tpu.memory_space<vmem>>
      %dma_wait3A_185 = arith.constant 0 : i32
      %dma_wait3A_186 = tpu.memref_slice %arg8[%dma_wait3A_180, %dma_wait3A_185] : memref<48x128xi32, #tpu.memory_space<vmem>> -> memref<1x128xi32, #tpu.memory_space<vmem>>
      %dma_wait3A_187 = tpu.memref_squeeze %dma_wait3A_186 : memref<1x128xi32, #tpu.memory_space<vmem>> -> memref<128xi32, #tpu.memory_space<vmem>>
      %dma_wait3A_188 = arith.constant 0 : i32
      %dma_wait3A_189 = arith.constant 0 : i32
      %dma_wait3A_190 = tpu.memref_slice %arg10[%dma_wait3A_188, %dma_wait3A_189] : memref<10008x128xf32, #tpu.memory_space<vmem_shared>> -> memref<10008x128xf32, #tpu.memory_space<vmem_shared>>
      tpu.wait_indirect_dma semaphore(%arg13 : memref<!tpu.dma_semaphore, #tpu.memory_space<semaphore_mem>>) src(%dma_wait3A_184 : memref<128x128xf32, #tpu.memory_space<vmem>>) dst(%dma_wait3A_190 : memref<10008x128xf32, #tpu.memory_space<vmem_shared>>)
      %dma_wait3A_191 = arith.constant 0 : i32
      %dma_wait3A_192 = arith.constant 1 : i32
      %dma_wait3A_193 = arith.constant 0 : i32
      %dma_wait3A_194 = arith.constant 0 : i32
      %dma_wait3A_195 = tpu.memref_slice %arg9[%dma_wait3A_192, %dma_wait3A_193, %dma_wait3A_194] : memref<2x128x128xf32, #tpu.memory_space<vmem>> -> memref<1x128x128xf32, #tpu.memory_space<vmem>>
      %dma_wait3A_196 = tpu.memref_squeeze %dma_wait3A_195 : memref<1x128x128xf32, #tpu.memory_space<vmem>> -> memref<128x128xf32, #tpu.memory_space<vmem>>
      %dma_wait3A_197 = arith.constant 0 : i32
      %dma_wait3A_198 = tpu.memref_slice %arg7[%dma_wait3A_191, %dma_wait3A_197] : memref<48x128xi32, #tpu.memory_space<vmem>> -> memref<1x128xi32, #tpu.memory_space<vmem>>
      %dma_wait3A_199 = tpu.memref_squeeze %dma_wait3A_198 : memref<1x128xi32, #tpu.memory_space<vmem>> -> memref<128xi32, #tpu.memory_space<vmem>>
      %dma_wait3A_200 = arith.constant 0 : i32
      %dma_wait3A_201 = arith.constant 0 : i32
      %dma_wait3A_202 = tpu.memref_slice %arg2[%dma_wait3A_200, %dma_wait3A_201] : memref<10008x128xf32, #tpu.memory_space<hbm>> -> memref<10008x128xf32, #tpu.memory_space<hbm>>
      tpu.wait_indirect_dma semaphore(%arg12 : memref<!tpu.dma_semaphore, #tpu.memory_space<semaphore_mem>>) src(%dma_wait3A_202 : memref<10008x128xf32, #tpu.memory_space<hbm>>) dst(%dma_wait3A_196 : memref<128x128xf32, #tpu.memory_space<vmem>>)
      %dma_start3A_203 = arith.constant 1 : i32
      %dma_start3A_204 = arith.constant 47 : i32
      %dma_start3A_205 = arith.constant 0 : i32
      %dma_start3A_206 = arith.constant 0 : i32
      %dma_start3A_207 = tpu.memref_slice %arg9[%dma_start3A_203, %dma_start3A_205, %dma_start3A_206] : memref<2x128x128xf32, #tpu.memory_space<vmem>> -> memref<1x128x128xf32, #tpu.memory_space<vmem>>
      %dma_start3A_208 = tpu.memref_squeeze %dma_start3A_207 : memref<1x128x128xf32, #tpu.memory_space<vmem>> -> memref<128x128xf32, #tpu.memory_space<vmem>>
      %dma_start3A_209 = arith.constant 0 : i32
      %dma_start3A_210 = tpu.memref_slice %arg8[%dma_start3A_204, %dma_start3A_209] : memref<48x128xi32, #tpu.memory_space<vmem>> -> memref<1x128xi32, #tpu.memory_space<vmem>>
      %dma_start3A_211 = tpu.memref_squeeze %dma_start3A_210 : memref<1x128xi32, #tpu.memory_space<vmem>> -> memref<128xi32, #tpu.memory_space<vmem>>
      %dma_start3A_212 = arith.constant 0 : i32
      %dma_start3A_213 = arith.constant 0 : i32
      %dma_start3A_214 = tpu.memref_slice %arg10[%dma_start3A_212, %dma_start3A_213] : memref<10008x128xf32, #tpu.memory_space<vmem_shared>> -> memref<10008x128xf32, #tpu.memory_space<vmem_shared>>
      tpu.enqueue_indirect_dma source(%dma_start3A_208 : memref<128x128xf32, #tpu.memory_space<vmem>>) target(%dma_start3A_214 : memref<10008x128xf32, #tpu.memory_space<vmem_shared>>) offsets(%dma_start3A_211 : memref<128xi32, #tpu.memory_space<vmem>>) semaphore(%arg14 : memref<!tpu.dma_semaphore, #tpu.memory_space<semaphore_mem>>) {add = true}
      %dma_wait3A_215 = arith.constant 1 : i32
      %dma_wait3A_216 = arith.constant 0 : i32
      %dma_wait3A_217 = arith.constant 0 : i32
      %dma_wait3A_218 = arith.constant 0 : i32
      %dma_wait3A_219 = tpu.memref_slice %arg9[%dma_wait3A_215, %dma_wait3A_217, %dma_wait3A_218] : memref<2x128x128xf32, #tpu.memory_space<vmem>> -> memref<1x128x128xf32, #tpu.memory_space<vmem>>
      %dma_wait3A_220 = tpu.memref_squeeze %dma_wait3A_219 : memref<1x128x128xf32, #tpu.memory_space<vmem>> -> memref<128x128xf32, #tpu.memory_space<vmem>>
      %dma_wait3A_221 = arith.constant 0 : i32
      %dma_wait3A_222 = tpu.memref_slice %arg8[%dma_wait3A_216, %dma_wait3A_221] : memref<48x128xi32, #tpu.memory_space<vmem>> -> memref<1x128xi32, #tpu.memory_space<vmem>>
      %dma_wait3A_223 = tpu.memref_squeeze %dma_wait3A_222 : memref<1x128xi32, #tpu.memory_space<vmem>> -> memref<128xi32, #tpu.memory_space<vmem>>
      %dma_wait3A_224 = arith.constant 0 : i32
      %dma_wait3A_225 = arith.constant 0 : i32
      %dma_wait3A_226 = tpu.memref_slice %arg10[%dma_wait3A_224, %dma_wait3A_225] : memref<10008x128xf32, #tpu.memory_space<vmem_shared>> -> memref<10008x128xf32, #tpu.memory_space<vmem_shared>>
      tpu.wait_indirect_dma semaphore(%arg14 : memref<!tpu.dma_semaphore, #tpu.memory_space<semaphore_mem>>) src(%dma_wait3A_220 : memref<128x128xf32, #tpu.memory_space<vmem>>) dst(%dma_wait3A_226 : memref<10008x128xf32, #tpu.memory_space<vmem_shared>>)
      %add3A_227 = arith.constant 96 : i32
      %add3A_228 = arith.addi %mul3A_24, %add3A_227 : i32
      "tpu.region"() ({
        %run_scoped3A = tpu.sem_alloc : memref<!tpu.dma_semaphore, #tpu.memory_space<semaphore_mem>>
        %dma_start3A_433 = arith.constant 0 : i32
        %dma_start3A_434 = arith.constant 0 : i32
        %dma_start3A_435 = tpu.memref_slice %arg7[%dma_start3A_433, %dma_start3A_434] : memref<48x128xi32, #tpu.memory_space<vmem>> -> memref<48x128xi32, #tpu.memory_space<vmem>>
        %dma_start3A_436 = arith.constant 0 : i32
        %dma_start3A_437 = tpu.memref_slice %arg3[%add3A_228, %dma_start3A_436] : memref<2560x128xi32, #tpu.memory_space<hbm>> -> memref<48x128xi32, #tpu.memory_space<hbm>>
        %dma_start3A_438 = arith.constant 0 : i32
        %dma_start3A_439 = arith.constant 0 : i32
        %dma_start3A_440 = tpu.memref_slice %arg7[%dma_start3A_438, %dma_start3A_439] : memref<48x128xi32, #tpu.memory_space<vmem>> -> memref<48x128xi32, #tpu.memory_space<vmem>>
        %dma_start3A_441 = arith.constant 0 : i32
        %dma_start3A_442 = tpu.memref_slice %arg3[%add3A_228, %dma_start3A_441] : memref<2560x128xi32, #tpu.memory_space<hbm>> -> memref<48x128xi32, #tpu.memory_space<hbm>>
        tpu.enqueue_dma source(%dma_start3A_442 : memref<48x128xi32, #tpu.memory_space<hbm>>) target(%dma_start3A_440 : memref<48x128xi32, #tpu.memory_space<vmem>>) target_semaphore(%run_scoped3A : memref<!tpu.dma_semaphore, #tpu.memory_space<semaphore_mem>>)
        %dma_wait3A_443 = arith.constant 0 : i32
        %dma_wait3A_444 = arith.constant 0 : i32
        %dma_wait3A_445 = tpu.memref_slice %arg7[%dma_wait3A_443, %dma_wait3A_444] : memref<48x128xi32, #tpu.memory_space<vmem>> -> memref<48x128xi32, #tpu.memory_space<vmem>>
        %dma_wait3A_446 = arith.constant 0 : i32
        %dma_wait3A_447 = tpu.memref_slice %arg3[%add3A_228, %dma_wait3A_446] : memref<2560x128xi32, #tpu.memory_space<hbm>> -> memref<48x128xi32, #tpu.memory_space<hbm>>
        %dma_wait3A_448 = arith.constant 0 : i32
        %dma_wait3A_449 = arith.constant 0 : i32
        %dma_wait3A_450 = tpu.memref_slice %arg7[%dma_wait3A_448, %dma_wait3A_449] : memref<48x128xi32, #tpu.memory_space<vmem>> -> memref<48x128xi32, #tpu.memory_space<vmem>>
        %dma_wait3A_451 = arith.constant 0 : i32
        %dma_wait3A_452 = tpu.memref_slice %arg3[%add3A_228, %dma_wait3A_451] : memref<2560x128xi32, #tpu.memory_space<hbm>> -> memref<48x128xi32, #tpu.memory_space<hbm>>
        tpu.wait_dma2 semaphore(%run_scoped3A : memref<!tpu.dma_semaphore, #tpu.memory_space<semaphore_mem>>) src(%dma_wait3A_452 : memref<48x128xi32, #tpu.memory_space<hbm>>) dst(%dma_wait3A_450 : memref<48x128xi32, #tpu.memory_space<vmem>>)
        tpu.yield
      }) : () -> ()
      "tpu.region"() ({
        %run_scoped3A = tpu.sem_alloc : memref<!tpu.dma_semaphore, #tpu.memory_space<semaphore_mem>>
        %dma_start3A_433 = arith.constant 0 : i32
        %dma_start3A_434 = arith.constant 0 : i32
        %dma_start3A_435 = tpu.memref_slice %arg8[%dma_start3A_433, %dma_start3A_434] : memref<48x128xi32, #tpu.memory_space<vmem>> -> memref<48x128xi32, #tpu.memory_space<vmem>>
        %dma_start3A_436 = arith.constant 0 : i32
        %dma_start3A_437 = tpu.memref_slice %arg4[%add3A_228, %dma_start3A_436] : memref<2560x128xi32, #tpu.memory_space<hbm>> -> memref<48x128xi32, #tpu.memory_space<hbm>>
        %dma_start3A_438 = arith.constant 0 : i32
        %dma_start3A_439 = arith.constant 0 : i32
        %dma_start3A_440 = tpu.memref_slice %arg8[%dma_start3A_438, %dma_start3A_439] : memref<48x128xi32, #tpu.memory_space<vmem>> -> memref<48x128xi32, #tpu.memory_space<vmem>>
        %dma_start3A_441 = arith.constant 0 : i32
        %dma_start3A_442 = tpu.memref_slice %arg4[%add3A_228, %dma_start3A_441] : memref<2560x128xi32, #tpu.memory_space<hbm>> -> memref<48x128xi32, #tpu.memory_space<hbm>>
        tpu.enqueue_dma source(%dma_start3A_442 : memref<48x128xi32, #tpu.memory_space<hbm>>) target(%dma_start3A_440 : memref<48x128xi32, #tpu.memory_space<vmem>>) target_semaphore(%run_scoped3A : memref<!tpu.dma_semaphore, #tpu.memory_space<semaphore_mem>>)
        %dma_wait3A_443 = arith.constant 0 : i32
        %dma_wait3A_444 = arith.constant 0 : i32
        %dma_wait3A_445 = tpu.memref_slice %arg8[%dma_wait3A_443, %dma_wait3A_444] : memref<48x128xi32, #tpu.memory_space<vmem>> -> memref<48x128xi32, #tpu.memory_space<vmem>>
        %dma_wait3A_446 = arith.constant 0 : i32
        %dma_wait3A_447 = tpu.memref_slice %arg4[%add3A_228, %dma_wait3A_446] : memref<2560x128xi32, #tpu.memory_space<hbm>> -> memref<48x128xi32, #tpu.memory_space<hbm>>
        %dma_wait3A_448 = arith.constant 0 : i32
        %dma_wait3A_449 = arith.constant 0 : i32
        %dma_wait3A_450 = tpu.memref_slice %arg8[%dma_wait3A_448, %dma_wait3A_449] : memref<48x128xi32, #tpu.memory_space<vmem>> -> memref<48x128xi32, #tpu.memory_space<vmem>>
        %dma_wait3A_451 = arith.constant 0 : i32
        %dma_wait3A_452 = tpu.memref_slice %arg4[%add3A_228, %dma_wait3A_451] : memref<2560x128xi32, #tpu.memory_space<hbm>> -> memref<48x128xi32, #tpu.memory_space<hbm>>
        tpu.wait_dma2 semaphore(%run_scoped3A : memref<!tpu.dma_semaphore, #tpu.memory_space<semaphore_mem>>) src(%dma_wait3A_452 : memref<48x128xi32, #tpu.memory_space<hbm>>) dst(%dma_wait3A_450 : memref<48x128xi32, #tpu.memory_space<vmem>>)
        tpu.yield
      }) : () -> ()
      %dma_start3A_229 = arith.constant 0 : i32
      %dma_start3A_230 = arith.constant 0 : i32
      %dma_start3A_231 = arith.constant 0 : i32
      %dma_start3A_232 = arith.constant 0 : i32
      %dma_start3A_233 = tpu.memref_slice %arg9[%dma_start3A_230, %dma_start3A_231, %dma_start3A_232] : memref<2x128x128xf32, #tpu.memory_space<vmem>> -> memref<1x128x128xf32, #tpu.memory_space<vmem>>
      %dma_start3A_234 = tpu.memref_squeeze %dma_start3A_233 : memref<1x128x128xf32, #tpu.memory_space<vmem>> -> memref<128x128xf32, #tpu.memory_space<vmem>>
      %dma_start3A_235 = arith.constant 0 : i32
      %dma_start3A_236 = tpu.memref_slice %arg7[%dma_start3A_229, %dma_start3A_235] : memref<48x128xi32, #tpu.memory_space<vmem>> -> memref<1x128xi32, #tpu.memory_space<vmem>>
      %dma_start3A_237 = tpu.memref_squeeze %dma_start3A_236 : memref<1x128xi32, #tpu.memory_space<vmem>> -> memref<128xi32, #tpu.memory_space<vmem>>
      %dma_start3A_238 = arith.constant 0 : i32
      %dma_start3A_239 = arith.constant 0 : i32
      %dma_start3A_240 = tpu.memref_slice %arg2[%dma_start3A_238, %dma_start3A_239] : memref<10008x128xf32, #tpu.memory_space<hbm>> -> memref<10008x128xf32, #tpu.memory_space<hbm>>
      tpu.enqueue_indirect_dma source(%dma_start3A_240 : memref<10008x128xf32, #tpu.memory_space<hbm>>) target(%dma_start3A_234 : memref<128x128xf32, #tpu.memory_space<vmem>>) offsets(%dma_start3A_237 : memref<128xi32, #tpu.memory_space<vmem>>) semaphore(%arg11 : memref<!tpu.dma_semaphore, #tpu.memory_space<semaphore_mem>>)
      %dma_start3A_241 = arith.constant 1 : i32
      %dma_start3A_242 = arith.constant 1 : i32
      %dma_start3A_243 = arith.constant 0 : i32
      %dma_start3A_244 = arith.constant 0 : i32
      %dma_start3A_245 = tpu.memref_slice %arg9[%dma_start3A_242, %dma_start3A_243, %dma_start3A_244] : memref<2x128x128xf32, #tpu.memory_space<vmem>> -> memref<1x128x128xf32, #tpu.memory_space<vmem>>
      %dma_start3A_246 = tpu.memref_squeeze %dma_start3A_245 : memref<1x128x128xf32, #tpu.memory_space<vmem>> -> memref<128x128xf32, #tpu.memory_space<vmem>>
      %dma_start3A_247 = arith.constant 0 : i32
      %dma_start3A_248 = tpu.memref_slice %arg7[%dma_start3A_241, %dma_start3A_247] : memref<48x128xi32, #tpu.memory_space<vmem>> -> memref<1x128xi32, #tpu.memory_space<vmem>>
      %dma_start3A_249 = tpu.memref_squeeze %dma_start3A_248 : memref<1x128xi32, #tpu.memory_space<vmem>> -> memref<128xi32, #tpu.memory_space<vmem>>
      %dma_start3A_250 = arith.constant 0 : i32
      %dma_start3A_251 = arith.constant 0 : i32
      %dma_start3A_252 = tpu.memref_slice %arg2[%dma_start3A_250, %dma_start3A_251] : memref<10008x128xf32, #tpu.memory_space<hbm>> -> memref<10008x128xf32, #tpu.memory_space<hbm>>
      tpu.enqueue_indirect_dma source(%dma_start3A_252 : memref<10008x128xf32, #tpu.memory_space<hbm>>) target(%dma_start3A_246 : memref<128x128xf32, #tpu.memory_space<vmem>>) offsets(%dma_start3A_249 : memref<128xi32, #tpu.memory_space<vmem>>) semaphore(%arg12 : memref<!tpu.dma_semaphore, #tpu.memory_space<semaphore_mem>>)
      %scan3A_253 = arith.constant 0 : i32
      %scan3A_254 = arith.constant 23 : i32
      %scan3A_255 = arith.addi %scan3A_253, %scan3A_254 : i32
      %scan3A_256 = arith.constant 1 : i32
      scf.for %scan3A_433 = %scan3A_253 to %scan3A_255 step %scan3A_256  : i32 {
        %mul3A_434 = arith.constant 2 : i32
        %mul3A_435 = arith.muli %scan3A_433, %mul3A_434 : i32
        %add3A_436 = arith.constant 0 : i32
        %add3A_437 = arith.addi %add3A_436, %mul3A_435 : i32
        %dma_wait3A_438 = arith.constant 0 : i32
        %dma_wait3A_439 = arith.constant 0 : i32
        %dma_wait3A_440 = arith.constant 0 : i32
        %dma_wait3A_441 = arith.constant 0 : i32
        %dma_wait3A_442 = tpu.memref_slice %arg9[%dma_wait3A_439, %dma_wait3A_440, %dma_wait3A_441] : memref<2x128x128xf32, #tpu.memory_space<vmem>> -> memref<1x128x128xf32, #tpu.memory_space<vmem>>
        %dma_wait3A_443 = tpu.memref_squeeze %dma_wait3A_442 : memref<1x128x128xf32, #tpu.memory_space<vmem>> -> memref<128x128xf32, #tpu.memory_space<vmem>>
        %dma_wait3A_444 = arith.constant 0 : i32
        %dma_wait3A_445 = tpu.memref_slice %arg7[%dma_wait3A_438, %dma_wait3A_444] : memref<48x128xi32, #tpu.memory_space<vmem>> -> memref<1x128xi32, #tpu.memory_space<vmem>>
        %dma_wait3A_446 = tpu.memref_squeeze %dma_wait3A_445 : memref<1x128xi32, #tpu.memory_space<vmem>> -> memref<128xi32, #tpu.memory_space<vmem>>
        %dma_wait3A_447 = arith.constant 0 : i32
        %dma_wait3A_448 = arith.constant 0 : i32
        %dma_wait3A_449 = tpu.memref_slice %arg2[%dma_wait3A_447, %dma_wait3A_448] : memref<10008x128xf32, #tpu.memory_space<hbm>> -> memref<10008x128xf32, #tpu.memory_space<hbm>>
        tpu.wait_indirect_dma semaphore(%arg11 : memref<!tpu.dma_semaphore, #tpu.memory_space<semaphore_mem>>) src(%dma_wait3A_449 : memref<10008x128xf32, #tpu.memory_space<hbm>>) dst(%dma_wait3A_443 : memref<128x128xf32, #tpu.memory_space<vmem>>)
        %add3A_450 = arith.constant 0 : i32
        %add3A_451 = arith.addi %add3A_437, %add3A_450 : i32
        %dma_start3A_452 = arith.constant 0 : i32
        %dma_start3A_453 = arith.constant 0 : i32
        %dma_start3A_454 = arith.constant 0 : i32
        %dma_start3A_455 = tpu.memref_slice %arg9[%dma_start3A_452, %dma_start3A_453, %dma_start3A_454] : memref<2x128x128xf32, #tpu.memory_space<vmem>> -> memref<1x128x128xf32, #tpu.memory_space<vmem>>
        %dma_start3A_456 = tpu.memref_squeeze %dma_start3A_455 : memref<1x128x128xf32, #tpu.memory_space<vmem>> -> memref<128x128xf32, #tpu.memory_space<vmem>>
        %dma_start3A_457 = arith.constant 0 : i32
        %dma_start3A_458 = tpu.memref_slice %arg8[%add3A_451, %dma_start3A_457] : memref<48x128xi32, #tpu.memory_space<vmem>> -> memref<1x128xi32, #tpu.memory_space<vmem>>
        %dma_start3A_459 = tpu.memref_squeeze %dma_start3A_458 : memref<1x128xi32, #tpu.memory_space<vmem>> -> memref<128xi32, #tpu.memory_space<vmem>>
        %dma_start3A_460 = arith.constant 0 : i32
        %dma_start3A_461 = arith.constant 0 : i32
        %dma_start3A_462 = tpu.memref_slice %arg10[%dma_start3A_460, %dma_start3A_461] : memref<10008x128xf32, #tpu.memory_space<vmem_shared>> -> memref<10008x128xf32, #tpu.memory_space<vmem_shared>>
        tpu.enqueue_indirect_dma source(%dma_start3A_456 : memref<128x128xf32, #tpu.memory_space<vmem>>) target(%dma_start3A_462 : memref<10008x128xf32, #tpu.memory_space<vmem_shared>>) offsets(%dma_start3A_459 : memref<128xi32, #tpu.memory_space<vmem>>) semaphore(%arg13 : memref<!tpu.dma_semaphore, #tpu.memory_space<semaphore_mem>>) {add = true}
        %dma_wait3A_463 = arith.constant 0 : i32
        %dma_wait3A_464 = arith.constant 0 : i32
        %dma_wait3A_465 = arith.constant 0 : i32
        %dma_wait3A_466 = arith.constant 0 : i32
        %dma_wait3A_467 = tpu.memref_slice %arg9[%dma_wait3A_463, %dma_wait3A_465, %dma_wait3A_466] : memref<2x128x128xf32, #tpu.memory_space<vmem>> -> memref<1x128x128xf32, #tpu.memory_space<vmem>>
        %dma_wait3A_468 = tpu.memref_squeeze %dma_wait3A_467 : memref<1x128x128xf32, #tpu.memory_space<vmem>> -> memref<128x128xf32, #tpu.memory_space<vmem>>
        %dma_wait3A_469 = arith.constant 0 : i32
        %dma_wait3A_470 = tpu.memref_slice %arg8[%dma_wait3A_464, %dma_wait3A_469] : memref<48x128xi32, #tpu.memory_space<vmem>> -> memref<1x128xi32, #tpu.memory_space<vmem>>
        %dma_wait3A_471 = tpu.memref_squeeze %dma_wait3A_470 : memref<1x128xi32, #tpu.memory_space<vmem>> -> memref<128xi32, #tpu.memory_space<vmem>>
        %dma_wait3A_472 = arith.constant 0 : i32
        %dma_wait3A_473 = arith.constant 0 : i32
        %dma_wait3A_474 = tpu.memref_slice %arg10[%dma_wait3A_472, %dma_wait3A_473] : memref<10008x128xf32, #tpu.memory_space<vmem_shared>> -> memref<10008x128xf32, #tpu.memory_space<vmem_shared>>
        tpu.wait_indirect_dma semaphore(%arg13 : memref<!tpu.dma_semaphore, #tpu.memory_space<semaphore_mem>>) src(%dma_wait3A_468 : memref<128x128xf32, #tpu.memory_space<vmem>>) dst(%dma_wait3A_474 : memref<10008x128xf32, #tpu.memory_space<vmem_shared>>)
        %add3A_475 = arith.constant 0 : i32
        %add3A_476 = arith.addi %add3A_437, %add3A_475 : i32
        %add3A_477 = arith.constant 2 : i32
        %add3A_478 = arith.addi %add3A_476, %add3A_477 : i32
        %dma_start3A_479 = arith.constant 0 : i32
        %dma_start3A_480 = arith.constant 0 : i32
        %dma_start3A_481 = arith.constant 0 : i32
        %dma_start3A_482 = tpu.memref_slice %arg9[%dma_start3A_479, %dma_start3A_480, %dma_start3A_481] : memref<2x128x128xf32, #tpu.memory_space<vmem>> -> memref<1x128x128xf32, #tpu.memory_space<vmem>>
        %dma_start3A_483 = tpu.memref_squeeze %dma_start3A_482 : memref<1x128x128xf32, #tpu.memory_space<vmem>> -> memref<128x128xf32, #tpu.memory_space<vmem>>
        %dma_start3A_484 = arith.constant 0 : i32
        %dma_start3A_485 = tpu.memref_slice %arg7[%add3A_478, %dma_start3A_484] : memref<48x128xi32, #tpu.memory_space<vmem>> -> memref<1x128xi32, #tpu.memory_space<vmem>>
        %dma_start3A_486 = tpu.memref_squeeze %dma_start3A_485 : memref<1x128xi32, #tpu.memory_space<vmem>> -> memref<128xi32, #tpu.memory_space<vmem>>
        %dma_start3A_487 = arith.constant 0 : i32
        %dma_start3A_488 = arith.constant 0 : i32
        %dma_start3A_489 = tpu.memref_slice %arg2[%dma_start3A_487, %dma_start3A_488] : memref<10008x128xf32, #tpu.memory_space<hbm>> -> memref<10008x128xf32, #tpu.memory_space<hbm>>
        tpu.enqueue_indirect_dma source(%dma_start3A_489 : memref<10008x128xf32, #tpu.memory_space<hbm>>) target(%dma_start3A_483 : memref<128x128xf32, #tpu.memory_space<vmem>>) offsets(%dma_start3A_486 : memref<128xi32, #tpu.memory_space<vmem>>) semaphore(%arg11 : memref<!tpu.dma_semaphore, #tpu.memory_space<semaphore_mem>>)
        %dma_wait3A_490 = arith.constant 0 : i32
        %dma_wait3A_491 = arith.constant 1 : i32
        %dma_wait3A_492 = arith.constant 0 : i32
        %dma_wait3A_493 = arith.constant 0 : i32
        %dma_wait3A_494 = tpu.memref_slice %arg9[%dma_wait3A_491, %dma_wait3A_492, %dma_wait3A_493] : memref<2x128x128xf32, #tpu.memory_space<vmem>> -> memref<1x128x128xf32, #tpu.memory_space<vmem>>
        %dma_wait3A_495 = tpu.memref_squeeze %dma_wait3A_494 : memref<1x128x128xf32, #tpu.memory_space<vmem>> -> memref<128x128xf32, #tpu.memory_space<vmem>>
        %dma_wait3A_496 = arith.constant 0 : i32
        %dma_wait3A_497 = tpu.memref_slice %arg7[%dma_wait3A_490, %dma_wait3A_496] : memref<48x128xi32, #tpu.memory_space<vmem>> -> memref<1x128xi32, #tpu.memory_space<vmem>>
        %dma_wait3A_498 = tpu.memref_squeeze %dma_wait3A_497 : memref<1x128xi32, #tpu.memory_space<vmem>> -> memref<128xi32, #tpu.memory_space<vmem>>
        %dma_wait3A_499 = arith.constant 0 : i32
        %dma_wait3A_500 = arith.constant 0 : i32
        %dma_wait3A_501 = tpu.memref_slice %arg2[%dma_wait3A_499, %dma_wait3A_500] : memref<10008x128xf32, #tpu.memory_space<hbm>> -> memref<10008x128xf32, #tpu.memory_space<hbm>>
        tpu.wait_indirect_dma semaphore(%arg12 : memref<!tpu.dma_semaphore, #tpu.memory_space<semaphore_mem>>) src(%dma_wait3A_501 : memref<10008x128xf32, #tpu.memory_space<hbm>>) dst(%dma_wait3A_495 : memref<128x128xf32, #tpu.memory_space<vmem>>)
        %add3A_502 = arith.constant 1 : i32
        %add3A_503 = arith.addi %add3A_437, %add3A_502 : i32
        %dma_start3A_504 = arith.constant 1 : i32
        %dma_start3A_505 = arith.constant 0 : i32
        %dma_start3A_506 = arith.constant 0 : i32
        %dma_start3A_507 = tpu.memref_slice %arg9[%dma_start3A_504, %dma_start3A_505, %dma_start3A_506] : memref<2x128x128xf32, #tpu.memory_space<vmem>> -> memref<1x128x128xf32, #tpu.memory_space<vmem>>
        %dma_start3A_508 = tpu.memref_squeeze %dma_start3A_507 : memref<1x128x128xf32, #tpu.memory_space<vmem>> -> memref<128x128xf32, #tpu.memory_space<vmem>>
        %dma_start3A_509 = arith.constant 0 : i32
        %dma_start3A_510 = tpu.memref_slice %arg8[%add3A_503, %dma_start3A_509] : memref<48x128xi32, #tpu.memory_space<vmem>> -> memref<1x128xi32, #tpu.memory_space<vmem>>
        %dma_start3A_511 = tpu.memref_squeeze %dma_start3A_510 : memref<1x128xi32, #tpu.memory_space<vmem>> -> memref<128xi32, #tpu.memory_space<vmem>>
        %dma_start3A_512 = arith.constant 0 : i32
        %dma_start3A_513 = arith.constant 0 : i32
        %dma_start3A_514 = tpu.memref_slice %arg10[%dma_start3A_512, %dma_start3A_513] : memref<10008x128xf32, #tpu.memory_space<vmem_shared>> -> memref<10008x128xf32, #tpu.memory_space<vmem_shared>>
        tpu.enqueue_indirect_dma source(%dma_start3A_508 : memref<128x128xf32, #tpu.memory_space<vmem>>) target(%dma_start3A_514 : memref<10008x128xf32, #tpu.memory_space<vmem_shared>>) offsets(%dma_start3A_511 : memref<128xi32, #tpu.memory_space<vmem>>) semaphore(%arg14 : memref<!tpu.dma_semaphore, #tpu.memory_space<semaphore_mem>>) {add = true}
        %dma_wait3A_515 = arith.constant 1 : i32
        %dma_wait3A_516 = arith.constant 0 : i32
        %dma_wait3A_517 = arith.constant 0 : i32
        %dma_wait3A_518 = arith.constant 0 : i32
        %dma_wait3A_519 = tpu.memref_slice %arg9[%dma_wait3A_515, %dma_wait3A_517, %dma_wait3A_518] : memref<2x128x128xf32, #tpu.memory_space<vmem>> -> memref<1x128x128xf32, #tpu.memory_space<vmem>>
        %dma_wait3A_520 = tpu.memref_squeeze %dma_wait3A_519 : memref<1x128x128xf32, #tpu.memory_space<vmem>> -> memref<128x128xf32, #tpu.memory_space<vmem>>
        %dma_wait3A_521 = arith.constant 0 : i32
        %dma_wait3A_522 = tpu.memref_slice %arg8[%dma_wait3A_516, %dma_wait3A_521] : memref<48x128xi32, #tpu.memory_space<vmem>> -> memref<1x128xi32, #tpu.memory_space<vmem>>
        %dma_wait3A_523 = tpu.memref_squeeze %dma_wait3A_522 : memref<1x128xi32, #tpu.memory_space<vmem>> -> memref<128xi32, #tpu.memory_space<vmem>>
        %dma_wait3A_524 = arith.constant 0 : i32
        %dma_wait3A_525 = arith.constant 0 : i32
        %dma_wait3A_526 = tpu.memref_slice %arg10[%dma_wait3A_524, %dma_wait3A_525] : memref<10008x128xf32, #tpu.memory_space<vmem_shared>> -> memref<10008x128xf32, #tpu.memory_space<vmem_shared>>
        tpu.wait_indirect_dma semaphore(%arg14 : memref<!tpu.dma_semaphore, #tpu.memory_space<semaphore_mem>>) src(%dma_wait3A_520 : memref<128x128xf32, #tpu.memory_space<vmem>>) dst(%dma_wait3A_526 : memref<10008x128xf32, #tpu.memory_space<vmem_shared>>)
        %add3A_527 = arith.constant 1 : i32
        %add3A_528 = arith.addi %add3A_437, %add3A_527 : i32
        %add3A_529 = arith.constant 2 : i32
        %add3A_530 = arith.addi %add3A_528, %add3A_529 : i32
        %dma_start3A_531 = arith.constant 1 : i32
        %dma_start3A_532 = arith.constant 0 : i32
        %dma_start3A_533 = arith.constant 0 : i32
        %dma_start3A_534 = tpu.memref_slice %arg9[%dma_start3A_531, %dma_start3A_532, %dma_start3A_533] : memref<2x128x128xf32, #tpu.memory_space<vmem>> -> memref<1x128x128xf32, #tpu.memory_space<vmem>>
        %dma_start3A_535 = tpu.memref_squeeze %dma_start3A_534 : memref<1x128x128xf32, #tpu.memory_space<vmem>> -> memref<128x128xf32, #tpu.memory_space<vmem>>
        %dma_start3A_536 = arith.constant 0 : i32
        %dma_start3A_537 = tpu.memref_slice %arg7[%add3A_530, %dma_start3A_536] : memref<48x128xi32, #tpu.memory_space<vmem>> -> memref<1x128xi32, #tpu.memory_space<vmem>>
        %dma_start3A_538 = tpu.memref_squeeze %dma_start3A_537 : memref<1x128xi32, #tpu.memory_space<vmem>> -> memref<128xi32, #tpu.memory_space<vmem>>
        %dma_start3A_539 = arith.constant 0 : i32
        %dma_start3A_540 = arith.constant 0 : i32
        %dma_start3A_541 = tpu.memref_slice %arg2[%dma_start3A_539, %dma_start3A_540] : memref<10008x128xf32, #tpu.memory_space<hbm>> -> memref<10008x128xf32, #tpu.memory_space<hbm>>
        tpu.enqueue_indirect_dma source(%dma_start3A_541 : memref<10008x128xf32, #tpu.memory_space<hbm>>) target(%dma_start3A_535 : memref<128x128xf32, #tpu.memory_space<vmem>>) offsets(%dma_start3A_538 : memref<128xi32, #tpu.memory_space<vmem>>) semaphore(%arg12 : memref<!tpu.dma_semaphore, #tpu.memory_space<semaphore_mem>>)
      }
      %scan3A_257 = arith.constant 23 : i32
      %dma_wait3A_258 = arith.constant 0 : i32
      %dma_wait3A_259 = arith.constant 0 : i32
      %dma_wait3A_260 = arith.constant 0 : i32
      %dma_wait3A_261 = arith.constant 0 : i32
      %dma_wait3A_262 = tpu.memref_slice %arg9[%dma_wait3A_259, %dma_wait3A_260, %dma_wait3A_261] : memref<2x128x128xf32, #tpu.memory_space<vmem>> -> memref<1x128x128xf32, #tpu.memory_space<vmem>>
      %dma_wait3A_263 = tpu.memref_squeeze %dma_wait3A_262 : memref<1x128x128xf32, #tpu.memory_space<vmem>> -> memref<128x128xf32, #tpu.memory_space<vmem>>
      %dma_wait3A_264 = arith.constant 0 : i32
      %dma_wait3A_265 = tpu.memref_slice %arg7[%dma_wait3A_258, %dma_wait3A_264] : memref<48x128xi32, #tpu.memory_space<vmem>> -> memref<1x128xi32, #tpu.memory_space<vmem>>
      %dma_wait3A_266 = tpu.memref_squeeze %dma_wait3A_265 : memref<1x128xi32, #tpu.memory_space<vmem>> -> memref<128xi32, #tpu.memory_space<vmem>>
      %dma_wait3A_267 = arith.constant 0 : i32
      %dma_wait3A_268 = arith.constant 0 : i32
      %dma_wait3A_269 = tpu.memref_slice %arg2[%dma_wait3A_267, %dma_wait3A_268] : memref<10008x128xf32, #tpu.memory_space<hbm>> -> memref<10008x128xf32, #tpu.memory_space<hbm>>
      tpu.wait_indirect_dma semaphore(%arg11 : memref<!tpu.dma_semaphore, #tpu.memory_space<semaphore_mem>>) src(%dma_wait3A_269 : memref<10008x128xf32, #tpu.memory_space<hbm>>) dst(%dma_wait3A_263 : memref<128x128xf32, #tpu.memory_space<vmem>>)
      %dma_start3A_270 = arith.constant 0 : i32
      %dma_start3A_271 = arith.constant 46 : i32
      %dma_start3A_272 = arith.constant 0 : i32
      %dma_start3A_273 = arith.constant 0 : i32
      %dma_start3A_274 = tpu.memref_slice %arg9[%dma_start3A_270, %dma_start3A_272, %dma_start3A_273] : memref<2x128x128xf32, #tpu.memory_space<vmem>> -> memref<1x128x128xf32, #tpu.memory_space<vmem>>
      %dma_start3A_275 = tpu.memref_squeeze %dma_start3A_274 : memref<1x128x128xf32, #tpu.memory_space<vmem>> -> memref<128x128xf32, #tpu.memory_space<vmem>>
      %dma_start3A_276 = arith.constant 0 : i32
      %dma_start3A_277 = tpu.memref_slice %arg8[%dma_start3A_271, %dma_start3A_276] : memref<48x128xi32, #tpu.memory_space<vmem>> -> memref<1x128xi32, #tpu.memory_space<vmem>>
      %dma_start3A_278 = tpu.memref_squeeze %dma_start3A_277 : memref<1x128xi32, #tpu.memory_space<vmem>> -> memref<128xi32, #tpu.memory_space<vmem>>
      %dma_start3A_279 = arith.constant 0 : i32
      %dma_start3A_280 = arith.constant 0 : i32
      %dma_start3A_281 = tpu.memref_slice %arg10[%dma_start3A_279, %dma_start3A_280] : memref<10008x128xf32, #tpu.memory_space<vmem_shared>> -> memref<10008x128xf32, #tpu.memory_space<vmem_shared>>
      tpu.enqueue_indirect_dma source(%dma_start3A_275 : memref<128x128xf32, #tpu.memory_space<vmem>>) target(%dma_start3A_281 : memref<10008x128xf32, #tpu.memory_space<vmem_shared>>) offsets(%dma_start3A_278 : memref<128xi32, #tpu.memory_space<vmem>>) semaphore(%arg13 : memref<!tpu.dma_semaphore, #tpu.memory_space<semaphore_mem>>) {add = true}
      %dma_wait3A_282 = arith.constant 0 : i32
      %dma_wait3A_283 = arith.constant 0 : i32
      %dma_wait3A_284 = arith.constant 0 : i32
      %dma_wait3A_285 = arith.constant 0 : i32
      %dma_wait3A_286 = tpu.memref_slice %arg9[%dma_wait3A_282, %dma_wait3A_284, %dma_wait3A_285] : memref<2x128x128xf32, #tpu.memory_space<vmem>> -> memref<1x128x128xf32, #tpu.memory_space<vmem>>
      %dma_wait3A_287 = tpu.memref_squeeze %dma_wait3A_286 : memref<1x128x128xf32, #tpu.memory_space<vmem>> -> memref<128x128xf32, #tpu.memory_space<vmem>>
      %dma_wait3A_288 = arith.constant 0 : i32
      %dma_wait3A_289 = tpu.memref_slice %arg8[%dma_wait3A_283, %dma_wait3A_288] : memref<48x128xi32, #tpu.memory_space<vmem>> -> memref<1x128xi32, #tpu.memory_space<vmem>>
      %dma_wait3A_290 = tpu.memref_squeeze %dma_wait3A_289 : memref<1x128xi32, #tpu.memory_space<vmem>> -> memref<128xi32, #tpu.memory_space<vmem>>
      %dma_wait3A_291 = arith.constant 0 : i32
      %dma_wait3A_292 = arith.constant 0 : i32
      %dma_wait3A_293 = tpu.memref_slice %arg10[%dma_wait3A_291, %dma_wait3A_292] : memref<10008x128xf32, #tpu.memory_space<vmem_shared>> -> memref<10008x128xf32, #tpu.memory_space<vmem_shared>>
      tpu.wait_indirect_dma semaphore(%arg13 : memref<!tpu.dma_semaphore, #tpu.memory_space<semaphore_mem>>) src(%dma_wait3A_287 : memref<128x128xf32, #tpu.memory_space<vmem>>) dst(%dma_wait3A_293 : memref<10008x128xf32, #tpu.memory_space<vmem_shared>>)
      %dma_wait3A_294 = arith.constant 0 : i32
      %dma_wait3A_295 = arith.constant 1 : i32
      %dma_wait3A_296 = arith.constant 0 : i32
      %dma_wait3A_297 = arith.constant 0 : i32
      %dma_wait3A_298 = tpu.memref_slice %arg9[%dma_wait3A_295, %dma_wait3A_296, %dma_wait3A_297] : memref<2x128x128xf32, #tpu.memory_space<vmem>> -> memref<1x128x128xf32, #tpu.memory_space<vmem>>
      %dma_wait3A_299 = tpu.memref_squeeze %dma_wait3A_298 : memref<1x128x128xf32, #tpu.memory_space<vmem>> -> memref<128x128xf32, #tpu.memory_space<vmem>>
      %dma_wait3A_300 = arith.constant 0 : i32
      %dma_wait3A_301 = tpu.memref_slice %arg7[%dma_wait3A_294, %dma_wait3A_300] : memref<48x128xi32, #tpu.memory_space<vmem>> -> memref<1x128xi32, #tpu.memory_space<vmem>>
      %dma_wait3A_302 = tpu.memref_squeeze %dma_wait3A_301 : memref<1x128xi32, #tpu.memory_space<vmem>> -> memref<128xi32, #tpu.memory_space<vmem>>
      %dma_wait3A_303 = arith.constant 0 : i32
      %dma_wait3A_304 = arith.constant 0 : i32
      %dma_wait3A_305 = tpu.memref_slice %arg2[%dma_wait3A_303, %dma_wait3A_304] : memref<10008x128xf32, #tpu.memory_space<hbm>> -> memref<10008x128xf32, #tpu.memory_space<hbm>>
      tpu.wait_indirect_dma semaphore(%arg12 : memref<!tpu.dma_semaphore, #tpu.memory_space<semaphore_mem>>) src(%dma_wait3A_305 : memref<10008x128xf32, #tpu.memory_space<hbm>>) dst(%dma_wait3A_299 : memref<128x128xf32, #tpu.memory_space<vmem>>)
      %dma_start3A_306 = arith.constant 1 : i32
      %dma_start3A_307 = arith.constant 47 : i32
      %dma_start3A_308 = arith.constant 0 : i32
      %dma_start3A_309 = arith.constant 0 : i32
      %dma_start3A_310 = tpu.memref_slice %arg9[%dma_start3A_306, %dma_start3A_308, %dma_start3A_309] : memref<2x128x128xf32, #tpu.memory_space<vmem>> -> memref<1x128x128xf32, #tpu.memory_space<vmem>>
      %dma_start3A_311 = tpu.memref_squeeze %dma_start3A_310 : memref<1x128x128xf32, #tpu.memory_space<vmem>> -> memref<128x128xf32, #tpu.memory_space<vmem>>
      %dma_start3A_312 = arith.constant 0 : i32
      %dma_start3A_313 = tpu.memref_slice %arg8[%dma_start3A_307, %dma_start3A_312] : memref<48x128xi32, #tpu.memory_space<vmem>> -> memref<1x128xi32, #tpu.memory_space<vmem>>
      %dma_start3A_314 = tpu.memref_squeeze %dma_start3A_313 : memref<1x128xi32, #tpu.memory_space<vmem>> -> memref<128xi32, #tpu.memory_space<vmem>>
      %dma_start3A_315 = arith.constant 0 : i32
      %dma_start3A_316 = arith.constant 0 : i32
      %dma_start3A_317 = tpu.memref_slice %arg10[%dma_start3A_315, %dma_start3A_316] : memref<10008x128xf32, #tpu.memory_space<vmem_shared>> -> memref<10008x128xf32, #tpu.memory_space<vmem_shared>>
      tpu.enqueue_indirect_dma source(%dma_start3A_311 : memref<128x128xf32, #tpu.memory_space<vmem>>) target(%dma_start3A_317 : memref<10008x128xf32, #tpu.memory_space<vmem_shared>>) offsets(%dma_start3A_314 : memref<128xi32, #tpu.memory_space<vmem>>) semaphore(%arg14 : memref<!tpu.dma_semaphore, #tpu.memory_space<semaphore_mem>>) {add = true}
      %dma_wait3A_318 = arith.constant 1 : i32
      %dma_wait3A_319 = arith.constant 0 : i32
      %dma_wait3A_320 = arith.constant 0 : i32
      %dma_wait3A_321 = arith.constant 0 : i32
      %dma_wait3A_322 = tpu.memref_slice %arg9[%dma_wait3A_318, %dma_wait3A_320, %dma_wait3A_321] : memref<2x128x128xf32, #tpu.memory_space<vmem>> -> memref<1x128x128xf32, #tpu.memory_space<vmem>>
      %dma_wait3A_323 = tpu.memref_squeeze %dma_wait3A_322 : memref<1x128x128xf32, #tpu.memory_space<vmem>> -> memref<128x128xf32, #tpu.memory_space<vmem>>
      %dma_wait3A_324 = arith.constant 0 : i32
      %dma_wait3A_325 = tpu.memref_slice %arg8[%dma_wait3A_319, %dma_wait3A_324] : memref<48x128xi32, #tpu.memory_space<vmem>> -> memref<1x128xi32, #tpu.memory_space<vmem>>
      %dma_wait3A_326 = tpu.memref_squeeze %dma_wait3A_325 : memref<1x128xi32, #tpu.memory_space<vmem>> -> memref<128xi32, #tpu.memory_space<vmem>>
      %dma_wait3A_327 = arith.constant 0 : i32
      %dma_wait3A_328 = arith.constant 0 : i32
      %dma_wait3A_329 = tpu.memref_slice %arg10[%dma_wait3A_327, %dma_wait3A_328] : memref<10008x128xf32, #tpu.memory_space<vmem_shared>> -> memref<10008x128xf32, #tpu.memory_space<vmem_shared>>
      tpu.wait_indirect_dma semaphore(%arg14 : memref<!tpu.dma_semaphore, #tpu.memory_space<semaphore_mem>>) src(%dma_wait3A_323 : memref<128x128xf32, #tpu.memory_space<vmem>>) dst(%dma_wait3A_329 : memref<10008x128xf32, #tpu.memory_space<vmem_shared>>)
      %add3A_330 = arith.constant 144 : i32
      %add3A_331 = arith.addi %mul3A_24, %add3A_330 : i32
      "tpu.region"() ({
        %run_scoped3A = tpu.sem_alloc : memref<!tpu.dma_semaphore, #tpu.memory_space<semaphore_mem>>
        %dma_start3A_433 = arith.constant 0 : i32
        %dma_start3A_434 = arith.constant 0 : i32
        %dma_start3A_435 = tpu.memref_slice %arg7[%dma_start3A_433, %dma_start3A_434] : memref<48x128xi32, #tpu.memory_space<vmem>> -> memref<8x128xi32, #tpu.memory_space<vmem>>
        %dma_start3A_436 = arith.constant 0 : i32
        %dma_start3A_437 = tpu.memref_slice %arg3[%add3A_331, %dma_start3A_436] : memref<2560x128xi32, #tpu.memory_space<hbm>> -> memref<8x128xi32, #tpu.memory_space<hbm>>
        %dma_start3A_438 = arith.constant 0 : i32
        %dma_start3A_439 = arith.constant 0 : i32
        %dma_start3A_440 = tpu.memref_slice %arg7[%dma_start3A_438, %dma_start3A_439] : memref<48x128xi32, #tpu.memory_space<vmem>> -> memref<8x128xi32, #tpu.memory_space<vmem>>
        %dma_start3A_441 = arith.constant 0 : i32
        %dma_start3A_442 = tpu.memref_slice %arg3[%add3A_331, %dma_start3A_441] : memref<2560x128xi32, #tpu.memory_space<hbm>> -> memref<8x128xi32, #tpu.memory_space<hbm>>
        tpu.enqueue_dma source(%dma_start3A_442 : memref<8x128xi32, #tpu.memory_space<hbm>>) target(%dma_start3A_440 : memref<8x128xi32, #tpu.memory_space<vmem>>) target_semaphore(%run_scoped3A : memref<!tpu.dma_semaphore, #tpu.memory_space<semaphore_mem>>)
        %dma_wait3A_443 = arith.constant 0 : i32
        %dma_wait3A_444 = arith.constant 0 : i32
        %dma_wait3A_445 = tpu.memref_slice %arg7[%dma_wait3A_443, %dma_wait3A_444] : memref<48x128xi32, #tpu.memory_space<vmem>> -> memref<8x128xi32, #tpu.memory_space<vmem>>
        %dma_wait3A_446 = arith.constant 0 : i32
        %dma_wait3A_447 = tpu.memref_slice %arg3[%add3A_331, %dma_wait3A_446] : memref<2560x128xi32, #tpu.memory_space<hbm>> -> memref<8x128xi32, #tpu.memory_space<hbm>>
        %dma_wait3A_448 = arith.constant 0 : i32
        %dma_wait3A_449 = arith.constant 0 : i32
        %dma_wait3A_450 = tpu.memref_slice %arg7[%dma_wait3A_448, %dma_wait3A_449] : memref<48x128xi32, #tpu.memory_space<vmem>> -> memref<8x128xi32, #tpu.memory_space<vmem>>
        %dma_wait3A_451 = arith.constant 0 : i32
        %dma_wait3A_452 = tpu.memref_slice %arg3[%add3A_331, %dma_wait3A_451] : memref<2560x128xi32, #tpu.memory_space<hbm>> -> memref<8x128xi32, #tpu.memory_space<hbm>>
        tpu.wait_dma2 semaphore(%run_scoped3A : memref<!tpu.dma_semaphore, #tpu.memory_space<semaphore_mem>>) src(%dma_wait3A_452 : memref<8x128xi32, #tpu.memory_space<hbm>>) dst(%dma_wait3A_450 : memref<8x128xi32, #tpu.memory_space<vmem>>)
        tpu.yield
      }) : () -> ()
      "tpu.region"() ({
        %run_scoped3A = tpu.sem_alloc : memref<!tpu.dma_semaphore, #tpu.memory_space<semaphore_mem>>
        %dma_start3A_433 = arith.constant 0 : i32
        %dma_start3A_434 = arith.constant 0 : i32
        %dma_start3A_435 = tpu.memref_slice %arg8[%dma_start3A_433, %dma_start3A_434] : memref<48x128xi32, #tpu.memory_space<vmem>> -> memref<8x128xi32, #tpu.memory_space<vmem>>
        %dma_start3A_436 = arith.constant 0 : i32
        %dma_start3A_437 = tpu.memref_slice %arg4[%add3A_331, %dma_start3A_436] : memref<2560x128xi32, #tpu.memory_space<hbm>> -> memref<8x128xi32, #tpu.memory_space<hbm>>
        %dma_start3A_438 = arith.constant 0 : i32
        %dma_start3A_439 = arith.constant 0 : i32
        %dma_start3A_440 = tpu.memref_slice %arg8[%dma_start3A_438, %dma_start3A_439] : memref<48x128xi32, #tpu.memory_space<vmem>> -> memref<8x128xi32, #tpu.memory_space<vmem>>
        %dma_start3A_441 = arith.constant 0 : i32
        %dma_start3A_442 = tpu.memref_slice %arg4[%add3A_331, %dma_start3A_441] : memref<2560x128xi32, #tpu.memory_space<hbm>> -> memref<8x128xi32, #tpu.memory_space<hbm>>
        tpu.enqueue_dma source(%dma_start3A_442 : memref<8x128xi32, #tpu.memory_space<hbm>>) target(%dma_start3A_440 : memref<8x128xi32, #tpu.memory_space<vmem>>) target_semaphore(%run_scoped3A : memref<!tpu.dma_semaphore, #tpu.memory_space<semaphore_mem>>)
        %dma_wait3A_443 = arith.constant 0 : i32
        %dma_wait3A_444 = arith.constant 0 : i32
        %dma_wait3A_445 = tpu.memref_slice %arg8[%dma_wait3A_443, %dma_wait3A_444] : memref<48x128xi32, #tpu.memory_space<vmem>> -> memref<8x128xi32, #tpu.memory_space<vmem>>
        %dma_wait3A_446 = arith.constant 0 : i32
        %dma_wait3A_447 = tpu.memref_slice %arg4[%add3A_331, %dma_wait3A_446] : memref<2560x128xi32, #tpu.memory_space<hbm>> -> memref<8x128xi32, #tpu.memory_space<hbm>>
        %dma_wait3A_448 = arith.constant 0 : i32
        %dma_wait3A_449 = arith.constant 0 : i32
        %dma_wait3A_450 = tpu.memref_slice %arg8[%dma_wait3A_448, %dma_wait3A_449] : memref<48x128xi32, #tpu.memory_space<vmem>> -> memref<8x128xi32, #tpu.memory_space<vmem>>
        %dma_wait3A_451 = arith.constant 0 : i32
        %dma_wait3A_452 = tpu.memref_slice %arg4[%add3A_331, %dma_wait3A_451] : memref<2560x128xi32, #tpu.memory_space<hbm>> -> memref<8x128xi32, #tpu.memory_space<hbm>>
        tpu.wait_dma2 semaphore(%run_scoped3A : memref<!tpu.dma_semaphore, #tpu.memory_space<semaphore_mem>>) src(%dma_wait3A_452 : memref<8x128xi32, #tpu.memory_space<hbm>>) dst(%dma_wait3A_450 : memref<8x128xi32, #tpu.memory_space<vmem>>)
        tpu.yield
      }) : () -> ()
      %dma_start3A_332 = arith.constant 0 : i32
      %dma_start3A_333 = arith.constant 0 : i32
      %dma_start3A_334 = arith.constant 0 : i32
      %dma_start3A_335 = arith.constant 0 : i32
      %dma_start3A_336 = tpu.memref_slice %arg9[%dma_start3A_333, %dma_start3A_334, %dma_start3A_335] : memref<2x128x128xf32, #tpu.memory_space<vmem>> -> memref<1x128x128xf32, #tpu.memory_space<vmem>>
      %dma_start3A_337 = tpu.memref_squeeze %dma_start3A_336 : memref<1x128x128xf32, #tpu.memory_space<vmem>> -> memref<128x128xf32, #tpu.memory_space<vmem>>
      %dma_start3A_338 = arith.constant 0 : i32
      %dma_start3A_339 = tpu.memref_slice %arg7[%dma_start3A_332, %dma_start3A_338] : memref<48x128xi32, #tpu.memory_space<vmem>> -> memref<1x128xi32, #tpu.memory_space<vmem>>
      %dma_start3A_340 = tpu.memref_squeeze %dma_start3A_339 : memref<1x128xi32, #tpu.memory_space<vmem>> -> memref<128xi32, #tpu.memory_space<vmem>>
      %dma_start3A_341 = arith.constant 0 : i32
      %dma_start3A_342 = arith.constant 0 : i32
      %dma_start3A_343 = tpu.memref_slice %arg2[%dma_start3A_341, %dma_start3A_342] : memref<10008x128xf32, #tpu.memory_space<hbm>> -> memref<10008x128xf32, #tpu.memory_space<hbm>>
      tpu.enqueue_indirect_dma source(%dma_start3A_343 : memref<10008x128xf32, #tpu.memory_space<hbm>>) target(%dma_start3A_337 : memref<128x128xf32, #tpu.memory_space<vmem>>) offsets(%dma_start3A_340 : memref<128xi32, #tpu.memory_space<vmem>>) semaphore(%arg11 : memref<!tpu.dma_semaphore, #tpu.memory_space<semaphore_mem>>)
      %dma_start3A_344 = arith.constant 1 : i32
      %dma_start3A_345 = arith.constant 1 : i32
      %dma_start3A_346 = arith.constant 0 : i32
      %dma_start3A_347 = arith.constant 0 : i32
      %dma_start3A_348 = tpu.memref_slice %arg9[%dma_start3A_345, %dma_start3A_346, %dma_start3A_347] : memref<2x128x128xf32, #tpu.memory_space<vmem>> -> memref<1x128x128xf32, #tpu.memory_space<vmem>>
      %dma_start3A_349 = tpu.memref_squeeze %dma_start3A_348 : memref<1x128x128xf32, #tpu.memory_space<vmem>> -> memref<128x128xf32, #tpu.memory_space<vmem>>
      %dma_start3A_350 = arith.constant 0 : i32
      %dma_start3A_351 = tpu.memref_slice %arg7[%dma_start3A_344, %dma_start3A_350] : memref<48x128xi32, #tpu.memory_space<vmem>> -> memref<1x128xi32, #tpu.memory_space<vmem>>
      %dma_start3A_352 = tpu.memref_squeeze %dma_start3A_351 : memref<1x128xi32, #tpu.memory_space<vmem>> -> memref<128xi32, #tpu.memory_space<vmem>>
      %dma_start3A_353 = arith.constant 0 : i32
      %dma_start3A_354 = arith.constant 0 : i32
      %dma_start3A_355 = tpu.memref_slice %arg2[%dma_start3A_353, %dma_start3A_354] : memref<10008x128xf32, #tpu.memory_space<hbm>> -> memref<10008x128xf32, #tpu.memory_space<hbm>>
      tpu.enqueue_indirect_dma source(%dma_start3A_355 : memref<10008x128xf32, #tpu.memory_space<hbm>>) target(%dma_start3A_349 : memref<128x128xf32, #tpu.memory_space<vmem>>) offsets(%dma_start3A_352 : memref<128xi32, #tpu.memory_space<vmem>>) semaphore(%arg12 : memref<!tpu.dma_semaphore, #tpu.memory_space<semaphore_mem>>)
      %scan3A_356 = arith.constant 0 : i32
      %scan3A_357 = arith.constant 3 : i32
      %scan3A_358 = arith.addi %scan3A_356, %scan3A_357 : i32
      %scan3A_359 = arith.constant 1 : i32
      scf.for %scan3A_433 = %scan3A_356 to %scan3A_358 step %scan3A_359  : i32 {
        %mul3A_434 = arith.constant 2 : i32
        %mul3A_435 = arith.muli %scan3A_433, %mul3A_434 : i32
        %add3A_436 = arith.constant 0 : i32
        %add3A_437 = arith.addi %add3A_436, %mul3A_435 : i32
        %dma_wait3A_438 = arith.constant 0 : i32
        %dma_wait3A_439 = arith.constant 0 : i32
        %dma_wait3A_440 = arith.constant 0 : i32
        %dma_wait3A_441 = arith.constant 0 : i32
        %dma_wait3A_442 = tpu.memref_slice %arg9[%dma_wait3A_439, %dma_wait3A_440, %dma_wait3A_441] : memref<2x128x128xf32, #tpu.memory_space<vmem>> -> memref<1x128x128xf32, #tpu.memory_space<vmem>>
        %dma_wait3A_443 = tpu.memref_squeeze %dma_wait3A_442 : memref<1x128x128xf32, #tpu.memory_space<vmem>> -> memref<128x128xf32, #tpu.memory_space<vmem>>
        %dma_wait3A_444 = arith.constant 0 : i32
        %dma_wait3A_445 = tpu.memref_slice %arg7[%dma_wait3A_438, %dma_wait3A_444] : memref<48x128xi32, #tpu.memory_space<vmem>> -> memref<1x128xi32, #tpu.memory_space<vmem>>
        %dma_wait3A_446 = tpu.memref_squeeze %dma_wait3A_445 : memref<1x128xi32, #tpu.memory_space<vmem>> -> memref<128xi32, #tpu.memory_space<vmem>>
        %dma_wait3A_447 = arith.constant 0 : i32
        %dma_wait3A_448 = arith.constant 0 : i32
        %dma_wait3A_449 = tpu.memref_slice %arg2[%dma_wait3A_447, %dma_wait3A_448] : memref<10008x128xf32, #tpu.memory_space<hbm>> -> memref<10008x128xf32, #tpu.memory_space<hbm>>
        tpu.wait_indirect_dma semaphore(%arg11 : memref<!tpu.dma_semaphore, #tpu.memory_space<semaphore_mem>>) src(%dma_wait3A_449 : memref<10008x128xf32, #tpu.memory_space<hbm>>) dst(%dma_wait3A_443 : memref<128x128xf32, #tpu.memory_space<vmem>>)
        %add3A_450 = arith.constant 0 : i32
        %add3A_451 = arith.addi %add3A_437, %add3A_450 : i32
        %dma_start3A_452 = arith.constant 0 : i32
        %dma_start3A_453 = arith.constant 0 : i32
        %dma_start3A_454 = arith.constant 0 : i32
        %dma_start3A_455 = tpu.memref_slice %arg9[%dma_start3A_452, %dma_start3A_453, %dma_start3A_454] : memref<2x128x128xf32, #tpu.memory_space<vmem>> -> memref<1x128x128xf32, #tpu.memory_space<vmem>>
        %dma_start3A_456 = tpu.memref_squeeze %dma_start3A_455 : memref<1x128x128xf32, #tpu.memory_space<vmem>> -> memref<128x128xf32, #tpu.memory_space<vmem>>
        %dma_start3A_457 = arith.constant 0 : i32
        %dma_start3A_458 = tpu.memref_slice %arg8[%add3A_451, %dma_start3A_457] : memref<48x128xi32, #tpu.memory_space<vmem>> -> memref<1x128xi32, #tpu.memory_space<vmem>>
        %dma_start3A_459 = tpu.memref_squeeze %dma_start3A_458 : memref<1x128xi32, #tpu.memory_space<vmem>> -> memref<128xi32, #tpu.memory_space<vmem>>
        %dma_start3A_460 = arith.constant 0 : i32
        %dma_start3A_461 = arith.constant 0 : i32
        %dma_start3A_462 = tpu.memref_slice %arg10[%dma_start3A_460, %dma_start3A_461] : memref<10008x128xf32, #tpu.memory_space<vmem_shared>> -> memref<10008x128xf32, #tpu.memory_space<vmem_shared>>
        tpu.enqueue_indirect_dma source(%dma_start3A_456 : memref<128x128xf32, #tpu.memory_space<vmem>>) target(%dma_start3A_462 : memref<10008x128xf32, #tpu.memory_space<vmem_shared>>) offsets(%dma_start3A_459 : memref<128xi32, #tpu.memory_space<vmem>>) semaphore(%arg13 : memref<!tpu.dma_semaphore, #tpu.memory_space<semaphore_mem>>) {add = true}
        %dma_wait3A_463 = arith.constant 0 : i32
        %dma_wait3A_464 = arith.constant 0 : i32
        %dma_wait3A_465 = arith.constant 0 : i32
        %dma_wait3A_466 = arith.constant 0 : i32
        %dma_wait3A_467 = tpu.memref_slice %arg9[%dma_wait3A_463, %dma_wait3A_465, %dma_wait3A_466] : memref<2x128x128xf32, #tpu.memory_space<vmem>> -> memref<1x128x128xf32, #tpu.memory_space<vmem>>
        %dma_wait3A_468 = tpu.memref_squeeze %dma_wait3A_467 : memref<1x128x128xf32, #tpu.memory_space<vmem>> -> memref<128x128xf32, #tpu.memory_space<vmem>>
        %dma_wait3A_469 = arith.constant 0 : i32
        %dma_wait3A_470 = tpu.memref_slice %arg8[%dma_wait3A_464, %dma_wait3A_469] : memref<48x128xi32, #tpu.memory_space<vmem>> -> memref<1x128xi32, #tpu.memory_space<vmem>>
        %dma_wait3A_471 = tpu.memref_squeeze %dma_wait3A_470 : memref<1x128xi32, #tpu.memory_space<vmem>> -> memref<128xi32, #tpu.memory_space<vmem>>
        %dma_wait3A_472 = arith.constant 0 : i32
        %dma_wait3A_473 = arith.constant 0 : i32
        %dma_wait3A_474 = tpu.memref_slice %arg10[%dma_wait3A_472, %dma_wait3A_473] : memref<10008x128xf32, #tpu.memory_space<vmem_shared>> -> memref<10008x128xf32, #tpu.memory_space<vmem_shared>>
        tpu.wait_indirect_dma semaphore(%arg13 : memref<!tpu.dma_semaphore, #tpu.memory_space<semaphore_mem>>) src(%dma_wait3A_468 : memref<128x128xf32, #tpu.memory_space<vmem>>) dst(%dma_wait3A_474 : memref<10008x128xf32, #tpu.memory_space<vmem_shared>>)
        %add3A_475 = arith.constant 0 : i32
        %add3A_476 = arith.addi %add3A_437, %add3A_475 : i32
        %add3A_477 = arith.constant 2 : i32
        %add3A_478 = arith.addi %add3A_476, %add3A_477 : i32
        %dma_start3A_479 = arith.constant 0 : i32
        %dma_start3A_480 = arith.constant 0 : i32
        %dma_start3A_481 = arith.constant 0 : i32
        %dma_start3A_482 = tpu.memref_slice %arg9[%dma_start3A_479, %dma_start3A_480, %dma_start3A_481] : memref<2x128x128xf32, #tpu.memory_space<vmem>> -> memref<1x128x128xf32, #tpu.memory_space<vmem>>
        %dma_start3A_483 = tpu.memref_squeeze %dma_start3A_482 : memref<1x128x128xf32, #tpu.memory_space<vmem>> -> memref<128x128xf32, #tpu.memory_space<vmem>>
        %dma_start3A_484 = arith.constant 0 : i32
        %dma_start3A_485 = tpu.memref_slice %arg7[%add3A_478, %dma_start3A_484] : memref<48x128xi32, #tpu.memory_space<vmem>> -> memref<1x128xi32, #tpu.memory_space<vmem>>
        %dma_start3A_486 = tpu.memref_squeeze %dma_start3A_485 : memref<1x128xi32, #tpu.memory_space<vmem>> -> memref<128xi32, #tpu.memory_space<vmem>>
        %dma_start3A_487 = arith.constant 0 : i32
        %dma_start3A_488 = arith.constant 0 : i32
        %dma_start3A_489 = tpu.memref_slice %arg2[%dma_start3A_487, %dma_start3A_488] : memref<10008x128xf32, #tpu.memory_space<hbm>> -> memref<10008x128xf32, #tpu.memory_space<hbm>>
        tpu.enqueue_indirect_dma source(%dma_start3A_489 : memref<10008x128xf32, #tpu.memory_space<hbm>>) target(%dma_start3A_483 : memref<128x128xf32, #tpu.memory_space<vmem>>) offsets(%dma_start3A_486 : memref<128xi32, #tpu.memory_space<vmem>>) semaphore(%arg11 : memref<!tpu.dma_semaphore, #tpu.memory_space<semaphore_mem>>)
        %dma_wait3A_490 = arith.constant 0 : i32
        %dma_wait3A_491 = arith.constant 1 : i32
        %dma_wait3A_492 = arith.constant 0 : i32
        %dma_wait3A_493 = arith.constant 0 : i32
        %dma_wait3A_494 = tpu.memref_slice %arg9[%dma_wait3A_491, %dma_wait3A_492, %dma_wait3A_493] : memref<2x128x128xf32, #tpu.memory_space<vmem>> -> memref<1x128x128xf32, #tpu.memory_space<vmem>>
        %dma_wait3A_495 = tpu.memref_squeeze %dma_wait3A_494 : memref<1x128x128xf32, #tpu.memory_space<vmem>> -> memref<128x128xf32, #tpu.memory_space<vmem>>
        %dma_wait3A_496 = arith.constant 0 : i32
        %dma_wait3A_497 = tpu.memref_slice %arg7[%dma_wait3A_490, %dma_wait3A_496] : memref<48x128xi32, #tpu.memory_space<vmem>> -> memref<1x128xi32, #tpu.memory_space<vmem>>
        %dma_wait3A_498 = tpu.memref_squeeze %dma_wait3A_497 : memref<1x128xi32, #tpu.memory_space<vmem>> -> memref<128xi32, #tpu.memory_space<vmem>>
        %dma_wait3A_499 = arith.constant 0 : i32
        %dma_wait3A_500 = arith.constant 0 : i32
        %dma_wait3A_501 = tpu.memref_slice %arg2[%dma_wait3A_499, %dma_wait3A_500] : memref<10008x128xf32, #tpu.memory_space<hbm>> -> memref<10008x128xf32, #tpu.memory_space<hbm>>
        tpu.wait_indirect_dma semaphore(%arg12 : memref<!tpu.dma_semaphore, #tpu.memory_space<semaphore_mem>>) src(%dma_wait3A_501 : memref<10008x128xf32, #tpu.memory_space<hbm>>) dst(%dma_wait3A_495 : memref<128x128xf32, #tpu.memory_space<vmem>>)
        %add3A_502 = arith.constant 1 : i32
        %add3A_503 = arith.addi %add3A_437, %add3A_502 : i32
        %dma_start3A_504 = arith.constant 1 : i32
        %dma_start3A_505 = arith.constant 0 : i32
        %dma_start3A_506 = arith.constant 0 : i32
        %dma_start3A_507 = tpu.memref_slice %arg9[%dma_start3A_504, %dma_start3A_505, %dma_start3A_506] : memref<2x128x128xf32, #tpu.memory_space<vmem>> -> memref<1x128x128xf32, #tpu.memory_space<vmem>>
        %dma_start3A_508 = tpu.memref_squeeze %dma_start3A_507 : memref<1x128x128xf32, #tpu.memory_space<vmem>> -> memref<128x128xf32, #tpu.memory_space<vmem>>
        %dma_start3A_509 = arith.constant 0 : i32
        %dma_start3A_510 = tpu.memref_slice %arg8[%add3A_503, %dma_start3A_509] : memref<48x128xi32, #tpu.memory_space<vmem>> -> memref<1x128xi32, #tpu.memory_space<vmem>>
        %dma_start3A_511 = tpu.memref_squeeze %dma_start3A_510 : memref<1x128xi32, #tpu.memory_space<vmem>> -> memref<128xi32, #tpu.memory_space<vmem>>
        %dma_start3A_512 = arith.constant 0 : i32
        %dma_start3A_513 = arith.constant 0 : i32
        %dma_start3A_514 = tpu.memref_slice %arg10[%dma_start3A_512, %dma_start3A_513] : memref<10008x128xf32, #tpu.memory_space<vmem_shared>> -> memref<10008x128xf32, #tpu.memory_space<vmem_shared>>
        tpu.enqueue_indirect_dma source(%dma_start3A_508 : memref<128x128xf32, #tpu.memory_space<vmem>>) target(%dma_start3A_514 : memref<10008x128xf32, #tpu.memory_space<vmem_shared>>) offsets(%dma_start3A_511 : memref<128xi32, #tpu.memory_space<vmem>>) semaphore(%arg14 : memref<!tpu.dma_semaphore, #tpu.memory_space<semaphore_mem>>) {add = true}
        %dma_wait3A_515 = arith.constant 1 : i32
        %dma_wait3A_516 = arith.constant 0 : i32
        %dma_wait3A_517 = arith.constant 0 : i32
        %dma_wait3A_518 = arith.constant 0 : i32
        %dma_wait3A_519 = tpu.memref_slice %arg9[%dma_wait3A_515, %dma_wait3A_517, %dma_wait3A_518] : memref<2x128x128xf32, #tpu.memory_space<vmem>> -> memref<1x128x128xf32, #tpu.memory_space<vmem>>
        %dma_wait3A_520 = tpu.memref_squeeze %dma_wait3A_519 : memref<1x128x128xf32, #tpu.memory_space<vmem>> -> memref<128x128xf32, #tpu.memory_space<vmem>>
        %dma_wait3A_521 = arith.constant 0 : i32
        %dma_wait3A_522 = tpu.memref_slice %arg8[%dma_wait3A_516, %dma_wait3A_521] : memref<48x128xi32, #tpu.memory_space<vmem>> -> memref<1x128xi32, #tpu.memory_space<vmem>>
        %dma_wait3A_523 = tpu.memref_squeeze %dma_wait3A_522 : memref<1x128xi32, #tpu.memory_space<vmem>> -> memref<128xi32, #tpu.memory_space<vmem>>
        %dma_wait3A_524 = arith.constant 0 : i32
        %dma_wait3A_525 = arith.constant 0 : i32
        %dma_wait3A_526 = tpu.memref_slice %arg10[%dma_wait3A_524, %dma_wait3A_525] : memref<10008x128xf32, #tpu.memory_space<vmem_shared>> -> memref<10008x128xf32, #tpu.memory_space<vmem_shared>>
        tpu.wait_indirect_dma semaphore(%arg14 : memref<!tpu.dma_semaphore, #tpu.memory_space<semaphore_mem>>) src(%dma_wait3A_520 : memref<128x128xf32, #tpu.memory_space<vmem>>) dst(%dma_wait3A_526 : memref<10008x128xf32, #tpu.memory_space<vmem_shared>>)
        %add3A_527 = arith.constant 1 : i32
        %add3A_528 = arith.addi %add3A_437, %add3A_527 : i32
        %add3A_529 = arith.constant 2 : i32
        %add3A_530 = arith.addi %add3A_528, %add3A_529 : i32
        %dma_start3A_531 = arith.constant 1 : i32
        %dma_start3A_532 = arith.constant 0 : i32
        %dma_start3A_533 = arith.constant 0 : i32
        %dma_start3A_534 = tpu.memref_slice %arg9[%dma_start3A_531, %dma_start3A_532, %dma_start3A_533] : memref<2x128x128xf32, #tpu.memory_space<vmem>> -> memref<1x128x128xf32, #tpu.memory_space<vmem>>
        %dma_start3A_535 = tpu.memref_squeeze %dma_start3A_534 : memref<1x128x128xf32, #tpu.memory_space<vmem>> -> memref<128x128xf32, #tpu.memory_space<vmem>>
        %dma_start3A_536 = arith.constant 0 : i32
        %dma_start3A_537 = tpu.memref_slice %arg7[%add3A_530, %dma_start3A_536] : memref<48x128xi32, #tpu.memory_space<vmem>> -> memref<1x128xi32, #tpu.memory_space<vmem>>
        %dma_start3A_538 = tpu.memref_squeeze %dma_start3A_537 : memref<1x128xi32, #tpu.memory_space<vmem>> -> memref<128xi32, #tpu.memory_space<vmem>>
        %dma_start3A_539 = arith.constant 0 : i32
        %dma_start3A_540 = arith.constant 0 : i32
        %dma_start3A_541 = tpu.memref_slice %arg2[%dma_start3A_539, %dma_start3A_540] : memref<10008x128xf32, #tpu.memory_space<hbm>> -> memref<10008x128xf32, #tpu.memory_space<hbm>>
        tpu.enqueue_indirect_dma source(%dma_start3A_541 : memref<10008x128xf32, #tpu.memory_space<hbm>>) target(%dma_start3A_535 : memref<128x128xf32, #tpu.memory_space<vmem>>) offsets(%dma_start3A_538 : memref<128xi32, #tpu.memory_space<vmem>>) semaphore(%arg12 : memref<!tpu.dma_semaphore, #tpu.memory_space<semaphore_mem>>)
      }
      %scan3A_360 = arith.constant 3 : i32
      %dma_wait3A_361 = arith.constant 0 : i32
      %dma_wait3A_362 = arith.constant 0 : i32
      %dma_wait3A_363 = arith.constant 0 : i32
      %dma_wait3A_364 = arith.constant 0 : i32
      %dma_wait3A_365 = tpu.memref_slice %arg9[%dma_wait3A_362, %dma_wait3A_363, %dma_wait3A_364] : memref<2x128x128xf32, #tpu.memory_space<vmem>> -> memref<1x128x128xf32, #tpu.memory_space<vmem>>
      %dma_wait3A_366 = tpu.memref_squeeze %dma_wait3A_365 : memref<1x128x128xf32, #tpu.memory_space<vmem>> -> memref<128x128xf32, #tpu.memory_space<vmem>>
      %dma_wait3A_367 = arith.constant 0 : i32
      %dma_wait3A_368 = tpu.memref_slice %arg7[%dma_wait3A_361, %dma_wait3A_367] : memref<48x128xi32, #tpu.memory_space<vmem>> -> memref<1x128xi32, #tpu.memory_space<vmem>>
      %dma_wait3A_369 = tpu.memref_squeeze %dma_wait3A_368 : memref<1x128xi32, #tpu.memory_space<vmem>> -> memref<128xi32, #tpu.memory_space<vmem>>
      %dma_wait3A_370 = arith.constant 0 : i32
      %dma_wait3A_371 = arith.constant 0 : i32
      %dma_wait3A_372 = tpu.memref_slice %arg2[%dma_wait3A_370, %dma_wait3A_371] : memref<10008x128xf32, #tpu.memory_space<hbm>> -> memref<10008x128xf32, #tpu.memory_space<hbm>>
      tpu.wait_indirect_dma semaphore(%arg11 : memref<!tpu.dma_semaphore, #tpu.memory_space<semaphore_mem>>) src(%dma_wait3A_372 : memref<10008x128xf32, #tpu.memory_space<hbm>>) dst(%dma_wait3A_366 : memref<128x128xf32, #tpu.memory_space<vmem>>)
      %dma_start3A_373 = arith.constant 0 : i32
      %dma_start3A_374 = arith.constant 6 : i32
      %dma_start3A_375 = arith.constant 0 : i32
      %dma_start3A_376 = arith.constant 0 : i32
      %dma_start3A_377 = tpu.memref_slice %arg9[%dma_start3A_373, %dma_start3A_375, %dma_start3A_376] : memref<2x128x128xf32, #tpu.memory_space<vmem>> -> memref<1x128x128xf32, #tpu.memory_space<vmem>>
      %dma_start3A_378 = tpu.memref_squeeze %dma_start3A_377 : memref<1x128x128xf32, #tpu.memory_space<vmem>> -> memref<128x128xf32, #tpu.memory_space<vmem>>
      %dma_start3A_379 = arith.constant 0 : i32
      %dma_start3A_380 = tpu.memref_slice %arg8[%dma_start3A_374, %dma_start3A_379] : memref<48x128xi32, #tpu.memory_space<vmem>> -> memref<1x128xi32, #tpu.memory_space<vmem>>
      %dma_start3A_381 = tpu.memref_squeeze %dma_start3A_380 : memref<1x128xi32, #tpu.memory_space<vmem>> -> memref<128xi32, #tpu.memory_space<vmem>>
      %dma_start3A_382 = arith.constant 0 : i32
      %dma_start3A_383 = arith.constant 0 : i32
      %dma_start3A_384 = tpu.memref_slice %arg10[%dma_start3A_382, %dma_start3A_383] : memref<10008x128xf32, #tpu.memory_space<vmem_shared>> -> memref<10008x128xf32, #tpu.memory_space<vmem_shared>>
      tpu.enqueue_indirect_dma source(%dma_start3A_378 : memref<128x128xf32, #tpu.memory_space<vmem>>) target(%dma_start3A_384 : memref<10008x128xf32, #tpu.memory_space<vmem_shared>>) offsets(%dma_start3A_381 : memref<128xi32, #tpu.memory_space<vmem>>) semaphore(%arg13 : memref<!tpu.dma_semaphore, #tpu.memory_space<semaphore_mem>>) {add = true}
      %dma_wait3A_385 = arith.constant 0 : i32
      %dma_wait3A_386 = arith.constant 0 : i32
      %dma_wait3A_387 = arith.constant 0 : i32
      %dma_wait3A_388 = arith.constant 0 : i32
      %dma_wait3A_389 = tpu.memref_slice %arg9[%dma_wait3A_385, %dma_wait3A_387, %dma_wait3A_388] : memref<2x128x128xf32, #tpu.memory_space<vmem>> -> memref<1x128x128xf32, #tpu.memory_space<vmem>>
      %dma_wait3A_390 = tpu.memref_squeeze %dma_wait3A_389 : memref<1x128x128xf32, #tpu.memory_space<vmem>> -> memref<128x128xf32, #tpu.memory_space<vmem>>
      %dma_wait3A_391 = arith.constant 0 : i32
      %dma_wait3A_392 = tpu.memref_slice %arg8[%dma_wait3A_386, %dma_wait3A_391] : memref<48x128xi32, #tpu.memory_space<vmem>> -> memref<1x128xi32, #tpu.memory_space<vmem>>
      %dma_wait3A_393 = tpu.memref_squeeze %dma_wait3A_392 : memref<1x128xi32, #tpu.memory_space<vmem>> -> memref<128xi32, #tpu.memory_space<vmem>>
      %dma_wait3A_394 = arith.constant 0 : i32
      %dma_wait3A_395 = arith.constant 0 : i32
      %dma_wait3A_396 = tpu.memref_slice %arg10[%dma_wait3A_394, %dma_wait3A_395] : memref<10008x128xf32, #tpu.memory_space<vmem_shared>> -> memref<10008x128xf32, #tpu.memory_space<vmem_shared>>
      tpu.wait_indirect_dma semaphore(%arg13 : memref<!tpu.dma_semaphore, #tpu.memory_space<semaphore_mem>>) src(%dma_wait3A_390 : memref<128x128xf32, #tpu.memory_space<vmem>>) dst(%dma_wait3A_396 : memref<10008x128xf32, #tpu.memory_space<vmem_shared>>)
      %dma_wait3A_397 = arith.constant 0 : i32
      %dma_wait3A_398 = arith.constant 1 : i32
      %dma_wait3A_399 = arith.constant 0 : i32
      %dma_wait3A_400 = arith.constant 0 : i32
      %dma_wait3A_401 = tpu.memref_slice %arg9[%dma_wait3A_398, %dma_wait3A_399, %dma_wait3A_400] : memref<2x128x128xf32, #tpu.memory_space<vmem>> -> memref<1x128x128xf32, #tpu.memory_space<vmem>>
      %dma_wait3A_402 = tpu.memref_squeeze %dma_wait3A_401 : memref<1x128x128xf32, #tpu.memory_space<vmem>> -> memref<128x128xf32, #tpu.memory_space<vmem>>
      %dma_wait3A_403 = arith.constant 0 : i32
      %dma_wait3A_404 = tpu.memref_slice %arg7[%dma_wait3A_397, %dma_wait3A_403] : memref<48x128xi32, #tpu.memory_space<vmem>> -> memref<1x128xi32, #tpu.memory_space<vmem>>
      %dma_wait3A_405 = tpu.memref_squeeze %dma_wait3A_404 : memref<1x128xi32, #tpu.memory_space<vmem>> -> memref<128xi32, #tpu.memory_space<vmem>>
      %dma_wait3A_406 = arith.constant 0 : i32
      %dma_wait3A_407 = arith.constant 0 : i32
      %dma_wait3A_408 = tpu.memref_slice %arg2[%dma_wait3A_406, %dma_wait3A_407] : memref<10008x128xf32, #tpu.memory_space<hbm>> -> memref<10008x128xf32, #tpu.memory_space<hbm>>
      tpu.wait_indirect_dma semaphore(%arg12 : memref<!tpu.dma_semaphore, #tpu.memory_space<semaphore_mem>>) src(%dma_wait3A_408 : memref<10008x128xf32, #tpu.memory_space<hbm>>) dst(%dma_wait3A_402 : memref<128x128xf32, #tpu.memory_space<vmem>>)
      %dma_start3A_409 = arith.constant 1 : i32
      %dma_start3A_410 = arith.constant 7 : i32
      %dma_start3A_411 = arith.constant 0 : i32
      %dma_start3A_412 = arith.constant 0 : i32
      %dma_start3A_413 = tpu.memref_slice %arg9[%dma_start3A_409, %dma_start3A_411, %dma_start3A_412] : memref<2x128x128xf32, #tpu.memory_space<vmem>> -> memref<1x128x128xf32, #tpu.memory_space<vmem>>
      %dma_start3A_414 = tpu.memref_squeeze %dma_start3A_413 : memref<1x128x128xf32, #tpu.memory_space<vmem>> -> memref<128x128xf32, #tpu.memory_space<vmem>>
      %dma_start3A_415 = arith.constant 0 : i32
      %dma_start3A_416 = tpu.memref_slice %arg8[%dma_start3A_410, %dma_start3A_415] : memref<48x128xi32, #tpu.memory_space<vmem>> -> memref<1x128xi32, #tpu.memory_space<vmem>>
      %dma_start3A_417 = tpu.memref_squeeze %dma_start3A_416 : memref<1x128xi32, #tpu.memory_space<vmem>> -> memref<128xi32, #tpu.memory_space<vmem>>
      %dma_start3A_418 = arith.constant 0 : i32
      %dma_start3A_419 = arith.constant 0 : i32
      %dma_start3A_420 = tpu.memref_slice %arg10[%dma_start3A_418, %dma_start3A_419] : memref<10008x128xf32, #tpu.memory_space<vmem_shared>> -> memref<10008x128xf32, #tpu.memory_space<vmem_shared>>
      tpu.enqueue_indirect_dma source(%dma_start3A_414 : memref<128x128xf32, #tpu.memory_space<vmem>>) target(%dma_start3A_420 : memref<10008x128xf32, #tpu.memory_space<vmem_shared>>) offsets(%dma_start3A_417 : memref<128xi32, #tpu.memory_space<vmem>>) semaphore(%arg14 : memref<!tpu.dma_semaphore, #tpu.memory_space<semaphore_mem>>) {add = true}
      %dma_wait3A_421 = arith.constant 1 : i32
      %dma_wait3A_422 = arith.constant 0 : i32
      %dma_wait3A_423 = arith.constant 0 : i32
      %dma_wait3A_424 = arith.constant 0 : i32
      %dma_wait3A_425 = tpu.memref_slice %arg9[%dma_wait3A_421, %dma_wait3A_423, %dma_wait3A_424] : memref<2x128x128xf32, #tpu.memory_space<vmem>> -> memref<1x128x128xf32, #tpu.memory_space<vmem>>
      %dma_wait3A_426 = tpu.memref_squeeze %dma_wait3A_425 : memref<1x128x128xf32, #tpu.memory_space<vmem>> -> memref<128x128xf32, #tpu.memory_space<vmem>>
      %dma_wait3A_427 = arith.constant 0 : i32
      %dma_wait3A_428 = tpu.memref_slice %arg8[%dma_wait3A_422, %dma_wait3A_427] : memref<48x128xi32, #tpu.memory_space<vmem>> -> memref<1x128xi32, #tpu.memory_space<vmem>>
      %dma_wait3A_429 = tpu.memref_squeeze %dma_wait3A_428 : memref<1x128xi32, #tpu.memory_space<vmem>> -> memref<128xi32, #tpu.memory_space<vmem>>
      %dma_wait3A_430 = arith.constant 0 : i32
      %dma_wait3A_431 = arith.constant 0 : i32
      %dma_wait3A_432 = tpu.memref_slice %arg10[%dma_wait3A_430, %dma_wait3A_431] : memref<10008x128xf32, #tpu.memory_space<vmem_shared>> -> memref<10008x128xf32, #tpu.memory_space<vmem_shared>>
      tpu.wait_indirect_dma semaphore(%arg14 : memref<!tpu.dma_semaphore, #tpu.memory_space<semaphore_mem>>) src(%dma_wait3A_426 : memref<128x128xf32, #tpu.memory_space<vmem>>) dst(%dma_wait3A_432 : memref<10008x128xf32, #tpu.memory_space<vmem_shared>>)
    } else {
    }
    %ne3A_12 = arith.constant 0 : i32
    %ne3A_13 = arith.cmpi ne, %arg0, %ne3A_12 : i32
    %convert_element_type3A_14 = arith.extui %ne3A_13 : i1 to i32
    %cond3A_15 = arith.constant 0 : i32
    %cond3A_16 = arith.cmpi ne, %convert_element_type3A_14, %cond3A_15 : i32
    scf.if %cond3A_16 {
      %mul3A_23 = arith.constant 8 : i32
      %mul3A_24 = arith.muli %arg1, %mul3A_23 : i32
      %add3A = arith.constant 2432 : i32
      %add3A_25 = arith.addi %add3A, %mul3A_24 : i32
      %add3A_26 = arith.constant 0 : i32
      %add3A_27 = arith.addi %add3A_25, %add3A_26 : i32
      "tpu.region"() ({
        %run_scoped3A = tpu.sem_alloc : memref<!tpu.dma_semaphore, #tpu.memory_space<semaphore_mem>>
        %dma_start3A_126 = arith.constant 0 : i32
        %dma_start3A_127 = arith.constant 0 : i32
        %dma_start3A_128 = tpu.memref_slice %arg7[%dma_start3A_126, %dma_start3A_127] : memref<48x128xi32, #tpu.memory_space<vmem>> -> memref<8x128xi32, #tpu.memory_space<vmem>>
        %dma_start3A_129 = arith.constant 0 : i32
        %dma_start3A_130 = tpu.memref_slice %arg3[%add3A_27, %dma_start3A_129] : memref<2560x128xi32, #tpu.memory_space<hbm>> -> memref<8x128xi32, #tpu.memory_space<hbm>>
        %dma_start3A_131 = arith.constant 0 : i32
        %dma_start3A_132 = arith.constant 0 : i32
        %dma_start3A_133 = tpu.memref_slice %arg7[%dma_start3A_131, %dma_start3A_132] : memref<48x128xi32, #tpu.memory_space<vmem>> -> memref<8x128xi32, #tpu.memory_space<vmem>>
        %dma_start3A_134 = arith.constant 0 : i32
        %dma_start3A_135 = tpu.memref_slice %arg3[%add3A_27, %dma_start3A_134] : memref<2560x128xi32, #tpu.memory_space<hbm>> -> memref<8x128xi32, #tpu.memory_space<hbm>>
        tpu.enqueue_dma source(%dma_start3A_135 : memref<8x128xi32, #tpu.memory_space<hbm>>) target(%dma_start3A_133 : memref<8x128xi32, #tpu.memory_space<vmem>>) target_semaphore(%run_scoped3A : memref<!tpu.dma_semaphore, #tpu.memory_space<semaphore_mem>>)
        %dma_wait3A_136 = arith.constant 0 : i32
        %dma_wait3A_137 = arith.constant 0 : i32
        %dma_wait3A_138 = tpu.memref_slice %arg7[%dma_wait3A_136, %dma_wait3A_137] : memref<48x128xi32, #tpu.memory_space<vmem>> -> memref<8x128xi32, #tpu.memory_space<vmem>>
        %dma_wait3A_139 = arith.constant 0 : i32
        %dma_wait3A_140 = tpu.memref_slice %arg3[%add3A_27, %dma_wait3A_139] : memref<2560x128xi32, #tpu.memory_space<hbm>> -> memref<8x128xi32, #tpu.memory_space<hbm>>
        %dma_wait3A_141 = arith.constant 0 : i32
        %dma_wait3A_142 = arith.constant 0 : i32
        %dma_wait3A_143 = tpu.memref_slice %arg7[%dma_wait3A_141, %dma_wait3A_142] : memref<48x128xi32, #tpu.memory_space<vmem>> -> memref<8x128xi32, #tpu.memory_space<vmem>>
        %dma_wait3A_144 = arith.constant 0 : i32
        %dma_wait3A_145 = tpu.memref_slice %arg3[%add3A_27, %dma_wait3A_144] : memref<2560x128xi32, #tpu.memory_space<hbm>> -> memref<8x128xi32, #tpu.memory_space<hbm>>
        tpu.wait_dma2 semaphore(%run_scoped3A : memref<!tpu.dma_semaphore, #tpu.memory_space<semaphore_mem>>) src(%dma_wait3A_145 : memref<8x128xi32, #tpu.memory_space<hbm>>) dst(%dma_wait3A_143 : memref<8x128xi32, #tpu.memory_space<vmem>>)
        tpu.yield
      }) : () -> ()
      "tpu.region"() ({
        %run_scoped3A = tpu.sem_alloc : memref<!tpu.dma_semaphore, #tpu.memory_space<semaphore_mem>>
        %dma_start3A_126 = arith.constant 0 : i32
        %dma_start3A_127 = arith.constant 0 : i32
        %dma_start3A_128 = tpu.memref_slice %arg8[%dma_start3A_126, %dma_start3A_127] : memref<48x128xi32, #tpu.memory_space<vmem>> -> memref<8x128xi32, #tpu.memory_space<vmem>>
        %dma_start3A_129 = arith.constant 0 : i32
        %dma_start3A_130 = tpu.memref_slice %arg4[%add3A_27, %dma_start3A_129] : memref<2560x128xi32, #tpu.memory_space<hbm>> -> memref<8x128xi32, #tpu.memory_space<hbm>>
        %dma_start3A_131 = arith.constant 0 : i32
        %dma_start3A_132 = arith.constant 0 : i32
        %dma_start3A_133 = tpu.memref_slice %arg8[%dma_start3A_131, %dma_start3A_132] : memref<48x128xi32, #tpu.memory_space<vmem>> -> memref<8x128xi32, #tpu.memory_space<vmem>>
        %dma_start3A_134 = arith.constant 0 : i32
        %dma_start3A_135 = tpu.memref_slice %arg4[%add3A_27, %dma_start3A_134] : memref<2560x128xi32, #tpu.memory_space<hbm>> -> memref<8x128xi32, #tpu.memory_space<hbm>>
        tpu.enqueue_dma source(%dma_start3A_135 : memref<8x128xi32, #tpu.memory_space<hbm>>) target(%dma_start3A_133 : memref<8x128xi32, #tpu.memory_space<vmem>>) target_semaphore(%run_scoped3A : memref<!tpu.dma_semaphore, #tpu.memory_space<semaphore_mem>>)
        %dma_wait3A_136 = arith.constant 0 : i32
        %dma_wait3A_137 = arith.constant 0 : i32
        %dma_wait3A_138 = tpu.memref_slice %arg8[%dma_wait3A_136, %dma_wait3A_137] : memref<48x128xi32, #tpu.memory_space<vmem>> -> memref<8x128xi32, #tpu.memory_space<vmem>>
        %dma_wait3A_139 = arith.constant 0 : i32
        %dma_wait3A_140 = tpu.memref_slice %arg4[%add3A_27, %dma_wait3A_139] : memref<2560x128xi32, #tpu.memory_space<hbm>> -> memref<8x128xi32, #tpu.memory_space<hbm>>
        %dma_wait3A_141 = arith.constant 0 : i32
        %dma_wait3A_142 = arith.constant 0 : i32
        %dma_wait3A_143 = tpu.memref_slice %arg8[%dma_wait3A_141, %dma_wait3A_142] : memref<48x128xi32, #tpu.memory_space<vmem>> -> memref<8x128xi32, #tpu.memory_space<vmem>>
        %dma_wait3A_144 = arith.constant 0 : i32
        %dma_wait3A_145 = tpu.memref_slice %arg4[%add3A_27, %dma_wait3A_144] : memref<2560x128xi32, #tpu.memory_space<hbm>> -> memref<8x128xi32, #tpu.memory_space<hbm>>
        tpu.wait_dma2 semaphore(%run_scoped3A : memref<!tpu.dma_semaphore, #tpu.memory_space<semaphore_mem>>) src(%dma_wait3A_145 : memref<8x128xi32, #tpu.memory_space<hbm>>) dst(%dma_wait3A_143 : memref<8x128xi32, #tpu.memory_space<vmem>>)
        tpu.yield
      }) : () -> ()
      %dma_start3A = arith.constant 0 : i32
      %dma_start3A_28 = arith.constant 0 : i32
      %dma_start3A_29 = arith.constant 0 : i32
      %dma_start3A_30 = arith.constant 0 : i32
      %dma_start3A_31 = tpu.memref_slice %arg9[%dma_start3A_28, %dma_start3A_29, %dma_start3A_30] : memref<2x128x128xf32, #tpu.memory_space<vmem>> -> memref<1x128x128xf32, #tpu.memory_space<vmem>>
      %dma_start3A_32 = tpu.memref_squeeze %dma_start3A_31 : memref<1x128x128xf32, #tpu.memory_space<vmem>> -> memref<128x128xf32, #tpu.memory_space<vmem>>
      %dma_start3A_33 = arith.constant 0 : i32
      %dma_start3A_34 = tpu.memref_slice %arg7[%dma_start3A, %dma_start3A_33] : memref<48x128xi32, #tpu.memory_space<vmem>> -> memref<1x128xi32, #tpu.memory_space<vmem>>
      %dma_start3A_35 = tpu.memref_squeeze %dma_start3A_34 : memref<1x128xi32, #tpu.memory_space<vmem>> -> memref<128xi32, #tpu.memory_space<vmem>>
      %dma_start3A_36 = arith.constant 0 : i32
      %dma_start3A_37 = arith.constant 0 : i32
      %dma_start3A_38 = tpu.memref_slice %arg2[%dma_start3A_36, %dma_start3A_37] : memref<10008x128xf32, #tpu.memory_space<hbm>> -> memref<10008x128xf32, #tpu.memory_space<hbm>>
      tpu.enqueue_indirect_dma source(%dma_start3A_38 : memref<10008x128xf32, #tpu.memory_space<hbm>>) target(%dma_start3A_32 : memref<128x128xf32, #tpu.memory_space<vmem>>) offsets(%dma_start3A_35 : memref<128xi32, #tpu.memory_space<vmem>>) semaphore(%arg11 : memref<!tpu.dma_semaphore, #tpu.memory_space<semaphore_mem>>)
      %dma_start3A_39 = arith.constant 1 : i32
      %dma_start3A_40 = arith.constant 1 : i32
      %dma_start3A_41 = arith.constant 0 : i32
      %dma_start3A_42 = arith.constant 0 : i32
      %dma_start3A_43 = tpu.memref_slice %arg9[%dma_start3A_40, %dma_start3A_41, %dma_start3A_42] : memref<2x128x128xf32, #tpu.memory_space<vmem>> -> memref<1x128x128xf32, #tpu.memory_space<vmem>>
      %dma_start3A_44 = tpu.memref_squeeze %dma_start3A_43 : memref<1x128x128xf32, #tpu.memory_space<vmem>> -> memref<128x128xf32, #tpu.memory_space<vmem>>
      %dma_start3A_45 = arith.constant 0 : i32
      %dma_start3A_46 = tpu.memref_slice %arg7[%dma_start3A_39, %dma_start3A_45] : memref<48x128xi32, #tpu.memory_space<vmem>> -> memref<1x128xi32, #tpu.memory_space<vmem>>
      %dma_start3A_47 = tpu.memref_squeeze %dma_start3A_46 : memref<1x128xi32, #tpu.memory_space<vmem>> -> memref<128xi32, #tpu.memory_space<vmem>>
      %dma_start3A_48 = arith.constant 0 : i32
      %dma_start3A_49 = arith.constant 0 : i32
      %dma_start3A_50 = tpu.memref_slice %arg2[%dma_start3A_48, %dma_start3A_49] : memref<10008x128xf32, #tpu.memory_space<hbm>> -> memref<10008x128xf32, #tpu.memory_space<hbm>>
      tpu.enqueue_indirect_dma source(%dma_start3A_50 : memref<10008x128xf32, #tpu.memory_space<hbm>>) target(%dma_start3A_44 : memref<128x128xf32, #tpu.memory_space<vmem>>) offsets(%dma_start3A_47 : memref<128xi32, #tpu.memory_space<vmem>>) semaphore(%arg12 : memref<!tpu.dma_semaphore, #tpu.memory_space<semaphore_mem>>)
      %scan3A = arith.constant 0 : i32
      %scan3A_51 = arith.constant 3 : i32
      %scan3A_52 = arith.addi %scan3A, %scan3A_51 : i32
      %scan3A_53 = arith.constant 1 : i32
      scf.for %scan3A_126 = %scan3A to %scan3A_52 step %scan3A_53  : i32 {
        %mul3A_127 = arith.constant 2 : i32
        %mul3A_128 = arith.muli %scan3A_126, %mul3A_127 : i32
        %add3A_129 = arith.constant 0 : i32
        %add3A_130 = arith.addi %add3A_129, %mul3A_128 : i32
        %dma_wait3A_131 = arith.constant 0 : i32
        %dma_wait3A_132 = arith.constant 0 : i32
        %dma_wait3A_133 = arith.constant 0 : i32
        %dma_wait3A_134 = arith.constant 0 : i32
        %dma_wait3A_135 = tpu.memref_slice %arg9[%dma_wait3A_132, %dma_wait3A_133, %dma_wait3A_134] : memref<2x128x128xf32, #tpu.memory_space<vmem>> -> memref<1x128x128xf32, #tpu.memory_space<vmem>>
        %dma_wait3A_136 = tpu.memref_squeeze %dma_wait3A_135 : memref<1x128x128xf32, #tpu.memory_space<vmem>> -> memref<128x128xf32, #tpu.memory_space<vmem>>
        %dma_wait3A_137 = arith.constant 0 : i32
        %dma_wait3A_138 = tpu.memref_slice %arg7[%dma_wait3A_131, %dma_wait3A_137] : memref<48x128xi32, #tpu.memory_space<vmem>> -> memref<1x128xi32, #tpu.memory_space<vmem>>
        %dma_wait3A_139 = tpu.memref_squeeze %dma_wait3A_138 : memref<1x128xi32, #tpu.memory_space<vmem>> -> memref<128xi32, #tpu.memory_space<vmem>>
        %dma_wait3A_140 = arith.constant 0 : i32
        %dma_wait3A_141 = arith.constant 0 : i32
        %dma_wait3A_142 = tpu.memref_slice %arg2[%dma_wait3A_140, %dma_wait3A_141] : memref<10008x128xf32, #tpu.memory_space<hbm>> -> memref<10008x128xf32, #tpu.memory_space<hbm>>
        tpu.wait_indirect_dma semaphore(%arg11 : memref<!tpu.dma_semaphore, #tpu.memory_space<semaphore_mem>>) src(%dma_wait3A_142 : memref<10008x128xf32, #tpu.memory_space<hbm>>) dst(%dma_wait3A_136 : memref<128x128xf32, #tpu.memory_space<vmem>>)
        %add3A_143 = arith.constant 0 : i32
        %add3A_144 = arith.addi %add3A_130, %add3A_143 : i32
        %dma_start3A_145 = arith.constant 0 : i32
        %dma_start3A_146 = arith.constant 0 : i32
        %dma_start3A_147 = arith.constant 0 : i32
        %dma_start3A_148 = tpu.memref_slice %arg9[%dma_start3A_145, %dma_start3A_146, %dma_start3A_147] : memref<2x128x128xf32, #tpu.memory_space<vmem>> -> memref<1x128x128xf32, #tpu.memory_space<vmem>>
        %dma_start3A_149 = tpu.memref_squeeze %dma_start3A_148 : memref<1x128x128xf32, #tpu.memory_space<vmem>> -> memref<128x128xf32, #tpu.memory_space<vmem>>
        %dma_start3A_150 = arith.constant 0 : i32
        %dma_start3A_151 = tpu.memref_slice %arg8[%add3A_144, %dma_start3A_150] : memref<48x128xi32, #tpu.memory_space<vmem>> -> memref<1x128xi32, #tpu.memory_space<vmem>>
        %dma_start3A_152 = tpu.memref_squeeze %dma_start3A_151 : memref<1x128xi32, #tpu.memory_space<vmem>> -> memref<128xi32, #tpu.memory_space<vmem>>
        %dma_start3A_153 = arith.constant 0 : i32
        %dma_start3A_154 = arith.constant 0 : i32
        %dma_start3A_155 = tpu.memref_slice %arg10[%dma_start3A_153, %dma_start3A_154] : memref<10008x128xf32, #tpu.memory_space<vmem_shared>> -> memref<10008x128xf32, #tpu.memory_space<vmem_shared>>
        tpu.enqueue_indirect_dma source(%dma_start3A_149 : memref<128x128xf32, #tpu.memory_space<vmem>>) target(%dma_start3A_155 : memref<10008x128xf32, #tpu.memory_space<vmem_shared>>) offsets(%dma_start3A_152 : memref<128xi32, #tpu.memory_space<vmem>>) semaphore(%arg13 : memref<!tpu.dma_semaphore, #tpu.memory_space<semaphore_mem>>) {add = true}
        %dma_wait3A_156 = arith.constant 0 : i32
        %dma_wait3A_157 = arith.constant 0 : i32
        %dma_wait3A_158 = arith.constant 0 : i32
        %dma_wait3A_159 = arith.constant 0 : i32
        %dma_wait3A_160 = tpu.memref_slice %arg9[%dma_wait3A_156, %dma_wait3A_158, %dma_wait3A_159] : memref<2x128x128xf32, #tpu.memory_space<vmem>> -> memref<1x128x128xf32, #tpu.memory_space<vmem>>
        %dma_wait3A_161 = tpu.memref_squeeze %dma_wait3A_160 : memref<1x128x128xf32, #tpu.memory_space<vmem>> -> memref<128x128xf32, #tpu.memory_space<vmem>>
        %dma_wait3A_162 = arith.constant 0 : i32
        %dma_wait3A_163 = tpu.memref_slice %arg8[%dma_wait3A_157, %dma_wait3A_162] : memref<48x128xi32, #tpu.memory_space<vmem>> -> memref<1x128xi32, #tpu.memory_space<vmem>>
        %dma_wait3A_164 = tpu.memref_squeeze %dma_wait3A_163 : memref<1x128xi32, #tpu.memory_space<vmem>> -> memref<128xi32, #tpu.memory_space<vmem>>
        %dma_wait3A_165 = arith.constant 0 : i32
        %dma_wait3A_166 = arith.constant 0 : i32
        %dma_wait3A_167 = tpu.memref_slice %arg10[%dma_wait3A_165, %dma_wait3A_166] : memref<10008x128xf32, #tpu.memory_space<vmem_shared>> -> memref<10008x128xf32, #tpu.memory_space<vmem_shared>>
        tpu.wait_indirect_dma semaphore(%arg13 : memref<!tpu.dma_semaphore, #tpu.memory_space<semaphore_mem>>) src(%dma_wait3A_161 : memref<128x128xf32, #tpu.memory_space<vmem>>) dst(%dma_wait3A_167 : memref<10008x128xf32, #tpu.memory_space<vmem_shared>>)
        %add3A_168 = arith.constant 0 : i32
        %add3A_169 = arith.addi %add3A_130, %add3A_168 : i32
        %add3A_170 = arith.constant 2 : i32
        %add3A_171 = arith.addi %add3A_169, %add3A_170 : i32
        %dma_start3A_172 = arith.constant 0 : i32
        %dma_start3A_173 = arith.constant 0 : i32
        %dma_start3A_174 = arith.constant 0 : i32
        %dma_start3A_175 = tpu.memref_slice %arg9[%dma_start3A_172, %dma_start3A_173, %dma_start3A_174] : memref<2x128x128xf32, #tpu.memory_space<vmem>> -> memref<1x128x128xf32, #tpu.memory_space<vmem>>
        %dma_start3A_176 = tpu.memref_squeeze %dma_start3A_175 : memref<1x128x128xf32, #tpu.memory_space<vmem>> -> memref<128x128xf32, #tpu.memory_space<vmem>>
        %dma_start3A_177 = arith.constant 0 : i32
        %dma_start3A_178 = tpu.memref_slice %arg7[%add3A_171, %dma_start3A_177] : memref<48x128xi32, #tpu.memory_space<vmem>> -> memref<1x128xi32, #tpu.memory_space<vmem>>
        %dma_start3A_179 = tpu.memref_squeeze %dma_start3A_178 : memref<1x128xi32, #tpu.memory_space<vmem>> -> memref<128xi32, #tpu.memory_space<vmem>>
        %dma_start3A_180 = arith.constant 0 : i32
        %dma_start3A_181 = arith.constant 0 : i32
        %dma_start3A_182 = tpu.memref_slice %arg2[%dma_start3A_180, %dma_start3A_181] : memref<10008x128xf32, #tpu.memory_space<hbm>> -> memref<10008x128xf32, #tpu.memory_space<hbm>>
        tpu.enqueue_indirect_dma source(%dma_start3A_182 : memref<10008x128xf32, #tpu.memory_space<hbm>>) target(%dma_start3A_176 : memref<128x128xf32, #tpu.memory_space<vmem>>) offsets(%dma_start3A_179 : memref<128xi32, #tpu.memory_space<vmem>>) semaphore(%arg11 : memref<!tpu.dma_semaphore, #tpu.memory_space<semaphore_mem>>)
        %dma_wait3A_183 = arith.constant 0 : i32
        %dma_wait3A_184 = arith.constant 1 : i32
        %dma_wait3A_185 = arith.constant 0 : i32
        %dma_wait3A_186 = arith.constant 0 : i32
        %dma_wait3A_187 = tpu.memref_slice %arg9[%dma_wait3A_184, %dma_wait3A_185, %dma_wait3A_186] : memref<2x128x128xf32, #tpu.memory_space<vmem>> -> memref<1x128x128xf32, #tpu.memory_space<vmem>>
        %dma_wait3A_188 = tpu.memref_squeeze %dma_wait3A_187 : memref<1x128x128xf32, #tpu.memory_space<vmem>> -> memref<128x128xf32, #tpu.memory_space<vmem>>
        %dma_wait3A_189 = arith.constant 0 : i32
        %dma_wait3A_190 = tpu.memref_slice %arg7[%dma_wait3A_183, %dma_wait3A_189] : memref<48x128xi32, #tpu.memory_space<vmem>> -> memref<1x128xi32, #tpu.memory_space<vmem>>
        %dma_wait3A_191 = tpu.memref_squeeze %dma_wait3A_190 : memref<1x128xi32, #tpu.memory_space<vmem>> -> memref<128xi32, #tpu.memory_space<vmem>>
        %dma_wait3A_192 = arith.constant 0 : i32
        %dma_wait3A_193 = arith.constant 0 : i32
        %dma_wait3A_194 = tpu.memref_slice %arg2[%dma_wait3A_192, %dma_wait3A_193] : memref<10008x128xf32, #tpu.memory_space<hbm>> -> memref<10008x128xf32, #tpu.memory_space<hbm>>
        tpu.wait_indirect_dma semaphore(%arg12 : memref<!tpu.dma_semaphore, #tpu.memory_space<semaphore_mem>>) src(%dma_wait3A_194 : memref<10008x128xf32, #tpu.memory_space<hbm>>) dst(%dma_wait3A_188 : memref<128x128xf32, #tpu.memory_space<vmem>>)
        %add3A_195 = arith.constant 1 : i32
        %add3A_196 = arith.addi %add3A_130, %add3A_195 : i32
        %dma_start3A_197 = arith.constant 1 : i32
        %dma_start3A_198 = arith.constant 0 : i32
        %dma_start3A_199 = arith.constant 0 : i32
        %dma_start3A_200 = tpu.memref_slice %arg9[%dma_start3A_197, %dma_start3A_198, %dma_start3A_199] : memref<2x128x128xf32, #tpu.memory_space<vmem>> -> memref<1x128x128xf32, #tpu.memory_space<vmem>>
        %dma_start3A_201 = tpu.memref_squeeze %dma_start3A_200 : memref<1x128x128xf32, #tpu.memory_space<vmem>> -> memref<128x128xf32, #tpu.memory_space<vmem>>
        %dma_start3A_202 = arith.constant 0 : i32
        %dma_start3A_203 = tpu.memref_slice %arg8[%add3A_196, %dma_start3A_202] : memref<48x128xi32, #tpu.memory_space<vmem>> -> memref<1x128xi32, #tpu.memory_space<vmem>>
        %dma_start3A_204 = tpu.memref_squeeze %dma_start3A_203 : memref<1x128xi32, #tpu.memory_space<vmem>> -> memref<128xi32, #tpu.memory_space<vmem>>
        %dma_start3A_205 = arith.constant 0 : i32
        %dma_start3A_206 = arith.constant 0 : i32
        %dma_start3A_207 = tpu.memref_slice %arg10[%dma_start3A_205, %dma_start3A_206] : memref<10008x128xf32, #tpu.memory_space<vmem_shared>> -> memref<10008x128xf32, #tpu.memory_space<vmem_shared>>
        tpu.enqueue_indirect_dma source(%dma_start3A_201 : memref<128x128xf32, #tpu.memory_space<vmem>>) target(%dma_start3A_207 : memref<10008x128xf32, #tpu.memory_space<vmem_shared>>) offsets(%dma_start3A_204 : memref<128xi32, #tpu.memory_space<vmem>>) semaphore(%arg14 : memref<!tpu.dma_semaphore, #tpu.memory_space<semaphore_mem>>) {add = true}
        %dma_wait3A_208 = arith.constant 1 : i32
        %dma_wait3A_209 = arith.constant 0 : i32
        %dma_wait3A_210 = arith.constant 0 : i32
        %dma_wait3A_211 = arith.constant 0 : i32
        %dma_wait3A_212 = tpu.memref_slice %arg9[%dma_wait3A_208, %dma_wait3A_210, %dma_wait3A_211] : memref<2x128x128xf32, #tpu.memory_space<vmem>> -> memref<1x128x128xf32, #tpu.memory_space<vmem>>
        %dma_wait3A_213 = tpu.memref_squeeze %dma_wait3A_212 : memref<1x128x128xf32, #tpu.memory_space<vmem>> -> memref<128x128xf32, #tpu.memory_space<vmem>>
        %dma_wait3A_214 = arith.constant 0 : i32
        %dma_wait3A_215 = tpu.memref_slice %arg8[%dma_wait3A_209, %dma_wait3A_214] : memref<48x128xi32, #tpu.memory_space<vmem>> -> memref<1x128xi32, #tpu.memory_space<vmem>>
        %dma_wait3A_216 = tpu.memref_squeeze %dma_wait3A_215 : memref<1x128xi32, #tpu.memory_space<vmem>> -> memref<128xi32, #tpu.memory_space<vmem>>
        %dma_wait3A_217 = arith.constant 0 : i32
        %dma_wait3A_218 = arith.constant 0 : i32
        %dma_wait3A_219 = tpu.memref_slice %arg10[%dma_wait3A_217, %dma_wait3A_218] : memref<10008x128xf32, #tpu.memory_space<vmem_shared>> -> memref<10008x128xf32, #tpu.memory_space<vmem_shared>>
        tpu.wait_indirect_dma semaphore(%arg14 : memref<!tpu.dma_semaphore, #tpu.memory_space<semaphore_mem>>) src(%dma_wait3A_213 : memref<128x128xf32, #tpu.memory_space<vmem>>) dst(%dma_wait3A_219 : memref<10008x128xf32, #tpu.memory_space<vmem_shared>>)
        %add3A_220 = arith.constant 1 : i32
        %add3A_221 = arith.addi %add3A_130, %add3A_220 : i32
        %add3A_222 = arith.constant 2 : i32
        %add3A_223 = arith.addi %add3A_221, %add3A_222 : i32
        %dma_start3A_224 = arith.constant 1 : i32
        %dma_start3A_225 = arith.constant 0 : i32
        %dma_start3A_226 = arith.constant 0 : i32
        %dma_start3A_227 = tpu.memref_slice %arg9[%dma_start3A_224, %dma_start3A_225, %dma_start3A_226] : memref<2x128x128xf32, #tpu.memory_space<vmem>> -> memref<1x128x128xf32, #tpu.memory_space<vmem>>
        %dma_start3A_228 = tpu.memref_squeeze %dma_start3A_227 : memref<1x128x128xf32, #tpu.memory_space<vmem>> -> memref<128x128xf32, #tpu.memory_space<vmem>>
        %dma_start3A_229 = arith.constant 0 : i32
        %dma_start3A_230 = tpu.memref_slice %arg7[%add3A_223, %dma_start3A_229] : memref<48x128xi32, #tpu.memory_space<vmem>> -> memref<1x128xi32, #tpu.memory_space<vmem>>
        %dma_start3A_231 = tpu.memref_squeeze %dma_start3A_230 : memref<1x128xi32, #tpu.memory_space<vmem>> -> memref<128xi32, #tpu.memory_space<vmem>>
        %dma_start3A_232 = arith.constant 0 : i32
        %dma_start3A_233 = arith.constant 0 : i32
        %dma_start3A_234 = tpu.memref_slice %arg2[%dma_start3A_232, %dma_start3A_233] : memref<10008x128xf32, #tpu.memory_space<hbm>> -> memref<10008x128xf32, #tpu.memory_space<hbm>>
        tpu.enqueue_indirect_dma source(%dma_start3A_234 : memref<10008x128xf32, #tpu.memory_space<hbm>>) target(%dma_start3A_228 : memref<128x128xf32, #tpu.memory_space<vmem>>) offsets(%dma_start3A_231 : memref<128xi32, #tpu.memory_space<vmem>>) semaphore(%arg12 : memref<!tpu.dma_semaphore, #tpu.memory_space<semaphore_mem>>)
      }
      %scan3A_54 = arith.constant 3 : i32
      %dma_wait3A = arith.constant 0 : i32
      %dma_wait3A_55 = arith.constant 0 : i32
      %dma_wait3A_56 = arith.constant 0 : i32
      %dma_wait3A_57 = arith.constant 0 : i32
      %dma_wait3A_58 = tpu.memref_slice %arg9[%dma_wait3A_55, %dma_wait3A_56, %dma_wait3A_57] : memref<2x128x128xf32, #tpu.memory_space<vmem>> -> memref<1x128x128xf32, #tpu.memory_space<vmem>>
      %dma_wait3A_59 = tpu.memref_squeeze %dma_wait3A_58 : memref<1x128x128xf32, #tpu.memory_space<vmem>> -> memref<128x128xf32, #tpu.memory_space<vmem>>
      %dma_wait3A_60 = arith.constant 0 : i32
      %dma_wait3A_61 = tpu.memref_slice %arg7[%dma_wait3A, %dma_wait3A_60] : memref<48x128xi32, #tpu.memory_space<vmem>> -> memref<1x128xi32, #tpu.memory_space<vmem>>
      %dma_wait3A_62 = tpu.memref_squeeze %dma_wait3A_61 : memref<1x128xi32, #tpu.memory_space<vmem>> -> memref<128xi32, #tpu.memory_space<vmem>>
      %dma_wait3A_63 = arith.constant 0 : i32
      %dma_wait3A_64 = arith.constant 0 : i32
      %dma_wait3A_65 = tpu.memref_slice %arg2[%dma_wait3A_63, %dma_wait3A_64] : memref<10008x128xf32, #tpu.memory_space<hbm>> -> memref<10008x128xf32, #tpu.memory_space<hbm>>
      tpu.wait_indirect_dma semaphore(%arg11 : memref<!tpu.dma_semaphore, #tpu.memory_space<semaphore_mem>>) src(%dma_wait3A_65 : memref<10008x128xf32, #tpu.memory_space<hbm>>) dst(%dma_wait3A_59 : memref<128x128xf32, #tpu.memory_space<vmem>>)
      %dma_start3A_66 = arith.constant 0 : i32
      %dma_start3A_67 = arith.constant 6 : i32
      %dma_start3A_68 = arith.constant 0 : i32
      %dma_start3A_69 = arith.constant 0 : i32
      %dma_start3A_70 = tpu.memref_slice %arg9[%dma_start3A_66, %dma_start3A_68, %dma_start3A_69] : memref<2x128x128xf32, #tpu.memory_space<vmem>> -> memref<1x128x128xf32, #tpu.memory_space<vmem>>
      %dma_start3A_71 = tpu.memref_squeeze %dma_start3A_70 : memref<1x128x128xf32, #tpu.memory_space<vmem>> -> memref<128x128xf32, #tpu.memory_space<vmem>>
      %dma_start3A_72 = arith.constant 0 : i32
      %dma_start3A_73 = tpu.memref_slice %arg8[%dma_start3A_67, %dma_start3A_72] : memref<48x128xi32, #tpu.memory_space<vmem>> -> memref<1x128xi32, #tpu.memory_space<vmem>>
      %dma_start3A_74 = tpu.memref_squeeze %dma_start3A_73 : memref<1x128xi32, #tpu.memory_space<vmem>> -> memref<128xi32, #tpu.memory_space<vmem>>
      %dma_start3A_75 = arith.constant 0 : i32
      %dma_start3A_76 = arith.constant 0 : i32
      %dma_start3A_77 = tpu.memref_slice %arg10[%dma_start3A_75, %dma_start3A_76] : memref<10008x128xf32, #tpu.memory_space<vmem_shared>> -> memref<10008x128xf32, #tpu.memory_space<vmem_shared>>
      tpu.enqueue_indirect_dma source(%dma_start3A_71 : memref<128x128xf32, #tpu.memory_space<vmem>>) target(%dma_start3A_77 : memref<10008x128xf32, #tpu.memory_space<vmem_shared>>) offsets(%dma_start3A_74 : memref<128xi32, #tpu.memory_space<vmem>>) semaphore(%arg13 : memref<!tpu.dma_semaphore, #tpu.memory_space<semaphore_mem>>) {add = true}
      %dma_wait3A_78 = arith.constant 0 : i32
      %dma_wait3A_79 = arith.constant 0 : i32
      %dma_wait3A_80 = arith.constant 0 : i32
      %dma_wait3A_81 = arith.constant 0 : i32
      %dma_wait3A_82 = tpu.memref_slice %arg9[%dma_wait3A_78, %dma_wait3A_80, %dma_wait3A_81] : memref<2x128x128xf32, #tpu.memory_space<vmem>> -> memref<1x128x128xf32, #tpu.memory_space<vmem>>
      %dma_wait3A_83 = tpu.memref_squeeze %dma_wait3A_82 : memref<1x128x128xf32, #tpu.memory_space<vmem>> -> memref<128x128xf32, #tpu.memory_space<vmem>>
      %dma_wait3A_84 = arith.constant 0 : i32
      %dma_wait3A_85 = tpu.memref_slice %arg8[%dma_wait3A_79, %dma_wait3A_84] : memref<48x128xi32, #tpu.memory_space<vmem>> -> memref<1x128xi32, #tpu.memory_space<vmem>>
      %dma_wait3A_86 = tpu.memref_squeeze %dma_wait3A_85 : memref<1x128xi32, #tpu.memory_space<vmem>> -> memref<128xi32, #tpu.memory_space<vmem>>
      %dma_wait3A_87 = arith.constant 0 : i32
      %dma_wait3A_88 = arith.constant 0 : i32
      %dma_wait3A_89 = tpu.memref_slice %arg10[%dma_wait3A_87, %dma_wait3A_88] : memref<10008x128xf32, #tpu.memory_space<vmem_shared>> -> memref<10008x128xf32, #tpu.memory_space<vmem_shared>>
      tpu.wait_indirect_dma semaphore(%arg13 : memref<!tpu.dma_semaphore, #tpu.memory_space<semaphore_mem>>) src(%dma_wait3A_83 : memref<128x128xf32, #tpu.memory_space<vmem>>) dst(%dma_wait3A_89 : memref<10008x128xf32, #tpu.memory_space<vmem_shared>>)
      %dma_wait3A_90 = arith.constant 0 : i32
      %dma_wait3A_91 = arith.constant 1 : i32
      %dma_wait3A_92 = arith.constant 0 : i32
      %dma_wait3A_93 = arith.constant 0 : i32
      %dma_wait3A_94 = tpu.memref_slice %arg9[%dma_wait3A_91, %dma_wait3A_92, %dma_wait3A_93] : memref<2x128x128xf32, #tpu.memory_space<vmem>> -> memref<1x128x128xf32, #tpu.memory_space<vmem>>
      %dma_wait3A_95 = tpu.memref_squeeze %dma_wait3A_94 : memref<1x128x128xf32, #tpu.memory_space<vmem>> -> memref<128x128xf32, #tpu.memory_space<vmem>>
      %dma_wait3A_96 = arith.constant 0 : i32
      %dma_wait3A_97 = tpu.memref_slice %arg7[%dma_wait3A_90, %dma_wait3A_96] : memref<48x128xi32, #tpu.memory_space<vmem>> -> memref<1x128xi32, #tpu.memory_space<vmem>>
      %dma_wait3A_98 = tpu.memref_squeeze %dma_wait3A_97 : memref<1x128xi32, #tpu.memory_space<vmem>> -> memref<128xi32, #tpu.memory_space<vmem>>
      %dma_wait3A_99 = arith.constant 0 : i32
      %dma_wait3A_100 = arith.constant 0 : i32
      %dma_wait3A_101 = tpu.memref_slice %arg2[%dma_wait3A_99, %dma_wait3A_100] : memref<10008x128xf32, #tpu.memory_space<hbm>> -> memref<10008x128xf32, #tpu.memory_space<hbm>>
      tpu.wait_indirect_dma semaphore(%arg12 : memref<!tpu.dma_semaphore, #tpu.memory_space<semaphore_mem>>) src(%dma_wait3A_101 : memref<10008x128xf32, #tpu.memory_space<hbm>>) dst(%dma_wait3A_95 : memref<128x128xf32, #tpu.memory_space<vmem>>)
      %dma_start3A_102 = arith.constant 1 : i32
      %dma_start3A_103 = arith.constant 7 : i32
      %dma_start3A_104 = arith.constant 0 : i32
      %dma_start3A_105 = arith.constant 0 : i32
      %dma_start3A_106 = tpu.memref_slice %arg9[%dma_start3A_102, %dma_start3A_104, %dma_start3A_105] : memref<2x128x128xf32, #tpu.memory_space<vmem>> -> memref<1x128x128xf32, #tpu.memory_space<vmem>>
      %dma_start3A_107 = tpu.memref_squeeze %dma_start3A_106 : memref<1x128x128xf32, #tpu.memory_space<vmem>> -> memref<128x128xf32, #tpu.memory_space<vmem>>
      %dma_start3A_108 = arith.constant 0 : i32
      %dma_start3A_109 = tpu.memref_slice %arg8[%dma_start3A_103, %dma_start3A_108] : memref<48x128xi32, #tpu.memory_space<vmem>> -> memref<1x128xi32, #tpu.memory_space<vmem>>
      %dma_start3A_110 = tpu.memref_squeeze %dma_start3A_109 : memref<1x128xi32, #tpu.memory_space<vmem>> -> memref<128xi32, #tpu.memory_space<vmem>>
      %dma_start3A_111 = arith.constant 0 : i32
      %dma_start3A_112 = arith.constant 0 : i32
      %dma_start3A_113 = tpu.memref_slice %arg10[%dma_start3A_111, %dma_start3A_112] : memref<10008x128xf32, #tpu.memory_space<vmem_shared>> -> memref<10008x128xf32, #tpu.memory_space<vmem_shared>>
      tpu.enqueue_indirect_dma source(%dma_start3A_107 : memref<128x128xf32, #tpu.memory_space<vmem>>) target(%dma_start3A_113 : memref<10008x128xf32, #tpu.memory_space<vmem_shared>>) offsets(%dma_start3A_110 : memref<128xi32, #tpu.memory_space<vmem>>) semaphore(%arg14 : memref<!tpu.dma_semaphore, #tpu.memory_space<semaphore_mem>>) {add = true}
      %dma_wait3A_114 = arith.constant 1 : i32
      %dma_wait3A_115 = arith.constant 0 : i32
      %dma_wait3A_116 = arith.constant 0 : i32
      %dma_wait3A_117 = arith.constant 0 : i32
      %dma_wait3A_118 = tpu.memref_slice %arg9[%dma_wait3A_114, %dma_wait3A_116, %dma_wait3A_117] : memref<2x128x128xf32, #tpu.memory_space<vmem>> -> memref<1x128x128xf32, #tpu.memory_space<vmem>>
      %dma_wait3A_119 = tpu.memref_squeeze %dma_wait3A_118 : memref<1x128x128xf32, #tpu.memory_space<vmem>> -> memref<128x128xf32, #tpu.memory_space<vmem>>
      %dma_wait3A_120 = arith.constant 0 : i32
      %dma_wait3A_121 = tpu.memref_slice %arg8[%dma_wait3A_115, %dma_wait3A_120] : memref<48x128xi32, #tpu.memory_space<vmem>> -> memref<1x128xi32, #tpu.memory_space<vmem>>
      %dma_wait3A_122 = tpu.memref_squeeze %dma_wait3A_121 : memref<1x128xi32, #tpu.memory_space<vmem>> -> memref<128xi32, #tpu.memory_space<vmem>>
      %dma_wait3A_123 = arith.constant 0 : i32
      %dma_wait3A_124 = arith.constant 0 : i32
      %dma_wait3A_125 = tpu.memref_slice %arg10[%dma_wait3A_123, %dma_wait3A_124] : memref<10008x128xf32, #tpu.memory_space<vmem_shared>> -> memref<10008x128xf32, #tpu.memory_space<vmem_shared>>
      tpu.wait_indirect_dma semaphore(%arg14 : memref<!tpu.dma_semaphore, #tpu.memory_space<semaphore_mem>>) src(%dma_wait3A_119 : memref<128x128xf32, #tpu.memory_space<vmem>>) dst(%dma_wait3A_125 : memref<10008x128xf32, #tpu.memory_space<vmem_shared>>)
    } else {
    }
    %barrier3A_17 = arith.constant 0 : index
    tpu.barrier barrier_id(%barrier3A_17)
    "tpu.region"() ({
      %run_scoped3A = tpu.sem_alloc : memref<!tpu.dma_semaphore, #tpu.memory_space<semaphore_mem>>
      %dma_start3A = arith.constant 0 : i32
      %dma_start3A_23 = arith.constant 0 : i32
      %dma_start3A_24 = tpu.memref_slice %arg6[%arg0, %dma_start3A, %dma_start3A_23] : memref<2x10008x128xf32, #tpu.memory_space<hbm>> -> memref<1x10008x128xf32, #tpu.memory_space<hbm>>
      %dma_start3A_25 = tpu.memref_squeeze %dma_start3A_24 : memref<1x10008x128xf32, #tpu.memory_space<hbm>> -> memref<10008x128xf32, #tpu.memory_space<hbm>>
      %dma_start3A_26 = arith.constant 0 : i32
      %dma_start3A_27 = tpu.memref_slice %dma_start3A_25[%mul3A_0, %dma_start3A_26] : memref<10008x128xf32, #tpu.memory_space<hbm>> -> memref<624x128xf32, #tpu.memory_space<hbm>>
      %dma_start3A_28 = arith.constant 0 : i32
      %dma_start3A_29 = tpu.memref_slice %arg10[%mul3A_0, %dma_start3A_28] : memref<10008x128xf32, #tpu.memory_space<vmem_shared>> -> memref<624x128xf32, #tpu.memory_space<vmem_shared>>
      tpu.enqueue_dma source(%dma_start3A_29 : memref<624x128xf32, #tpu.memory_space<vmem_shared>>) target(%dma_start3A_27 : memref<624x128xf32, #tpu.memory_space<hbm>>) target_semaphore(%run_scoped3A : memref<!tpu.dma_semaphore, #tpu.memory_space<semaphore_mem>>)
      %dma_wait3A = arith.constant 0 : i32
      %dma_wait3A_30 = arith.constant 0 : i32
      %dma_wait3A_31 = tpu.memref_slice %arg6[%arg0, %dma_wait3A, %dma_wait3A_30] : memref<2x10008x128xf32, #tpu.memory_space<hbm>> -> memref<1x10008x128xf32, #tpu.memory_space<hbm>>
      %dma_wait3A_32 = tpu.memref_squeeze %dma_wait3A_31 : memref<1x10008x128xf32, #tpu.memory_space<hbm>> -> memref<10008x128xf32, #tpu.memory_space<hbm>>
      %dma_wait3A_33 = arith.constant 0 : i32
      %dma_wait3A_34 = tpu.memref_slice %dma_wait3A_32[%mul3A_0, %dma_wait3A_33] : memref<10008x128xf32, #tpu.memory_space<hbm>> -> memref<624x128xf32, #tpu.memory_space<hbm>>
      %dma_wait3A_35 = arith.constant 0 : i32
      %dma_wait3A_36 = tpu.memref_slice %arg10[%mul3A_0, %dma_wait3A_35] : memref<10008x128xf32, #tpu.memory_space<vmem_shared>> -> memref<624x128xf32, #tpu.memory_space<vmem_shared>>
      tpu.wait_dma2 semaphore(%run_scoped3A : memref<!tpu.dma_semaphore, #tpu.memory_space<semaphore_mem>>) src(%dma_wait3A_36 : memref<624x128xf32, #tpu.memory_space<vmem_shared>>) dst(%dma_wait3A_34 : memref<624x128xf32, #tpu.memory_space<hbm>>)
      tpu.yield
    }) : () -> ()
    %eq3A_18 = arith.constant 0 : i32
    %eq3A_19 = arith.cmpi eq, %arg1, %eq3A_18 : i32
    %convert_element_type3A_20 = arith.extui %eq3A_19 : i1 to i32
    %cond3A_21 = arith.constant 0 : i32
    %cond3A_22 = arith.cmpi ne, %convert_element_type3A_20, %cond3A_21 : i32
    scf.if %cond3A_22 {
      "tpu.region"() ({
        %run_scoped3A = tpu.sem_alloc : memref<!tpu.dma_semaphore, #tpu.memory_space<semaphore_mem>>
        %dma_start3A = arith.constant 0 : i32
        %dma_start3A_23 = arith.constant 0 : i32
        %dma_start3A_24 = tpu.memref_slice %arg6[%arg0, %dma_start3A, %dma_start3A_23] : memref<2x10008x128xf32, #tpu.memory_space<hbm>> -> memref<1x10008x128xf32, #tpu.memory_space<hbm>>
        %dma_start3A_25 = tpu.memref_squeeze %dma_start3A_24 : memref<1x10008x128xf32, #tpu.memory_space<hbm>> -> memref<10008x128xf32, #tpu.memory_space<hbm>>
        %dma_start3A_26 = arith.constant 9984 : i32
        %dma_start3A_27 = arith.constant 0 : i32
        %dma_start3A_28 = tpu.memref_slice %dma_start3A_25[%dma_start3A_26, %dma_start3A_27] : memref<10008x128xf32, #tpu.memory_space<hbm>> -> memref<24x128xf32, #tpu.memory_space<hbm>>
        %dma_start3A_29 = arith.constant 9984 : i32
        %dma_start3A_30 = arith.constant 0 : i32
        %dma_start3A_31 = tpu.memref_slice %arg10[%dma_start3A_29, %dma_start3A_30] : memref<10008x128xf32, #tpu.memory_space<vmem_shared>> -> memref<24x128xf32, #tpu.memory_space<vmem_shared>>
        tpu.enqueue_dma source(%dma_start3A_31 : memref<24x128xf32, #tpu.memory_space<vmem_shared>>) target(%dma_start3A_28 : memref<24x128xf32, #tpu.memory_space<hbm>>) target_semaphore(%run_scoped3A : memref<!tpu.dma_semaphore, #tpu.memory_space<semaphore_mem>>)
        %dma_wait3A = arith.constant 0 : i32
        %dma_wait3A_32 = arith.constant 0 : i32
        %dma_wait3A_33 = tpu.memref_slice %arg6[%arg0, %dma_wait3A, %dma_wait3A_32] : memref<2x10008x128xf32, #tpu.memory_space<hbm>> -> memref<1x10008x128xf32, #tpu.memory_space<hbm>>
        %dma_wait3A_34 = tpu.memref_squeeze %dma_wait3A_33 : memref<1x10008x128xf32, #tpu.memory_space<hbm>> -> memref<10008x128xf32, #tpu.memory_space<hbm>>
        %dma_wait3A_35 = arith.constant 9984 : i32
        %dma_wait3A_36 = arith.constant 0 : i32
        %dma_wait3A_37 = tpu.memref_slice %dma_wait3A_34[%dma_wait3A_35, %dma_wait3A_36] : memref<10008x128xf32, #tpu.memory_space<hbm>> -> memref<24x128xf32, #tpu.memory_space<hbm>>
        %dma_wait3A_38 = arith.constant 9984 : i32
        %dma_wait3A_39 = arith.constant 0 : i32
        %dma_wait3A_40 = tpu.memref_slice %arg10[%dma_wait3A_38, %dma_wait3A_39] : memref<10008x128xf32, #tpu.memory_space<vmem_shared>> -> memref<24x128xf32, #tpu.memory_space<vmem_shared>>
        tpu.wait_dma2 semaphore(%run_scoped3A : memref<!tpu.dma_semaphore, #tpu.memory_space<semaphore_mem>>) src(%dma_wait3A_40 : memref<24x128xf32, #tpu.memory_space<vmem_shared>>) dst(%dma_wait3A_37 : memref<24x128xf32, #tpu.memory_space<hbm>>)
        tpu.yield
      }) : () -> ()
    } else {
    }
    return
  }
}

module attributes {stable_mosaic.version = 14 : i64} {
  func.func @_dense1_body(%arg0: memref<10000x232xf32, #tpu.memory_space<vmem>>, %arg1: memref<232x128xf32, #tpu.memory_space<vmem>>, %arg2: memref<1x128xf32, #tpu.memory_space<vmem>>, %arg3: memref<10008x128xf32, #tpu.memory_space<vmem>>) attributes {dimension_semantics = [], scalar_prefetch = 0 : i64, scratch_operands = 0 : i64, tpu.core_type = #tpu.core_type<tc>} {
    %get3A = arith.constant 0 : index
    %get3A_0 = arith.constant 0 : index
    %get3A_1 = vector.load %arg0[%get3A, %get3A_0] : memref<10000x232xf32, #tpu.memory_space<vmem>>, vector<10000x232xf32>
    %get3A_2 = arith.constant 0 : index
    %get3A_3 = arith.constant 0 : index
    %get3A_4 = vector.load %arg1[%get3A_2, %get3A_3] : memref<232x128xf32, #tpu.memory_space<vmem>>, vector<232x128xf32>
    %dot_general3A = arith.constant dense<0.000000e+00> : vector<10000x128xf32>
    %dot_general3A_5 = tpu.matmul %get3A_1, %get3A_4, %dot_general3A {dimension_numbers = #tpu.dot_dimension_numbers<[1], [0], [0], [1], [0, 0, 1, 1], [], []>, transpose_lhs_hint = false} : vector<10000x232xf32>, vector<232x128xf32>, vector<10000x128xf32> -> vector<10000x128xf32>
    %get3A_6 = arith.constant 0 : index
    %get3A_7 = arith.constant 0 : index
    %get3A_8 = vector.load %arg2[%get3A_6, %get3A_7] : memref<1x128xf32, #tpu.memory_space<vmem>>, vector<1x128xf32>
    %add3A = vector.broadcast %get3A_8 : vector<1x128xf32> to vector<10000x128xf32>
    %add3A_9 = arith.addf %dot_general3A_5, %add3A : vector<10000x128xf32>
    %broadcast_in_dim3A = arith.constant 0.000000e+00 : f32
    %broadcast_in_dim3A_10 = vector.broadcast %broadcast_in_dim3A : f32 to vector<8x128xf32>
    %concatenate3A = tpu.concatenate %add3A_9, %broadcast_in_dim3A_10 in 0 : vector<10000x128xf32>, vector<8x128xf32> -> vector<10008x128xf32>
    %swap3A = arith.constant 0 : index
    %swap3A_11 = arith.constant 0 : index
    %swap3A_12 = vector.load %arg3[%swap3A, %swap3A_11] : memref<10008x128xf32, #tpu.memory_space<vmem>>, vector<10008x128xf32>
    tpu.vector_store %arg3[%swap3A, %swap3A_11], %concatenate3A {strides = array<i32>} : memref<10008x128xf32, #tpu.memory_space<vmem>>, vector<10008x128xf32>,
    return
  }
}

module attributes {stable_mosaic.version = 14 : i64} {
  func.func @_layer_body(%arg0: memref<2x10008x128xf32, #tpu.memory_space<vmem>>, %arg1: memref<128x256xf32, #tpu.memory_space<vmem>>, %arg2: memref<1x256xf32, #tpu.memory_space<vmem>>, %arg3: memref<1x256xf32, #tpu.memory_space<vmem>>, %arg4: memref<1x256xf32, #tpu.memory_space<vmem>>, %arg5: memref<256x128xf32, #tpu.memory_space<vmem>>, %arg6: memref<1x128xf32, #tpu.memory_space<vmem>>, %arg7: memref<10008x128xf32, #tpu.memory_space<vmem>>) attributes {dimension_semantics = [], scalar_prefetch = 0 : i64, scratch_operands = 0 : i64, tpu.core_type = #tpu.core_type<tc>} {
    %get3A = arith.constant 0 : index
    %get3A_0 = arith.constant 0 : index
    %get3A_1 = arith.constant 0 : index
    %get3A_2 = vector.load %arg0[%get3A, %get3A_0, %get3A_1] : memref<2x10008x128xf32, #tpu.memory_space<vmem>>, vector<1x10008x128xf32>
    %get3A_3 = vector.shape_cast %get3A_2 : vector<1x10008x128xf32> to vector<10008x128xf32>
    %get3A_4 = arith.constant 1 : index
    %get3A_5 = arith.constant 0 : index
    %get3A_6 = arith.constant 0 : index
    %get3A_7 = vector.load %arg0[%get3A_4, %get3A_5, %get3A_6] : memref<2x10008x128xf32, #tpu.memory_space<vmem>>, vector<1x10008x128xf32>
    %get3A_8 = vector.shape_cast %get3A_7 : vector<1x10008x128xf32> to vector<10008x128xf32>
    %add3A = arith.addf %get3A_3, %get3A_8 : vector<10008x128xf32>
    %slice3A = vector.extract_strided_slice %add3A {offsets = [0, 0], sizes = [10000, 128], strides = [1, 1]} : vector<10008x128xf32> to vector<10000x128xf32>
    %get3A_9 = arith.constant 0 : index
    %get3A_10 = arith.constant 0 : index
    %get3A_11 = vector.load %arg1[%get3A_9, %get3A_10] : memref<128x256xf32, #tpu.memory_space<vmem>>, vector<128x256xf32>
    %dot_general3A = arith.constant dense<0.000000e+00> : vector<10000x256xf32>
    %dot_general3A_12 = tpu.matmul %slice3A, %get3A_11, %dot_general3A {dimension_numbers = #tpu.dot_dimension_numbers<[1], [0], [0], [1], [0, 0, 1, 1], [], []>, transpose_lhs_hint = false} : vector<10000x128xf32>, vector<128x256xf32>, vector<10000x256xf32> -> vector<10000x256xf32>
    %get3A_13 = arith.constant 0 : index
    %get3A_14 = arith.constant 0 : index
    %get3A_15 = vector.load %arg2[%get3A_13, %get3A_14] : memref<1x256xf32, #tpu.memory_space<vmem>>, vector<1x256xf32>
    %add3A_16 = vector.broadcast %get3A_15 : vector<1x256xf32> to vector<10000x256xf32>
    %add3A_17 = arith.addf %dot_general3A_12, %add3A_16 : vector<10000x256xf32>
    %reduce_sum3A = arith.constant dense<0.000000e+00> : vector<256xf32>
    %reduce_sum3A_18 = vector.multi_reduction <add>, %add3A_17, %reduce_sum3A [0] : vector<10000x256xf32> to vector<256xf32>
    %broadcast_in_dim3A = vector.shape_cast %reduce_sum3A_18 : vector<256xf32> to vector<1x256xf32>
    %div3A = arith.constant 1.000000e+04 : f32
    %div3A_19 = vector.broadcast %div3A : f32 to vector<1x256xf32>
    %div3A_20 = arith.divf %broadcast_in_dim3A, %div3A_19 : vector<1x256xf32>
    %sub3A = vector.broadcast %div3A_20 : vector<1x256xf32> to vector<10000x256xf32>
    %sub3A_21 = arith.subf %add3A_17, %sub3A : vector<10000x256xf32>
    %integer_pow3A = arith.mulf %sub3A_21, %sub3A_21 : vector<10000x256xf32>
    %reduce_sum3A_22 = arith.constant dense<0.000000e+00> : vector<256xf32>
    %reduce_sum3A_23 = vector.multi_reduction <add>, %integer_pow3A, %reduce_sum3A_22 [0] : vector<10000x256xf32> to vector<256xf32>
    %broadcast_in_dim3A_24 = vector.shape_cast %reduce_sum3A_23 : vector<256xf32> to vector<1x256xf32>
    %div3A_25 = arith.constant 1.000000e+04 : f32
    %div3A_26 = vector.broadcast %div3A_25 : f32 to vector<1x256xf32>
    %div3A_27 = arith.divf %broadcast_in_dim3A_24, %div3A_26 : vector<1x256xf32>
    %sub3A_28 = vector.broadcast %div3A_20 : vector<1x256xf32> to vector<10000x256xf32>
    %sub3A_29 = arith.subf %add3A_17, %sub3A_28 : vector<10000x256xf32>
    %add3A_30 = arith.constant 9.99999974E-6 : f32
    %add3A_31 = vector.broadcast %add3A_30 : f32 to vector<1x256xf32>
    %add3A_32 = arith.addf %div3A_27, %add3A_31 : vector<1x256xf32>
    %rsqrt3A = math.rsqrt %add3A_32 : vector<1x256xf32>
    %mul3A = vector.broadcast %rsqrt3A : vector<1x256xf32> to vector<10000x256xf32>
    %mul3A_33 = arith.mulf %sub3A_29, %mul3A : vector<10000x256xf32>
    %get3A_34 = arith.constant 0 : index
    %get3A_35 = arith.constant 0 : index
    %get3A_36 = vector.load %arg3[%get3A_34, %get3A_35] : memref<1x256xf32, #tpu.memory_space<vmem>>, vector<1x256xf32>
    %mul3A_37 = vector.broadcast %get3A_36 : vector<1x256xf32> to vector<10000x256xf32>
    %mul3A_38 = arith.mulf %mul3A_33, %mul3A_37 : vector<10000x256xf32>
    %get3A_39 = arith.constant 0 : index
    %get3A_40 = arith.constant 0 : index
    %get3A_41 = vector.load %arg4[%get3A_39, %get3A_40] : memref<1x256xf32, #tpu.memory_space<vmem>>, vector<1x256xf32>
    %add3A_42 = vector.broadcast %get3A_41 : vector<1x256xf32> to vector<10000x256xf32>
    %add3A_43 = arith.addf %mul3A_38, %add3A_42 : vector<10000x256xf32>
    %max3A = arith.constant 0.000000e+00 : f32
    %max3A_44 = vector.broadcast %max3A : f32 to vector<10000x256xf32>
    %max3A_45 = arith.maximumf %add3A_43, %max3A_44 : vector<10000x256xf32>
    %get3A_46 = arith.constant 0 : index
    %get3A_47 = arith.constant 0 : index
    %get3A_48 = vector.load %arg5[%get3A_46, %get3A_47] : memref<256x128xf32, #tpu.memory_space<vmem>>, vector<256x128xf32>
    %dot_general3A_49 = arith.constant dense<0.000000e+00> : vector<10000x128xf32>
    %dot_general3A_50 = tpu.matmul %max3A_45, %get3A_48, %dot_general3A_49 {dimension_numbers = #tpu.dot_dimension_numbers<[1], [0], [0], [1], [0, 0, 1, 1], [], []>, transpose_lhs_hint = false} : vector<10000x256xf32>, vector<256x128xf32>, vector<10000x128xf32> -> vector<10000x128xf32>
    %get3A_51 = arith.constant 0 : index
    %get3A_52 = arith.constant 0 : index
    %get3A_53 = vector.load %arg6[%get3A_51, %get3A_52] : memref<1x128xf32, #tpu.memory_space<vmem>>, vector<1x128xf32>
    %add3A_54 = vector.broadcast %get3A_53 : vector<1x128xf32> to vector<10000x128xf32>
    %add3A_55 = arith.addf %dot_general3A_50, %add3A_54 : vector<10000x128xf32>
    %max3A_56 = arith.constant 0.000000e+00 : f32
    %max3A_57 = vector.broadcast %max3A_56 : f32 to vector<10000x128xf32>
    %max3A_58 = arith.maximumf %add3A_55, %max3A_57 : vector<10000x128xf32>
    %broadcast_in_dim3A_59 = arith.constant 0.000000e+00 : f32
    %broadcast_in_dim3A_60 = vector.broadcast %broadcast_in_dim3A_59 : f32 to vector<8x128xf32>
    %concatenate3A = tpu.concatenate %max3A_58, %broadcast_in_dim3A_60 in 0 : vector<10000x128xf32>, vector<8x128xf32> -> vector<10008x128xf32>
    %swap3A = arith.constant 0 : index
    %swap3A_61 = arith.constant 0 : index
    %swap3A_62 = vector.load %arg7[%swap3A, %swap3A_61] : memref<10008x128xf32, #tpu.memory_space<vmem>>, vector<10008x128xf32>
    tpu.vector_store %arg7[%swap3A, %swap3A_61], %concatenate3A {strides = array<i32>} : memref<10008x128xf32, #tpu.memory_space<vmem>>, vector<10008x128xf32>,
    return
  }
}

module attributes {stable_mosaic.version = 14 : i64} {
  func.func @_layer_body(%arg0: memref<2x10008x128xf32, #tpu.memory_space<vmem>>, %arg1: memref<128x256xf32, #tpu.memory_space<vmem>>, %arg2: memref<1x256xf32, #tpu.memory_space<vmem>>, %arg3: memref<1x256xf32, #tpu.memory_space<vmem>>, %arg4: memref<1x256xf32, #tpu.memory_space<vmem>>, %arg5: memref<256x128xf32, #tpu.memory_space<vmem>>, %arg6: memref<1x128xf32, #tpu.memory_space<vmem>>, %arg7: memref<10000x128xf32, #tpu.memory_space<vmem>>) attributes {dimension_semantics = [], scalar_prefetch = 0 : i64, scratch_operands = 0 : i64, tpu.core_type = #tpu.core_type<tc>} {
    %get3A = arith.constant 0 : index
    %get3A_0 = arith.constant 0 : index
    %get3A_1 = arith.constant 0 : index
    %get3A_2 = vector.load %arg0[%get3A, %get3A_0, %get3A_1] : memref<2x10008x128xf32, #tpu.memory_space<vmem>>, vector<1x10008x128xf32>
    %get3A_3 = vector.shape_cast %get3A_2 : vector<1x10008x128xf32> to vector<10008x128xf32>
    %get3A_4 = arith.constant 1 : index
    %get3A_5 = arith.constant 0 : index
    %get3A_6 = arith.constant 0 : index
    %get3A_7 = vector.load %arg0[%get3A_4, %get3A_5, %get3A_6] : memref<2x10008x128xf32, #tpu.memory_space<vmem>>, vector<1x10008x128xf32>
    %get3A_8 = vector.shape_cast %get3A_7 : vector<1x10008x128xf32> to vector<10008x128xf32>
    %add3A = arith.addf %get3A_3, %get3A_8 : vector<10008x128xf32>
    %slice3A = vector.extract_strided_slice %add3A {offsets = [0, 0], sizes = [10000, 128], strides = [1, 1]} : vector<10008x128xf32> to vector<10000x128xf32>
    %get3A_9 = arith.constant 0 : index
    %get3A_10 = arith.constant 0 : index
    %get3A_11 = vector.load %arg1[%get3A_9, %get3A_10] : memref<128x256xf32, #tpu.memory_space<vmem>>, vector<128x256xf32>
    %dot_general3A = arith.constant dense<0.000000e+00> : vector<10000x256xf32>
    %dot_general3A_12 = tpu.matmul %slice3A, %get3A_11, %dot_general3A {dimension_numbers = #tpu.dot_dimension_numbers<[1], [0], [0], [1], [0, 0, 1, 1], [], []>, transpose_lhs_hint = false} : vector<10000x128xf32>, vector<128x256xf32>, vector<10000x256xf32> -> vector<10000x256xf32>
    %get3A_13 = arith.constant 0 : index
    %get3A_14 = arith.constant 0 : index
    %get3A_15 = vector.load %arg2[%get3A_13, %get3A_14] : memref<1x256xf32, #tpu.memory_space<vmem>>, vector<1x256xf32>
    %add3A_16 = vector.broadcast %get3A_15 : vector<1x256xf32> to vector<10000x256xf32>
    %add3A_17 = arith.addf %dot_general3A_12, %add3A_16 : vector<10000x256xf32>
    %reduce_sum3A = arith.constant dense<0.000000e+00> : vector<256xf32>
    %reduce_sum3A_18 = vector.multi_reduction <add>, %add3A_17, %reduce_sum3A [0] : vector<10000x256xf32> to vector<256xf32>
    %broadcast_in_dim3A = vector.shape_cast %reduce_sum3A_18 : vector<256xf32> to vector<1x256xf32>
    %div3A = arith.constant 1.000000e+04 : f32
    %div3A_19 = vector.broadcast %div3A : f32 to vector<1x256xf32>
    %div3A_20 = arith.divf %broadcast_in_dim3A, %div3A_19 : vector<1x256xf32>
    %sub3A = vector.broadcast %div3A_20 : vector<1x256xf32> to vector<10000x256xf32>
    %sub3A_21 = arith.subf %add3A_17, %sub3A : vector<10000x256xf32>
    %integer_pow3A = arith.mulf %sub3A_21, %sub3A_21 : vector<10000x256xf32>
    %reduce_sum3A_22 = arith.constant dense<0.000000e+00> : vector<256xf32>
    %reduce_sum3A_23 = vector.multi_reduction <add>, %integer_pow3A, %reduce_sum3A_22 [0] : vector<10000x256xf32> to vector<256xf32>
    %broadcast_in_dim3A_24 = vector.shape_cast %reduce_sum3A_23 : vector<256xf32> to vector<1x256xf32>
    %div3A_25 = arith.constant 1.000000e+04 : f32
    %div3A_26 = vector.broadcast %div3A_25 : f32 to vector<1x256xf32>
    %div3A_27 = arith.divf %broadcast_in_dim3A_24, %div3A_26 : vector<1x256xf32>
    %sub3A_28 = vector.broadcast %div3A_20 : vector<1x256xf32> to vector<10000x256xf32>
    %sub3A_29 = arith.subf %add3A_17, %sub3A_28 : vector<10000x256xf32>
    %add3A_30 = arith.constant 9.99999974E-6 : f32
    %add3A_31 = vector.broadcast %add3A_30 : f32 to vector<1x256xf32>
    %add3A_32 = arith.addf %div3A_27, %add3A_31 : vector<1x256xf32>
    %rsqrt3A = math.rsqrt %add3A_32 : vector<1x256xf32>
    %mul3A = vector.broadcast %rsqrt3A : vector<1x256xf32> to vector<10000x256xf32>
    %mul3A_33 = arith.mulf %sub3A_29, %mul3A : vector<10000x256xf32>
    %get3A_34 = arith.constant 0 : index
    %get3A_35 = arith.constant 0 : index
    %get3A_36 = vector.load %arg3[%get3A_34, %get3A_35] : memref<1x256xf32, #tpu.memory_space<vmem>>, vector<1x256xf32>
    %mul3A_37 = vector.broadcast %get3A_36 : vector<1x256xf32> to vector<10000x256xf32>
    %mul3A_38 = arith.mulf %mul3A_33, %mul3A_37 : vector<10000x256xf32>
    %get3A_39 = arith.constant 0 : index
    %get3A_40 = arith.constant 0 : index
    %get3A_41 = vector.load %arg4[%get3A_39, %get3A_40] : memref<1x256xf32, #tpu.memory_space<vmem>>, vector<1x256xf32>
    %add3A_42 = vector.broadcast %get3A_41 : vector<1x256xf32> to vector<10000x256xf32>
    %add3A_43 = arith.addf %mul3A_38, %add3A_42 : vector<10000x256xf32>
    %max3A = arith.constant 0.000000e+00 : f32
    %max3A_44 = vector.broadcast %max3A : f32 to vector<10000x256xf32>
    %max3A_45 = arith.maximumf %add3A_43, %max3A_44 : vector<10000x256xf32>
    %get3A_46 = arith.constant 0 : index
    %get3A_47 = arith.constant 0 : index
    %get3A_48 = vector.load %arg5[%get3A_46, %get3A_47] : memref<256x128xf32, #tpu.memory_space<vmem>>, vector<256x128xf32>
    %dot_general3A_49 = arith.constant dense<0.000000e+00> : vector<10000x128xf32>
    %dot_general3A_50 = tpu.matmul %max3A_45, %get3A_48, %dot_general3A_49 {dimension_numbers = #tpu.dot_dimension_numbers<[1], [0], [0], [1], [0, 0, 1, 1], [], []>, transpose_lhs_hint = false} : vector<10000x256xf32>, vector<256x128xf32>, vector<10000x128xf32> -> vector<10000x128xf32>
    %get3A_51 = arith.constant 0 : index
    %get3A_52 = arith.constant 0 : index
    %get3A_53 = vector.load %arg6[%get3A_51, %get3A_52] : memref<1x128xf32, #tpu.memory_space<vmem>>, vector<1x128xf32>
    %add3A_54 = vector.broadcast %get3A_53 : vector<1x128xf32> to vector<10000x128xf32>
    %add3A_55 = arith.addf %dot_general3A_50, %add3A_54 : vector<10000x128xf32>
    %swap3A = arith.constant 0 : index
    %swap3A_56 = arith.constant 0 : index
    %swap3A_57 = vector.load %arg7[%swap3A, %swap3A_56] : memref<10000x128xf32, #tpu.memory_space<vmem>>, vector<10000x128xf32>
    tpu.vector_store %arg7[%swap3A, %swap3A_56], %add3A_55 {strides = array<i32>} : memref<10000x128xf32, #tpu.memory_space<vmem>>, vector<10000x128xf32>,
    return
  }
}

</mosaic_0001>

<sc_bundles>
// kernel: kernel.10.cloned.1.call-start
scs
__scs_entry_jumppad:
0x0: {  	(pc) =	sbr.rel $0x88, $3  }
0x1: {  	(tag) =	ssettag $0x0;
	lr =	simm.s32 $0x1  }
0x2: {  	[smem:$0x3F91] =	sst lr;
	_ =	strace $0xD0000000  }
0x3: {  	_ = 	snop  }
0x4: {  	_ = 	snop  }
0x5: {  	_ = 	snop  }
0x6: {  	_ = 	snop  }
0x7: {  	_ = 	snop  }
__scs_overlays_trampoline_lowered:
0x8: {  	[smem:$0x3FA0] =	sst s0  }
0x9: {  	[smem:$0x3FA1] =	sst s1  }
0xa: {  	[smem:$0x3FA2] =	sst s2  }
0xb: {  	[smem:$0x3FA3] =	sst s3  }
0xc: {  	[smem:$0x3FA4] =	sst s4  }
0xd: {  	[smem:$0x3FA5] =	sst s5  }
0xe: {  	[smem:$0x3FA6] =	sst s6  }
0xf: {  	[smem:$0x3FA7] =	sst s7  }
0x10: {  	[smem:$0x3FA8] =	sst s8  }
0x11: {  	[smem:$0x3FA9] =	sst s9;
	s0 =	simm.s32 @!p0 $0x0  }
0x12: {  	s1 =	sld [smem:$0x3F8F];
	s0 =	simm.s32 @p0 $0x1  }
0x13: {  	[smem:$0x3FAA] =	sst s0;
	s0 =	simm.s32 @!p1 $0x0  }
0x14: {  	s2 =	sld [smem:$0x3F8E];
	s0 =	simm.s32 @p1 $0x1  }
0x15: {  	[smem:$0x3FAB] =	sst s0;
	s0 =	simm.s32 @!p2 $0x0  }
0x16: {  	s3 =	sld [smem:$0x3FDB];
	s0 =	simm.s32 @p2 $0x1  }
0x17: {  	s4 =	simm.s32 $0x1BF5;
	[smem:$0x3FAD] =	sst s0  }
0x18: {  	s0 =	sld [smem:$0x3F90];
	_ =	swait.ge [sflag:s4], $0x0  }
0x19: {  	s7 =	sld [smem:$0x3F91]  }
0x1a: {  	s8 =	sadd.s32 $0xFFFFE003, lr  }
0x1b: {  	s9 =	sadd.s32 $0xFFFFFEF7, lr;
	s5 =	simm.s32 $0xFFFFFFFF;
	p2 =	slt.u32 s8, $0xFFFFF086  }
0x1c: {  	p1 =	slt.u32 s9, $0xF7A;
	s5 =	simm.s32 @!p2 $0x0  }
0x1d: {  	s5 =	simm.s32 @p1 $0x1;
	p0 =	seq.s32 s7, s2  }
0x1e: {  	s7 =	smul.u32 @!p0 $0xF7A, s2;
	p2 =	seq.s32 @!p0 s5, $0x0  }
0x1f: {  	s9 =	smul.u32 $0xF7A, s1;
	s8 =	simm.s32 @!p0 $0x1BF5;
	p2 =	por !p2, p0  }
0x20: {  	[sflag:s8] =	ssyncset.s32 @!p0 $0xFFFFF086;
	s6 =	sadd.s32 @!p0 s3, s7;
	s7 =	simm.s32 @!p0 $0x108  }
0x21: {  	s3 =	sadd.s32 s3, s9;
	s6 =	sadd.s32 @!p0 $0x88, s6;
	s7 =	simm.s32 @p2 $0x1082  }
0x22: {  	[simem:s7], [sflag:s8] =	dma.local @!p0 [hbm:s6], $0xF7A  }
0x23: {  	s9 =	sor.u32 $0xD0000000, s2;
	s6 =	simm.s32 $0x108;
	_ =	swait.ge @!p0 [sflag:s8], $0x0  }
0x24: {  	s3 =	sadd.s32 $0x88, s3;
	s6 =	simm.s32 @!p1 $0x1082;
	[sflag:s4] =	ssyncset.s32 $0xFFFFF086  }
0x25: {  	[simem:s6], [sflag:s4] =	dma.local [hbm:s3], $0xF7A  }
0x26: {  	[smem:$0x3F91] =	sst s1;
	(tag) =	ssettag s2;
	_ =	strace s9  }
0x27: {  	s1 =	sld [smem:$0x3FA1]  }
0x28: {  	s2 =	sld [smem:$0x3FA2]  }
0x29: {  	s4 =	sld [smem:$0x3FA4]  }
0x2a: {  	p0 =	seq.s32 s5, $0x0;
	s5 =	sld [smem:$0x3FA5]  }
0x2b: {  	s6 =	sld [smem:$0x3FA6]  }
0x2c: {  	s7 =	sld [smem:$0x3FA7]  }
0x2d: {  	s3 =	simm.s32 $0x108;
	s8 =	sld [smem:$0x3FA8]  }
0x2e: {  	s3 =	simm.s32 @!p0 $0x1082;
	s9 =	sld [smem:$0x3FA9]  }
0x2f: {  	lr =	sadd.s32 s0, s3;
	s0 =	sld [smem:$0x3FA0]  }
0x30: {  	s3 =	sld [smem:$0x3FA3]  }
0x31: {  	[smem:$0x3FAC] =	sst s10  }
0x32: {  	s10 =	sld [smem:$0x3FAA];
	_ =	sdelay $0x3  }
0x33: {  	p0 =	seq.s32 s10, $0x1;
	s10 =	sld [smem:$0x3FAC];
	_ =	sdelay $0x3  }
0x34: {  	[smem:$0x3FAC] =	sst s10  }
0x35: {  	s10 =	sld [smem:$0x3FAB];
	_ =	sdelay $0x3  }
0x36: {  	p1 =	seq.s32 s10, $0x1;
	s10 =	sld [smem:$0x3FAC];
	_ =	sdelay $0x3  }
0x37: {  	[smem:$0x3FAC] =	sst s10  }
0x38: {  	s10 =	sld [smem:$0x3FAD]  }
0x39: {  	_ = 	snop;
	(pc) =	sbr.ind lr, $3  }
0x3a: {  	_ = 	snop  }
0x3b: {  	_ = 	snop  }
0x3c: {  	p2 =	seq.s32 s10, $0x1;
	s10 =	sld [smem:$0x3FAC]  }
0x3d: {  	_ =	shalt  }
0x3e: {  	_ =	shalt  }
0x3f: {  	_ =	shalt  }
0x40: {  	_ =	shalt  }
0x41: {  	_ =	shalt  }
0x42: {  	_ =	shalt  }
0x43: {  	_ =	shalt  }
0x44: {  	_ =	shalt  }
0x45: {  	_ =	shalt  }
0x46: {  	_ =	shalt  }
0x47: {  	_ =	shalt  }
0x48: {  	_ =	shalt  }
0x49: {  	_ =	shalt  }
0x4a: {  	_ =	shalt  }
0x4b: {  	_ =	shalt  }
0x4c: {  	_ =	shalt  }
0x4d: {  	_ =	shalt  }
0x4e: {  	_ =	shalt  }
0x4f: {  	_ =	shalt  }
0x50: {  	_ =	shalt  }
0x51: {  	_ =	shalt  }
0x52: {  	_ =	shalt  }
0x53: {  	_ =	shalt  }
0x54: {  	_ =	shalt  }
0x55: {  	_ =	shalt  }
0x56: {  	_ =	shalt  }
0x57: {  	_ =	shalt  }
0x58: {  	_ =	shalt  }
0x59: {  	_ =	shalt  }
0x5a: {  	_ =	shalt  }
0x5b: {  	_ =	shalt  }
0x5c: {  	_ =	shalt  }
0x5d: {  	_ =	shalt  }
0x5e: {  	_ =	shalt  }
0x5f: {  	_ =	shalt  }
0x60: {  	_ =	shalt  }
0x61: {  	_ =	shalt  }
0x62: {  	_ =	shalt  }
0x63: {  	_ =	shalt  }
0x64: {  	_ =	shalt  }
0x65: {  	_ =	shalt  }
0x66: {  	_ =	shalt  }
0x67: {  	_ =	shalt  }
0x68: {  	_ =	shalt  }
0x69: {  	_ =	shalt  }
0x6a: {  	_ =	shalt  }
0x6b: {  	_ =	shalt  }
0x6c: {  	_ =	shalt  }
0x6d: {  	_ =	shalt  }
0x6e: {  	_ =	shalt  }
0x6f: {  	_ =	shalt  }
0x70: {  	_ =	shalt  }
0x71: {  	_ =	shalt  }
0x72: {  	_ =	shalt  }
0x73: {  	_ =	shalt  }
0x74: {  	_ =	shalt  }
0x75: {  	_ =	shalt  }
0x76: {  	_ =	shalt  }
0x77: {  	_ =	shalt  }
0x78: {  	_ =	shalt  }
0x79: {  	_ =	shalt  }
0x7a: {  	_ =	shalt  }
0x7b: {  	_ =	shalt  }
0x7c: {  	_ =	shalt  }
0x7d: {  	_ =	shalt  }
0x7e: {  	_ =	shalt  }
0x7f: {  	_ =	shalt  }
0x80: {  	_ =	shalt  }
0x81: {  	_ =	shalt  }
0x82: {  	_ =	shalt  }
0x83: {  	_ =	shalt  }
0x84: {  	_ =	shalt  }
0x85: {  	_ =	shalt  }
0x86: {  	_ =	shalt  }
0x87: {  	_ =	shalt  }
.Lfunc_end0:
.L_simem_size_0:
called_computation.1_lowered:
.L_overlay_start_0:
0x88: {  	s2 =	sld [smem:$0x3FD9]  }
0x89: {  	s3 =	sld [smem:$0x3FFE];
	_ =	sdelay $0x1  }
0x8a: {  	s1 =	srdreg.scid  }
0x8b: {  	s0 =	sand.u32 $0x1, s1  }
0x8c: {  	s17 =	sshll.u32 s0, $0xA;
	s2 =	sadd.s32 s3, s2  }
0x8d: {  	s2 =	sadd.s32 s2, s17  }
0x8e: {  	[smem:$0x3FB8] =	sst s2  }
0x8f: {  	_ = 	snop  }
0x90: {  	s2 =	sld [smem:$0x3FD0];
	(tm) =	ssettm $0x1  }
0x91: {  	s18 =	sld [smem:$0x3FFB];
	_ =	sdelay $0x3  }
0x92: {  	_ =	strace s18  }
0x93: {  	s3 =	sld [smem:$0x3FFC];
	_ =	sdelay $0x3  }
0x94: {  	_ =	strace s3  }
0x95: {  	s3 =	sld [smem:$0x3FFD];
	_ =	sdelay $0x3  }
0x96: {  	_ =	strace s3  }
0x97: {  	_ =	strace $0x8FFFFFFF  }
0x98: {  	s19 =	sld [smem:$0x3FDB];
	_ =	sdelay $0x1  }
0x99: {  	s4 =	simm.s32 $_scs_section_size  }
0x9a: {  	s5 =	simm.s32 $_size__tile_overlayer_lowered;
	s6 =	simm.s32 $_tile_overlayer_lowered  }
0x9b: {  	s22 =	simm.s32 $0x1BFF;
	s21 =	sshll.u32 s6, $0x1;
	s3 =	sadd.s32 s4, s19  }
0x9c: {  	s7 =	simm.s32 $0x0;
	s20 =	sshll.u32 s5, $0x1;
	s5 =	sadd.s32 s21, s3  }
0x9d: {  	[timem:s7], [sflag:s22] =	dma.local [hbm:s5], s20  }
0x9e: {  	_ =	swait.ge [sflag:s22], s20  }
0x9f: {  	s4 =	ssub.s32 $0x0, s20;
	[sflag:s22] =	ssyncset.done $0x0  }
0xa0: {  	[sflag:s22] =	ssyncadd.s32 s4;
	_ =	sdelay $0x1  }
0xa1: {  	s23 =	simm.s32 $0x1B8B  }
0xa2: {  	_ =	swait.ge [sflag:s23], $0x1  }
0xa3: {  	[sflag:s23] =	ssyncset.done $0x0  }
0xa4: {  	s25 =	simm.s32 $0x1B8E;
	s24 =	sld [smem:$0x3FFE];
	[sflag:s23] =	ssyncadd.s32 $0xFFFFFFFF  }
0xa5: {  	s26 =	simm.s32 $execute0_lowered;
	[smem:$0x3FD2] =	sst s25  }
0xa6: {  	s5 =	sshll.u32 s26, $0x1;
	_ =	strace $0x80000049;
	[dreg:$0x1] =	wrdreg $0xFFFFFFFF  }
0xa7: {  	s28 =	simm.s32 $_size_execute0_lowered;
	s3 =	sadd.s32 s3, s5;
	[dreg:$0x0] =	wrdreg $0x0  }
0xa8: {  	s5 =	sshll.u32 s28, $0x1;
	[dreg:$0x2] =	wrdreg s3  }
0xa9: {  	[dreg:$0x3] =	wrdreg s5  }
0xaa: {  	[dreg:$0x4] =	wrdreg $0xC0  }
0xab: {  	_ =	task [dreg:s7], $0x5FFFF  }
0xac: {  	[dreg:$0x1] =	wrdreg $0xFFFFFFFF  }
0xad: {  	[dreg:$0x0] =	wrdreg $0x60  }
0xae: {  	[dreg:$0x2] =	wrdreg s24  }
0xaf: {  	[dreg:$0x3] =	wrdreg s2  }
0xb0: {  	[dreg:$0x4] =	wrdreg $0xB0000  }
0xb1: {  	[dreg:$0x5] =	wrdreg $0x9  }
0xb2: {  	_ =	task.clear_ibuf [dreg:s7], $0x6FFFF;
	_ =	strace $0x90000049  }
0xb3: {  	s29 =	simm.s32 $0x9;
	_ =	strace $0x8000004B  }
0xb4: {  	_ =	swait.ge [sflag:s29], $0x1  }
0xb5: {  	[sflag:s29] =	ssyncadd.s32 $0xFFFFFFFF  }
0xb6: {  	_ =	strace $0x9000004B  }
0xb7: {  	_ =	sfence  }
0xb8: {  	s30 =	sld [smem:$0x0];
	_ =	sdelay $0x2  }
0xb9: {  	s31 =	sshll.u32 s1, $0xD;
	s1 =	sshrl.u32 s1, $0x2  }
0xba: {  	s3 =	sand.u32 $0x4000, s31;
	s1 =	sadd.s32 s1, s30  }
0xbb: {  	s0 =	sor.u32 s3, s0;
	s1 =	sshll.u32 s1, $0x11  }
0xbc: {  	s0 =	sor.u32 s1, s0  }
0xbd: {  	s0 =	sadd.s32 $0x8F2B, s0  }
0xbe: {  	[sflag:s0] =	ssyncadd.remote.s32 $0x1  }
0xbf: {  	_ =	sfence.sel $0xFFFF  }
0xc0: {  	[dreg:$0x0] =	wrdreg $0xFFFFFFFF;
	(pc) =	sbr.abs _section_cstart, $3  }
0xc1: {  	[dreg:$0x1] =	wrdreg $0xFFFFFFFF  }
0xc2: {  	_ =	task.clear_ibuf [dreg:s7], $0x2FFFF;
	_ =	strace $0x9FFFFFFF  }
0xc3: {  	(tm) =	ssettm $0x7FFFFFFF  }
tec
execute0_lowered:
.L_overlay_start_1:
0x0: {  	(tag) =	ssettag $0x1  }
0x1: {  	s0 =	rddreg [dreg:$0x0]  }
0x2: {  	s20 =	rddreg [dreg:$0x1]  }
0x3: {  	s2 =	rddreg [dreg:$0x2]  }
0x4: {  	s3 =	simm.s32 $0x0;
	s4 =	stileid.u32;
	s1 =	srdreg.scid  }
0x5: {  	s28 =	simm.s32 $0x3000;
	s29 =	simm.s32 $0x7000;
	s30 =	simm.s32 $0x1  }
0x6: {  	s31 =	simm.s32 $0x3;
	[smem:$0x7FF] =	sst s3;
	s5 =	smul.u32 $0x2700, s4  }
0x7: {  	s6 =	sadd.s32 $0xC600, s0;
	s1 =	sand.u32 $0x1, s1;
	s8 =	smul.u32 $0x4E000, s4  }
0x8: {  	s7 =	sadd.s32 $0x2600, s0;
	s13 =	smul.u32 $0x4C00, s4;
	s14 =	sadd.s32 $0x33600, s0  }
0x9: {  	s16 =	sshll.u32 s4, $0x7;
	p0 =	sne.s32 s4, $0x0;
	_ =	strace $0x8000004A  }
0xa: {  	s9 =	smul.u32 $0x27180, s1;
	s10 =	ssub.s32 $0x2, s1;
	[dreg:$0x5] =	wrdreg s14  }
0xb: {  	s14 =	sor.u32 $0x9800, s16;
	p1 =	seq.s32 s1, $0x0;
	s1 =	simm.s32 $0x2F80  }
0xc: {  	s11 =	sadd.s32 s5, s0;
	s12 =	sshrl.u32 s10, $0x1;
	s8 =	sshrl.u32 s8, $0x2  }
0xd: {  	s15 =	sadd.s32 s6, s5;
	[dreg:$0x6] =	wrdreg s14;
	s17 =	sshrl.u32 s13, $0x3  }
0xe: {  	s14 =	simm.s32 $0x100;
	s9 =	sadd.s32 s9, s0;
	s12 =	ssub.s32 s10, s12  }
0xf: {  	s8 =	sadd.s32 s8, s2;
	[dreg:$0x4] =	wrdreg s15;
	s10 =	sadd.s32 $0x138000, s2  }
0x10: {  	s15 =	smul.u32 $0x980, s4;
	s11 =	sadd.s32 $0x33800, s11;
	s0 =	sadd.s32 $0x5A800, s0  }
0x11: {  	s19 =	sadd.s32 $0x300, s17;
	s23 =	sadd.s32 $0x600, s17;
	[dreg:$0x7] =	wrdreg s11  }
0x12: {  	s26 =	sadd.s32 $0x900, s17;
	[dreg:$0x8] =	wrdreg s0;
	s22 =	sadd.s32 s7, s19  }
0x13: {  	s0 =	sadd.s32 s20, s19;
	s24 =	sadd.s32 s7, s23;
	[dreg:$0xf] =	wrdreg s26  }
0x14: {  	s25 =	sadd.s32 s20, s23;
	s23 =	smax.u32 s12, $0x1;
	[dreg:$0xb] =	wrdreg s22  }
0x15: {  	s26 =	simm.s32 $0x80;
	s11 =	simm.s32 $0x2F00;
	[dreg:$0xc] =	wrdreg s0  }
.Ltmp0:
0x16: {  	s12 =	simm.s32 $0x0;
	[dreg:$0xd] =	wrdreg s24;
	(pc) =	sbr.rel .LBB2_1-.Ltmp0, $4  }
0x17: {  	s18 =	sadd.s32 s7, s15;
	s21 =	sadd.s32 s20, s15;
	[dreg:$0xe] =	wrdreg s25  }
0x18: {  	s22 =	sadd.s32 $0x5AA00, s9;
	s24 =	simm.s32 $0x5;
	s25 =	simm.s32 $0x1800  }
0x19: {  	s0 =	simm.s32 $0x2;
	s9 =	simm.s32 $0x4;
	[dreg:$0x9] =	wrdreg s18  }
0x1a: {  	s15 =	simm.s32 $0x1B80;
	[dreg:$0xa] =	wrdreg s21;
	s21 =	simm.s32 $0x1B00  }
.LBB2_2:
0x1b: {  	s13 =	rddreg [dreg:$0x4]  }
0x1c: {  	[spmem:s18], [sflag:s17] =	dma.local [hbm:s13], $0x2700  }
0x1d: {  	_ =	swait.ge [sflag:s24], $0x2700  }
0x1e: {  	[sflag:s24] =	ssyncset.done $0x0  }
0x1f: {  	s19 =	simm.s32 @!p0 $0x5;
	s13 =	rddreg [dreg:$0x5];
	[sflag:s24] =	ssyncadd.s32 $0xFFFFD900  }
0x20: {  	[spmem:s16], [sflag:s17] =	dma.local @!p0 [hbm:s13], $0x180  }
0x21: {  	_ =	swait.ge @!p0 [sflag:s19], $0x180  }
0x22: {  	[sflag:s19] =	ssyncset.done @!p0 $0x0  }
0x23: {  	[sflag:s19] =	ssyncadd.s32 @!p0 $0xFFFFFE80  }
0x24: {  	[bflag:$0x0] =	sbarrier.arrive $0xFFFF  }
0x25: {  	s19 =	rddreg [dreg:$0x6]  }
.LBB2_10:
0x26: {  	s13 =	sadd.s32 s7, s19  }
0x27: {  	[tilespmem:s3], [sflag:$0x5] =	stream.linear.gather [hbm4b:s13+s3], $0x400, $0x38;
	[tilespmem:$0x1E8C0] =	vst v63  }
0x28: {  	_ =	swait.ge [sflag:s24], $0x400  }
0x29: {  	[sflag:s24] =	ssyncset.done $0x0  }
0x2a: {  	s19 =	sadd.s32 s20, s19;
	[sflag:s24] =	ssyncadd.s32 $0xFFFFFC00  }
0x2b: {  	[tilespmem:s25], [sflag:$0x5] =	stream.linear.gather [hbm4b:s19+s3], $0x400, $0x38;
	[tilespmem:$0x1E8C0] =	vst v63  }
0x2c: {  	_ =	swait.ge [sflag:s24], $0x400  }
0x2d: {  	[sflag:s24] =	ssyncset.done $0x0  }
0x2e: {  	[sflag:s24] =	ssyncadd.s32 $0xFFFFFC00  }
0x2f: {  	[tilespmem:s28], [sflag:$0x1] =	stream.indirect.gather [hbm4b:s6+s26], $0x80, s3, s26, $0xb8;
	[tilespmem:$0x1E8C0] =	vst v63  }
0x30: {  	_ = 	snop  }
0x31: {  	[tilespmem:s29], [sflag:$0x2] =	stream.indirect.gather [hbm4b:s6+s26], $0x80, s26, s26, $0xb8;
	[tilespmem:$0x1E8C0] =	vst v63  }
0x32: {  	_ =	swait.ge [sflag:s30], $0x4000  }
0x33: {  	[sflag:s30] =	ssyncset.done $0x0  }
0x34: {  	[sflag:s30] =	ssyncadd.s32 $0xFFFFC000  }
0x35: {  	[spmem:s2] =	stream.indirect.scatter.add.f32 [tilespmem:s28], [sflag:$0x3], $0x80, s25, s26, $0xb8;
	[tilespmem:$0x1E8C0] =	vst v63  }
0x36: {  	_ =	swait.ge [sflag:s31], $0x4000  }
0x37: {  	[sflag:s31] =	ssyncset.done $0x0  }
0x38: {  	[sflag:s31] =	ssyncadd.s32 $0xFFFFC000  }
0x39: {  	[tilespmem:s28], [sflag:$0x1] =	stream.indirect.gather [hbm4b:s6+s26], $0x80, s14, s26, $0xb8;
	[tilespmem:$0x1E8C0] =	vst v63  }
0x3a: {  	_ =	swait.ge [sflag:s0], $0x4000  }
0x3b: {  	[sflag:s0] =	ssyncset.done $0x0  }
0x3c: {  	s19 =	simm.s32 $0x1880;
	[sflag:s0] =	ssyncadd.s32 $0xFFFFC000  }
0x3d: {  	[spmem:s2] =	stream.indirect.scatter.add.f32 [tilespmem:s29], [sflag:$0x4], $0x80, s19, s26, $0xb8;
	[tilespmem:$0x1E8C0] =	vst v63  }
0x3e: {  	_ =	swait.ge [sflag:s9], $0x4000  }
0x3f: {  	[sflag:s9] =	ssyncset.done $0x0  }
0x40: {  	s19 =	simm.s32 $0x180;
	[sflag:s9] =	ssyncadd.s32 $0xFFFFC000  }
0x41: {  	[tilespmem:s29], [sflag:$0x2] =	stream.indirect.gather [hbm4b:s6+s26], $0x80, s19, s26, $0xb8;
	[tilespmem:$0x1E8C0] =	vst v63  }
0x42: {  	_ =	swait.ge [sflag:s30], $0x4000  }
0x43: {  	[sflag:s30] =	ssyncset.done $0x0  }
0x44: {  	s19 =	simm.s32 $0x1900;
	[sflag:s30] =	ssyncadd.s32 $0xFFFFC000  }
0x45: {  	[spmem:s2] =	stream.indirect.scatter.add.f32 [tilespmem:s28], [sflag:$0x3], $0x80, s19, s26, $0xb8;
	[tilespmem:$0x1E8C0] =	vst v63  }
0x46: {  	_ =	swait.ge [sflag:s31], $0x4000  }
0x47: {  	[sflag:s31] =	ssyncset.done $0x0  }
0x48: {  	s19 =	simm.s32 $0x200;
	[sflag:s31] =	ssyncadd.s32 $0xFFFFC000  }
0x49: {  	[tilespmem:s28], [sflag:$0x1] =	stream.indirect.gather [hbm4b:s6+s26], $0x80, s19, s26, $0xb8;
	[tilespmem:$0x1E8C0] =	vst v63  }
0x4a: {  	_ =	swait.ge [sflag:s0], $0x4000  }
0x4b: {  	[sflag:s0] =	ssyncset.done $0x0  }
0x4c: {  	s19 =	simm.s32 $0x1980;
	[sflag:s0] =	ssyncadd.s32 $0xFFFFC000  }
0x4d: {  	[spmem:s2] =	stream.indirect.scatter.add.f32 [tilespmem:s29], [sflag:$0x4], $0x80, s19, s26, $0xb8;
	[tilespmem:$0x1E8C0] =	vst v63  }
0x4e: {  	_ =	swait.ge [sflag:s9], $0x4000  }
0x4f: {  	[sflag:s9] =	ssyncset.done $0x0  }
0x50: {  	s19 =	simm.s32 $0x280;
	[sflag:s9] =	ssyncadd.s32 $0xFFFFC000  }
0x51: {  	[tilespmem:s29], [sflag:$0x2] =	stream.indirect.gather [hbm4b:s6+s26], $0x80, s19, s26, $0xb8;
	[tilespmem:$0x1E8C0] =	vst v63  }
0x52: {  	_ =	swait.ge [sflag:s30], $0x4000  }
0x53: {  	[sflag:s30] =	ssyncset.done $0x0  }
0x54: {  	s19 =	simm.s32 $0x1A00;
	[sflag:s30] =	ssyncadd.s32 $0xFFFFC000  }
0x55: {  	[spmem:s2] =	stream.indirect.scatter.add.f32 [tilespmem:s28], [sflag:$0x3], $0x80, s19, s26, $0xb8;
	[tilespmem:$0x1E8C0] =	vst v63  }
0x56: {  	_ =	swait.ge [sflag:s31], $0x4000  }
0x57: {  	[sflag:s31] =	ssyncset.done $0x0  }
0x58: {  	s19 =	simm.s32 $0x300;
	[sflag:s31] =	ssyncadd.s32 $0xFFFFC000  }
0x59: {  	[tilespmem:s28], [sflag:$0x1] =	stream.indirect.gather [hbm4b:s6+s26], $0x80, s19, s26, $0xb8;
	[tilespmem:$0x1E8C0] =	vst v63  }
0x5a: {  	_ =	swait.ge [sflag:s0], $0x4000  }
0x5b: {  	[sflag:s0] =	ssyncset.done $0x0  }
0x5c: {  	s19 =	simm.s32 $0x1A80;
	[sflag:s0] =	ssyncadd.s32 $0xFFFFC000  }
0x5d: {  	[spmem:s2] =	stream.indirect.scatter.add.f32 [tilespmem:s29], [sflag:$0x4], $0x80, s19, s26, $0xb8;
	[tilespmem:$0x1E8C0] =	vst v63  }
0x5e: {  	_ =	swait.ge [sflag:s9], $0x4000  }
0x5f: {  	[sflag:s9] =	ssyncset.done $0x0  }
0x60: {  	s19 =	simm.s32 $0x380;
	[sflag:s9] =	ssyncadd.s32 $0xFFFFC000  }
0x61: {  	[tilespmem:s29], [sflag:$0x2] =	stream.indirect.gather [hbm4b:s6+s26], $0x80, s19, s26, $0xb8;
	[tilespmem:$0x1E8C0] =	vst v63  }
0x62: {  	_ =	swait.ge [sflag:s30], $0x4000  }
0x63: {  	[sflag:s30] =	ssyncset.done $0x0  }
0x64: {  	[sflag:s30] =	ssyncadd.s32 $0xFFFFC000  }
0x65: {  	[spmem:s2] =	stream.indirect.scatter.add.f32 [tilespmem:s28], [sflag:$0x3], $0x80, s21, s26, $0xb8;
	[tilespmem:$0x1E8C0] =	vst v63  }
0x66: {  	_ =	swait.ge [sflag:s31], $0x4000  }
0x67: {  	[sflag:s31] =	ssyncset.done $0x0  }
0x68: {  	[sflag:s31] =	ssyncadd.s32 $0xFFFFC000  }
0x69: {  	_ =	swait.ge [sflag:s0], $0x4000  }
0x6a: {  	[sflag:s0] =	ssyncset.done $0x0  }
0x6b: {  	[sflag:s0] =	ssyncadd.s32 $0xFFFFC000  }
0x6c: {  	[spmem:s2] =	stream.indirect.scatter.add.f32 [tilespmem:s29], [sflag:$0x4], $0x80, s15, s26, $0xb8;
	[tilespmem:$0x1E8C0] =	vst v63  }
0x6d: {  	_ =	swait.ge [sflag:s9], $0x4000  }
0x6e: {  	[sflag:s9] =	ssyncset.done $0x0  }
0x6f: {  	[sflag:s9] =	ssyncadd.s32 $0xFFFFC000  }
0x70: {  	s19 =	sadd.s32 s5, s22;
	[bflag:$0x0] =	sbarrier.arrive $0xFFFF  }
0x71: {  	[hbm:s19], [sflag:s17] =	dma.local [spmem:s18], $0x2700  }
0x72: {  	_ =	swait.ge [sflag:s24], $0x2700  }
0x73: {  	s12 =	sadd.s32 $0x1, s12;
	[sflag:s24] =	ssyncset.done $0x0  }
0x74: {  	s13 =	sadd.s32 @!p0 $0x27000, s22;
	p2 =	sne.s32 s12, s23;
	[sflag:s24] =	ssyncadd.s32 $0xFFFFD900  }
0x75: {  	[hbm:s13], [sflag:s17] =	dma.local @!p0 [spmem:s16], $0x180  }
.Ltmp1:
0x76: {  	_ = 	snop;
	(pc) =	sbr.rel @!p2 .LBB2_11-.Ltmp1, $4  }
0x77: {  	s13 =	simm.s32 @!p0 $0x5  }
0x78: {  	_ =	swait.ge @!p0 [sflag:s13], $0x180  }
0x79: {  	[sflag:s13] =	ssyncset.done @!p0 $0x0  }
0x7a: {  	[sflag:s13] =	ssyncadd.s32 @!p0 $0xFFFFFE80  }
.LBB2_1:
.Ltmp2:
0x7b: {  	(pc) =	sbr.rel @!p1 .LBB2_2-.Ltmp2, $3  }
0x7c: {  	_ =	sdelay $0x1  }
0x7d: {  	s17 =	sshll.u32 s4, $0x6  }
0x7e: {  	s16 =	sshrl.u32 @!p0 s10, $0x3;
	s18 =	sshrl.u32 s8, $0x3;
	s17 =	sor.u32 $0x1C05, s17  }
0x7f: {  	s13 =	rddreg [dreg:$0x7]  }
0x80: {  	[spmem:s18], [sflag:s17] =	dma.local [hbm:s13], $0x2700  }
0x81: {  	_ =	swait.ge [sflag:s24], $0x2700  }
0x82: {  	[sflag:s24] =	ssyncset.done $0x0  }
0x83: {  	s19 =	simm.s32 @!p0 $0x5;
	s13 =	rddreg [dreg:$0x8];
	[sflag:s24] =	ssyncadd.s32 $0xFFFFD900  }
0x84: {  	[spmem:s16], [sflag:s17] =	dma.local @!p0 [hbm:s13], $0x180  }
0x85: {  	_ =	swait.ge @!p0 [sflag:s19], $0x180  }
0x86: {  	[sflag:s19] =	ssyncset.done @!p0 $0x0  }
0x87: {  	[sflag:s19] =	ssyncadd.s32 @!p0 $0xFFFFFE80  }
0x88: {  	[bflag:$0x0] =	sbarrier.arrive $0xFFFF  }
0x89: {  	s14 =	smov.u32 s20;
	s19 =	simm.s32 $0x0;
	s20 =	rddreg [dreg:$0x9]  }
0x8a: {  	[tilespmem:s19], [sflag:$0x5] =	stream.linear.gather [hbm4b:s20+s19], $0x1800, $0x38;
	[tilespmem:$0x1E8C0] =	vst v63  }
0x8b: {  	_ =	swait.ge [sflag:s24], $0x1800  }
0x8c: {  	[sflag:s24] =	ssyncset.done $0x0  }
0x8d: {  	s20 =	rddreg [dreg:$0xa];
	[sflag:s24] =	ssyncadd.s32 $0xFFFFE800  }
0x8e: {  	[tilespmem:s25], [sflag:$0x5] =	stream.linear.gather [hbm4b:s20+s19], $0x1800, $0x38;
	[tilespmem:$0x1E8C0] =	vst v63  }
0x8f: {  	_ =	swait.ge [sflag:s24], $0x1800  }
0x90: {  	[sflag:s24] =	ssyncset.done $0x0  }
0x91: {  	[sflag:s24] =	ssyncadd.s32 $0xFFFFE800  }
0x92: {  	[tilespmem:s28], [sflag:$0x1] =	stream.indirect.gather [hbm4b:s6+s26], $0x80, s19, s26, $0xb8;
	[tilespmem:$0x1E8C0] =	vst v63  }
0x93: {  	_ = 	snop  }
0x94: {  	[tilespmem:s29], [sflag:$0x2] =	stream.indirect.gather [hbm4b:s6+s26], $0x80, s26, s26, $0xb8;
	[tilespmem:$0x1E8C0] =	vst v63  }
0x95: {  	_ =	swait.ge [sflag:s30], $0x4000  }
0x96: {  	[sflag:s30] =	ssyncset.done $0x0  }
0x97: {  	s20 =	simm.s32 $0x1800;
	[sflag:s30] =	ssyncadd.s32 $0xFFFFC000  }
0x98: {  	[spmem:s2] =	stream.indirect.scatter.add.f32 [tilespmem:s28], [sflag:$0x3], $0x80, s20, s26, $0xb8;
	[tilespmem:$0x1E8C0] =	vst v63  }
0x99: {  	_ =	swait.ge [sflag:s31], $0x4000  }
0x9a: {  	[sflag:s31] =	ssyncset.done $0x0  }
0x9b: {  	s13 =	simm.s32 $0x100;
	[sflag:s31] =	ssyncadd.s32 $0xFFFFC000  }
0x9c: {  	[tilespmem:s28], [sflag:$0x1] =	stream.indirect.gather [hbm4b:s6+s26], $0x80, s13, s26, $0xb8;
	[tilespmem:$0x1E8C0] =	vst v63  }
0x9d: {  	_ =	swait.ge [sflag:s0], $0x4000  }
0x9e: {  	[sflag:s0] =	ssyncset.done $0x0  }
0x9f: {  	s20 =	simm.s32 $0x1880;
	[sflag:s0] =	ssyncadd.s32 $0xFFFFC000  }
0xa0: {  	[spmem:s2] =	stream.indirect.scatter.add.f32 [tilespmem:s29], [sflag:$0x4], $0x80, s20, s26, $0xb8;
	[tilespmem:$0x1E8C0] =	vst v63  }
0xa1: {  	_ =	swait.ge [sflag:s9], $0x4000  }
0xa2: {  	[sflag:s9] =	ssyncset.done $0x0  }
0xa3: {  	s19 =	simm.s32 $0x400;
	s20 =	simm.s32 $0x180;
	[sflag:s9] =	ssyncadd.s32 $0xFFFFC000  }
.LBB2_4:
0xa4: {  	[tilespmem:s29], [sflag:$0x2] =	stream.indirect.gather [hbm4b:s6+s26], $0x80, s20, s26, $0xb8;
	[tilespmem:$0x1E8C0] =	vst v63  }
0xa5: {  	s20 =	smov.u32 s19  }
0xa6: {  	p2 =	sne.s32 s19, $0x5800;
	s19 =	sadd.s32 $0x400, s19;
	_ =	swait.ge [sflag:s30], $0x4000  }
0xa7: {  	s20 =	sshra.s32 s20, $0x2;
	[sflag:s30] =	ssyncset.done $0x0  }
0xa8: {  	s13 =	sadd.s32 $0x1800, s20;
	[sflag:s30] =	ssyncadd.s32 $0xFFFFC000  }
0xa9: {  	[spmem:s2] =	stream.indirect.scatter.add.f32 [tilespmem:s28], [sflag:$0x3], $0x80, s13, s26, $0xb8;
	[tilespmem:$0x1E8C0] =	vst v63  }
0xaa: {  	_ =	swait.ge [sflag:s31], $0x4000  }
0xab: {  	[sflag:s31] =	ssyncset.done $0x0  }
0xac: {  	s13 =	sadd.s32 $0x100, s20;
	[sflag:s31] =	ssyncadd.s32 $0xFFFFC000  }
0xad: {  	[tilespmem:s28], [sflag:$0x1] =	stream.indirect.gather [hbm4b:s6+s26], $0x80, s13, s26, $0xb8;
	[tilespmem:$0x1E8C0] =	vst v63  }
0xae: {  	_ =	swait.ge [sflag:s0], $0x4000  }
0xaf: {  	[sflag:s0] =	ssyncset.done $0x0  }
.Ltmp3:
0xb0: {  	s13 =	sadd.s32 $0x1880, s20;
	[sflag:s0] =	ssyncadd.s32 $0xFFFFC000;
	(pc) =	sbr.rel @p2 .LBB2_4-.Ltmp3, $4  }
0xb1: {  	[spmem:s2] =	stream.indirect.scatter.add.f32 [tilespmem:s29], [sflag:$0x4], $0x80, s13, s26, $0xb8;
	[tilespmem:$0x1E8C0] =	vst v63  }
0xb2: {  	_ =	swait.ge [sflag:s9], $0x4000  }
0xb3: {  	[sflag:s9] =	ssyncset.done $0x0  }
0xb4: {  	s20 =	sadd.s32 $0x180, s20;
	[sflag:s9] =	ssyncadd.s32 $0xFFFFC000  }
0xb5: {  	[tilespmem:s29], [sflag:$0x2] =	stream.indirect.gather [hbm4b:s6+s26], $0x80, s20, s26, $0xb8;
	[tilespmem:$0x1E8C0] =	vst v63  }
0xb6: {  	_ =	swait.ge [sflag:s30], $0x4000  }
0xb7: {  	[sflag:s30] =	ssyncset.done $0x0  }
0xb8: {  	[sflag:s30] =	ssyncadd.s32 $0xFFFFC000  }
0xb9: {  	[spmem:s2] =	stream.indirect.scatter.add.f32 [tilespmem:s28], [sflag:$0x3], $0x80, s11, s26, $0xb8;
	[tilespmem:$0x1E8C0] =	vst v63  }
0xba: {  	_ =	swait.ge [sflag:s31], $0x4000  }
0xbb: {  	[sflag:s31] =	ssyncset.done $0x0  }
0xbc: {  	[sflag:s31] =	ssyncadd.s32 $0xFFFFC000  }
0xbd: {  	_ =	swait.ge [sflag:s0], $0x4000  }
0xbe: {  	[sflag:s0] =	ssyncset.done $0x0  }
0xbf: {  	[sflag:s0] =	ssyncadd.s32 $0xFFFFC000  }
0xc0: {  	[spmem:s2] =	stream.indirect.scatter.add.f32 [tilespmem:s29], [sflag:$0x4], $0x80, s1, s26, $0xb8;
	[tilespmem:$0x1E8C0] =	vst v63  }
0xc1: {  	_ =	swait.ge [sflag:s9], $0x4000  }
0xc2: {  	[sflag:s9] =	ssyncset.done $0x0  }
0xc3: {  	s13 =	simm.s32 $0x0;
	s19 =	rddreg [dreg:$0xb];
	[sflag:s9] =	ssyncadd.s32 $0xFFFFC000  }
0xc4: {  	[tilespmem:s13], [sflag:$0x5] =	stream.linear.gather [hbm4b:s19+s13], $0x1800, $0x38;
	[tilespmem:$0x1E8C0] =	vst v63  }
0xc5: {  	_ =	swait.ge [sflag:s24], $0x1800  }
0xc6: {  	[sflag:s24] =	ssyncset.done $0x0  }
0xc7: {  	s20 =	rddreg [dreg:$0xc];
	[sflag:s24] =	ssyncadd.s32 $0xFFFFE800  }
0xc8: {  	[tilespmem:s25], [sflag:$0x5] =	stream.linear.gather [hbm4b:s20+s13], $0x1800, $0x38;
	[tilespmem:$0x1E8C0] =	vst v63  }
0xc9: {  	_ =	swait.ge [sflag:s24], $0x1800  }
0xca: {  	[sflag:s24] =	ssyncset.done $0x0  }
0xcb: {  	[sflag:s24] =	ssyncadd.s32 $0xFFFFE800  }
0xcc: {  	[tilespmem:s28], [sflag:$0x1] =	stream.indirect.gather [hbm4b:s6+s26], $0x80, s13, s26, $0xb8;
	[tilespmem:$0x1E8C0] =	vst v63  }
0xcd: {  	_ = 	snop  }
0xce: {  	[tilespmem:s29], [sflag:$0x2] =	stream.indirect.gather [hbm4b:s6+s26], $0x80, s26, s26, $0xb8;
	[tilespmem:$0x1E8C0] =	vst v63  }
0xcf: {  	_ =	swait.ge [sflag:s30], $0x4000  }
0xd0: {  	[sflag:s30] =	ssyncset.done $0x0  }
0xd1: {  	s20 =	simm.s32 $0x1800;
	[sflag:s30] =	ssyncadd.s32 $0xFFFFC000  }
0xd2: {  	[spmem:s2] =	stream.indirect.scatter.add.f32 [tilespmem:s28], [sflag:$0x3], $0x80, s20, s26, $0xb8;
	[tilespmem:$0x1E8C0] =	vst v63  }
0xd3: {  	_ =	swait.ge [sflag:s31], $0x4000  }
0xd4: {  	[sflag:s31] =	ssyncset.done $0x0  }
0xd5: {  	s19 =	simm.s32 $0x100;
	[sflag:s31] =	ssyncadd.s32 $0xFFFFC000  }
0xd6: {  	[tilespmem:s28], [sflag:$0x1] =	stream.indirect.gather [hbm4b:s6+s26], $0x80, s19, s26, $0xb8;
	[tilespmem:$0x1E8C0] =	vst v63  }
0xd7: {  	_ =	swait.ge [sflag:s0], $0x4000  }
0xd8: {  	[sflag:s0] =	ssyncset.done $0x0  }
0xd9: {  	s20 =	simm.s32 $0x1880;
	[sflag:s0] =	ssyncadd.s32 $0xFFFFC000  }
0xda: {  	[spmem:s2] =	stream.indirect.scatter.add.f32 [tilespmem:s29], [sflag:$0x4], $0x80, s20, s26, $0xb8;
	[tilespmem:$0x1E8C0] =	vst v63  }
0xdb: {  	_ =	swait.ge [sflag:s9], $0x4000  }
0xdc: {  	[sflag:s9] =	ssyncset.done $0x0  }
0xdd: {  	s19 =	simm.s32 $0x400;
	s20 =	simm.s32 $0x180;
	[sflag:s9] =	ssyncadd.s32 $0xFFFFC000  }
.LBB2_6:
0xde: {  	[tilespmem:s29], [sflag:$0x2] =	stream.indirect.gather [hbm4b:s6+s26], $0x80, s20, s26, $0xb8;
	[tilespmem:$0x1E8C0] =	vst v63  }
0xdf: {  	s13 =	smov.u32 s19  }
0xe0: {  	p2 =	sne.s32 s19, $0x5800;
	s19 =	sadd.s32 $0x400, s19;
	_ =	swait.ge [sflag:s30], $0x4000  }
0xe1: {  	s13 =	sshra.s32 s13, $0x2;
	[sflag:s30] =	ssyncset.done $0x0  }
0xe2: {  	s20 =	sadd.s32 $0x1800, s13;
	[sflag:s30] =	ssyncadd.s32 $0xFFFFC000  }
0xe3: {  	[spmem:s2] =	stream.indirect.scatter.add.f32 [tilespmem:s28], [sflag:$0x3], $0x80, s20, s26, $0xb8;
	[tilespmem:$0x1E8C0] =	vst v63  }
0xe4: {  	_ =	swait.ge [sflag:s31], $0x4000  }
0xe5: {  	[sflag:s31] =	ssyncset.done $0x0  }
0xe6: {  	s20 =	sadd.s32 $0x100, s13;
	[sflag:s31] =	ssyncadd.s32 $0xFFFFC000  }
0xe7: {  	[tilespmem:s28], [sflag:$0x1] =	stream.indirect.gather [hbm4b:s6+s26], $0x80, s20, s26, $0xb8;
	[tilespmem:$0x1E8C0] =	vst v63  }
0xe8: {  	_ =	swait.ge [sflag:s0], $0x4000  }
0xe9: {  	[sflag:s0] =	ssyncset.done $0x0  }
.Ltmp4:
0xea: {  	s20 =	sadd.s32 $0x1880, s13;
	[sflag:s0] =	ssyncadd.s32 $0xFFFFC000;
	(pc) =	sbr.rel @p2 .LBB2_6-.Ltmp4, $4  }
0xeb: {  	[spmem:s2] =	stream.indirect.scatter.add.f32 [tilespmem:s29], [sflag:$0x4], $0x80, s20, s26, $0xb8;
	[tilespmem:$0x1E8C0] =	vst v63  }
0xec: {  	_ =	swait.ge [sflag:s9], $0x4000  }
0xed: {  	[sflag:s9] =	ssyncset.done $0x0  }
0xee: {  	s20 =	sadd.s32 $0x180, s13;
	[sflag:s9] =	ssyncadd.s32 $0xFFFFC000  }
0xef: {  	[tilespmem:s29], [sflag:$0x2] =	stream.indirect.gather [hbm4b:s6+s26], $0x80, s20, s26, $0xb8;
	[tilespmem:$0x1E8C0] =	vst v63  }
0xf0: {  	_ =	swait.ge [sflag:s30], $0x4000  }
0xf1: {  	[sflag:s30] =	ssyncset.done $0x0  }
0xf2: {  	[sflag:s30] =	ssyncadd.s32 $0xFFFFC000  }
0xf3: {  	[spmem:s2] =	stream.indirect.scatter.add.f32 [tilespmem:s28], [sflag:$0x3], $0x80, s11, s26, $0xb8;
	[tilespmem:$0x1E8C0] =	vst v63  }
0xf4: {  	_ =	swait.ge [sflag:s31], $0x4000  }
0xf5: {  	[sflag:s31] =	ssyncset.done $0x0  }
0xf6: {  	[sflag:s31] =	ssyncadd.s32 $0xFFFFC000  }
0xf7: {  	_ =	swait.ge [sflag:s0], $0x4000  }
0xf8: {  	[sflag:s0] =	ssyncset.done $0x0  }
0xf9: {  	[sflag:s0] =	ssyncadd.s32 $0xFFFFC000  }
0xfa: {  	[spmem:s2] =	stream.indirect.scatter.add.f32 [tilespmem:s29], [sflag:$0x4], $0x80, s1, s26, $0xb8;
	[tilespmem:$0x1E8C0] =	vst v63  }
0xfb: {  	_ =	swait.ge [sflag:s9], $0x4000  }
0xfc: {  	[sflag:s9] =	ssyncset.done $0x0  }
0xfd: {  	s13 =	simm.s32 $0x0;
	s19 =	rddreg [dreg:$0xd];
	[sflag:s9] =	ssyncadd.s32 $0xFFFFC000  }
0xfe: {  	[tilespmem:s13], [sflag:$0x5] =	stream.linear.gather [hbm4b:s19+s13], $0x1800, $0x38;
	[tilespmem:$0x1E8C0] =	vst v63  }
0xff: {  	_ =	swait.ge [sflag:s24], $0x1800  }
0x100: {  	[sflag:s24] =	ssyncset.done $0x0  }
0x101: {  	s20 =	rddreg [dreg:$0xe];
	[sflag:s24] =	ssyncadd.s32 $0xFFFFE800  }
0x102: {  	[tilespmem:s25], [sflag:$0x5] =	stream.linear.gather [hbm4b:s20+s13], $0x1800, $0x38;
	[tilespmem:$0x1E8C0] =	vst v63  }
0x103: {  	_ =	swait.ge [sflag:s24], $0x1800  }
0x104: {  	[sflag:s24] =	ssyncset.done $0x0  }
0x105: {  	[sflag:s24] =	ssyncadd.s32 $0xFFFFE800  }
0x106: {  	[tilespmem:s28], [sflag:$0x1] =	stream.indirect.gather [hbm4b:s6+s26], $0x80, s13, s26, $0xb8;
	[tilespmem:$0x1E8C0] =	vst v63  }
0x107: {  	_ = 	snop  }
0x108: {  	[tilespmem:s29], [sflag:$0x2] =	stream.indirect.gather [hbm4b:s6+s26], $0x80, s26, s26, $0xb8;
	[tilespmem:$0x1E8C0] =	vst v63  }
0x109: {  	_ =	swait.ge [sflag:s30], $0x4000  }
0x10a: {  	[sflag:s30] =	ssyncset.done $0x0  }
0x10b: {  	s20 =	simm.s32 $0x1800;
	[sflag:s30] =	ssyncadd.s32 $0xFFFFC000  }
0x10c: {  	[spmem:s2] =	stream.indirect.scatter.add.f32 [tilespmem:s28], [sflag:$0x3], $0x80, s20, s26, $0xb8;
	[tilespmem:$0x1E8C0] =	vst v63  }
0x10d: {  	_ =	swait.ge [sflag:s31], $0x4000  }
0x10e: {  	[sflag:s31] =	ssyncset.done $0x0  }
0x10f: {  	s19 =	simm.s32 $0x100;
	[sflag:s31] =	ssyncadd.s32 $0xFFFFC000  }
0x110: {  	[tilespmem:s28], [sflag:$0x1] =	stream.indirect.gather [hbm4b:s6+s26], $0x80, s19, s26, $0xb8;
	[tilespmem:$0x1E8C0] =	vst v63  }
0x111: {  	_ =	swait.ge [sflag:s0], $0x4000  }
0x112: {  	[sflag:s0] =	ssyncset.done $0x0  }
0x113: {  	s20 =	simm.s32 $0x1880;
	[sflag:s0] =	ssyncadd.s32 $0xFFFFC000  }
0x114: {  	[spmem:s2] =	stream.indirect.scatter.add.f32 [tilespmem:s29], [sflag:$0x4], $0x80, s20, s26, $0xb8;
	[tilespmem:$0x1E8C0] =	vst v63  }
0x115: {  	_ =	swait.ge [sflag:s9], $0x4000  }
0x116: {  	[sflag:s9] =	ssyncset.done $0x0  }
0x117: {  	s19 =	simm.s32 $0x400;
	s20 =	simm.s32 $0x180;
	[sflag:s9] =	ssyncadd.s32 $0xFFFFC000  }
.LBB2_8:
0x118: {  	[tilespmem:s29], [sflag:$0x2] =	stream.indirect.gather [hbm4b:s6+s26], $0x80, s20, s26, $0xb8;
	[tilespmem:$0x1E8C0] =	vst v63  }
0x119: {  	s13 =	smov.u32 s19  }
0x11a: {  	p2 =	sne.s32 s19, $0x5800;
	s19 =	sadd.s32 $0x400, s19;
	_ =	swait.ge [sflag:s30], $0x4000  }
0x11b: {  	s13 =	sshra.s32 s13, $0x2;
	[sflag:s30] =	ssyncset.done $0x0  }
0x11c: {  	s20 =	sadd.s32 $0x1800, s13;
	[sflag:s30] =	ssyncadd.s32 $0xFFFFC000  }
0x11d: {  	[spmem:s2] =	stream.indirect.scatter.add.f32 [tilespmem:s28], [sflag:$0x3], $0x80, s20, s26, $0xb8;
	[tilespmem:$0x1E8C0] =	vst v63  }
0x11e: {  	_ =	swait.ge [sflag:s31], $0x4000  }
0x11f: {  	[sflag:s31] =	ssyncset.done $0x0  }
0x120: {  	s20 =	sadd.s32 $0x100, s13;
	[sflag:s31] =	ssyncadd.s32 $0xFFFFC000  }
0x121: {  	[tilespmem:s28], [sflag:$0x1] =	stream.indirect.gather [hbm4b:s6+s26], $0x80, s20, s26, $0xb8;
	[tilespmem:$0x1E8C0] =	vst v63  }
0x122: {  	_ =	swait.ge [sflag:s0], $0x4000  }
0x123: {  	[sflag:s0] =	ssyncset.done $0x0  }
.Ltmp5:
0x124: {  	s20 =	sadd.s32 $0x1880, s13;
	[sflag:s0] =	ssyncadd.s32 $0xFFFFC000;
	(pc) =	sbr.rel @p2 .LBB2_8-.Ltmp5, $4  }
0x125: {  	[spmem:s2] =	stream.indirect.scatter.add.f32 [tilespmem:s29], [sflag:$0x4], $0x80, s20, s26, $0xb8;
	[tilespmem:$0x1E8C0] =	vst v63  }
0x126: {  	_ =	swait.ge [sflag:s9], $0x4000  }
0x127: {  	[sflag:s9] =	ssyncset.done $0x0  }
0x128: {  	s20 =	sadd.s32 $0x180, s13;
	[sflag:s9] =	ssyncadd.s32 $0xFFFFC000  }
0x129: {  	[tilespmem:s29], [sflag:$0x2] =	stream.indirect.gather [hbm4b:s6+s26], $0x80, s20, s26, $0xb8;
	[tilespmem:$0x1E8C0] =	vst v63  }
0x12a: {  	_ =	swait.ge [sflag:s30], $0x4000  }
0x12b: {  	[sflag:s30] =	ssyncset.done $0x0  }
0x12c: {  	[sflag:s30] =	ssyncadd.s32 $0xFFFFC000  }
0x12d: {  	[spmem:s2] =	stream.indirect.scatter.add.f32 [tilespmem:s28], [sflag:$0x3], $0x80, s11, s26, $0xb8;
	[tilespmem:$0x1E8C0] =	vst v63  }
0x12e: {  	_ =	swait.ge [sflag:s31], $0x4000  }
0x12f: {  	[sflag:s31] =	ssyncset.done $0x0  }
0x130: {  	[sflag:s31] =	ssyncadd.s32 $0xFFFFC000  }
0x131: {  	_ =	swait.ge [sflag:s0], $0x4000  }
0x132: {  	[sflag:s0] =	ssyncset.done $0x0  }
.Ltmp6:
0x133: {  	[sflag:s0] =	ssyncadd.s32 $0xFFFFC000;
	(pc) =	sbr.rel .LBB2_10-.Ltmp6, $4  }
0x134: {  	[spmem:s2] =	stream.indirect.scatter.add.f32 [tilespmem:s29], [sflag:$0x4], $0x80, s1, s26, $0xb8;
	[tilespmem:$0x1E8C0] =	vst v63  }
0x135: {  	_ =	swait.ge [sflag:s9], $0x4000  }
0x136: {  	s20 =	smov.u32 s14;
	[sflag:s9] =	ssyncset.done $0x0  }
0x137: {  	s14 =	simm.s32 $0x100;
	s19 =	rddreg [dreg:$0xf];
	[sflag:s9] =	ssyncadd.s32 $0xFFFFC000  }
.LBB2_11:
0x138: {  	_ =	sfence.sel $0x180000  }
0x139: {  	[bflag:$0x0] =	sbarrier.arrive $0xFFFF  }
0x13a: {  	_ =	strace $0x9000004A  }
0x13b: {  	[bflag:$0x2] =	sbarrier.arrive $0xFFFF  }
0x13c: {  	s0 =	rddreg [dreg:$0x3]  }
0x13d: {  	s0 =	sadd.s32 @!p0 $0x100000, s0  }
0x13e: {  	[sflag:s0] =	ssyncadd.tile.s32 @!p0 $0x1;
	_ =	shalt  }
.Lfunc_end2:
_tile_overlayer_lowered:
.L_overlay_start_2:
0x13f: {  	(tag) =	ssettag $0x2  }
0x140: {  	s0 =	rddreg [dreg:$0x0];
	s2 =	stileid.u32  }
0x141: {  	s1 =	rddreg [dreg:$0x1];
	p0 =	sne.s32 s2, $0x0  }
0x142: {  	s3 =	rddreg [dreg:$0x2];
	[bflag:$0x3] =	sbarrier.arrive $0xFFFF;
	s2 =	simm.s32 @!p0 $0x1C05  }
0x143: {  	[timem:s3], [sflag:s2] =	dma.local @!p0 [hbm:s0], s1  }
0x144: {  	s0 =	simm.s32 @!p0 $0x5  }
0x145: {  	_ =	swait.ge @!p0 [sflag:s0], s1  }
0x146: {  	s1 =	ssub.s32 @!p0 $0x0, s1;
	[sflag:s0] =	ssyncset.done @!p0 $0x0  }
0x147: {  	[sflag:s0] =	ssyncadd.s32 @!p0 s1  }
0x148: {  	[bflag:$0x3] =	sbarrier.arrive $0xFFFF  }
0x149: {  	_ =	shalt  }

// kernel: kernel.7.cloned.1.call-start
scs
__scs_entry_jumppad:
0x0: {  	(pc) =	sbr.rel $0x88, $3  }
0x1: {  	(tag) =	ssettag $0x0;
	lr =	simm.s32 $0x1  }
0x2: {  	[smem:$0x3F91] =	sst lr;
	_ =	strace $0xD0000000  }
0x3: {  	_ = 	snop  }
0x4: {  	_ = 	snop  }
0x5: {  	_ = 	snop  }
0x6: {  	_ = 	snop  }
0x7: {  	_ = 	snop  }
__scs_overlays_trampoline_lowered:
0x8: {  	[smem:$0x3FA0] =	sst s0  }
0x9: {  	[smem:$0x3FA1] =	sst s1  }
0xa: {  	[smem:$0x3FA2] =	sst s2  }
0xb: {  	[smem:$0x3FA3] =	sst s3  }
0xc: {  	[smem:$0x3FA4] =	sst s4  }
0xd: {  	[smem:$0x3FA5] =	sst s5  }
0xe: {  	[smem:$0x3FA6] =	sst s6  }
0xf: {  	[smem:$0x3FA7] =	sst s7  }
0x10: {  	[smem:$0x3FA8] =	sst s8  }
0x11: {  	[smem:$0x3FA9] =	sst s9;
	s0 =	simm.s32 @!p0 $0x0  }
0x12: {  	s1 =	sld [smem:$0x3F8F];
	s0 =	simm.s32 @p0 $0x1  }
0x13: {  	[smem:$0x3FAA] =	sst s0;
	s0 =	simm.s32 @!p1 $0x0  }
0x14: {  	s2 =	sld [smem:$0x3F8E];
	s0 =	simm.s32 @p1 $0x1  }
0x15: {  	[smem:$0x3FAB] =	sst s0;
	s0 =	simm.s32 @!p2 $0x0  }
0x16: {  	s3 =	sld [smem:$0x3FDB];
	s0 =	simm.s32 @p2 $0x1  }
0x17: {  	s4 =	simm.s32 $0x1BF5;
	[smem:$0x3FAD] =	sst s0  }
0x18: {  	s0 =	sld [smem:$0x3F90];
	_ =	swait.ge [sflag:s4], $0x0  }
0x19: {  	s7 =	sld [smem:$0x3F91]  }
0x1a: {  	s8 =	sadd.s32 $0xFFFFE003, lr  }
0x1b: {  	s9 =	sadd.s32 $0xFFFFFEF7, lr;
	s5 =	simm.s32 $0xFFFFFFFF;
	p2 =	slt.u32 s8, $0xFFFFF086  }
0x1c: {  	p1 =	slt.u32 s9, $0xF7A;
	s5 =	simm.s32 @!p2 $0x0  }
0x1d: {  	s5 =	simm.s32 @p1 $0x1;
	p0 =	seq.s32 s7, s2  }
0x1e: {  	s7 =	smul.u32 @!p0 $0xF7A, s2;
	p2 =	seq.s32 @!p0 s5, $0x0  }
0x1f: {  	s9 =	smul.u32 $0xF7A, s1;
	s8 =	simm.s32 @!p0 $0x1BF5;
	p2 =	por !p2, p0  }
0x20: {  	[sflag:s8] =	ssyncset.s32 @!p0 $0xFFFFF086;
	s6 =	sadd.s32 @!p0 s3, s7;
	s7 =	simm.s32 @!p0 $0x108  }
0x21: {  	s3 =	sadd.s32 s3, s9;
	s6 =	sadd.s32 @!p0 $0x88, s6;
	s7 =	simm.s32 @p2 $0x1082  }
0x22: {  	[simem:s7], [sflag:s8] =	dma.local @!p0 [hbm:s6], $0xF7A  }
0x23: {  	s9 =	sor.u32 $0xD0000000, s2;
	s6 =	simm.s32 $0x108;
	_ =	swait.ge @!p0 [sflag:s8], $0x0  }
0x24: {  	s3 =	sadd.s32 $0x88, s3;
	s6 =	simm.s32 @!p1 $0x1082;
	[sflag:s4] =	ssyncset.s32 $0xFFFFF086  }
0x25: {  	[simem:s6], [sflag:s4] =	dma.local [hbm:s3], $0xF7A  }
0x26: {  	[smem:$0x3F91] =	sst s1;
	(tag) =	ssettag s2;
	_ =	strace s9  }
0x27: {  	s1 =	sld [smem:$0x3FA1]  }
0x28: {  	s2 =	sld [smem:$0x3FA2]  }
0x29: {  	s4 =	sld [smem:$0x3FA4]  }
0x2a: {  	p0 =	seq.s32 s5, $0x0;
	s5 =	sld [smem:$0x3FA5]  }
0x2b: {  	s6 =	sld [smem:$0x3FA6]  }
0x2c: {  	s7 =	sld [smem:$0x3FA7]  }
0x2d: {  	s3 =	simm.s32 $0x108;
	s8 =	sld [smem:$0x3FA8]  }
0x2e: {  	s3 =	simm.s32 @!p0 $0x1082;
	s9 =	sld [smem:$0x3FA9]  }
0x2f: {  	lr =	sadd.s32 s0, s3;
	s0 =	sld [smem:$0x3FA0]  }
0x30: {  	s3 =	sld [smem:$0x3FA3]  }
0x31: {  	[smem:$0x3FAC] =	sst s10  }
0x32: {  	s10 =	sld [smem:$0x3FAA];
	_ =	sdelay $0x3  }
0x33: {  	p0 =	seq.s32 s10, $0x1;
	s10 =	sld [smem:$0x3FAC];
	_ =	sdelay $0x3  }
0x34: {  	[smem:$0x3FAC] =	sst s10  }
0x35: {  	s10 =	sld [smem:$0x3FAB];
	_ =	sdelay $0x3  }
0x36: {  	p1 =	seq.s32 s10, $0x1;
	s10 =	sld [smem:$0x3FAC];
	_ =	sdelay $0x3  }
0x37: {  	[smem:$0x3FAC] =	sst s10  }
0x38: {  	s10 =	sld [smem:$0x3FAD]  }
0x39: {  	_ = 	snop;
	(pc) =	sbr.ind lr, $3  }
0x3a: {  	_ = 	snop  }
0x3b: {  	_ = 	snop  }
0x3c: {  	p2 =	seq.s32 s10, $0x1;
	s10 =	sld [smem:$0x3FAC]  }
0x3d: {  	_ =	shalt  }
0x3e: {  	_ =	shalt  }
0x3f: {  	_ =	shalt  }
0x40: {  	_ =	shalt  }
0x41: {  	_ =	shalt  }
0x42: {  	_ =	shalt  }
0x43: {  	_ =	shalt  }
0x44: {  	_ =	shalt  }
0x45: {  	_ =	shalt  }
0x46: {  	_ =	shalt  }
0x47: {  	_ =	shalt  }
0x48: {  	_ =	shalt  }
0x49: {  	_ =	shalt  }
0x4a: {  	_ =	shalt  }
0x4b: {  	_ =	shalt  }
0x4c: {  	_ =	shalt  }
0x4d: {  	_ =	shalt  }
0x4e: {  	_ =	shalt  }
0x4f: {  	_ =	shalt  }
0x50: {  	_ =	shalt  }
0x51: {  	_ =	shalt  }
0x52: {  	_ =	shalt  }
0x53: {  	_ =	shalt  }
0x54: {  	_ =	shalt  }
0x55: {  	_ =	shalt  }
0x56: {  	_ =	shalt  }
0x57: {  	_ =	shalt  }
0x58: {  	_ =	shalt  }
0x59: {  	_ =	shalt  }
0x5a: {  	_ =	shalt  }
0x5b: {  	_ =	shalt  }
0x5c: {  	_ =	shalt  }
0x5d: {  	_ =	shalt  }
0x5e: {  	_ =	shalt  }
0x5f: {  	_ =	shalt  }
0x60: {  	_ =	shalt  }
0x61: {  	_ =	shalt  }
0x62: {  	_ =	shalt  }
0x63: {  	_ =	shalt  }
0x64: {  	_ =	shalt  }
0x65: {  	_ =	shalt  }
0x66: {  	_ =	shalt  }
0x67: {  	_ =	shalt  }
0x68: {  	_ =	shalt  }
0x69: {  	_ =	shalt  }
0x6a: {  	_ =	shalt  }
0x6b: {  	_ =	shalt  }
0x6c: {  	_ =	shalt  }
0x6d: {  	_ =	shalt  }
0x6e: {  	_ =	shalt  }
0x6f: {  	_ =	shalt  }
0x70: {  	_ =	shalt  }
0x71: {  	_ =	shalt  }
0x72: {  	_ =	shalt  }
0x73: {  	_ =	shalt  }
0x74: {  	_ =	shalt  }
0x75: {  	_ =	shalt  }
0x76: {  	_ =	shalt  }
0x77: {  	_ =	shalt  }
0x78: {  	_ =	shalt  }
0x79: {  	_ =	shalt  }
0x7a: {  	_ =	shalt  }
0x7b: {  	_ =	shalt  }
0x7c: {  	_ =	shalt  }
0x7d: {  	_ =	shalt  }
0x7e: {  	_ =	shalt  }
0x7f: {  	_ =	shalt  }
0x80: {  	_ =	shalt  }
0x81: {  	_ =	shalt  }
0x82: {  	_ =	shalt  }
0x83: {  	_ =	shalt  }
0x84: {  	_ =	shalt  }
0x85: {  	_ =	shalt  }
0x86: {  	_ =	shalt  }
0x87: {  	_ =	shalt  }
.Lfunc_end0:
.L_simem_size_0:
called_computation_lowered:
.L_overlay_start_0:
0x88: {  	s2 =	sld [smem:$0x3FD9]  }
0x89: {  	s3 =	sld [smem:$0x3FFE];
	_ =	sdelay $0x1  }
0x8a: {  	s1 =	srdreg.scid  }
0x8b: {  	s0 =	sand.u32 $0x1, s1  }
0x8c: {  	s17 =	sshll.u32 s0, $0xA;
	s2 =	sadd.s32 s3, s2  }
0x8d: {  	s2 =	sadd.s32 s2, s17  }
0x8e: {  	[smem:$0x3FB8] =	sst s2  }
0x8f: {  	_ = 	snop  }
0x90: {  	s2 =	sld [smem:$0x3FD0];
	(tm) =	ssettm $0x1  }
0x91: {  	s18 =	sld [smem:$0x3FFB];
	_ =	sdelay $0x3  }
0x92: {  	_ =	strace s18  }
0x93: {  	s3 =	sld [smem:$0x3FFC];
	_ =	sdelay $0x3  }
0x94: {  	_ =	strace s3  }
0x95: {  	s3 =	sld [smem:$0x3FFD];
	_ =	sdelay $0x3  }
0x96: {  	_ =	strace s3  }
0x97: {  	_ =	strace $0x8FFFFFFF  }
0x98: {  	s19 =	sld [smem:$0x3FDB];
	_ =	sdelay $0x1  }
0x99: {  	s4 =	simm.s32 $_scs_section_size  }
0x9a: {  	s5 =	simm.s32 $_size__tile_overlayer_lowered;
	s6 =	simm.s32 $_tile_overlayer_lowered  }
0x9b: {  	s22 =	simm.s32 $0x1BFF;
	s21 =	sshll.u32 s6, $0x1;
	s3 =	sadd.s32 s4, s19  }
0x9c: {  	s7 =	simm.s32 $0x0;
	s20 =	sshll.u32 s5, $0x1;
	s5 =	sadd.s32 s21, s3  }
0x9d: {  	[timem:s7], [sflag:s22] =	dma.local [hbm:s5], s20  }
0x9e: {  	_ =	swait.ge [sflag:s22], s20  }
0x9f: {  	s4 =	ssub.s32 $0x0, s20;
	[sflag:s22] =	ssyncset.done $0x0  }
0xa0: {  	[sflag:s22] =	ssyncadd.s32 s4;
	_ =	sdelay $0x1  }
0xa1: {  	s23 =	simm.s32 $0x1B8B  }
0xa2: {  	_ =	swait.ge [sflag:s23], $0x1  }
0xa3: {  	[sflag:s23] =	ssyncset.done $0x0  }
0xa4: {  	s25 =	simm.s32 $0x1B8E;
	s24 =	sld [smem:$0x3FFE];
	[sflag:s23] =	ssyncadd.s32 $0xFFFFFFFF  }
0xa5: {  	s26 =	simm.s32 $execute0_lowered;
	[smem:$0x3FD2] =	sst s25  }
0xa6: {  	s5 =	sshll.u32 s26, $0x1;
	_ =	strace $0x80000046;
	[dreg:$0x1] =	wrdreg $0xFFFFFFFF  }
0xa7: {  	s28 =	simm.s32 $_size_execute0_lowered;
	s3 =	sadd.s32 s3, s5;
	[dreg:$0x0] =	wrdreg $0x0  }
0xa8: {  	s5 =	sshll.u32 s28, $0x1;
	[dreg:$0x2] =	wrdreg s3  }
0xa9: {  	[dreg:$0x3] =	wrdreg s5  }
0xaa: {  	[dreg:$0x4] =	wrdreg $0xC0  }
0xab: {  	_ =	task [dreg:s7], $0x5FFFF  }
0xac: {  	[dreg:$0x1] =	wrdreg $0xFFFFFFFF  }
0xad: {  	[dreg:$0x0] =	wrdreg $0x60  }
0xae: {  	[dreg:$0x2] =	wrdreg s24  }
0xaf: {  	[dreg:$0x3] =	wrdreg s2  }
0xb0: {  	[dreg:$0x4] =	wrdreg $0xB0000  }
0xb1: {  	[dreg:$0x5] =	wrdreg $0x9  }
0xb2: {  	_ =	task.clear_ibuf [dreg:s7], $0x6FFFF;
	_ =	strace $0x90000046  }
0xb3: {  	s29 =	simm.s32 $0x9;
	_ =	strace $0x80000048  }
0xb4: {  	_ =	swait.ge [sflag:s29], $0x1  }
0xb5: {  	[sflag:s29] =	ssyncadd.s32 $0xFFFFFFFF  }
0xb6: {  	_ =	strace $0x90000048  }
0xb7: {  	_ =	sfence  }
0xb8: {  	s30 =	sld [smem:$0x0];
	_ =	sdelay $0x2  }
0xb9: {  	s31 =	sshll.u32 s1, $0xD;
	s1 =	sshrl.u32 s1, $0x2  }
0xba: {  	s3 =	sand.u32 $0x4000, s31;
	s1 =	sadd.s32 s1, s30  }
0xbb: {  	s0 =	sor.u32 s3, s0;
	s1 =	sshll.u32 s1, $0x11  }
0xbc: {  	s0 =	sor.u32 s1, s0  }
0xbd: {  	s0 =	sadd.s32 $0x8F2B, s0  }
0xbe: {  	[sflag:s0] =	ssyncadd.remote.s32 $0x1  }
0xbf: {  	_ =	sfence.sel $0xFFFF  }
0xc0: {  	[dreg:$0x0] =	wrdreg $0xFFFFFFFF;
	(pc) =	sbr.abs _section_cstart, $3  }
0xc1: {  	[dreg:$0x1] =	wrdreg $0xFFFFFFFF  }
0xc2: {  	_ =	task.clear_ibuf [dreg:s7], $0x2FFFF;
	_ =	strace $0x9FFFFFFF  }
0xc3: {  	(tm) =	ssettm $0x7FFFFFFF  }
tec
execute0_lowered:
.L_overlay_start_1:
0x0: {  	(tag) =	ssettag $0x1  }
0x1: {  	s0 =	rddreg [dreg:$0x0]  }
0x2: {  	s20 =	rddreg [dreg:$0x1]  }
0x3: {  	s2 =	rddreg [dreg:$0x2]  }
0x4: {  	s3 =	simm.s32 $0x0;
	s4 =	stileid.u32;
	s1 =	srdreg.scid  }
0x5: {  	s28 =	simm.s32 $0x3000;
	s29 =	simm.s32 $0x7000;
	s30 =	simm.s32 $0x1  }
0x6: {  	s31 =	simm.s32 $0x3;
	[smem:$0x7FF] =	sst s3;
	s5 =	smul.u32 $0x2700, s4  }
0x7: {  	s6 =	sadd.s32 $0xC600, s0;
	s1 =	sand.u32 $0x1, s1;
	s8 =	smul.u32 $0x4E000, s4  }
0x8: {  	s7 =	sadd.s32 $0x2600, s0;
	s13 =	smul.u32 $0x4C00, s4;
	s14 =	sadd.s32 $0x33600, s0  }
0x9: {  	s16 =	sshll.u32 s4, $0x7;
	p0 =	sne.s32 s4, $0x0;
	_ =	strace $0x80000047  }
0xa: {  	s9 =	smul.u32 $0x27180, s1;
	s10 =	ssub.s32 $0x2, s1;
	[dreg:$0x5] =	wrdreg s14  }
0xb: {  	s14 =	sor.u32 $0x9800, s16;
	p1 =	seq.s32 s1, $0x0;
	s1 =	simm.s32 $0x2F80  }
0xc: {  	s11 =	sadd.s32 s5, s0;
	s12 =	sshrl.u32 s10, $0x1;
	s8 =	sshrl.u32 s8, $0x2  }
0xd: {  	s15 =	sadd.s32 s6, s5;
	[dreg:$0x6] =	wrdreg s14;
	s17 =	sshrl.u32 s13, $0x3  }
0xe: {  	s14 =	simm.s32 $0x100;
	s9 =	sadd.s32 s9, s0;
	s12 =	ssub.s32 s10, s12  }
0xf: {  	s8 =	sadd.s32 s8, s2;
	[dreg:$0x4] =	wrdreg s15;
	s10 =	sadd.s32 $0x138000, s2  }
0x10: {  	s15 =	smul.u32 $0x980, s4;
	s11 =	sadd.s32 $0x33800, s11;
	s0 =	sadd.s32 $0x5A800, s0  }
0x11: {  	s19 =	sadd.s32 $0x300, s17;
	s23 =	sadd.s32 $0x600, s17;
	[dreg:$0x7] =	wrdreg s11  }
0x12: {  	s26 =	sadd.s32 $0x900, s17;
	[dreg:$0x8] =	wrdreg s0;
	s22 =	sadd.s32 s7, s19  }
0x13: {  	s0 =	sadd.s32 s20, s19;
	s24 =	sadd.s32 s7, s23;
	[dreg:$0xf] =	wrdreg s26  }
0x14: {  	s25 =	sadd.s32 s20, s23;
	s23 =	smax.u32 s12, $0x1;
	[dreg:$0xb] =	wrdreg s22  }
0x15: {  	s26 =	simm.s32 $0x80;
	s11 =	simm.s32 $0x2F00;
	[dreg:$0xc] =	wrdreg s0  }
.Ltmp0:
0x16: {  	s12 =	simm.s32 $0x0;
	[dreg:$0xd] =	wrdreg s24;
	(pc) =	sbr.rel .LBB2_1-.Ltmp0, $4  }
0x17: {  	s18 =	sadd.s32 s7, s15;
	s21 =	sadd.s32 s20, s15;
	[dreg:$0xe] =	wrdreg s25  }
0x18: {  	s22 =	sadd.s32 $0x5AA00, s9;
	s24 =	simm.s32 $0x5;
	s25 =	simm.s32 $0x1800  }
0x19: {  	s0 =	simm.s32 $0x2;
	s9 =	simm.s32 $0x4;
	[dreg:$0x9] =	wrdreg s18  }
0x1a: {  	s15 =	simm.s32 $0x1B80;
	[dreg:$0xa] =	wrdreg s21;
	s21 =	simm.s32 $0x1B00  }
.LBB2_2:
0x1b: {  	s13 =	rddreg [dreg:$0x4]  }
0x1c: {  	[spmem:s18], [sflag:s17] =	dma.local [hbm:s13], $0x2700  }
0x1d: {  	_ =	swait.ge [sflag:s24], $0x2700  }
0x1e: {  	[sflag:s24] =	ssyncset.done $0x0  }
0x1f: {  	s19 =	simm.s32 @!p0 $0x5;
	s13 =	rddreg [dreg:$0x5];
	[sflag:s24] =	ssyncadd.s32 $0xFFFFD900  }
0x20: {  	[spmem:s16], [sflag:s17] =	dma.local @!p0 [hbm:s13], $0x180  }
0x21: {  	_ =	swait.ge @!p0 [sflag:s19], $0x180  }
0x22: {  	[sflag:s19] =	ssyncset.done @!p0 $0x0  }
0x23: {  	[sflag:s19] =	ssyncadd.s32 @!p0 $0xFFFFFE80  }
0x24: {  	[bflag:$0x0] =	sbarrier.arrive $0xFFFF  }
0x25: {  	s19 =	rddreg [dreg:$0x6]  }
.LBB2_10:
0x26: {  	s13 =	sadd.s32 s7, s19  }
0x27: {  	[tilespmem:s3], [sflag:$0x5] =	stream.linear.gather [hbm4b:s13+s3], $0x400, $0x38;
	[tilespmem:$0x1E8C0] =	vst v63  }
0x28: {  	_ =	swait.ge [sflag:s24], $0x400  }
0x29: {  	[sflag:s24] =	ssyncset.done $0x0  }
0x2a: {  	s19 =	sadd.s32 s20, s19;
	[sflag:s24] =	ssyncadd.s32 $0xFFFFFC00  }
0x2b: {  	[tilespmem:s25], [sflag:$0x5] =	stream.linear.gather [hbm4b:s19+s3], $0x400, $0x38;
	[tilespmem:$0x1E8C0] =	vst v63  }
0x2c: {  	_ =	swait.ge [sflag:s24], $0x400  }
0x2d: {  	[sflag:s24] =	ssyncset.done $0x0  }
0x2e: {  	[sflag:s24] =	ssyncadd.s32 $0xFFFFFC00  }
0x2f: {  	[tilespmem:s28], [sflag:$0x1] =	stream.indirect.gather [hbm4b:s6+s26], $0x80, s3, s26, $0xb8;
	[tilespmem:$0x1E8C0] =	vst v63  }
0x30: {  	_ = 	snop  }
0x31: {  	[tilespmem:s29], [sflag:$0x2] =	stream.indirect.gather [hbm4b:s6+s26], $0x80, s26, s26, $0xb8;
	[tilespmem:$0x1E8C0] =	vst v63  }
0x32: {  	_ =	swait.ge [sflag:s30], $0x4000  }
0x33: {  	[sflag:s30] =	ssyncset.done $0x0  }
0x34: {  	[sflag:s30] =	ssyncadd.s32 $0xFFFFC000  }
0x35: {  	[spmem:s2] =	stream.indirect.scatter.add.f32 [tilespmem:s28], [sflag:$0x3], $0x80, s25, s26, $0xb8;
	[tilespmem:$0x1E8C0] =	vst v63  }
0x36: {  	_ =	swait.ge [sflag:s31], $0x4000  }
0x37: {  	[sflag:s31] =	ssyncset.done $0x0  }
0x38: {  	[sflag:s31] =	ssyncadd.s32 $0xFFFFC000  }
0x39: {  	[tilespmem:s28], [sflag:$0x1] =	stream.indirect.gather [hbm4b:s6+s26], $0x80, s14, s26, $0xb8;
	[tilespmem:$0x1E8C0] =	vst v63  }
0x3a: {  	_ =	swait.ge [sflag:s0], $0x4000  }
0x3b: {  	[sflag:s0] =	ssyncset.done $0x0  }
0x3c: {  	s19 =	simm.s32 $0x1880;
	[sflag:s0] =	ssyncadd.s32 $0xFFFFC000  }
0x3d: {  	[spmem:s2] =	stream.indirect.scatter.add.f32 [tilespmem:s29], [sflag:$0x4], $0x80, s19, s26, $0xb8;
	[tilespmem:$0x1E8C0] =	vst v63  }
0x3e: {  	_ =	swait.ge [sflag:s9], $0x4000  }
0x3f: {  	[sflag:s9] =	ssyncset.done $0x0  }
0x40: {  	s19 =	simm.s32 $0x180;
	[sflag:s9] =	ssyncadd.s32 $0xFFFFC000  }
0x41: {  	[tilespmem:s29], [sflag:$0x2] =	stream.indirect.gather [hbm4b:s6+s26], $0x80, s19, s26, $0xb8;
	[tilespmem:$0x1E8C0] =	vst v63  }
0x42: {  	_ =	swait.ge [sflag:s30], $0x4000  }
0x43: {  	[sflag:s30] =	ssyncset.done $0x0  }
0x44: {  	s19 =	simm.s32 $0x1900;
	[sflag:s30] =	ssyncadd.s32 $0xFFFFC000  }
0x45: {  	[spmem:s2] =	stream.indirect.scatter.add.f32 [tilespmem:s28], [sflag:$0x3], $0x80, s19, s26, $0xb8;
	[tilespmem:$0x1E8C0] =	vst v63  }
0x46: {  	_ =	swait.ge [sflag:s31], $0x4000  }
0x47: {  	[sflag:s31] =	ssyncset.done $0x0  }
0x48: {  	s19 =	simm.s32 $0x200;
	[sflag:s31] =	ssyncadd.s32 $0xFFFFC000  }
0x49: {  	[tilespmem:s28], [sflag:$0x1] =	stream.indirect.gather [hbm4b:s6+s26], $0x80, s19, s26, $0xb8;
	[tilespmem:$0x1E8C0] =	vst v63  }
0x4a: {  	_ =	swait.ge [sflag:s0], $0x4000  }
0x4b: {  	[sflag:s0] =	ssyncset.done $0x0  }
0x4c: {  	s19 =	simm.s32 $0x1980;
	[sflag:s0] =	ssyncadd.s32 $0xFFFFC000  }
0x4d: {  	[spmem:s2] =	stream.indirect.scatter.add.f32 [tilespmem:s29], [sflag:$0x4], $0x80, s19, s26, $0xb8;
	[tilespmem:$0x1E8C0] =	vst v63  }
0x4e: {  	_ =	swait.ge [sflag:s9], $0x4000  }
0x4f: {  	[sflag:s9] =	ssyncset.done $0x0  }
0x50: {  	s19 =	simm.s32 $0x280;
	[sflag:s9] =	ssyncadd.s32 $0xFFFFC000  }
0x51: {  	[tilespmem:s29], [sflag:$0x2] =	stream.indirect.gather [hbm4b:s6+s26], $0x80, s19, s26, $0xb8;
	[tilespmem:$0x1E8C0] =	vst v63  }
0x52: {  	_ =	swait.ge [sflag:s30], $0x4000  }
0x53: {  	[sflag:s30] =	ssyncset.done $0x0  }
0x54: {  	s19 =	simm.s32 $0x1A00;
	[sflag:s30] =	ssyncadd.s32 $0xFFFFC000  }
0x55: {  	[spmem:s2] =	stream.indirect.scatter.add.f32 [tilespmem:s28], [sflag:$0x3], $0x80, s19, s26, $0xb8;
	[tilespmem:$0x1E8C0] =	vst v63  }
0x56: {  	_ =	swait.ge [sflag:s31], $0x4000  }
0x57: {  	[sflag:s31] =	ssyncset.done $0x0  }
0x58: {  	s19 =	simm.s32 $0x300;
	[sflag:s31] =	ssyncadd.s32 $0xFFFFC000  }
0x59: {  	[tilespmem:s28], [sflag:$0x1] =	stream.indirect.gather [hbm4b:s6+s26], $0x80, s19, s26, $0xb8;
	[tilespmem:$0x1E8C0] =	vst v63  }
0x5a: {  	_ =	swait.ge [sflag:s0], $0x4000  }
0x5b: {  	[sflag:s0] =	ssyncset.done $0x0  }
0x5c: {  	s19 =	simm.s32 $0x1A80;
	[sflag:s0] =	ssyncadd.s32 $0xFFFFC000  }
0x5d: {  	[spmem:s2] =	stream.indirect.scatter.add.f32 [tilespmem:s29], [sflag:$0x4], $0x80, s19, s26, $0xb8;
	[tilespmem:$0x1E8C0] =	vst v63  }
0x5e: {  	_ =	swait.ge [sflag:s9], $0x4000  }
0x5f: {  	[sflag:s9] =	ssyncset.done $0x0  }
0x60: {  	s19 =	simm.s32 $0x380;
	[sflag:s9] =	ssyncadd.s32 $0xFFFFC000  }
0x61: {  	[tilespmem:s29], [sflag:$0x2] =	stream.indirect.gather [hbm4b:s6+s26], $0x80, s19, s26, $0xb8;
	[tilespmem:$0x1E8C0] =	vst v63  }
0x62: {  	_ =	swait.ge [sflag:s30], $0x4000  }
0x63: {  	[sflag:s30] =	ssyncset.done $0x0  }
0x64: {  	[sflag:s30] =	ssyncadd.s32 $0xFFFFC000  }
0x65: {  	[spmem:s2] =	stream.indirect.scatter.add.f32 [tilespmem:s28], [sflag:$0x3], $0x80, s21, s26, $0xb8;
	[tilespmem:$0x1E8C0] =	vst v63  }
0x66: {  	_ =	swait.ge [sflag:s31], $0x4000  }
0x67: {  	[sflag:s31] =	ssyncset.done $0x0  }
0x68: {  	[sflag:s31] =	ssyncadd.s32 $0xFFFFC000  }
0x69: {  	_ =	swait.ge [sflag:s0], $0x4000  }
0x6a: {  	[sflag:s0] =	ssyncset.done $0x0  }
0x6b: {  	[sflag:s0] =	ssyncadd.s32 $0xFFFFC000  }
0x6c: {  	[spmem:s2] =	stream.indirect.scatter.add.f32 [tilespmem:s29], [sflag:$0x4], $0x80, s15, s26, $0xb8;
	[tilespmem:$0x1E8C0] =	vst v63  }
0x6d: {  	_ =	swait.ge [sflag:s9], $0x4000  }
0x6e: {  	[sflag:s9] =	ssyncset.done $0x0  }
0x6f: {  	[sflag:s9] =	ssyncadd.s32 $0xFFFFC000  }
0x70: {  	s19 =	sadd.s32 s5, s22;
	[bflag:$0x0] =	sbarrier.arrive $0xFFFF  }
0x71: {  	[hbm:s19], [sflag:s17] =	dma.local [spmem:s18], $0x2700  }
0x72: {  	_ =	swait.ge [sflag:s24], $0x2700  }
0x73: {  	s12 =	sadd.s32 $0x1, s12;
	[sflag:s24] =	ssyncset.done $0x0  }
0x74: {  	s13 =	sadd.s32 @!p0 $0x27000, s22;
	p2 =	sne.s32 s12, s23;
	[sflag:s24] =	ssyncadd.s32 $0xFFFFD900  }
0x75: {  	[hbm:s13], [sflag:s17] =	dma.local @!p0 [spmem:s16], $0x180  }
.Ltmp1:
0x76: {  	_ = 	snop;
	(pc) =	sbr.rel @!p2 .LBB2_11-.Ltmp1, $4  }
0x77: {  	s13 =	simm.s32 @!p0 $0x5  }
0x78: {  	_ =	swait.ge @!p0 [sflag:s13], $0x180  }
0x79: {  	[sflag:s13] =	ssyncset.done @!p0 $0x0  }
0x7a: {  	[sflag:s13] =	ssyncadd.s32 @!p0 $0xFFFFFE80  }
.LBB2_1:
.Ltmp2:
0x7b: {  	(pc) =	sbr.rel @!p1 .LBB2_2-.Ltmp2, $3  }
0x7c: {  	_ =	sdelay $0x1  }
0x7d: {  	s17 =	sshll.u32 s4, $0x6  }
0x7e: {  	s16 =	sshrl.u32 @!p0 s10, $0x3;
	s18 =	sshrl.u32 s8, $0x3;
	s17 =	sor.u32 $0x1C05, s17  }
0x7f: {  	s13 =	rddreg [dreg:$0x7]  }
0x80: {  	[spmem:s18], [sflag:s17] =	dma.local [hbm:s13], $0x2700  }
0x81: {  	_ =	swait.ge [sflag:s24], $0x2700  }
0x82: {  	[sflag:s24] =	ssyncset.done $0x0  }
0x83: {  	s19 =	simm.s32 @!p0 $0x5;
	s13 =	rddreg [dreg:$0x8];
	[sflag:s24] =	ssyncadd.s32 $0xFFFFD900  }
0x84: {  	[spmem:s16], [sflag:s17] =	dma.local @!p0 [hbm:s13], $0x180  }
0x85: {  	_ =	swait.ge @!p0 [sflag:s19], $0x180  }
0x86: {  	[sflag:s19] =	ssyncset.done @!p0 $0x0  }
0x87: {  	[sflag:s19] =	ssyncadd.s32 @!p0 $0xFFFFFE80  }
0x88: {  	[bflag:$0x0] =	sbarrier.arrive $0xFFFF  }
0x89: {  	s14 =	smov.u32 s20;
	s19 =	simm.s32 $0x0;
	s20 =	rddreg [dreg:$0x9]  }
0x8a: {  	[tilespmem:s19], [sflag:$0x5] =	stream.linear.gather [hbm4b:s20+s19], $0x1800, $0x38;
	[tilespmem:$0x1E8C0] =	vst v63  }
0x8b: {  	_ =	swait.ge [sflag:s24], $0x1800  }
0x8c: {  	[sflag:s24] =	ssyncset.done $0x0  }
0x8d: {  	s20 =	rddreg [dreg:$0xa];
	[sflag:s24] =	ssyncadd.s32 $0xFFFFE800  }
0x8e: {  	[tilespmem:s25], [sflag:$0x5] =	stream.linear.gather [hbm4b:s20+s19], $0x1800, $0x38;
	[tilespmem:$0x1E8C0] =	vst v63  }
0x8f: {  	_ =	swait.ge [sflag:s24], $0x1800  }
0x90: {  	[sflag:s24] =	ssyncset.done $0x0  }
0x91: {  	[sflag:s24] =	ssyncadd.s32 $0xFFFFE800  }
0x92: {  	[tilespmem:s28], [sflag:$0x1] =	stream.indirect.gather [hbm4b:s6+s26], $0x80, s19, s26, $0xb8;
	[tilespmem:$0x1E8C0] =	vst v63  }
0x93: {  	_ = 	snop  }
0x94: {  	[tilespmem:s29], [sflag:$0x2] =	stream.indirect.gather [hbm4b:s6+s26], $0x80, s26, s26, $0xb8;
	[tilespmem:$0x1E8C0] =	vst v63  }
0x95: {  	_ =	swait.ge [sflag:s30], $0x4000  }
0x96: {  	[sflag:s30] =	ssyncset.done $0x0  }
0x97: {  	s20 =	simm.s32 $0x1800;
	[sflag:s30] =	ssyncadd.s32 $0xFFFFC000  }
0x98: {  	[spmem:s2] =	stream.indirect.scatter.add.f32 [tilespmem:s28], [sflag:$0x3], $0x80, s20, s26, $0xb8;
	[tilespmem:$0x1E8C0] =	vst v63  }
0x99: {  	_ =	swait.ge [sflag:s31], $0x4000  }
0x9a: {  	[sflag:s31] =	ssyncset.done $0x0  }
0x9b: {  	s13 =	simm.s32 $0x100;
	[sflag:s31] =	ssyncadd.s32 $0xFFFFC000  }
0x9c: {  	[tilespmem:s28], [sflag:$0x1] =	stream.indirect.gather [hbm4b:s6+s26], $0x80, s13, s26, $0xb8;
	[tilespmem:$0x1E8C0] =	vst v63  }
0x9d: {  	_ =	swait.ge [sflag:s0], $0x4000  }
0x9e: {  	[sflag:s0] =	ssyncset.done $0x0  }
0x9f: {  	s20 =	simm.s32 $0x1880;
	[sflag:s0] =	ssyncadd.s32 $0xFFFFC000  }
0xa0: {  	[spmem:s2] =	stream.indirect.scatter.add.f32 [tilespmem:s29], [sflag:$0x4], $0x80, s20, s26, $0xb8;
	[tilespmem:$0x1E8C0] =	vst v63  }
0xa1: {  	_ =	swait.ge [sflag:s9], $0x4000  }
0xa2: {  	[sflag:s9] =	ssyncset.done $0x0  }
0xa3: {  	s19 =	simm.s32 $0x400;
	s20 =	simm.s32 $0x180;
	[sflag:s9] =	ssyncadd.s32 $0xFFFFC000  }
.LBB2_4:
0xa4: {  	[tilespmem:s29], [sflag:$0x2] =	stream.indirect.gather [hbm4b:s6+s26], $0x80, s20, s26, $0xb8;
	[tilespmem:$0x1E8C0] =	vst v63  }
0xa5: {  	s20 =	smov.u32 s19  }
0xa6: {  	p2 =	sne.s32 s19, $0x5800;
	s19 =	sadd.s32 $0x400, s19;
	_ =	swait.ge [sflag:s30], $0x4000  }
0xa7: {  	s20 =	sshra.s32 s20, $0x2;
	[sflag:s30] =	ssyncset.done $0x0  }
0xa8: {  	s13 =	sadd.s32 $0x1800, s20;
	[sflag:s30] =	ssyncadd.s32 $0xFFFFC000  }
0xa9: {  	[spmem:s2] =	stream.indirect.scatter.add.f32 [tilespmem:s28], [sflag:$0x3], $0x80, s13, s26, $0xb8;
	[tilespmem:$0x1E8C0] =	vst v63  }
0xaa: {  	_ =	swait.ge [sflag:s31], $0x4000  }
0xab: {  	[sflag:s31] =	ssyncset.done $0x0  }
0xac: {  	s13 =	sadd.s32 $0x100, s20;
	[sflag:s31] =	ssyncadd.s32 $0xFFFFC000  }
0xad: {  	[tilespmem:s28], [sflag:$0x1] =	stream.indirect.gather [hbm4b:s6+s26], $0x80, s13, s26, $0xb8;
	[tilespmem:$0x1E8C0] =	vst v63  }
0xae: {  	_ =	swait.ge [sflag:s0], $0x4000  }
0xaf: {  	[sflag:s0] =	ssyncset.done $0x0  }
.Ltmp3:
0xb0: {  	s13 =	sadd.s32 $0x1880, s20;
	[sflag:s0] =	ssyncadd.s32 $0xFFFFC000;
	(pc) =	sbr.rel @p2 .LBB2_4-.Ltmp3, $4  }
0xb1: {  	[spmem:s2] =	stream.indirect.scatter.add.f32 [tilespmem:s29], [sflag:$0x4], $0x80, s13, s26, $0xb8;
	[tilespmem:$0x1E8C0] =	vst v63  }
0xb2: {  	_ =	swait.ge [sflag:s9], $0x4000  }
0xb3: {  	[sflag:s9] =	ssyncset.done $0x0  }
0xb4: {  	s20 =	sadd.s32 $0x180, s20;
	[sflag:s9] =	ssyncadd.s32 $0xFFFFC000  }
0xb5: {  	[tilespmem:s29], [sflag:$0x2] =	stream.indirect.gather [hbm4b:s6+s26], $0x80, s20, s26, $0xb8;
	[tilespmem:$0x1E8C0] =	vst v63  }
0xb6: {  	_ =	swait.ge [sflag:s30], $0x4000  }
0xb7: {  	[sflag:s30] =	ssyncset.done $0x0  }
0xb8: {  	[sflag:s30] =	ssyncadd.s32 $0xFFFFC000  }
0xb9: {  	[spmem:s2] =	stream.indirect.scatter.add.f32 [tilespmem:s28], [sflag:$0x3], $0x80, s11, s26, $0xb8;
	[tilespmem:$0x1E8C0] =	vst v63  }
0xba: {  	_ =	swait.ge [sflag:s31], $0x4000  }
0xbb: {  	[sflag:s31] =	ssyncset.done $0x0  }
0xbc: {  	[sflag:s31] =	ssyncadd.s32 $0xFFFFC000  }
0xbd: {  	_ =	swait.ge [sflag:s0], $0x4000  }
0xbe: {  	[sflag:s0] =	ssyncset.done $0x0  }
0xbf: {  	[sflag:s0] =	ssyncadd.s32 $0xFFFFC000  }
0xc0: {  	[spmem:s2] =	stream.indirect.scatter.add.f32 [tilespmem:s29], [sflag:$0x4], $0x80, s1, s26, $0xb8;
	[tilespmem:$0x1E8C0] =	vst v63  }
0xc1: {  	_ =	swait.ge [sflag:s9], $0x4000  }
0xc2: {  	[sflag:s9] =	ssyncset.done $0x0  }
0xc3: {  	s13 =	simm.s32 $0x0;
	s19 =	rddreg [dreg:$0xb];
	[sflag:s9] =	ssyncadd.s32 $0xFFFFC000  }
0xc4: {  	[tilespmem:s13], [sflag:$0x5] =	stream.linear.gather [hbm4b:s19+s13], $0x1800, $0x38;
	[tilespmem:$0x1E8C0] =	vst v63  }
0xc5: {  	_ =	swait.ge [sflag:s24], $0x1800  }
0xc6: {  	[sflag:s24] =	ssyncset.done $0x0  }
0xc7: {  	s20 =	rddreg [dreg:$0xc];
	[sflag:s24] =	ssyncadd.s32 $0xFFFFE800  }
0xc8: {  	[tilespmem:s25], [sflag:$0x5] =	stream.linear.gather [hbm4b:s20+s13], $0x1800, $0x38;
	[tilespmem:$0x1E8C0] =	vst v63  }
0xc9: {  	_ =	swait.ge [sflag:s24], $0x1800  }
0xca: {  	[sflag:s24] =	ssyncset.done $0x0  }
0xcb: {  	[sflag:s24] =	ssyncadd.s32 $0xFFFFE800  }
0xcc: {  	[tilespmem:s28], [sflag:$0x1] =	stream.indirect.gather [hbm4b:s6+s26], $0x80, s13, s26, $0xb8;
	[tilespmem:$0x1E8C0] =	vst v63  }
0xcd: {  	_ = 	snop  }
0xce: {  	[tilespmem:s29], [sflag:$0x2] =	stream.indirect.gather [hbm4b:s6+s26], $0x80, s26, s26, $0xb8;
	[tilespmem:$0x1E8C0] =	vst v63  }
0xcf: {  	_ =	swait.ge [sflag:s30], $0x4000  }
0xd0: {  	[sflag:s30] =	ssyncset.done $0x0  }
0xd1: {  	s20 =	simm.s32 $0x1800;
	[sflag:s30] =	ssyncadd.s32 $0xFFFFC000  }
0xd2: {  	[spmem:s2] =	stream.indirect.scatter.add.f32 [tilespmem:s28], [sflag:$0x3], $0x80, s20, s26, $0xb8;
	[tilespmem:$0x1E8C0] =	vst v63  }
0xd3: {  	_ =	swait.ge [sflag:s31], $0x4000  }
0xd4: {  	[sflag:s31] =	ssyncset.done $0x0  }
0xd5: {  	s19 =	simm.s32 $0x100;
	[sflag:s31] =	ssyncadd.s32 $0xFFFFC000  }
0xd6: {  	[tilespmem:s28], [sflag:$0x1] =	stream.indirect.gather [hbm4b:s6+s26], $0x80, s19, s26, $0xb8;
	[tilespmem:$0x1E8C0] =	vst v63  }
0xd7: {  	_ =	swait.ge [sflag:s0], $0x4000  }
0xd8: {  	[sflag:s0] =	ssyncset.done $0x0  }
0xd9: {  	s20 =	simm.s32 $0x1880;
	[sflag:s0] =	ssyncadd.s32 $0xFFFFC000  }
0xda: {  	[spmem:s2] =	stream.indirect.scatter.add.f32 [tilespmem:s29], [sflag:$0x4], $0x80, s20, s26, $0xb8;
	[tilespmem:$0x1E8C0] =	vst v63  }
0xdb: {  	_ =	swait.ge [sflag:s9], $0x4000  }
0xdc: {  	[sflag:s9] =	ssyncset.done $0x0  }
0xdd: {  	s19 =	simm.s32 $0x400;
	s20 =	simm.s32 $0x180;
	[sflag:s9] =	ssyncadd.s32 $0xFFFFC000  }
.LBB2_6:
0xde: {  	[tilespmem:s29], [sflag:$0x2] =	stream.indirect.gather [hbm4b:s6+s26], $0x80, s20, s26, $0xb8;
	[tilespmem:$0x1E8C0] =	vst v63  }
0xdf: {  	s13 =	smov.u32 s19  }
0xe0: {  	p2 =	sne.s32 s19, $0x5800;
	s19 =	sadd.s32 $0x400, s19;
	_ =	swait.ge [sflag:s30], $0x4000  }
0xe1: {  	s13 =	sshra.s32 s13, $0x2;
	[sflag:s30] =	ssyncset.done $0x0  }
0xe2: {  	s20 =	sadd.s32 $0x1800, s13;
	[sflag:s30] =	ssyncadd.s32 $0xFFFFC000  }
0xe3: {  	[spmem:s2] =	stream.indirect.scatter.add.f32 [tilespmem:s28], [sflag:$0x3], $0x80, s20, s26, $0xb8;
	[tilespmem:$0x1E8C0] =	vst v63  }
0xe4: {  	_ =	swait.ge [sflag:s31], $0x4000  }
0xe5: {  	[sflag:s31] =	ssyncset.done $0x0  }
0xe6: {  	s20 =	sadd.s32 $0x100, s13;
	[sflag:s31] =	ssyncadd.s32 $0xFFFFC000  }
0xe7: {  	[tilespmem:s28], [sflag:$0x1] =	stream.indirect.gather [hbm4b:s6+s26], $0x80, s20, s26, $0xb8;
	[tilespmem:$0x1E8C0] =	vst v63  }
0xe8: {  	_ =	swait.ge [sflag:s0], $0x4000  }
0xe9: {  	[sflag:s0] =	ssyncset.done $0x0  }
.Ltmp4:
0xea: {  	s20 =	sadd.s32 $0x1880, s13;
	[sflag:s0] =	ssyncadd.s32 $0xFFFFC000;
	(pc) =	sbr.rel @p2 .LBB2_6-.Ltmp4, $4  }
0xeb: {  	[spmem:s2] =	stream.indirect.scatter.add.f32 [tilespmem:s29], [sflag:$0x4], $0x80, s20, s26, $0xb8;
	[tilespmem:$0x1E8C0] =	vst v63  }
0xec: {  	_ =	swait.ge [sflag:s9], $0x4000  }
0xed: {  	[sflag:s9] =	ssyncset.done $0x0  }
0xee: {  	s20 =	sadd.s32 $0x180, s13;
	[sflag:s9] =	ssyncadd.s32 $0xFFFFC000  }
0xef: {  	[tilespmem:s29], [sflag:$0x2] =	stream.indirect.gather [hbm4b:s6+s26], $0x80, s20, s26, $0xb8;
	[tilespmem:$0x1E8C0] =	vst v63  }
0xf0: {  	_ =	swait.ge [sflag:s30], $0x4000  }
0xf1: {  	[sflag:s30] =	ssyncset.done $0x0  }
0xf2: {  	[sflag:s30] =	ssyncadd.s32 $0xFFFFC000  }
0xf3: {  	[spmem:s2] =	stream.indirect.scatter.add.f32 [tilespmem:s28], [sflag:$0x3], $0x80, s11, s26, $0xb8;
	[tilespmem:$0x1E8C0] =	vst v63  }
0xf4: {  	_ =	swait.ge [sflag:s31], $0x4000  }
0xf5: {  	[sflag:s31] =	ssyncset.done $0x0  }
0xf6: {  	[sflag:s31] =	ssyncadd.s32 $0xFFFFC000  }
0xf7: {  	_ =	swait.ge [sflag:s0], $0x4000  }
0xf8: {  	[sflag:s0] =	ssyncset.done $0x0  }
0xf9: {  	[sflag:s0] =	ssyncadd.s32 $0xFFFFC000  }
0xfa: {  	[spmem:s2] =	stream.indirect.scatter.add.f32 [tilespmem:s29], [sflag:$0x4], $0x80, s1, s26, $0xb8;
	[tilespmem:$0x1E8C0] =	vst v63  }
0xfb: {  	_ =	swait.ge [sflag:s9], $0x4000  }
0xfc: {  	[sflag:s9] =	ssyncset.done $0x0  }
0xfd: {  	s13 =	simm.s32 $0x0;
	s19 =	rddreg [dreg:$0xd];
	[sflag:s9] =	ssyncadd.s32 $0xFFFFC000  }
0xfe: {  	[tilespmem:s13], [sflag:$0x5] =	stream.linear.gather [hbm4b:s19+s13], $0x1800, $0x38;
	[tilespmem:$0x1E8C0] =	vst v63  }
0xff: {  	_ =	swait.ge [sflag:s24], $0x1800  }
0x100: {  	[sflag:s24] =	ssyncset.done $0x0  }
0x101: {  	s20 =	rddreg [dreg:$0xe];
	[sflag:s24] =	ssyncadd.s32 $0xFFFFE800  }
0x102: {  	[tilespmem:s25], [sflag:$0x5] =	stream.linear.gather [hbm4b:s20+s13], $0x1800, $0x38;
	[tilespmem:$0x1E8C0] =	vst v63  }
0x103: {  	_ =	swait.ge [sflag:s24], $0x1800  }
0x104: {  	[sflag:s24] =	ssyncset.done $0x0  }
0x105: {  	[sflag:s24] =	ssyncadd.s32 $0xFFFFE800  }
0x106: {  	[tilespmem:s28], [sflag:$0x1] =	stream.indirect.gather [hbm4b:s6+s26], $0x80, s13, s26, $0xb8;
	[tilespmem:$0x1E8C0] =	vst v63  }
0x107: {  	_ = 	snop  }
0x108: {  	[tilespmem:s29], [sflag:$0x2] =	stream.indirect.gather [hbm4b:s6+s26], $0x80, s26, s26, $0xb8;
	[tilespmem:$0x1E8C0] =	vst v63  }
0x109: {  	_ =	swait.ge [sflag:s30], $0x4000  }
0x10a: {  	[sflag:s30] =	ssyncset.done $0x0  }
0x10b: {  	s20 =	simm.s32 $0x1800;
	[sflag:s30] =	ssyncadd.s32 $0xFFFFC000  }
0x10c: {  	[spmem:s2] =	stream.indirect.scatter.add.f32 [tilespmem:s28], [sflag:$0x3], $0x80, s20, s26, $0xb8;
	[tilespmem:$0x1E8C0] =	vst v63  }
0x10d: {  	_ =	swait.ge [sflag:s31], $0x4000  }
0x10e: {  	[sflag:s31] =	ssyncset.done $0x0  }
0x10f: {  	s19 =	simm.s32 $0x100;
	[sflag:s31] =	ssyncadd.s32 $0xFFFFC000  }
0x110: {  	[tilespmem:s28], [sflag:$0x1] =	stream.indirect.gather [hbm4b:s6+s26], $0x80, s19, s26, $0xb8;
	[tilespmem:$0x1E8C0] =	vst v63  }
0x111: {  	_ =	swait.ge [sflag:s0], $0x4000  }
0x112: {  	[sflag:s0] =	ssyncset.done $0x0  }
0x113: {  	s20 =	simm.s32 $0x1880;
	[sflag:s0] =	ssyncadd.s32 $0xFFFFC000  }
0x114: {  	[spmem:s2] =	stream.indirect.scatter.add.f32 [tilespmem:s29], [sflag:$0x4], $0x80, s20, s26, $0xb8;
	[tilespmem:$0x1E8C0] =	vst v63  }
0x115: {  	_ =	swait.ge [sflag:s9], $0x4000  }
0x116: {  	[sflag:s9] =	ssyncset.done $0x0  }
0x117: {  	s19 =	simm.s32 $0x400;
	s20 =	simm.s32 $0x180;
	[sflag:s9] =	ssyncadd.s32 $0xFFFFC000  }
.LBB2_8:
0x118: {  	[tilespmem:s29], [sflag:$0x2] =	stream.indirect.gather [hbm4b:s6+s26], $0x80, s20, s26, $0xb8;
	[tilespmem:$0x1E8C0] =	vst v63  }
0x119: {  	s13 =	smov.u32 s19  }
0x11a: {  	p2 =	sne.s32 s19, $0x5800;
	s19 =	sadd.s32 $0x400, s19;
	_ =	swait.ge [sflag:s30], $0x4000  }
0x11b: {  	s13 =	sshra.s32 s13, $0x2;
	[sflag:s30] =	ssyncset.done $0x0  }
0x11c: {  	s20 =	sadd.s32 $0x1800, s13;
	[sflag:s30] =	ssyncadd.s32 $0xFFFFC000  }
0x11d: {  	[spmem:s2] =	stream.indirect.scatter.add.f32 [tilespmem:s28], [sflag:$0x3], $0x80, s20, s26, $0xb8;
	[tilespmem:$0x1E8C0] =	vst v63  }
0x11e: {  	_ =	swait.ge [sflag:s31], $0x4000  }
0x11f: {  	[sflag:s31] =	ssyncset.done $0x0  }
0x120: {  	s20 =	sadd.s32 $0x100, s13;
	[sflag:s31] =	ssyncadd.s32 $0xFFFFC000  }
0x121: {  	[tilespmem:s28], [sflag:$0x1] =	stream.indirect.gather [hbm4b:s6+s26], $0x80, s20, s26, $0xb8;
	[tilespmem:$0x1E8C0] =	vst v63  }
0x122: {  	_ =	swait.ge [sflag:s0], $0x4000  }
0x123: {  	[sflag:s0] =	ssyncset.done $0x0  }
.Ltmp5:
0x124: {  	s20 =	sadd.s32 $0x1880, s13;
	[sflag:s0] =	ssyncadd.s32 $0xFFFFC000;
	(pc) =	sbr.rel @p2 .LBB2_8-.Ltmp5, $4  }
0x125: {  	[spmem:s2] =	stream.indirect.scatter.add.f32 [tilespmem:s29], [sflag:$0x4], $0x80, s20, s26, $0xb8;
	[tilespmem:$0x1E8C0] =	vst v63  }
0x126: {  	_ =	swait.ge [sflag:s9], $0x4000  }
0x127: {  	[sflag:s9] =	ssyncset.done $0x0  }
0x128: {  	s20 =	sadd.s32 $0x180, s13;
	[sflag:s9] =	ssyncadd.s32 $0xFFFFC000  }
0x129: {  	[tilespmem:s29], [sflag:$0x2] =	stream.indirect.gather [hbm4b:s6+s26], $0x80, s20, s26, $0xb8;
	[tilespmem:$0x1E8C0] =	vst v63  }
0x12a: {  	_ =	swait.ge [sflag:s30], $0x4000  }
0x12b: {  	[sflag:s30] =	ssyncset.done $0x0  }
0x12c: {  	[sflag:s30] =	ssyncadd.s32 $0xFFFFC000  }
0x12d: {  	[spmem:s2] =	stream.indirect.scatter.add.f32 [tilespmem:s28], [sflag:$0x3], $0x80, s11, s26, $0xb8;
	[tilespmem:$0x1E8C0] =	vst v63  }
0x12e: {  	_ =	swait.ge [sflag:s31], $0x4000  }
0x12f: {  	[sflag:s31] =	ssyncset.done $0x0  }
0x130: {  	[sflag:s31] =	ssyncadd.s32 $0xFFFFC000  }
0x131: {  	_ =	swait.ge [sflag:s0], $0x4000  }
0x132: {  	[sflag:s0] =	ssyncset.done $0x0  }
.Ltmp6:
0x133: {  	[sflag:s0] =	ssyncadd.s32 $0xFFFFC000;
	(pc) =	sbr.rel .LBB2_10-.Ltmp6, $4  }
0x134: {  	[spmem:s2] =	stream.indirect.scatter.add.f32 [tilespmem:s29], [sflag:$0x4], $0x80, s1, s26, $0xb8;
	[tilespmem:$0x1E8C0] =	vst v63  }
0x135: {  	_ =	swait.ge [sflag:s9], $0x4000  }
0x136: {  	s20 =	smov.u32 s14;
	[sflag:s9] =	ssyncset.done $0x0  }
0x137: {  	s14 =	simm.s32 $0x100;
	s19 =	rddreg [dreg:$0xf];
	[sflag:s9] =	ssyncadd.s32 $0xFFFFC000  }
.LBB2_11:
0x138: {  	_ =	sfence.sel $0x180000  }
0x139: {  	[bflag:$0x0] =	sbarrier.arrive $0xFFFF  }
0x13a: {  	_ =	strace $0x90000047  }
0x13b: {  	[bflag:$0x2] =	sbarrier.arrive $0xFFFF  }
0x13c: {  	s0 =	rddreg [dreg:$0x3]  }
0x13d: {  	s0 =	sadd.s32 @!p0 $0x100000, s0  }
0x13e: {  	[sflag:s0] =	ssyncadd.tile.s32 @!p0 $0x1;
	_ =	shalt  }
.Lfunc_end2:
_tile_overlayer_lowered:
.L_overlay_start_2:
0x13f: {  	(tag) =	ssettag $0x2  }
0x140: {  	s0 =	rddreg [dreg:$0x0];
	s2 =	stileid.u32  }
0x141: {  	s1 =	rddreg [dreg:$0x1];
	p0 =	sne.s32 s2, $0x0  }
0x142: {  	s3 =	rddreg [dreg:$0x2];
	[bflag:$0x3] =	sbarrier.arrive $0xFFFF;
	s2 =	simm.s32 @!p0 $0x1C05  }
0x143: {  	[timem:s3], [sflag:s2] =	dma.local @!p0 [hbm:s0], s1  }
0x144: {  	s0 =	simm.s32 @!p0 $0x5  }
0x145: {  	_ =	swait.ge @!p0 [sflag:s0], s1  }
0x146: {  	s1 =	ssub.s32 @!p0 $0x0, s1;
	[sflag:s0] =	ssyncset.done @!p0 $0x0  }
0x147: {  	[sflag:s0] =	ssyncadd.s32 @!p0 s1  }
0x148: {  	[bflag:$0x3] =	sbarrier.arrive $0xFFFF  }
0x149: {  	_ =	shalt  }

</sc_bundles>
